<compile_context>
chip_gen: v7x
topology: tpu7x:2x2x1
jax: 0.10.2.dev20260603
libtpu: 0.0.44.dev20260713+nightly
codegen_flags: <defaults>
</compile_context>

<pallas_src>
import functools
import jax
import jax.numpy as jnp
from jax import lax
from jax.experimental import pallas as pl
from jax.experimental.pallas import tpu as pltpu
from jax.experimental.pallas import tpu_sc as plsc

_Q, _K, _D, _OUT = 16, 100000, 128, 18
_MIN_DIST = float(_OUT)

_BLK = 2000
_KTC = 54000
_NBLK = _KTC // _BLK
_KSC = _K - _KTC
_NW = 32
_RPW = _KSC // _NW
_NG = (_RPW // 16 + 3) // 2 * 2



def _sc_body(dspl_hbm, daspl_hbm, obsT_hbm, outv_hbm, outi_hbm,
             dtab, datab, buf0, buf1, minbuf, idxbuf,
             sem0, sem1, semt0, semt1):
    c = lax.axis_index("c")
    s = lax.axis_index("s")
    w = s * 2 + c
    a0 = (w * _RPW) // 16 * 16
    a1 = jnp.where(w == _NW - 1, _KSC, ((w + 1) * _RPW) // 16 * 16)
    last = a1 - 16

    cpt0 = pltpu.make_async_copy(dspl_hbm, dtab, semt0)
    cpt1 = pltpu.make_async_copy(daspl_hbm, datab, semt1)
    cpt0.start()
    cpt1.start()

    for q in range(_Q):
        minbuf[pl.ds(q * 16, 16)] = jnp.full((16,), jnp.inf, jnp.float32)
        idxbuf[pl.ds(q * 16, 16)] = jnp.zeros((16,), jnp.int32)

    lane16 = lax.broadcasted_iota(jnp.int32, (16,), 0)

    def gstart(g):
        return jnp.minimum(a0 + 16 * g, last)

    def dma(g, buf, sem):
        return pltpu.make_async_copy(
            obsT_hbm.at[:, pl.ds(gstart(g), 16)], buf, sem)

    dma(0, buf0, sem0).start()
    dma(1, buf1, sem1).start()
    cpt0.wait()
    cpt1.wait()

    def group(g, buf, sem):
        dma(g, buf, sem).wait()
        rowvec = lane16 + (gstart(g) + _KTC)

        def dstep(d, accs):
            ovec = buf[d]
            oabs = jnp.abs(ovec)
            out = []
            for q in range(_Q):
                dq = dtab[_D * q + d]
                daq = datab[_D * q + d]
                num = jnp.abs(ovec - dq)
                den = jnp.maximum(oabs + daq, 1e-30)
                out.append(accs[q] + num / den)
            return tuple(out)

        zero = jnp.zeros((16,), jnp.float32)
        accs = lax.fori_loop(0, _D, dstep, tuple(zero for _ in range(_Q)))

        for q in range(_Q):
            sl = pl.ds(q * 16, 16)
            mv = minbuf[sl]
            better = accs[q] < mv
            minbuf[sl] = jnp.where(better, accs[q], mv)
            idxbuf[sl] = jnp.where(better, rowvec, idxbuf[sl])

        @pl.when(g + 2 < _NG)
        def _pref():
            dma(g + 2, buf, sem).start()

    def outer(o, carry):
        group(o * 2, buf0, sem0)
        group(o * 2 + 1, buf1, sem1)
        return carry

    lax.fori_loop(0, _NG // 2, outer, jnp.int32(0))

    pltpu.sync_copy(minbuf, outv_hbm.at[w])
    pltpu.sync_copy(idxbuf, outi_hbm.at[w])


def _sc_scan(dsplat, dasplat, obsT):
    mesh = plsc.VectorSubcoreMesh(core_axis_name="c", subcore_axis_name="s")
    f = pl.kernel(
        _sc_body,
        out_type=[jax.ShapeDtypeStruct((_NW, _Q * 16), jnp.float32),
                  jax.ShapeDtypeStruct((_NW, _Q * 16), jnp.int32)],
        mesh=mesh,
        scratch_types=[
            pltpu.VMEM((_Q * _D, 16), jnp.float32),
            pltpu.VMEM((_Q * _D, 16), jnp.float32),
            pltpu.VMEM((_D, 16), jnp.float32),
            pltpu.VMEM((_D, 16), jnp.float32),
            pltpu.VMEM((_Q * 16,), jnp.float32),
            pltpu.VMEM((_Q * 16,), jnp.int32),
            pltpu.SemaphoreType.DMA,
            pltpu.SemaphoreType.DMA,
            pltpu.SemaphoreType.DMA,
            pltpu.SemaphoreType.DMA,
        ],
        compiler_params=pltpu.CompilerParams(use_tc_tiling_on_sc=False),
    )
    return f(dsplat, dasplat, obsT)



def _tc_body(x_ref, obs_ref, outv_ref, outi_ref):
    b = pl.program_id(0)

    @pl.when(b == 0)
    def _init():
        for q in range(_Q):
            outv_ref[q] = jnp.inf
            outi_ref[q] = 0

    x = x_ref[...]
    deltas = jnp.concatenate([x[:1], x[:-1] - x[1:]], axis=0)
    dabs = jnp.abs(deltas)

    obs = obs_ref[...]
    oabs = jnp.abs(obs)
    base = b * _BLK

    for q in range(_Q):
        num = jnp.abs(obs - deltas[q][None, :])
        den = jnp.maximum(oabs + dabs[q][None, :], 1e-30)
        dist = jnp.sum(num / den, axis=1)
        bmin = jnp.min(dist)

        @pl.when(bmin < outv_ref[q])
        def _upd():
            rows = jax.lax.broadcasted_iota(jnp.int32, (_BLK,), 0) + base
            bidx = jnp.min(
                jnp.where(dist == bmin, rows, jnp.int32(2**31 - 1))
            )
            outv_ref[q] = bmin
            outi_ref[q] = bidx


def _tc_scan(x, observations):
    grid_spec = pltpu.PrefetchScalarGridSpec(
        num_scalar_prefetch=0,
        grid=(_NBLK,),
        in_specs=[
            pl.BlockSpec((_Q, _D), lambda b: (0, 0)),
            pl.BlockSpec((_BLK, _D), lambda b: (b, 0)),
        ],
        out_specs=[
            pl.BlockSpec(memory_space=pltpu.SMEM),
            pl.BlockSpec(memory_space=pltpu.SMEM),
        ],
    )
    return pl.pallas_call(
        _tc_body,
        grid_spec=grid_spec,
        out_shape=[jax.ShapeDtypeStruct((_Q,), jnp.float32),
                   jax.ShapeDtypeStruct((_Q,), jnp.int32)],
    )(x, observations)



def _merge_body(minv_ref, mini_ref, tcv_ref, tci_ref, act_ref,
                out_ref, vout_ref, sem):
    mv = minv_ref[...]
    mi = mini_ref[...]
    imax = jnp.int32(2**31 - 1)
    for q in range(_Q):
        blk = mv[:, q * 16:(q + 1) * 16]
        blki = mi[:, q * 16:(q + 1) * 16]
        m_sc = jnp.min(blk)
        i_sc = jnp.min(jnp.where(blk == m_sc, blki, imax))
        m_tc = tcv_ref[q]
        i_tc = tci_ref[q]
        take_tc = m_tc <= m_sc
        m = jnp.where(take_tc, m_tc, m_sc)
        bi = jnp.where(take_tc, i_tc, i_sc)
        copy = pltpu.make_async_copy(
            act_ref.at[pl.ds(bi, 1)], vout_ref.at[pl.ds(q, 1)], sem)
        copy.start()
        copy.wait()
        row = vout_ref[pl.ds(q, 1), :]
        out_ref[pl.ds(q, 1), :] = jnp.where(
            m < _MIN_DIST, row, jnp.zeros_like(row))


def _merge(minv, mini, tcv, tci, actions):
    return pl.pallas_call(
        _merge_body,
        in_specs=[
            pl.BlockSpec((_NW, _Q * 16), lambda: (0, 0)),
            pl.BlockSpec((_NW, _Q * 16), lambda: (0, 0)),
            pl.BlockSpec(memory_space=pltpu.SMEM),
            pl.BlockSpec(memory_space=pltpu.SMEM),
            pl.BlockSpec(memory_space=pl.ANY),
        ],
        out_specs=pl.BlockSpec((_Q, _OUT), lambda: (0, 0)),
        scratch_shapes=[
            pltpu.VMEM((_Q, _OUT), jnp.float32),
            pltpu.SemaphoreType.DMA,
        ],
        out_shape=jax.ShapeDtypeStruct((_Q, _OUT), jnp.float32),
    )(minv, mini, tcv, tci, actions)


@jax.jit
def kernel(x, observations, actions):
    deltas = jnp.concatenate([x[:1], x[:-1] - x[1:]], axis=0)
    dflat = deltas.reshape(-1)
    dsplat = jnp.broadcast_to(dflat[:, None], (_Q * _D, 16))
    dasplat = jnp.broadcast_to(jnp.abs(dflat)[:, None], (_Q * _D, 16))
    obsT_sc = observations[_KTC:].T
    minv, mini = _sc_scan(dsplat, dasplat, obsT_sc)
    tcv, tci = _tc_scan(x, observations)
    return _merge(minv, mini, tcv, tci, actions)

# --- scband reference (transcript-rebuilt; emitter-appended) ---
"""Pipeline reference for scband-net-8057358648367 (READ-ONLY COPY).

The authoritative reference and input builder live on the scoring server;
editing this copy changes nothing except your own understanding.
"""

import jax, jax.numpy as jnp
import numpy as np

Q, K, D, OUT = 16, 100000, 128, 18
MIN_DIST = float(OUT)  # self.min_dist = self.out_size


def setup_inputs(seed: int = 0) -> dict:
    key = jax.random.key(seed)
    k1, k2, k3 = jax.random.split(key, 3)
    x = jax.random.normal(k1, (Q, D), dtype=jnp.float32)            # stream of Q consecutive observations
    observations = jax.random.normal(k2, (K, D), dtype=jnp.float32)  # stored observation table (self.observations)
    actions = jax.random.normal(k3, (K, OUT), dtype=jnp.float32)     # stored action table (self.actions)
    return {"x": x, "observations": observations, "actions": actions}


def _canberra_row(q, observations):
    # scipy.spatial.distance.canberra: sum(|u - v| / (|u| + |v|)), 0/0 treated as 0
    num = jnp.abs(q[None, :] - observations)
    den = jnp.abs(q)[None, :] + jnp.abs(observations)
    safe = jnp.where(den > 0, den, 1.0)
    term = jnp.where(den > 0, num / safe, 0.0)
    return jnp.sum(term, axis=-1)  # [K]


def reference(x, observations, actions):
    # zero_out(): first call returns x_0 unchanged; later calls return x_prev - x_cur
    deltas = jnp.concatenate([x[:1], x[:-1] - x[1:]], axis=0)  # [Q, D]
    # calculate_distance(): linear scan for nearest stored observation under Canberra distance
    dists = jax.lax.map(lambda q: _canberra_row(q, observations), deltas)  # [Q, K]
    min_d = jnp.min(dists, axis=1)     # [Q]
    idx = jnp.argmin(dists, axis=1)    # [Q] (self.idx)
    sel = jnp.take(actions, idx, axis=0)  # [Q, OUT] actions[self.idx]
    in_table = (min_d < MIN_DIST)[:, None]  # d < self.min_dist
    # not-in-table branch: deterministic zeros (the choice==0 path of get_random_action)
    return jnp.where(in_table, sel, jnp.zeros_like(sel))

if __name__ == "__main__":
    import jax
    _d = setup_inputs()
    print(jax.jit(kernel)(*tuple(_d.values())))

</pallas_src>

<mosaic_0001>
#map = affine_map<(d0, d1) -> (0, 0)>
module attributes {stable_mosaic.version = 14 : i64} {
  func.func @_sc_body(%arg0: i32, %arg1: i32, %arg2: memref<2048x16xf32, #tpu.memory_space<hbm>>, %arg3: memref<2048x16xf32, #tpu.memory_space<hbm>>, %arg4: memref<128x46000xf32, #tpu.memory_space<hbm>>, %arg5: memref<32x256xf32, #tpu.memory_space<hbm>>, %arg6: memref<32x256xi32, #tpu.memory_space<hbm>>, %arg7: memref<2048x16xf32, #tpu.memory_space<vmem>>, %arg8: memref<2048x16xf32, #tpu.memory_space<vmem>>, %arg9: memref<128x16xf32, #tpu.memory_space<vmem>>, %arg10: memref<128x16xf32, #tpu.memory_space<vmem>>, %arg11: memref<256xf32, #tpu.memory_space<vmem>>, %arg12: memref<256xi32, #tpu.memory_space<vmem>>, %arg13: memref<!tpu.dma_semaphore, #tpu.memory_space<semaphore_mem>>, %arg14: memref<!tpu.dma_semaphore, #tpu.memory_space<semaphore_mem>>, %arg15: memref<!tpu.dma_semaphore, #tpu.memory_space<semaphore_mem>>, %arg16: memref<!tpu.dma_semaphore, #tpu.memory_space<semaphore_mem>>) attributes {dimension_semantics = [#tpu.dimension_semantics<core_parallel>, #tpu.dimension_semantics<subcore_parallel>], iteration_bounds = array<i64: 2, 16>, scalar_prefetch = 0 : i64, scratch_operands = 10 : i64, tpu.core_type = #tpu.core_type<sc_vector_subcore>, window_params = [{transform_indices = #map}, {transform_indices = #map}, {transform_indices = #map}, {transform_indices = #map}, {transform_indices = #map}]} {
    %mul3A = arith.constant 2 : i32
    %mul3A_0 = arith.muli %arg1, %mul3A : i32
    %add3A = arith.addi %mul3A_0, %arg0 : i32
    %mul3A_1 = arith.constant 1437 : i32
    %mul3A_2 = arith.muli %add3A, %mul3A_1 : i32
    %jit3A = arith.constant 16 : i32
    %div3A = arith.divsi %mul3A_2, %jit3A : i32
    %sign3A = arith.constant 0 : i32
    %sign3A_3 = arith.cmpi sgt, %mul3A_2, %sign3A : i32
    %sign3A_4 = arith.extui %sign3A_3 : i1 to i32
    %sign3A_5 = arith.constant 0 : i32
    %sign3A_6 = arith.cmpi slt, %mul3A_2, %sign3A_5 : i32
    %sign3A_7 = arith.extui %sign3A_6 : i1 to i32
    %sign3A_8 = arith.subi %sign3A_4, %sign3A_7 : i32
    %sign3A_9 = arith.constant 0 : i32
    %sign3A_10 = arith.cmpi sgt, %jit3A, %sign3A_9 : i32
    %sign3A_11 = arith.extui %sign3A_10 : i1 to i32
    %sign3A_12 = arith.constant 0 : i32
    %sign3A_13 = arith.cmpi slt, %jit3A, %sign3A_12 : i32
    %sign3A_14 = arith.extui %sign3A_13 : i1 to i32
    %sign3A_15 = arith.subi %sign3A_11, %sign3A_14 : i32
    %ne3A = arith.cmpi ne, %sign3A_8, %sign3A_15 : i32
    %rem3A = arith.remsi %mul3A_2, %jit3A : i32
    %ne3A_16 = arith.constant 0 : i32
    %ne3A_17 = arith.cmpi ne, %rem3A, %ne3A_16 : i32
    %and3A = arith.andi %ne3A, %ne3A_17 : i1
    %sub3A = arith.constant 1 : i32
    %sub3A_18 = arith.subi %div3A, %sub3A : i32
    %select_n3A = arith.select %and3A, %sub3A_18, %div3A : i32
    %mul3A_19 = arith.constant 16 : i32
    %mul3A_20 = arith.muli %select_n3A, %mul3A_19 : i32
    %eq3A = arith.constant 31 : i32
    %eq3A_21 = arith.cmpi eq, %add3A, %eq3A : i32
    %add3A_22 = arith.constant 1 : i32
    %add3A_23 = arith.addi %add3A, %add3A_22 : i32
    %mul3A_24 = arith.constant 1437 : i32
    %mul3A_25 = arith.muli %add3A_23, %mul3A_24 : i32
    %jit3A_26 = arith.constant 16 : i32
    %div3A_27 = arith.divsi %mul3A_25, %jit3A_26 : i32
    %sign3A_28 = arith.constant 0 : i32
    %sign3A_29 = arith.cmpi sgt, %mul3A_25, %sign3A_28 : i32
    %sign3A_30 = arith.extui %sign3A_29 : i1 to i32
    %sign3A_31 = arith.constant 0 : i32
    %sign3A_32 = arith.cmpi slt, %mul3A_25, %sign3A_31 : i32
    %sign3A_33 = arith.extui %sign3A_32 : i1 to i32
    %sign3A_34 = arith.subi %sign3A_30, %sign3A_33 : i32
    %sign3A_35 = arith.constant 0 : i32
    %sign3A_36 = arith.cmpi sgt, %jit3A_26, %sign3A_35 : i32
    %sign3A_37 = arith.extui %sign3A_36 : i1 to i32
    %sign3A_38 = arith.constant 0 : i32
    %sign3A_39 = arith.cmpi slt, %jit3A_26, %sign3A_38 : i32
    %sign3A_40 = arith.extui %sign3A_39 : i1 to i32
    %sign3A_41 = arith.subi %sign3A_37, %sign3A_40 : i32
    %ne3A_42 = arith.cmpi ne, %sign3A_34, %sign3A_41 : i32
    %rem3A_43 = arith.remsi %mul3A_25, %jit3A_26 : i32
    %ne3A_44 = arith.constant 0 : i32
    %ne3A_45 = arith.cmpi ne, %rem3A_43, %ne3A_44 : i32
    %and3A_46 = arith.andi %ne3A_42, %ne3A_45 : i1
    %sub3A_47 = arith.constant 1 : i32
    %sub3A_48 = arith.subi %div3A_27, %sub3A_47 : i32
    %select_n3A_49 = arith.select %and3A_46, %sub3A_48, %div3A_27 : i32
    %mul3A_50 = arith.constant 16 : i32
    %mul3A_51 = arith.muli %select_n3A_49, %mul3A_50 : i32
    %jit3A_52 = arith.constant 46000 : i32
    %select_n3A_53 = arith.select %eq3A_21, %jit3A_52, %mul3A_51 : i32
    %sub3A_54 = arith.constant 16 : i32
    %sub3A_55 = arith.subi %select_n3A_53, %sub3A_54 : i32
    tpu.enqueue_dma source(%arg2 : memref<2048x16xf32, #tpu.memory_space<hbm>>) target(%arg7 : memref<2048x16xf32, #tpu.memory_space<vmem>>) target_semaphore(%arg15 : memref<!tpu.dma_semaphore, #tpu.memory_space<semaphore_mem>>)
    tpu.enqueue_dma source(%arg3 : memref<2048x16xf32, #tpu.memory_space<hbm>>) target(%arg8 : memref<2048x16xf32, #tpu.memory_space<vmem>>) target_semaphore(%arg16 : memref<!tpu.dma_semaphore, #tpu.memory_space<semaphore_mem>>)
    %broadcast_in_dim3A = arith.constant 0x7F800000 : f32
    %broadcast_in_dim3A_56 = vector.broadcast %broadcast_in_dim3A : f32 to vector<16xf32>
    %swap3A = arith.constant 0 : index
    %swap3A_57 = tpu.vector_load %arg11[%swap3A] {strides = array<i32>} : memref<256xf32, #tpu.memory_space<vmem>>, vector<16xf32>,
    %swap3A_58 = vector.shape_cast %swap3A_57 : vector<16xf32> to vector<16xf32>
    %swap3A_59 = vector.shape_cast %broadcast_in_dim3A_56 : vector<16xf32> to vector<16xf32>
    tpu.vector_store %arg11[%swap3A], %swap3A_59 {strides = array<i32>} : memref<256xf32, #tpu.memory_space<vmem>>, vector<16xf32>,
    %broadcast_in_dim3A_60 = arith.constant 0 : i32
    %broadcast_in_dim3A_61 = vector.broadcast %broadcast_in_dim3A_60 : i32 to vector<16xi32>
    %swap3A_62 = arith.constant 0 : index
    %swap3A_63 = tpu.vector_load %arg12[%swap3A_62] {strides = array<i32>} : memref<256xi32, #tpu.memory_space<vmem>>, vector<16xi32>,
    %swap3A_64 = vector.shape_cast %swap3A_63 : vector<16xi32> to vector<16xi32>
    %swap3A_65 = vector.shape_cast %broadcast_in_dim3A_61 : vector<16xi32> to vector<16xi32>
    tpu.vector_store %arg12[%swap3A_62], %swap3A_65 {strides = array<i32>} : memref<256xi32, #tpu.memory_space<vmem>>, vector<16xi32>,
    %broadcast_in_dim3A_66 = arith.constant 0x7F800000 : f32
    %broadcast_in_dim3A_67 = vector.broadcast %broadcast_in_dim3A_66 : f32 to vector<16xf32>
    %swap3A_68 = arith.constant 16 : index
    %swap3A_69 = tpu.vector_load %arg11[%swap3A_68] {strides = array<i32>} : memref<256xf32, #tpu.memory_space<vmem>>, vector<16xf32>,
    %swap3A_70 = vector.shape_cast %swap3A_69 : vector<16xf32> to vector<16xf32>
    %swap3A_71 = vector.shape_cast %broadcast_in_dim3A_67 : vector<16xf32> to vector<16xf32>
    tpu.vector_store %arg11[%swap3A_68], %swap3A_71 {strides = array<i32>} : memref<256xf32, #tpu.memory_space<vmem>>, vector<16xf32>,
    %broadcast_in_dim3A_72 = arith.constant 0 : i32
    %broadcast_in_dim3A_73 = vector.broadcast %broadcast_in_dim3A_72 : i32 to vector<16xi32>
    %swap3A_74 = arith.constant 16 : index
    %swap3A_75 = tpu.vector_load %arg12[%swap3A_74] {strides = array<i32>} : memref<256xi32, #tpu.memory_space<vmem>>, vector<16xi32>,
    %swap3A_76 = vector.shape_cast %swap3A_75 : vector<16xi32> to vector<16xi32>
    %swap3A_77 = vector.shape_cast %broadcast_in_dim3A_73 : vector<16xi32> to vector<16xi32>
    tpu.vector_store %arg12[%swap3A_74], %swap3A_77 {strides = array<i32>} : memref<256xi32, #tpu.memory_space<vmem>>, vector<16xi32>,
    %broadcast_in_dim3A_78 = arith.constant 0x7F800000 : f32
    %broadcast_in_dim3A_79 = vector.broadcast %broadcast_in_dim3A_78 : f32 to vector<16xf32>
    %swap3A_80 = arith.constant 32 : index
    %swap3A_81 = tpu.vector_load %arg11[%swap3A_80] {strides = array<i32>} : memref<256xf32, #tpu.memory_space<vmem>>, vector<16xf32>,
    %swap3A_82 = vector.shape_cast %swap3A_81 : vector<16xf32> to vector<16xf32>
    %swap3A_83 = vector.shape_cast %broadcast_in_dim3A_79 : vector<16xf32> to vector<16xf32>
    tpu.vector_store %arg11[%swap3A_80], %swap3A_83 {strides = array<i32>} : memref<256xf32, #tpu.memory_space<vmem>>, vector<16xf32>,
    %broadcast_in_dim3A_84 = arith.constant 0 : i32
    %broadcast_in_dim3A_85 = vector.broadcast %broadcast_in_dim3A_84 : i32 to vector<16xi32>
    %swap3A_86 = arith.constant 32 : index
    %swap3A_87 = tpu.vector_load %arg12[%swap3A_86] {strides = array<i32>} : memref<256xi32, #tpu.memory_space<vmem>>, vector<16xi32>,
    %swap3A_88 = vector.shape_cast %swap3A_87 : vector<16xi32> to vector<16xi32>
    %swap3A_89 = vector.shape_cast %broadcast_in_dim3A_85 : vector<16xi32> to vector<16xi32>
    tpu.vector_store %arg12[%swap3A_86], %swap3A_89 {strides = array<i32>} : memref<256xi32, #tpu.memory_space<vmem>>, vector<16xi32>,
    %broadcast_in_dim3A_90 = arith.constant 0x7F800000 : f32
    %broadcast_in_dim3A_91 = vector.broadcast %broadcast_in_dim3A_90 : f32 to vector<16xf32>
    %swap3A_92 = arith.constant 48 : index
    %swap3A_93 = tpu.vector_load %arg11[%swap3A_92] {strides = array<i32>} : memref<256xf32, #tpu.memory_space<vmem>>, vector<16xf32>,
    %swap3A_94 = vector.shape_cast %swap3A_93 : vector<16xf32> to vector<16xf32>
    %swap3A_95 = vector.shape_cast %broadcast_in_dim3A_91 : vector<16xf32> to vector<16xf32>
    tpu.vector_store %arg11[%swap3A_92], %swap3A_95 {strides = array<i32>} : memref<256xf32, #tpu.memory_space<vmem>>, vector<16xf32>,
    %broadcast_in_dim3A_96 = arith.constant 0 : i32
    %broadcast_in_dim3A_97 = vector.broadcast %broadcast_in_dim3A_96 : i32 to vector<16xi32>
    %swap3A_98 = arith.constant 48 : index
    %swap3A_99 = tpu.vector_load %arg12[%swap3A_98] {strides = array<i32>} : memref<256xi32, #tpu.memory_space<vmem>>, vector<16xi32>,
    %swap3A_100 = vector.shape_cast %swap3A_99 : vector<16xi32> to vector<16xi32>
    %swap3A_101 = vector.shape_cast %broadcast_in_dim3A_97 : vector<16xi32> to vector<16xi32>
    tpu.vector_store %arg12[%swap3A_98], %swap3A_101 {strides = array<i32>} : memref<256xi32, #tpu.memory_space<vmem>>, vector<16xi32>,
    %broadcast_in_dim3A_102 = arith.constant 0x7F800000 : f32
    %broadcast_in_dim3A_103 = vector.broadcast %broadcast_in_dim3A_102 : f32 to vector<16xf32>
    %swap3A_104 = arith.constant 64 : index
    %swap3A_105 = tpu.vector_load %arg11[%swap3A_104] {strides = array<i32>} : memref<256xf32, #tpu.memory_space<vmem>>, vector<16xf32>,
    %swap3A_106 = vector.shape_cast %swap3A_105 : vector<16xf32> to vector<16xf32>
    %swap3A_107 = vector.shape_cast %broadcast_in_dim3A_103 : vector<16xf32> to vector<16xf32>
    tpu.vector_store %arg11[%swap3A_104], %swap3A_107 {strides = array<i32>} : memref<256xf32, #tpu.memory_space<vmem>>, vector<16xf32>,
    %broadcast_in_dim3A_108 = arith.constant 0 : i32
    %broadcast_in_dim3A_109 = vector.broadcast %broadcast_in_dim3A_108 : i32 to vector<16xi32>
    %swap3A_110 = arith.constant 64 : index
    %swap3A_111 = tpu.vector_load %arg12[%swap3A_110] {strides = array<i32>} : memref<256xi32, #tpu.memory_space<vmem>>, vector<16xi32>,
    %swap3A_112 = vector.shape_cast %swap3A_111 : vector<16xi32> to vector<16xi32>
    %swap3A_113 = vector.shape_cast %broadcast_in_dim3A_109 : vector<16xi32> to vector<16xi32>
    tpu.vector_store %arg12[%swap3A_110], %swap3A_113 {strides = array<i32>} : memref<256xi32, #tpu.memory_space<vmem>>, vector<16xi32>,
    %broadcast_in_dim3A_114 = arith.constant 0x7F800000 : f32
    %broadcast_in_dim3A_115 = vector.broadcast %broadcast_in_dim3A_114 : f32 to vector<16xf32>
    %swap3A_116 = arith.constant 80 : index
    %swap3A_117 = tpu.vector_load %arg11[%swap3A_116] {strides = array<i32>} : memref<256xf32, #tpu.memory_space<vmem>>, vector<16xf32>,
    %swap3A_118 = vector.shape_cast %swap3A_117 : vector<16xf32> to vector<16xf32>
    %swap3A_119 = vector.shape_cast %broadcast_in_dim3A_115 : vector<16xf32> to vector<16xf32>
    tpu.vector_store %arg11[%swap3A_116], %swap3A_119 {strides = array<i32>} : memref<256xf32, #tpu.memory_space<vmem>>, vector<16xf32>,
    %broadcast_in_dim3A_120 = arith.constant 0 : i32
    %broadcast_in_dim3A_121 = vector.broadcast %broadcast_in_dim3A_120 : i32 to vector<16xi32>
    %swap3A_122 = arith.constant 80 : index
    %swap3A_123 = tpu.vector_load %arg12[%swap3A_122] {strides = array<i32>} : memref<256xi32, #tpu.memory_space<vmem>>, vector<16xi32>,
    %swap3A_124 = vector.shape_cast %swap3A_123 : vector<16xi32> to vector<16xi32>
    %swap3A_125 = vector.shape_cast %broadcast_in_dim3A_121 : vector<16xi32> to vector<16xi32>
    tpu.vector_store %arg12[%swap3A_122], %swap3A_125 {strides = array<i32>} : memref<256xi32, #tpu.memory_space<vmem>>, vector<16xi32>,
    %broadcast_in_dim3A_126 = arith.constant 0x7F800000 : f32
    %broadcast_in_dim3A_127 = vector.broadcast %broadcast_in_dim3A_126 : f32 to vector<16xf32>
    %swap3A_128 = arith.constant 96 : index
    %swap3A_129 = tpu.vector_load %arg11[%swap3A_128] {strides = array<i32>} : memref<256xf32, #tpu.memory_space<vmem>>, vector<16xf32>,
    %swap3A_130 = vector.shape_cast %swap3A_129 : vector<16xf32> to vector<16xf32>
    %swap3A_131 = vector.shape_cast %broadcast_in_dim3A_127 : vector<16xf32> to vector<16xf32>
    tpu.vector_store %arg11[%swap3A_128], %swap3A_131 {strides = array<i32>} : memref<256xf32, #tpu.memory_space<vmem>>, vector<16xf32>,
    %broadcast_in_dim3A_132 = arith.constant 0 : i32
    %broadcast_in_dim3A_133 = vector.broadcast %broadcast_in_dim3A_132 : i32 to vector<16xi32>
    %swap3A_134 = arith.constant 96 : index
    %swap3A_135 = tpu.vector_load %arg12[%swap3A_134] {strides = array<i32>} : memref<256xi32, #tpu.memory_space<vmem>>, vector<16xi32>,
    %swap3A_136 = vector.shape_cast %swap3A_135 : vector<16xi32> to vector<16xi32>
    %swap3A_137 = vector.shape_cast %broadcast_in_dim3A_133 : vector<16xi32> to vector<16xi32>
    tpu.vector_store %arg12[%swap3A_134], %swap3A_137 {strides = array<i32>} : memref<256xi32, #tpu.memory_space<vmem>>, vector<16xi32>,
    %broadcast_in_dim3A_138 = arith.constant 0x7F800000 : f32
    %broadcast_in_dim3A_139 = vector.broadcast %broadcast_in_dim3A_138 : f32 to vector<16xf32>
    %swap3A_140 = arith.constant 112 : index
    %swap3A_141 = tpu.vector_load %arg11[%swap3A_140] {strides = array<i32>} : memref<256xf32, #tpu.memory_space<vmem>>, vector<16xf32>,
    %swap3A_142 = vector.shape_cast %swap3A_141 : vector<16xf32> to vector<16xf32>
    %swap3A_143 = vector.shape_cast %broadcast_in_dim3A_139 : vector<16xf32> to vector<16xf32>
    tpu.vector_store %arg11[%swap3A_140], %swap3A_143 {strides = array<i32>} : memref<256xf32, #tpu.memory_space<vmem>>, vector<16xf32>,
    %broadcast_in_dim3A_144 = arith.constant 0 : i32
    %broadcast_in_dim3A_145 = vector.broadcast %broadcast_in_dim3A_144 : i32 to vector<16xi32>
    %swap3A_146 = arith.constant 112 : index
    %swap3A_147 = tpu.vector_load %arg12[%swap3A_146] {strides = array<i32>} : memref<256xi32, #tpu.memory_space<vmem>>, vector<16xi32>,
    %swap3A_148 = vector.shape_cast %swap3A_147 : vector<16xi32> to vector<16xi32>
    %swap3A_149 = vector.shape_cast %broadcast_in_dim3A_145 : vector<16xi32> to vector<16xi32>
    tpu.vector_store %arg12[%swap3A_146], %swap3A_149 {strides = array<i32>} : memref<256xi32, #tpu.memory_space<vmem>>, vector<16xi32>,
    %broadcast_in_dim3A_150 = arith.constant 0x7F800000 : f32
    %broadcast_in_dim3A_151 = vector.broadcast %broadcast_in_dim3A_150 : f32 to vector<16xf32>
    %swap3A_152 = arith.constant 128 : index
    %swap3A_153 = tpu.vector_load %arg11[%swap3A_152] {strides = array<i32>} : memref<256xf32, #tpu.memory_space<vmem>>, vector<16xf32>,
    %swap3A_154 = vector.shape_cast %swap3A_153 : vector<16xf32> to vector<16xf32>
    %swap3A_155 = vector.shape_cast %broadcast_in_dim3A_151 : vector<16xf32> to vector<16xf32>
    tpu.vector_store %arg11[%swap3A_152], %swap3A_155 {strides = array<i32>} : memref<256xf32, #tpu.memory_space<vmem>>, vector<16xf32>,
    %broadcast_in_dim3A_156 = arith.constant 0 : i32
    %broadcast_in_dim3A_157 = vector.broadcast %broadcast_in_dim3A_156 : i32 to vector<16xi32>
    %swap3A_158 = arith.constant 128 : index
    %swap3A_159 = tpu.vector_load %arg12[%swap3A_158] {strides = array<i32>} : memref<256xi32, #tpu.memory_space<vmem>>, vector<16xi32>,
    %swap3A_160 = vector.shape_cast %swap3A_159 : vector<16xi32> to vector<16xi32>
    %swap3A_161 = vector.shape_cast %broadcast_in_dim3A_157 : vector<16xi32> to vector<16xi32>
    tpu.vector_store %arg12[%swap3A_158], %swap3A_161 {strides = array<i32>} : memref<256xi32, #tpu.memory_space<vmem>>, vector<16xi32>,
    %broadcast_in_dim3A_162 = arith.constant 0x7F800000 : f32
    %broadcast_in_dim3A_163 = vector.broadcast %broadcast_in_dim3A_162 : f32 to vector<16xf32>
    %swap3A_164 = arith.constant 144 : index
    %swap3A_165 = tpu.vector_load %arg11[%swap3A_164] {strides = array<i32>} : memref<256xf32, #tpu.memory_space<vmem>>, vector<16xf32>,
    %swap3A_166 = vector.shape_cast %swap3A_165 : vector<16xf32> to vector<16xf32>
    %swap3A_167 = vector.shape_cast %broadcast_in_dim3A_163 : vector<16xf32> to vector<16xf32>
    tpu.vector_store %arg11[%swap3A_164], %swap3A_167 {strides = array<i32>} : memref<256xf32, #tpu.memory_space<vmem>>, vector<16xf32>,
    %broadcast_in_dim3A_168 = arith.constant 0 : i32
    %broadcast_in_dim3A_169 = vector.broadcast %broadcast_in_dim3A_168 : i32 to vector<16xi32>
    %swap3A_170 = arith.constant 144 : index
    %swap3A_171 = tpu.vector_load %arg12[%swap3A_170] {strides = array<i32>} : memref<256xi32, #tpu.memory_space<vmem>>, vector<16xi32>,
    %swap3A_172 = vector.shape_cast %swap3A_171 : vector<16xi32> to vector<16xi32>
    %swap3A_173 = vector.shape_cast %broadcast_in_dim3A_169 : vector<16xi32> to vector<16xi32>
    tpu.vector_store %arg12[%swap3A_170], %swap3A_173 {strides = array<i32>} : memref<256xi32, #tpu.memory_space<vmem>>, vector<16xi32>,
    %broadcast_in_dim3A_174 = arith.constant 0x7F800000 : f32
    %broadcast_in_dim3A_175 = vector.broadcast %broadcast_in_dim3A_174 : f32 to vector<16xf32>
    %swap3A_176 = arith.constant 160 : index
    %swap3A_177 = tpu.vector_load %arg11[%swap3A_176] {strides = array<i32>} : memref<256xf32, #tpu.memory_space<vmem>>, vector<16xf32>,
    %swap3A_178 = vector.shape_cast %swap3A_177 : vector<16xf32> to vector<16xf32>
    %swap3A_179 = vector.shape_cast %broadcast_in_dim3A_175 : vector<16xf32> to vector<16xf32>
    tpu.vector_store %arg11[%swap3A_176], %swap3A_179 {strides = array<i32>} : memref<256xf32, #tpu.memory_space<vmem>>, vector<16xf32>,
    %broadcast_in_dim3A_180 = arith.constant 0 : i32
    %broadcast_in_dim3A_181 = vector.broadcast %broadcast_in_dim3A_180 : i32 to vector<16xi32>
    %swap3A_182 = arith.constant 160 : index
    %swap3A_183 = tpu.vector_load %arg12[%swap3A_182] {strides = array<i32>} : memref<256xi32, #tpu.memory_space<vmem>>, vector<16xi32>,
    %swap3A_184 = vector.shape_cast %swap3A_183 : vector<16xi32> to vector<16xi32>
    %swap3A_185 = vector.shape_cast %broadcast_in_dim3A_181 : vector<16xi32> to vector<16xi32>
    tpu.vector_store %arg12[%swap3A_182], %swap3A_185 {strides = array<i32>} : memref<256xi32, #tpu.memory_space<vmem>>, vector<16xi32>,
    %broadcast_in_dim3A_186 = arith.constant 0x7F800000 : f32
    %broadcast_in_dim3A_187 = vector.broadcast %broadcast_in_dim3A_186 : f32 to vector<16xf32>
    %swap3A_188 = arith.constant 176 : index
    %swap3A_189 = tpu.vector_load %arg11[%swap3A_188] {strides = array<i32>} : memref<256xf32, #tpu.memory_space<vmem>>, vector<16xf32>,
    %swap3A_190 = vector.shape_cast %swap3A_189 : vector<16xf32> to vector<16xf32>
    %swap3A_191 = vector.shape_cast %broadcast_in_dim3A_187 : vector<16xf32> to vector<16xf32>
    tpu.vector_store %arg11[%swap3A_188], %swap3A_191 {strides = array<i32>} : memref<256xf32, #tpu.memory_space<vmem>>, vector<16xf32>,
    %broadcast_in_dim3A_192 = arith.constant 0 : i32
    %broadcast_in_dim3A_193 = vector.broadcast %broadcast_in_dim3A_192 : i32 to vector<16xi32>
    %swap3A_194 = arith.constant 176 : index
    %swap3A_195 = tpu.vector_load %arg12[%swap3A_194] {strides = array<i32>} : memref<256xi32, #tpu.memory_space<vmem>>, vector<16xi32>,
    %swap3A_196 = vector.shape_cast %swap3A_195 : vector<16xi32> to vector<16xi32>
    %swap3A_197 = vector.shape_cast %broadcast_in_dim3A_193 : vector<16xi32> to vector<16xi32>
    tpu.vector_store %arg12[%swap3A_194], %swap3A_197 {strides = array<i32>} : memref<256xi32, #tpu.memory_space<vmem>>, vector<16xi32>,
    %broadcast_in_dim3A_198 = arith.constant 0x7F800000 : f32
    %broadcast_in_dim3A_199 = vector.broadcast %broadcast_in_dim3A_198 : f32 to vector<16xf32>
    %swap3A_200 = arith.constant 192 : index
    %swap3A_201 = tpu.vector_load %arg11[%swap3A_200] {strides = array<i32>} : memref<256xf32, #tpu.memory_space<vmem>>, vector<16xf32>,
    %swap3A_202 = vector.shape_cast %swap3A_201 : vector<16xf32> to vector<16xf32>
    %swap3A_203 = vector.shape_cast %broadcast_in_dim3A_199 : vector<16xf32> to vector<16xf32>
    tpu.vector_store %arg11[%swap3A_200], %swap3A_203 {strides = array<i32>} : memref<256xf32, #tpu.memory_space<vmem>>, vector<16xf32>,
    %broadcast_in_dim3A_204 = arith.constant 0 : i32
    %broadcast_in_dim3A_205 = vector.broadcast %broadcast_in_dim3A_204 : i32 to vector<16xi32>
    %swap3A_206 = arith.constant 192 : index
    %swap3A_207 = tpu.vector_load %arg12[%swap3A_206] {strides = array<i32>} : memref<256xi32, #tpu.memory_space<vmem>>, vector<16xi32>,
    %swap3A_208 = vector.shape_cast %swap3A_207 : vector<16xi32> to vector<16xi32>
    %swap3A_209 = vector.shape_cast %broadcast_in_dim3A_205 : vector<16xi32> to vector<16xi32>
    tpu.vector_store %arg12[%swap3A_206], %swap3A_209 {strides = array<i32>} : memref<256xi32, #tpu.memory_space<vmem>>, vector<16xi32>,
    %broadcast_in_dim3A_210 = arith.constant 0x7F800000 : f32
    %broadcast_in_dim3A_211 = vector.broadcast %broadcast_in_dim3A_210 : f32 to vector<16xf32>
    %swap3A_212 = arith.constant 208 : index
    %swap3A_213 = tpu.vector_load %arg11[%swap3A_212] {strides = array<i32>} : memref<256xf32, #tpu.memory_space<vmem>>, vector<16xf32>,
    %swap3A_214 = vector.shape_cast %swap3A_213 : vector<16xf32> to vector<16xf32>
    %swap3A_215 = vector.shape_cast %broadcast_in_dim3A_211 : vector<16xf32> to vector<16xf32>
    tpu.vector_store %arg11[%swap3A_212], %swap3A_215 {strides = array<i32>} : memref<256xf32, #tpu.memory_space<vmem>>, vector<16xf32>,
    %broadcast_in_dim3A_216 = arith.constant 0 : i32
    %broadcast_in_dim3A_217 = vector.broadcast %broadcast_in_dim3A_216 : i32 to vector<16xi32>
    %swap3A_218 = arith.constant 208 : index
    %swap3A_219 = tpu.vector_load %arg12[%swap3A_218] {strides = array<i32>} : memref<256xi32, #tpu.memory_space<vmem>>, vector<16xi32>,
    %swap3A_220 = vector.shape_cast %swap3A_219 : vector<16xi32> to vector<16xi32>
    %swap3A_221 = vector.shape_cast %broadcast_in_dim3A_217 : vector<16xi32> to vector<16xi32>
    tpu.vector_store %arg12[%swap3A_218], %swap3A_221 {strides = array<i32>} : memref<256xi32, #tpu.memory_space<vmem>>, vector<16xi32>,
    %broadcast_in_dim3A_222 = arith.constant 0x7F800000 : f32
    %broadcast_in_dim3A_223 = vector.broadcast %broadcast_in_dim3A_222 : f32 to vector<16xf32>
    %swap3A_224 = arith.constant 224 : index
    %swap3A_225 = tpu.vector_load %arg11[%swap3A_224] {strides = array<i32>} : memref<256xf32, #tpu.memory_space<vmem>>, vector<16xf32>,
    %swap3A_226 = vector.shape_cast %swap3A_225 : vector<16xf32> to vector<16xf32>
    %swap3A_227 = vector.shape_cast %broadcast_in_dim3A_223 : vector<16xf32> to vector<16xf32>
    tpu.vector_store %arg11[%swap3A_224], %swap3A_227 {strides = array<i32>} : memref<256xf32, #tpu.memory_space<vmem>>, vector<16xf32>,
    %broadcast_in_dim3A_228 = arith.constant 0 : i32
    %broadcast_in_dim3A_229 = vector.broadcast %broadcast_in_dim3A_228 : i32 to vector<16xi32>
    %swap3A_230 = arith.constant 224 : index
    %swap3A_231 = tpu.vector_load %arg12[%swap3A_230] {strides = array<i32>} : memref<256xi32, #tpu.memory_space<vmem>>, vector<16xi32>,
    %swap3A_232 = vector.shape_cast %swap3A_231 : vector<16xi32> to vector<16xi32>
    %swap3A_233 = vector.shape_cast %broadcast_in_dim3A_229 : vector<16xi32> to vector<16xi32>
    tpu.vector_store %arg12[%swap3A_230], %swap3A_233 {strides = array<i32>} : memref<256xi32, #tpu.memory_space<vmem>>, vector<16xi32>,
    %broadcast_in_dim3A_234 = arith.constant 0x7F800000 : f32
    %broadcast_in_dim3A_235 = vector.broadcast %broadcast_in_dim3A_234 : f32 to vector<16xf32>
    %swap3A_236 = arith.constant 240 : index
    %swap3A_237 = tpu.vector_load %arg11[%swap3A_236] {strides = array<i32>} : memref<256xf32, #tpu.memory_space<vmem>>, vector<16xf32>,
    %swap3A_238 = vector.shape_cast %swap3A_237 : vector<16xf32> to vector<16xf32>
    %swap3A_239 = vector.shape_cast %broadcast_in_dim3A_235 : vector<16xf32> to vector<16xf32>
    tpu.vector_store %arg11[%swap3A_236], %swap3A_239 {strides = array<i32>} : memref<256xf32, #tpu.memory_space<vmem>>, vector<16xf32>,
    %broadcast_in_dim3A_240 = arith.constant 0 : i32
    %broadcast_in_dim3A_241 = vector.broadcast %broadcast_in_dim3A_240 : i32 to vector<16xi32>
    %swap3A_242 = arith.constant 240 : index
    %swap3A_243 = tpu.vector_load %arg12[%swap3A_242] {strides = array<i32>} : memref<256xi32, #tpu.memory_space<vmem>>, vector<16xi32>,
    %swap3A_244 = vector.shape_cast %swap3A_243 : vector<16xi32> to vector<16xi32>
    %swap3A_245 = vector.shape_cast %broadcast_in_dim3A_241 : vector<16xi32> to vector<16xi32>
    tpu.vector_store %arg12[%swap3A_242], %swap3A_245 {strides = array<i32>} : memref<256xi32, #tpu.memory_space<vmem>>, vector<16xi32>,
    %iota3A = tpu.iota {dimensions = array<i32: 0>} : vector<16xi32>
    %add3A_246 = arith.constant 0 : i32
    %add3A_247 = arith.addi %mul3A_20, %add3A_246 : i32
    %min3A = arith.minsi %add3A_247, %sub3A_55 : i32
    %dma_start3A = arith.constant 0 : i32
    %dma_start3A_248 = tpu.memref_slice %arg4[%dma_start3A, %min3A] : memref<128x46000xf32, #tpu.memory_space<hbm>> -> memref<128x16xf32, #tpu.memory_space<hbm>>
    %dma_start3A_249 = arith.constant 0 : i32
    %dma_start3A_250 = tpu.memref_slice %arg4[%dma_start3A_249, %min3A] : memref<128x46000xf32, #tpu.memory_space<hbm>> -> memref<128x16xf32, #tpu.memory_space<hbm>>
    tpu.enqueue_dma source(%dma_start3A_250 : memref<128x16xf32, #tpu.memory_space<hbm>>) target(%arg9 : memref<128x16xf32, #tpu.memory_space<vmem>>) target_semaphore(%arg13 : memref<!tpu.dma_semaphore, #tpu.memory_space<semaphore_mem>>)
    %add3A_251 = arith.constant 16 : i32
    %add3A_252 = arith.addi %mul3A_20, %add3A_251 : i32
    %min3A_253 = arith.minsi %add3A_252, %sub3A_55 : i32
    %dma_start3A_254 = arith.constant 0 : i32
    %dma_start3A_255 = tpu.memref_slice %arg4[%dma_start3A_254, %min3A_253] : memref<128x46000xf32, #tpu.memory_space<hbm>> -> memref<128x16xf32, #tpu.memory_space<hbm>>
    %dma_start3A_256 = arith.constant 0 : i32
    %dma_start3A_257 = tpu.memref_slice %arg4[%dma_start3A_256, %min3A_253] : memref<128x46000xf32, #tpu.memory_space<hbm>> -> memref<128x16xf32, #tpu.memory_space<hbm>>
    tpu.enqueue_dma source(%dma_start3A_257 : memref<128x16xf32, #tpu.memory_space<hbm>>) target(%arg10 : memref<128x16xf32, #tpu.memory_space<vmem>>) target_semaphore(%arg14 : memref<!tpu.dma_semaphore, #tpu.memory_space<semaphore_mem>>)
    tpu.wait_dma2 semaphore(%arg15 : memref<!tpu.dma_semaphore, #tpu.memory_space<semaphore_mem>>) src(%arg2 : memref<2048x16xf32, #tpu.memory_space<hbm>>) dst(%arg7 : memref<2048x16xf32, #tpu.memory_space<vmem>>)
    tpu.wait_dma2 semaphore(%arg16 : memref<!tpu.dma_semaphore, #tpu.memory_space<semaphore_mem>>) src(%arg3 : memref<2048x16xf32, #tpu.memory_space<hbm>>) dst(%arg8 : memref<2048x16xf32, #tpu.memory_space<vmem>>)
    %scan3A = arith.constant 0 : i32
    %scan3A_258 = arith.constant 0 : i32
    %scan3A_259 = arith.constant 46 : i32
    %scan3A_260 = arith.addi %scan3A_258, %scan3A_259 : i32
    %scan3A_261 = arith.constant 1 : i32
    scf.for %scan3A_263 = %scan3A_258 to %scan3A_260 step %scan3A_261  : i32 {
      %mul3A_264 = arith.constant 2 : i32
      %mul3A_265 = arith.muli %scan3A_263, %mul3A_264 : i32
      %mul3A_266 = arith.constant 16 : i32
      %mul3A_267 = arith.muli %mul3A_266, %mul3A_265 : i32
      %add3A_268 = arith.addi %mul3A_20, %mul3A_267 : i32
      %min3A_269 = arith.minsi %add3A_268, %sub3A_55 : i32
      %dma_wait3A = arith.constant 0 : i32
      %dma_wait3A_270 = tpu.memref_slice %arg4[%dma_wait3A, %min3A_269] : memref<128x46000xf32, #tpu.memory_space<hbm>> -> memref<128x16xf32, #tpu.memory_space<hbm>>
      %dma_wait3A_271 = arith.constant 0 : i32
      %dma_wait3A_272 = tpu.memref_slice %arg4[%dma_wait3A_271, %min3A_269] : memref<128x46000xf32, #tpu.memory_space<hbm>> -> memref<128x16xf32, #tpu.memory_space<hbm>>
      tpu.wait_dma2 semaphore(%arg13 : memref<!tpu.dma_semaphore, #tpu.memory_space<semaphore_mem>>) src(%dma_wait3A_272 : memref<128x16xf32, #tpu.memory_space<hbm>>) dst(%arg9 : memref<128x16xf32, #tpu.memory_space<vmem>>)
      %mul3A_273 = arith.constant 16 : i32
      %mul3A_274 = arith.muli %mul3A_273, %mul3A_265 : i32
      %add3A_275 = arith.addi %mul3A_20, %mul3A_274 : i32
      %min3A_276 = arith.minsi %add3A_275, %sub3A_55 : i32
      %add3A_277 = arith.constant 54000 : i32
      %add3A_278 = arith.addi %min3A_276, %add3A_277 : i32
      %add3A_279 = vector.broadcast %add3A_278 : i32 to vector<16xi32>
      %add3A_280 = arith.addi %iota3A, %add3A_279 : vector<16xi32>
      %broadcast_in_dim3A_281 = arith.constant 0.000000e+00 : f32
      %broadcast_in_dim3A_282 = vector.broadcast %broadcast_in_dim3A_281 : f32 to vector<16xf32>
      %scan3A_283 = arith.constant 0 : i32
      %scan3A_284 = arith.constant 128 : i32
      %scan3A_285 = arith.addi %scan3A_283, %scan3A_284 : i32
      %scan3A_286 = arith.constant 1 : i32
      %scan3A_287:16 = scf.for %scan3A_871 = %scan3A_283 to %scan3A_285 step %scan3A_286 iter_args(%scan3A_872 = %broadcast_in_dim3A_282, %scan3A_873 = %broadcast_in_dim3A_282, %scan3A_874 = %broadcast_in_dim3A_282, %scan3A_875 = %broadcast_in_dim3A_282, %scan3A_876 = %broadcast_in_dim3A_282, %scan3A_877 = %broadcast_in_dim3A_282, %scan3A_878 = %broadcast_in_dim3A_282, %scan3A_879 = %broadcast_in_dim3A_282, %scan3A_880 = %broadcast_in_dim3A_282, %scan3A_881 = %broadcast_in_dim3A_282, %scan3A_882 = %broadcast_in_dim3A_282, %scan3A_883 = %broadcast_in_dim3A_282, %scan3A_884 = %broadcast_in_dim3A_282, %scan3A_885 = %broadcast_in_dim3A_282, %scan3A_886 = %broadcast_in_dim3A_282, %scan3A_887 = %broadcast_in_dim3A_282) -> (vector<16xf32>, vector<16xf32>, vector<16xf32>, vector<16xf32>, vector<16xf32>, vector<16xf32>, vector<16xf32>, vector<16xf32>, vector<16xf32>, vector<16xf32>, vector<16xf32>, vector<16xf32>, vector<16xf32>, vector<16xf32>, vector<16xf32>, vector<16xf32>)  : i32 {
        %get3A_888 = arith.index_cast %scan3A_871 : i32 to index
        %get3A_889 = arith.constant 0 : index
        %get3A_890 = tpu.vector_load %arg9[%get3A_888, %get3A_889] {strides = array<i32>} : memref<128x16xf32, #tpu.memory_space<vmem>>, vector<1x16xf32>,
        %get3A_891 = vector.shape_cast %get3A_890 : vector<1x16xf32> to vector<16xf32>
        %abs3A = math.absf %get3A_891 : vector<16xf32>
        %add3A_892 = arith.constant 0 : i32
        %add3A_893 = arith.addi %add3A_892, %scan3A_871 : i32
        %get3A_894 = arith.index_cast %add3A_893 : i32 to index
        %get3A_895 = arith.constant 0 : index
        %get3A_896 = tpu.vector_load %arg7[%get3A_894, %get3A_895] {strides = array<i32>} : memref<2048x16xf32, #tpu.memory_space<vmem>>, vector<1x16xf32>,
        %get3A_897 = vector.shape_cast %get3A_896 : vector<1x16xf32> to vector<16xf32>
        %add3A_898 = arith.constant 0 : i32
        %add3A_899 = arith.addi %add3A_898, %scan3A_871 : i32
        %get3A_900 = arith.index_cast %add3A_899 : i32 to index
        %get3A_901 = arith.constant 0 : index
        %get3A_902 = tpu.vector_load %arg8[%get3A_900, %get3A_901] {strides = array<i32>} : memref<2048x16xf32, #tpu.memory_space<vmem>>, vector<1x16xf32>,
        %get3A_903 = vector.shape_cast %get3A_902 : vector<1x16xf32> to vector<16xf32>
        %sub3A_904 = arith.subf %get3A_891, %get3A_897 : vector<16xf32>
        %abs3A_905 = math.absf %sub3A_904 : vector<16xf32>
        %add3A_906 = arith.addf %abs3A, %get3A_903 : vector<16xf32>
        %max3A = arith.constant 1.000000e-30 : f32
        %max3A_907 = vector.broadcast %max3A : f32 to vector<16xf32>
        %max3A_908 = arith.maximumf %add3A_906, %max3A_907 : vector<16xf32>
        %div3A_909 = arith.divf %abs3A_905, %max3A_908 : vector<16xf32>
        %add3A_910 = arith.addf %scan3A_872, %div3A_909 : vector<16xf32>
        %add3A_911 = arith.constant 128 : i32
        %add3A_912 = arith.addi %add3A_911, %scan3A_871 : i32
        %get3A_913 = arith.index_cast %add3A_912 : i32 to index
        %get3A_914 = arith.constant 0 : index
        %get3A_915 = tpu.vector_load %arg7[%get3A_913, %get3A_914] {strides = array<i32>} : memref<2048x16xf32, #tpu.memory_space<vmem>>, vector<1x16xf32>,
        %get3A_916 = vector.shape_cast %get3A_915 : vector<1x16xf32> to vector<16xf32>
        %add3A_917 = arith.constant 128 : i32
        %add3A_918 = arith.addi %add3A_917, %scan3A_871 : i32
        %get3A_919 = arith.index_cast %add3A_918 : i32 to index
        %get3A_920 = arith.constant 0 : index
        %get3A_921 = tpu.vector_load %arg8[%get3A_919, %get3A_920] {strides = array<i32>} : memref<2048x16xf32, #tpu.memory_space<vmem>>, vector<1x16xf32>,
        %get3A_922 = vector.shape_cast %get3A_921 : vector<1x16xf32> to vector<16xf32>
        %sub3A_923 = arith.subf %get3A_891, %get3A_916 : vector<16xf32>
        %abs3A_924 = math.absf %sub3A_923 : vector<16xf32>
        %add3A_925 = arith.addf %abs3A, %get3A_922 : vector<16xf32>
        %max3A_926 = arith.constant 1.000000e-30 : f32
        %max3A_927 = vector.broadcast %max3A_926 : f32 to vector<16xf32>
        %max3A_928 = arith.maximumf %add3A_925, %max3A_927 : vector<16xf32>
        %div3A_929 = arith.divf %abs3A_924, %max3A_928 : vector<16xf32>
        %add3A_930 = arith.addf %scan3A_873, %div3A_929 : vector<16xf32>
        %add3A_931 = arith.constant 256 : i32
        %add3A_932 = arith.addi %add3A_931, %scan3A_871 : i32
        %get3A_933 = arith.index_cast %add3A_932 : i32 to index
        %get3A_934 = arith.constant 0 : index
        %get3A_935 = tpu.vector_load %arg7[%get3A_933, %get3A_934] {strides = array<i32>} : memref<2048x16xf32, #tpu.memory_space<vmem>>, vector<1x16xf32>,
        %get3A_936 = vector.shape_cast %get3A_935 : vector<1x16xf32> to vector<16xf32>
        %add3A_937 = arith.constant 256 : i32
        %add3A_938 = arith.addi %add3A_937, %scan3A_871 : i32
        %get3A_939 = arith.index_cast %add3A_938 : i32 to index
        %get3A_940 = arith.constant 0 : index
        %get3A_941 = tpu.vector_load %arg8[%get3A_939, %get3A_940] {strides = array<i32>} : memref<2048x16xf32, #tpu.memory_space<vmem>>, vector<1x16xf32>,
        %get3A_942 = vector.shape_cast %get3A_941 : vector<1x16xf32> to vector<16xf32>
        %sub3A_943 = arith.subf %get3A_891, %get3A_936 : vector<16xf32>
        %abs3A_944 = math.absf %sub3A_943 : vector<16xf32>
        %add3A_945 = arith.addf %abs3A, %get3A_942 : vector<16xf32>
        %max3A_946 = arith.constant 1.000000e-30 : f32
        %max3A_947 = vector.broadcast %max3A_946 : f32 to vector<16xf32>
        %max3A_948 = arith.maximumf %add3A_945, %max3A_947 : vector<16xf32>
        %div3A_949 = arith.divf %abs3A_944, %max3A_948 : vector<16xf32>
        %add3A_950 = arith.addf %scan3A_874, %div3A_949 : vector<16xf32>
        %add3A_951 = arith.constant 384 : i32
        %add3A_952 = arith.addi %add3A_951, %scan3A_871 : i32
        %get3A_953 = arith.index_cast %add3A_952 : i32 to index
        %get3A_954 = arith.constant 0 : index
        %get3A_955 = tpu.vector_load %arg7[%get3A_953, %get3A_954] {strides = array<i32>} : memref<2048x16xf32, #tpu.memory_space<vmem>>, vector<1x16xf32>,
        %get3A_956 = vector.shape_cast %get3A_955 : vector<1x16xf32> to vector<16xf32>
        %add3A_957 = arith.constant 384 : i32
        %add3A_958 = arith.addi %add3A_957, %scan3A_871 : i32
        %get3A_959 = arith.index_cast %add3A_958 : i32 to index
        %get3A_960 = arith.constant 0 : index
        %get3A_961 = tpu.vector_load %arg8[%get3A_959, %get3A_960] {strides = array<i32>} : memref<2048x16xf32, #tpu.memory_space<vmem>>, vector<1x16xf32>,
        %get3A_962 = vector.shape_cast %get3A_961 : vector<1x16xf32> to vector<16xf32>
        %sub3A_963 = arith.subf %get3A_891, %get3A_956 : vector<16xf32>
        %abs3A_964 = math.absf %sub3A_963 : vector<16xf32>
        %add3A_965 = arith.addf %abs3A, %get3A_962 : vector<16xf32>
        %max3A_966 = arith.constant 1.000000e-30 : f32
        %max3A_967 = vector.broadcast %max3A_966 : f32 to vector<16xf32>
        %max3A_968 = arith.maximumf %add3A_965, %max3A_967 : vector<16xf32>
        %div3A_969 = arith.divf %abs3A_964, %max3A_968 : vector<16xf32>
        %add3A_970 = arith.addf %scan3A_875, %div3A_969 : vector<16xf32>
        %add3A_971 = arith.constant 512 : i32
        %add3A_972 = arith.addi %add3A_971, %scan3A_871 : i32
        %get3A_973 = arith.index_cast %add3A_972 : i32 to index
        %get3A_974 = arith.constant 0 : index
        %get3A_975 = tpu.vector_load %arg7[%get3A_973, %get3A_974] {strides = array<i32>} : memref<2048x16xf32, #tpu.memory_space<vmem>>, vector<1x16xf32>,
        %get3A_976 = vector.shape_cast %get3A_975 : vector<1x16xf32> to vector<16xf32>
        %add3A_977 = arith.constant 512 : i32
        %add3A_978 = arith.addi %add3A_977, %scan3A_871 : i32
        %get3A_979 = arith.index_cast %add3A_978 : i32 to index
        %get3A_980 = arith.constant 0 : index
        %get3A_981 = tpu.vector_load %arg8[%get3A_979, %get3A_980] {strides = array<i32>} : memref<2048x16xf32, #tpu.memory_space<vmem>>, vector<1x16xf32>,
        %get3A_982 = vector.shape_cast %get3A_981 : vector<1x16xf32> to vector<16xf32>
        %sub3A_983 = arith.subf %get3A_891, %get3A_976 : vector<16xf32>
        %abs3A_984 = math.absf %sub3A_983 : vector<16xf32>
        %add3A_985 = arith.addf %abs3A, %get3A_982 : vector<16xf32>
        %max3A_986 = arith.constant 1.000000e-30 : f32
        %max3A_987 = vector.broadcast %max3A_986 : f32 to vector<16xf32>
        %max3A_988 = arith.maximumf %add3A_985, %max3A_987 : vector<16xf32>
        %div3A_989 = arith.divf %abs3A_984, %max3A_988 : vector<16xf32>
        %add3A_990 = arith.addf %scan3A_876, %div3A_989 : vector<16xf32>
        %add3A_991 = arith.constant 640 : i32
        %add3A_992 = arith.addi %add3A_991, %scan3A_871 : i32
        %get3A_993 = arith.index_cast %add3A_992 : i32 to index
        %get3A_994 = arith.constant 0 : index
        %get3A_995 = tpu.vector_load %arg7[%get3A_993, %get3A_994] {strides = array<i32>} : memref<2048x16xf32, #tpu.memory_space<vmem>>, vector<1x16xf32>,
        %get3A_996 = vector.shape_cast %get3A_995 : vector<1x16xf32> to vector<16xf32>
        %add3A_997 = arith.constant 640 : i32
        %add3A_998 = arith.addi %add3A_997, %scan3A_871 : i32
        %get3A_999 = arith.index_cast %add3A_998 : i32 to index
        %get3A_1000 = arith.constant 0 : index
        %get3A_1001 = tpu.vector_load %arg8[%get3A_999, %get3A_1000] {strides = array<i32>} : memref<2048x16xf32, #tpu.memory_space<vmem>>, vector<1x16xf32>,
        %get3A_1002 = vector.shape_cast %get3A_1001 : vector<1x16xf32> to vector<16xf32>
        %sub3A_1003 = arith.subf %get3A_891, %get3A_996 : vector<16xf32>
        %abs3A_1004 = math.absf %sub3A_1003 : vector<16xf32>
        %add3A_1005 = arith.addf %abs3A, %get3A_1002 : vector<16xf32>
        %max3A_1006 = arith.constant 1.000000e-30 : f32
        %max3A_1007 = vector.broadcast %max3A_1006 : f32 to vector<16xf32>
        %max3A_1008 = arith.maximumf %add3A_1005, %max3A_1007 : vector<16xf32>
        %div3A_1009 = arith.divf %abs3A_1004, %max3A_1008 : vector<16xf32>
        %add3A_1010 = arith.addf %scan3A_877, %div3A_1009 : vector<16xf32>
        %add3A_1011 = arith.constant 768 : i32
        %add3A_1012 = arith.addi %add3A_1011, %scan3A_871 : i32
        %get3A_1013 = arith.index_cast %add3A_1012 : i32 to index
        %get3A_1014 = arith.constant 0 : index
        %get3A_1015 = tpu.vector_load %arg7[%get3A_1013, %get3A_1014] {strides = array<i32>} : memref<2048x16xf32, #tpu.memory_space<vmem>>, vector<1x16xf32>,
        %get3A_1016 = vector.shape_cast %get3A_1015 : vector<1x16xf32> to vector<16xf32>
        %add3A_1017 = arith.constant 768 : i32
        %add3A_1018 = arith.addi %add3A_1017, %scan3A_871 : i32
        %get3A_1019 = arith.index_cast %add3A_1018 : i32 to index
        %get3A_1020 = arith.constant 0 : index
        %get3A_1021 = tpu.vector_load %arg8[%get3A_1019, %get3A_1020] {strides = array<i32>} : memref<2048x16xf32, #tpu.memory_space<vmem>>, vector<1x16xf32>,
        %get3A_1022 = vector.shape_cast %get3A_1021 : vector<1x16xf32> to vector<16xf32>
        %sub3A_1023 = arith.subf %get3A_891, %get3A_1016 : vector<16xf32>
        %abs3A_1024 = math.absf %sub3A_1023 : vector<16xf32>
        %add3A_1025 = arith.addf %abs3A, %get3A_1022 : vector<16xf32>
        %max3A_1026 = arith.constant 1.000000e-30 : f32
        %max3A_1027 = vector.broadcast %max3A_1026 : f32 to vector<16xf32>
        %max3A_1028 = arith.maximumf %add3A_1025, %max3A_1027 : vector<16xf32>
        %div3A_1029 = arith.divf %abs3A_1024, %max3A_1028 : vector<16xf32>
        %add3A_1030 = arith.addf %scan3A_878, %div3A_1029 : vector<16xf32>
        %add3A_1031 = arith.constant 896 : i32
        %add3A_1032 = arith.addi %add3A_1031, %scan3A_871 : i32
        %get3A_1033 = arith.index_cast %add3A_1032 : i32 to index
        %get3A_1034 = arith.constant 0 : index
        %get3A_1035 = tpu.vector_load %arg7[%get3A_1033, %get3A_1034] {strides = array<i32>} : memref<2048x16xf32, #tpu.memory_space<vmem>>, vector<1x16xf32>,
        %get3A_1036 = vector.shape_cast %get3A_1035 : vector<1x16xf32> to vector<16xf32>
        %add3A_1037 = arith.constant 896 : i32
        %add3A_1038 = arith.addi %add3A_1037, %scan3A_871 : i32
        %get3A_1039 = arith.index_cast %add3A_1038 : i32 to index
        %get3A_1040 = arith.constant 0 : index
        %get3A_1041 = tpu.vector_load %arg8[%get3A_1039, %get3A_1040] {strides = array<i32>} : memref<2048x16xf32, #tpu.memory_space<vmem>>, vector<1x16xf32>,
        %get3A_1042 = vector.shape_cast %get3A_1041 : vector<1x16xf32> to vector<16xf32>
        %sub3A_1043 = arith.subf %get3A_891, %get3A_1036 : vector<16xf32>
        %abs3A_1044 = math.absf %sub3A_1043 : vector<16xf32>
        %add3A_1045 = arith.addf %abs3A, %get3A_1042 : vector<16xf32>
        %max3A_1046 = arith.constant 1.000000e-30 : f32
        %max3A_1047 = vector.broadcast %max3A_1046 : f32 to vector<16xf32>
        %max3A_1048 = arith.maximumf %add3A_1045, %max3A_1047 : vector<16xf32>
        %div3A_1049 = arith.divf %abs3A_1044, %max3A_1048 : vector<16xf32>
        %add3A_1050 = arith.addf %scan3A_879, %div3A_1049 : vector<16xf32>
        %add3A_1051 = arith.constant 1024 : i32
        %add3A_1052 = arith.addi %add3A_1051, %scan3A_871 : i32
        %get3A_1053 = arith.index_cast %add3A_1052 : i32 to index
        %get3A_1054 = arith.constant 0 : index
        %get3A_1055 = tpu.vector_load %arg7[%get3A_1053, %get3A_1054] {strides = array<i32>} : memref<2048x16xf32, #tpu.memory_space<vmem>>, vector<1x16xf32>,
        %get3A_1056 = vector.shape_cast %get3A_1055 : vector<1x16xf32> to vector<16xf32>
        %add3A_1057 = arith.constant 1024 : i32
        %add3A_1058 = arith.addi %add3A_1057, %scan3A_871 : i32
        %get3A_1059 = arith.index_cast %add3A_1058 : i32 to index
        %get3A_1060 = arith.constant 0 : index
        %get3A_1061 = tpu.vector_load %arg8[%get3A_1059, %get3A_1060] {strides = array<i32>} : memref<2048x16xf32, #tpu.memory_space<vmem>>, vector<1x16xf32>,
        %get3A_1062 = vector.shape_cast %get3A_1061 : vector<1x16xf32> to vector<16xf32>
        %sub3A_1063 = arith.subf %get3A_891, %get3A_1056 : vector<16xf32>
        %abs3A_1064 = math.absf %sub3A_1063 : vector<16xf32>
        %add3A_1065 = arith.addf %abs3A, %get3A_1062 : vector<16xf32>
        %max3A_1066 = arith.constant 1.000000e-30 : f32
        %max3A_1067 = vector.broadcast %max3A_1066 : f32 to vector<16xf32>
        %max3A_1068 = arith.maximumf %add3A_1065, %max3A_1067 : vector<16xf32>
        %div3A_1069 = arith.divf %abs3A_1064, %max3A_1068 : vector<16xf32>
        %add3A_1070 = arith.addf %scan3A_880, %div3A_1069 : vector<16xf32>
        %add3A_1071 = arith.constant 1152 : i32
        %add3A_1072 = arith.addi %add3A_1071, %scan3A_871 : i32
        %get3A_1073 = arith.index_cast %add3A_1072 : i32 to index
        %get3A_1074 = arith.constant 0 : index
        %get3A_1075 = tpu.vector_load %arg7[%get3A_1073, %get3A_1074] {strides = array<i32>} : memref<2048x16xf32, #tpu.memory_space<vmem>>, vector<1x16xf32>,
        %get3A_1076 = vector.shape_cast %get3A_1075 : vector<1x16xf32> to vector<16xf32>
        %add3A_1077 = arith.constant 1152 : i32
        %add3A_1078 = arith.addi %add3A_1077, %scan3A_871 : i32
        %get3A_1079 = arith.index_cast %add3A_1078 : i32 to index
        %get3A_1080 = arith.constant 0 : index
        %get3A_1081 = tpu.vector_load %arg8[%get3A_1079, %get3A_1080] {strides = array<i32>} : memref<2048x16xf32, #tpu.memory_space<vmem>>, vector<1x16xf32>,
        %get3A_1082 = vector.shape_cast %get3A_1081 : vector<1x16xf32> to vector<16xf32>
        %sub3A_1083 = arith.subf %get3A_891, %get3A_1076 : vector<16xf32>
        %abs3A_1084 = math.absf %sub3A_1083 : vector<16xf32>
        %add3A_1085 = arith.addf %abs3A, %get3A_1082 : vector<16xf32>
        %max3A_1086 = arith.constant 1.000000e-30 : f32
        %max3A_1087 = vector.broadcast %max3A_1086 : f32 to vector<16xf32>
        %max3A_1088 = arith.maximumf %add3A_1085, %max3A_1087 : vector<16xf32>
        %div3A_1089 = arith.divf %abs3A_1084, %max3A_1088 : vector<16xf32>
        %add3A_1090 = arith.addf %scan3A_881, %div3A_1089 : vector<16xf32>
        %add3A_1091 = arith.constant 1280 : i32
        %add3A_1092 = arith.addi %add3A_1091, %scan3A_871 : i32
        %get3A_1093 = arith.index_cast %add3A_1092 : i32 to index
        %get3A_1094 = arith.constant 0 : index
        %get3A_1095 = tpu.vector_load %arg7[%get3A_1093, %get3A_1094] {strides = array<i32>} : memref<2048x16xf32, #tpu.memory_space<vmem>>, vector<1x16xf32>,
        %get3A_1096 = vector.shape_cast %get3A_1095 : vector<1x16xf32> to vector<16xf32>
        %add3A_1097 = arith.constant 1280 : i32
        %add3A_1098 = arith.addi %add3A_1097, %scan3A_871 : i32
        %get3A_1099 = arith.index_cast %add3A_1098 : i32 to index
        %get3A_1100 = arith.constant 0 : index
        %get3A_1101 = tpu.vector_load %arg8[%get3A_1099, %get3A_1100] {strides = array<i32>} : memref<2048x16xf32, #tpu.memory_space<vmem>>, vector<1x16xf32>,
        %get3A_1102 = vector.shape_cast %get3A_1101 : vector<1x16xf32> to vector<16xf32>
        %sub3A_1103 = arith.subf %get3A_891, %get3A_1096 : vector<16xf32>
        %abs3A_1104 = math.absf %sub3A_1103 : vector<16xf32>
        %add3A_1105 = arith.addf %abs3A, %get3A_1102 : vector<16xf32>
        %max3A_1106 = arith.constant 1.000000e-30 : f32
        %max3A_1107 = vector.broadcast %max3A_1106 : f32 to vector<16xf32>
        %max3A_1108 = arith.maximumf %add3A_1105, %max3A_1107 : vector<16xf32>
        %div3A_1109 = arith.divf %abs3A_1104, %max3A_1108 : vector<16xf32>
        %add3A_1110 = arith.addf %scan3A_882, %div3A_1109 : vector<16xf32>
        %add3A_1111 = arith.constant 1408 : i32
        %add3A_1112 = arith.addi %add3A_1111, %scan3A_871 : i32
        %get3A_1113 = arith.index_cast %add3A_1112 : i32 to index
        %get3A_1114 = arith.constant 0 : index
        %get3A_1115 = tpu.vector_load %arg7[%get3A_1113, %get3A_1114] {strides = array<i32>} : memref<2048x16xf32, #tpu.memory_space<vmem>>, vector<1x16xf32>,
        %get3A_1116 = vector.shape_cast %get3A_1115 : vector<1x16xf32> to vector<16xf32>
        %add3A_1117 = arith.constant 1408 : i32
        %add3A_1118 = arith.addi %add3A_1117, %scan3A_871 : i32
        %get3A_1119 = arith.index_cast %add3A_1118 : i32 to index
        %get3A_1120 = arith.constant 0 : index
        %get3A_1121 = tpu.vector_load %arg8[%get3A_1119, %get3A_1120] {strides = array<i32>} : memref<2048x16xf32, #tpu.memory_space<vmem>>, vector<1x16xf32>,
        %get3A_1122 = vector.shape_cast %get3A_1121 : vector<1x16xf32> to vector<16xf32>
        %sub3A_1123 = arith.subf %get3A_891, %get3A_1116 : vector<16xf32>
        %abs3A_1124 = math.absf %sub3A_1123 : vector<16xf32>
        %add3A_1125 = arith.addf %abs3A, %get3A_1122 : vector<16xf32>
        %max3A_1126 = arith.constant 1.000000e-30 : f32
        %max3A_1127 = vector.broadcast %max3A_1126 : f32 to vector<16xf32>
        %max3A_1128 = arith.maximumf %add3A_1125, %max3A_1127 : vector<16xf32>
        %div3A_1129 = arith.divf %abs3A_1124, %max3A_1128 : vector<16xf32>
        %add3A_1130 = arith.addf %scan3A_883, %div3A_1129 : vector<16xf32>
        %add3A_1131 = arith.constant 1536 : i32
        %add3A_1132 = arith.addi %add3A_1131, %scan3A_871 : i32
        %get3A_1133 = arith.index_cast %add3A_1132 : i32 to index
        %get3A_1134 = arith.constant 0 : index
        %get3A_1135 = tpu.vector_load %arg7[%get3A_1133, %get3A_1134] {strides = array<i32>} : memref<2048x16xf32, #tpu.memory_space<vmem>>, vector<1x16xf32>,
        %get3A_1136 = vector.shape_cast %get3A_1135 : vector<1x16xf32> to vector<16xf32>
        %add3A_1137 = arith.constant 1536 : i32
        %add3A_1138 = arith.addi %add3A_1137, %scan3A_871 : i32
        %get3A_1139 = arith.index_cast %add3A_1138 : i32 to index
        %get3A_1140 = arith.constant 0 : index
        %get3A_1141 = tpu.vector_load %arg8[%get3A_1139, %get3A_1140] {strides = array<i32>} : memref<2048x16xf32, #tpu.memory_space<vmem>>, vector<1x16xf32>,
        %get3A_1142 = vector.shape_cast %get3A_1141 : vector<1x16xf32> to vector<16xf32>
        %sub3A_1143 = arith.subf %get3A_891, %get3A_1136 : vector<16xf32>
        %abs3A_1144 = math.absf %sub3A_1143 : vector<16xf32>
        %add3A_1145 = arith.addf %abs3A, %get3A_1142 : vector<16xf32>
        %max3A_1146 = arith.constant 1.000000e-30 : f32
        %max3A_1147 = vector.broadcast %max3A_1146 : f32 to vector<16xf32>
        %max3A_1148 = arith.maximumf %add3A_1145, %max3A_1147 : vector<16xf32>
        %div3A_1149 = arith.divf %abs3A_1144, %max3A_1148 : vector<16xf32>
        %add3A_1150 = arith.addf %scan3A_884, %div3A_1149 : vector<16xf32>
        %add3A_1151 = arith.constant 1664 : i32
        %add3A_1152 = arith.addi %add3A_1151, %scan3A_871 : i32
        %get3A_1153 = arith.index_cast %add3A_1152 : i32 to index
        %get3A_1154 = arith.constant 0 : index
        %get3A_1155 = tpu.vector_load %arg7[%get3A_1153, %get3A_1154] {strides = array<i32>} : memref<2048x16xf32, #tpu.memory_space<vmem>>, vector<1x16xf32>,
        %get3A_1156 = vector.shape_cast %get3A_1155 : vector<1x16xf32> to vector<16xf32>
        %add3A_1157 = arith.constant 1664 : i32
        %add3A_1158 = arith.addi %add3A_1157, %scan3A_871 : i32
        %get3A_1159 = arith.index_cast %add3A_1158 : i32 to index
        %get3A_1160 = arith.constant 0 : index
        %get3A_1161 = tpu.vector_load %arg8[%get3A_1159, %get3A_1160] {strides = array<i32>} : memref<2048x16xf32, #tpu.memory_space<vmem>>, vector<1x16xf32>,
        %get3A_1162 = vector.shape_cast %get3A_1161 : vector<1x16xf32> to vector<16xf32>
        %sub3A_1163 = arith.subf %get3A_891, %get3A_1156 : vector<16xf32>
        %abs3A_1164 = math.absf %sub3A_1163 : vector<16xf32>
        %add3A_1165 = arith.addf %abs3A, %get3A_1162 : vector<16xf32>
        %max3A_1166 = arith.constant 1.000000e-30 : f32
        %max3A_1167 = vector.broadcast %max3A_1166 : f32 to vector<16xf32>
        %max3A_1168 = arith.maximumf %add3A_1165, %max3A_1167 : vector<16xf32>
        %div3A_1169 = arith.divf %abs3A_1164, %max3A_1168 : vector<16xf32>
        %add3A_1170 = arith.addf %scan3A_885, %div3A_1169 : vector<16xf32>
        %add3A_1171 = arith.constant 1792 : i32
        %add3A_1172 = arith.addi %add3A_1171, %scan3A_871 : i32
        %get3A_1173 = arith.index_cast %add3A_1172 : i32 to index
        %get3A_1174 = arith.constant 0 : index
        %get3A_1175 = tpu.vector_load %arg7[%get3A_1173, %get3A_1174] {strides = array<i32>} : memref<2048x16xf32, #tpu.memory_space<vmem>>, vector<1x16xf32>,
        %get3A_1176 = vector.shape_cast %get3A_1175 : vector<1x16xf32> to vector<16xf32>
        %add3A_1177 = arith.constant 1792 : i32
        %add3A_1178 = arith.addi %add3A_1177, %scan3A_871 : i32
        %get3A_1179 = arith.index_cast %add3A_1178 : i32 to index
        %get3A_1180 = arith.constant 0 : index
        %get3A_1181 = tpu.vector_load %arg8[%get3A_1179, %get3A_1180] {strides = array<i32>} : memref<2048x16xf32, #tpu.memory_space<vmem>>, vector<1x16xf32>,
        %get3A_1182 = vector.shape_cast %get3A_1181 : vector<1x16xf32> to vector<16xf32>
        %sub3A_1183 = arith.subf %get3A_891, %get3A_1176 : vector<16xf32>
        %abs3A_1184 = math.absf %sub3A_1183 : vector<16xf32>
        %add3A_1185 = arith.addf %abs3A, %get3A_1182 : vector<16xf32>
        %max3A_1186 = arith.constant 1.000000e-30 : f32
        %max3A_1187 = vector.broadcast %max3A_1186 : f32 to vector<16xf32>
        %max3A_1188 = arith.maximumf %add3A_1185, %max3A_1187 : vector<16xf32>
        %div3A_1189 = arith.divf %abs3A_1184, %max3A_1188 : vector<16xf32>
        %add3A_1190 = arith.addf %scan3A_886, %div3A_1189 : vector<16xf32>
        %add3A_1191 = arith.constant 1920 : i32
        %add3A_1192 = arith.addi %add3A_1191, %scan3A_871 : i32
        %get3A_1193 = arith.index_cast %add3A_1192 : i32 to index
        %get3A_1194 = arith.constant 0 : index
        %get3A_1195 = tpu.vector_load %arg7[%get3A_1193, %get3A_1194] {strides = array<i32>} : memref<2048x16xf32, #tpu.memory_space<vmem>>, vector<1x16xf32>,
        %get3A_1196 = vector.shape_cast %get3A_1195 : vector<1x16xf32> to vector<16xf32>
        %add3A_1197 = arith.constant 1920 : i32
        %add3A_1198 = arith.addi %add3A_1197, %scan3A_871 : i32
        %get3A_1199 = arith.index_cast %add3A_1198 : i32 to index
        %get3A_1200 = arith.constant 0 : index
        %get3A_1201 = tpu.vector_load %arg8[%get3A_1199, %get3A_1200] {strides = array<i32>} : memref<2048x16xf32, #tpu.memory_space<vmem>>, vector<1x16xf32>,
        %get3A_1202 = vector.shape_cast %get3A_1201 : vector<1x16xf32> to vector<16xf32>
        %sub3A_1203 = arith.subf %get3A_891, %get3A_1196 : vector<16xf32>
        %abs3A_1204 = math.absf %sub3A_1203 : vector<16xf32>
        %add3A_1205 = arith.addf %abs3A, %get3A_1202 : vector<16xf32>
        %max3A_1206 = arith.constant 1.000000e-30 : f32
        %max3A_1207 = vector.broadcast %max3A_1206 : f32 to vector<16xf32>
        %max3A_1208 = arith.maximumf %add3A_1205, %max3A_1207 : vector<16xf32>
        %div3A_1209 = arith.divf %abs3A_1204, %max3A_1208 : vector<16xf32>
        %add3A_1210 = arith.addf %scan3A_887, %div3A_1209 : vector<16xf32>
        scf.yield %add3A_910, %add3A_930, %add3A_950, %add3A_970, %add3A_990, %add3A_1010, %add3A_1030, %add3A_1050, %add3A_1070, %add3A_1090, %add3A_1110, %add3A_1130, %add3A_1150, %add3A_1170, %add3A_1190, %add3A_1210 : vector<16xf32>, vector<16xf32>, vector<16xf32>, vector<16xf32>, vector<16xf32>, vector<16xf32>, vector<16xf32>, vector<16xf32>, vector<16xf32>, vector<16xf32>, vector<16xf32>, vector<16xf32>, vector<16xf32>, vector<16xf32>, vector<16xf32>, vector<16xf32>
      }
      %scan3A_288 = arith.constant 128 : i32
      %get3A = arith.constant 0 : index
      %get3A_289 = tpu.vector_load %arg11[%get3A] {strides = array<i32>} : memref<256xf32, #tpu.memory_space<vmem>>, vector<16xf32>,
      %get3A_290 = vector.shape_cast %get3A_289 : vector<16xf32> to vector<16xf32>
      %lt3A = arith.cmpf olt, %scan3A_287#0, %get3A_290 : vector<16xf32>
      %select_n3A_291 = arith.select %lt3A, %scan3A_287#0, %get3A_290 : vector<16xi1>, vector<16xf32>
      %swap3A_292 = arith.constant 0 : index
      %swap3A_293 = tpu.vector_load %arg11[%swap3A_292] {strides = array<i32>} : memref<256xf32, #tpu.memory_space<vmem>>, vector<16xf32>,
      %swap3A_294 = vector.shape_cast %swap3A_293 : vector<16xf32> to vector<16xf32>
      %swap3A_295 = vector.shape_cast %select_n3A_291 : vector<16xf32> to vector<16xf32>
      tpu.vector_store %arg11[%swap3A_292], %swap3A_295 {strides = array<i32>} : memref<256xf32, #tpu.memory_space<vmem>>, vector<16xf32>,
      %get3A_296 = arith.constant 0 : index
      %get3A_297 = tpu.vector_load %arg12[%get3A_296] {strides = array<i32>} : memref<256xi32, #tpu.memory_space<vmem>>, vector<16xi32>,
      %get3A_298 = vector.shape_cast %get3A_297 : vector<16xi32> to vector<16xi32>
      %select_n3A_299 = arith.select %lt3A, %add3A_280, %get3A_298 : vector<16xi1>, vector<16xi32>
      %swap3A_300 = arith.constant 0 : index
      %swap3A_301 = tpu.vector_load %arg12[%swap3A_300] {strides = array<i32>} : memref<256xi32, #tpu.memory_space<vmem>>, vector<16xi32>,
      %swap3A_302 = vector.shape_cast %swap3A_301 : vector<16xi32> to vector<16xi32>
      %swap3A_303 = vector.shape_cast %select_n3A_299 : vector<16xi32> to vector<16xi32>
      tpu.vector_store %arg12[%swap3A_300], %swap3A_303 {strides = array<i32>} : memref<256xi32, #tpu.memory_space<vmem>>, vector<16xi32>,
      %get3A_304 = arith.constant 16 : index
      %get3A_305 = tpu.vector_load %arg11[%get3A_304] {strides = array<i32>} : memref<256xf32, #tpu.memory_space<vmem>>, vector<16xf32>,
      %get3A_306 = vector.shape_cast %get3A_305 : vector<16xf32> to vector<16xf32>
      %lt3A_307 = arith.cmpf olt, %scan3A_287#1, %get3A_306 : vector<16xf32>
      %select_n3A_308 = arith.select %lt3A_307, %scan3A_287#1, %get3A_306 : vector<16xi1>, vector<16xf32>
      %swap3A_309 = arith.constant 16 : index
      %swap3A_310 = tpu.vector_load %arg11[%swap3A_309] {strides = array<i32>} : memref<256xf32, #tpu.memory_space<vmem>>, vector<16xf32>,
      %swap3A_311 = vector.shape_cast %swap3A_310 : vector<16xf32> to vector<16xf32>
      %swap3A_312 = vector.shape_cast %select_n3A_308 : vector<16xf32> to vector<16xf32>
      tpu.vector_store %arg11[%swap3A_309], %swap3A_312 {strides = array<i32>} : memref<256xf32, #tpu.memory_space<vmem>>, vector<16xf32>,
      %get3A_313 = arith.constant 16 : index
      %get3A_314 = tpu.vector_load %arg12[%get3A_313] {strides = array<i32>} : memref<256xi32, #tpu.memory_space<vmem>>, vector<16xi32>,
      %get3A_315 = vector.shape_cast %get3A_314 : vector<16xi32> to vector<16xi32>
      %select_n3A_316 = arith.select %lt3A_307, %add3A_280, %get3A_315 : vector<16xi1>, vector<16xi32>
      %swap3A_317 = arith.constant 16 : index
      %swap3A_318 = tpu.vector_load %arg12[%swap3A_317] {strides = array<i32>} : memref<256xi32, #tpu.memory_space<vmem>>, vector<16xi32>,
      %swap3A_319 = vector.shape_cast %swap3A_318 : vector<16xi32> to vector<16xi32>
      %swap3A_320 = vector.shape_cast %select_n3A_316 : vector<16xi32> to vector<16xi32>
      tpu.vector_store %arg12[%swap3A_317], %swap3A_320 {strides = array<i32>} : memref<256xi32, #tpu.memory_space<vmem>>, vector<16xi32>,
      %get3A_321 = arith.constant 32 : index
      %get3A_322 = tpu.vector_load %arg11[%get3A_321] {strides = array<i32>} : memref<256xf32, #tpu.memory_space<vmem>>, vector<16xf32>,
      %get3A_323 = vector.shape_cast %get3A_322 : vector<16xf32> to vector<16xf32>
      %lt3A_324 = arith.cmpf olt, %scan3A_287#2, %get3A_323 : vector<16xf32>
      %select_n3A_325 = arith.select %lt3A_324, %scan3A_287#2, %get3A_323 : vector<16xi1>, vector<16xf32>
      %swap3A_326 = arith.constant 32 : index
      %swap3A_327 = tpu.vector_load %arg11[%swap3A_326] {strides = array<i32>} : memref<256xf32, #tpu.memory_space<vmem>>, vector<16xf32>,
      %swap3A_328 = vector.shape_cast %swap3A_327 : vector<16xf32> to vector<16xf32>
      %swap3A_329 = vector.shape_cast %select_n3A_325 : vector<16xf32> to vector<16xf32>
      tpu.vector_store %arg11[%swap3A_326], %swap3A_329 {strides = array<i32>} : memref<256xf32, #tpu.memory_space<vmem>>, vector<16xf32>,
      %get3A_330 = arith.constant 32 : index
      %get3A_331 = tpu.vector_load %arg12[%get3A_330] {strides = array<i32>} : memref<256xi32, #tpu.memory_space<vmem>>, vector<16xi32>,
      %get3A_332 = vector.shape_cast %get3A_331 : vector<16xi32> to vector<16xi32>
      %select_n3A_333 = arith.select %lt3A_324, %add3A_280, %get3A_332 : vector<16xi1>, vector<16xi32>
      %swap3A_334 = arith.constant 32 : index
      %swap3A_335 = tpu.vector_load %arg12[%swap3A_334] {strides = array<i32>} : memref<256xi32, #tpu.memory_space<vmem>>, vector<16xi32>,
      %swap3A_336 = vector.shape_cast %swap3A_335 : vector<16xi32> to vector<16xi32>
      %swap3A_337 = vector.shape_cast %select_n3A_333 : vector<16xi32> to vector<16xi32>
      tpu.vector_store %arg12[%swap3A_334], %swap3A_337 {strides = array<i32>} : memref<256xi32, #tpu.memory_space<vmem>>, vector<16xi32>,
      %get3A_338 = arith.constant 48 : index
      %get3A_339 = tpu.vector_load %arg11[%get3A_338] {strides = array<i32>} : memref<256xf32, #tpu.memory_space<vmem>>, vector<16xf32>,
      %get3A_340 = vector.shape_cast %get3A_339 : vector<16xf32> to vector<16xf32>
      %lt3A_341 = arith.cmpf olt, %scan3A_287#3, %get3A_340 : vector<16xf32>
      %select_n3A_342 = arith.select %lt3A_341, %scan3A_287#3, %get3A_340 : vector<16xi1>, vector<16xf32>
      %swap3A_343 = arith.constant 48 : index
      %swap3A_344 = tpu.vector_load %arg11[%swap3A_343] {strides = array<i32>} : memref<256xf32, #tpu.memory_space<vmem>>, vector<16xf32>,
      %swap3A_345 = vector.shape_cast %swap3A_344 : vector<16xf32> to vector<16xf32>
      %swap3A_346 = vector.shape_cast %select_n3A_342 : vector<16xf32> to vector<16xf32>
      tpu.vector_store %arg11[%swap3A_343], %swap3A_346 {strides = array<i32>} : memref<256xf32, #tpu.memory_space<vmem>>, vector<16xf32>,
      %get3A_347 = arith.constant 48 : index
      %get3A_348 = tpu.vector_load %arg12[%get3A_347] {strides = array<i32>} : memref<256xi32, #tpu.memory_space<vmem>>, vector<16xi32>,
      %get3A_349 = vector.shape_cast %get3A_348 : vector<16xi32> to vector<16xi32>
      %select_n3A_350 = arith.select %lt3A_341, %add3A_280, %get3A_349 : vector<16xi1>, vector<16xi32>
      %swap3A_351 = arith.constant 48 : index
      %swap3A_352 = tpu.vector_load %arg12[%swap3A_351] {strides = array<i32>} : memref<256xi32, #tpu.memory_space<vmem>>, vector<16xi32>,
      %swap3A_353 = vector.shape_cast %swap3A_352 : vector<16xi32> to vector<16xi32>
      %swap3A_354 = vector.shape_cast %select_n3A_350 : vector<16xi32> to vector<16xi32>
      tpu.vector_store %arg12[%swap3A_351], %swap3A_354 {strides = array<i32>} : memref<256xi32, #tpu.memory_space<vmem>>, vector<16xi32>,
      %get3A_355 = arith.constant 64 : index
      %get3A_356 = tpu.vector_load %arg11[%get3A_355] {strides = array<i32>} : memref<256xf32, #tpu.memory_space<vmem>>, vector<16xf32>,
      %get3A_357 = vector.shape_cast %get3A_356 : vector<16xf32> to vector<16xf32>
      %lt3A_358 = arith.cmpf olt, %scan3A_287#4, %get3A_357 : vector<16xf32>
      %select_n3A_359 = arith.select %lt3A_358, %scan3A_287#4, %get3A_357 : vector<16xi1>, vector<16xf32>
      %swap3A_360 = arith.constant 64 : index
      %swap3A_361 = tpu.vector_load %arg11[%swap3A_360] {strides = array<i32>} : memref<256xf32, #tpu.memory_space<vmem>>, vector<16xf32>,
      %swap3A_362 = vector.shape_cast %swap3A_361 : vector<16xf32> to vector<16xf32>
      %swap3A_363 = vector.shape_cast %select_n3A_359 : vector<16xf32> to vector<16xf32>
      tpu.vector_store %arg11[%swap3A_360], %swap3A_363 {strides = array<i32>} : memref<256xf32, #tpu.memory_space<vmem>>, vector<16xf32>,
      %get3A_364 = arith.constant 64 : index
      %get3A_365 = tpu.vector_load %arg12[%get3A_364] {strides = array<i32>} : memref<256xi32, #tpu.memory_space<vmem>>, vector<16xi32>,
      %get3A_366 = vector.shape_cast %get3A_365 : vector<16xi32> to vector<16xi32>
      %select_n3A_367 = arith.select %lt3A_358, %add3A_280, %get3A_366 : vector<16xi1>, vector<16xi32>
      %swap3A_368 = arith.constant 64 : index
      %swap3A_369 = tpu.vector_load %arg12[%swap3A_368] {strides = array<i32>} : memref<256xi32, #tpu.memory_space<vmem>>, vector<16xi32>,
      %swap3A_370 = vector.shape_cast %swap3A_369 : vector<16xi32> to vector<16xi32>
      %swap3A_371 = vector.shape_cast %select_n3A_367 : vector<16xi32> to vector<16xi32>
      tpu.vector_store %arg12[%swap3A_368], %swap3A_371 {strides = array<i32>} : memref<256xi32, #tpu.memory_space<vmem>>, vector<16xi32>,
      %get3A_372 = arith.constant 80 : index
      %get3A_373 = tpu.vector_load %arg11[%get3A_372] {strides = array<i32>} : memref<256xf32, #tpu.memory_space<vmem>>, vector<16xf32>,
      %get3A_374 = vector.shape_cast %get3A_373 : vector<16xf32> to vector<16xf32>
      %lt3A_375 = arith.cmpf olt, %scan3A_287#5, %get3A_374 : vector<16xf32>
      %select_n3A_376 = arith.select %lt3A_375, %scan3A_287#5, %get3A_374 : vector<16xi1>, vector<16xf32>
      %swap3A_377 = arith.constant 80 : index
      %swap3A_378 = tpu.vector_load %arg11[%swap3A_377] {strides = array<i32>} : memref<256xf32, #tpu.memory_space<vmem>>, vector<16xf32>,
      %swap3A_379 = vector.shape_cast %swap3A_378 : vector<16xf32> to vector<16xf32>
      %swap3A_380 = vector.shape_cast %select_n3A_376 : vector<16xf32> to vector<16xf32>
      tpu.vector_store %arg11[%swap3A_377], %swap3A_380 {strides = array<i32>} : memref<256xf32, #tpu.memory_space<vmem>>, vector<16xf32>,
      %get3A_381 = arith.constant 80 : index
      %get3A_382 = tpu.vector_load %arg12[%get3A_381] {strides = array<i32>} : memref<256xi32, #tpu.memory_space<vmem>>, vector<16xi32>,
      %get3A_383 = vector.shape_cast %get3A_382 : vector<16xi32> to vector<16xi32>
      %select_n3A_384 = arith.select %lt3A_375, %add3A_280, %get3A_383 : vector<16xi1>, vector<16xi32>
      %swap3A_385 = arith.constant 80 : index
      %swap3A_386 = tpu.vector_load %arg12[%swap3A_385] {strides = array<i32>} : memref<256xi32, #tpu.memory_space<vmem>>, vector<16xi32>,
      %swap3A_387 = vector.shape_cast %swap3A_386 : vector<16xi32> to vector<16xi32>
      %swap3A_388 = vector.shape_cast %select_n3A_384 : vector<16xi32> to vector<16xi32>
      tpu.vector_store %arg12[%swap3A_385], %swap3A_388 {strides = array<i32>} : memref<256xi32, #tpu.memory_space<vmem>>, vector<16xi32>,
      %get3A_389 = arith.constant 96 : index
      %get3A_390 = tpu.vector_load %arg11[%get3A_389] {strides = array<i32>} : memref<256xf32, #tpu.memory_space<vmem>>, vector<16xf32>,
      %get3A_391 = vector.shape_cast %get3A_390 : vector<16xf32> to vector<16xf32>
      %lt3A_392 = arith.cmpf olt, %scan3A_287#6, %get3A_391 : vector<16xf32>
      %select_n3A_393 = arith.select %lt3A_392, %scan3A_287#6, %get3A_391 : vector<16xi1>, vector<16xf32>
      %swap3A_394 = arith.constant 96 : index
      %swap3A_395 = tpu.vector_load %arg11[%swap3A_394] {strides = array<i32>} : memref<256xf32, #tpu.memory_space<vmem>>, vector<16xf32>,
      %swap3A_396 = vector.shape_cast %swap3A_395 : vector<16xf32> to vector<16xf32>
      %swap3A_397 = vector.shape_cast %select_n3A_393 : vector<16xf32> to vector<16xf32>
      tpu.vector_store %arg11[%swap3A_394], %swap3A_397 {strides = array<i32>} : memref<256xf32, #tpu.memory_space<vmem>>, vector<16xf32>,
      %get3A_398 = arith.constant 96 : index
      %get3A_399 = tpu.vector_load %arg12[%get3A_398] {strides = array<i32>} : memref<256xi32, #tpu.memory_space<vmem>>, vector<16xi32>,
      %get3A_400 = vector.shape_cast %get3A_399 : vector<16xi32> to vector<16xi32>
      %select_n3A_401 = arith.select %lt3A_392, %add3A_280, %get3A_400 : vector<16xi1>, vector<16xi32>
      %swap3A_402 = arith.constant 96 : index
      %swap3A_403 = tpu.vector_load %arg12[%swap3A_402] {strides = array<i32>} : memref<256xi32, #tpu.memory_space<vmem>>, vector<16xi32>,
      %swap3A_404 = vector.shape_cast %swap3A_403 : vector<16xi32> to vector<16xi32>
      %swap3A_405 = vector.shape_cast %select_n3A_401 : vector<16xi32> to vector<16xi32>
      tpu.vector_store %arg12[%swap3A_402], %swap3A_405 {strides = array<i32>} : memref<256xi32, #tpu.memory_space<vmem>>, vector<16xi32>,
      %get3A_406 = arith.constant 112 : index
      %get3A_407 = tpu.vector_load %arg11[%get3A_406] {strides = array<i32>} : memref<256xf32, #tpu.memory_space<vmem>>, vector<16xf32>,
      %get3A_408 = vector.shape_cast %get3A_407 : vector<16xf32> to vector<16xf32>
      %lt3A_409 = arith.cmpf olt, %scan3A_287#7, %get3A_408 : vector<16xf32>
      %select_n3A_410 = arith.select %lt3A_409, %scan3A_287#7, %get3A_408 : vector<16xi1>, vector<16xf32>
      %swap3A_411 = arith.constant 112 : index
      %swap3A_412 = tpu.vector_load %arg11[%swap3A_411] {strides = array<i32>} : memref<256xf32, #tpu.memory_space<vmem>>, vector<16xf32>,
      %swap3A_413 = vector.shape_cast %swap3A_412 : vector<16xf32> to vector<16xf32>
      %swap3A_414 = vector.shape_cast %select_n3A_410 : vector<16xf32> to vector<16xf32>
      tpu.vector_store %arg11[%swap3A_411], %swap3A_414 {strides = array<i32>} : memref<256xf32, #tpu.memory_space<vmem>>, vector<16xf32>,
      %get3A_415 = arith.constant 112 : index
      %get3A_416 = tpu.vector_load %arg12[%get3A_415] {strides = array<i32>} : memref<256xi32, #tpu.memory_space<vmem>>, vector<16xi32>,
      %get3A_417 = vector.shape_cast %get3A_416 : vector<16xi32> to vector<16xi32>
      %select_n3A_418 = arith.select %lt3A_409, %add3A_280, %get3A_417 : vector<16xi1>, vector<16xi32>
      %swap3A_419 = arith.constant 112 : index
      %swap3A_420 = tpu.vector_load %arg12[%swap3A_419] {strides = array<i32>} : memref<256xi32, #tpu.memory_space<vmem>>, vector<16xi32>,
      %swap3A_421 = vector.shape_cast %swap3A_420 : vector<16xi32> to vector<16xi32>
      %swap3A_422 = vector.shape_cast %select_n3A_418 : vector<16xi32> to vector<16xi32>
      tpu.vector_store %arg12[%swap3A_419], %swap3A_422 {strides = array<i32>} : memref<256xi32, #tpu.memory_space<vmem>>, vector<16xi32>,
      %get3A_423 = arith.constant 128 : index
      %get3A_424 = tpu.vector_load %arg11[%get3A_423] {strides = array<i32>} : memref<256xf32, #tpu.memory_space<vmem>>, vector<16xf32>,
      %get3A_425 = vector.shape_cast %get3A_424 : vector<16xf32> to vector<16xf32>
      %lt3A_426 = arith.cmpf olt, %scan3A_287#8, %get3A_425 : vector<16xf32>
      %select_n3A_427 = arith.select %lt3A_426, %scan3A_287#8, %get3A_425 : vector<16xi1>, vector<16xf32>
      %swap3A_428 = arith.constant 128 : index
      %swap3A_429 = tpu.vector_load %arg11[%swap3A_428] {strides = array<i32>} : memref<256xf32, #tpu.memory_space<vmem>>, vector<16xf32>,
      %swap3A_430 = vector.shape_cast %swap3A_429 : vector<16xf32> to vector<16xf32>
      %swap3A_431 = vector.shape_cast %select_n3A_427 : vector<16xf32> to vector<16xf32>
      tpu.vector_store %arg11[%swap3A_428], %swap3A_431 {strides = array<i32>} : memref<256xf32, #tpu.memory_space<vmem>>, vector<16xf32>,
      %get3A_432 = arith.constant 128 : index
      %get3A_433 = tpu.vector_load %arg12[%get3A_432] {strides = array<i32>} : memref<256xi32, #tpu.memory_space<vmem>>, vector<16xi32>,
      %get3A_434 = vector.shape_cast %get3A_433 : vector<16xi32> to vector<16xi32>
      %select_n3A_435 = arith.select %lt3A_426, %add3A_280, %get3A_434 : vector<16xi1>, vector<16xi32>
      %swap3A_436 = arith.constant 128 : index
      %swap3A_437 = tpu.vector_load %arg12[%swap3A_436] {strides = array<i32>} : memref<256xi32, #tpu.memory_space<vmem>>, vector<16xi32>,
      %swap3A_438 = vector.shape_cast %swap3A_437 : vector<16xi32> to vector<16xi32>
      %swap3A_439 = vector.shape_cast %select_n3A_435 : vector<16xi32> to vector<16xi32>
      tpu.vector_store %arg12[%swap3A_436], %swap3A_439 {strides = array<i32>} : memref<256xi32, #tpu.memory_space<vmem>>, vector<16xi32>,
      %get3A_440 = arith.constant 144 : index
      %get3A_441 = tpu.vector_load %arg11[%get3A_440] {strides = array<i32>} : memref<256xf32, #tpu.memory_space<vmem>>, vector<16xf32>,
      %get3A_442 = vector.shape_cast %get3A_441 : vector<16xf32> to vector<16xf32>
      %lt3A_443 = arith.cmpf olt, %scan3A_287#9, %get3A_442 : vector<16xf32>
      %select_n3A_444 = arith.select %lt3A_443, %scan3A_287#9, %get3A_442 : vector<16xi1>, vector<16xf32>
      %swap3A_445 = arith.constant 144 : index
      %swap3A_446 = tpu.vector_load %arg11[%swap3A_445] {strides = array<i32>} : memref<256xf32, #tpu.memory_space<vmem>>, vector<16xf32>,
      %swap3A_447 = vector.shape_cast %swap3A_446 : vector<16xf32> to vector<16xf32>
      %swap3A_448 = vector.shape_cast %select_n3A_444 : vector<16xf32> to vector<16xf32>
      tpu.vector_store %arg11[%swap3A_445], %swap3A_448 {strides = array<i32>} : memref<256xf32, #tpu.memory_space<vmem>>, vector<16xf32>,
      %get3A_449 = arith.constant 144 : index
      %get3A_450 = tpu.vector_load %arg12[%get3A_449] {strides = array<i32>} : memref<256xi32, #tpu.memory_space<vmem>>, vector<16xi32>,
      %get3A_451 = vector.shape_cast %get3A_450 : vector<16xi32> to vector<16xi32>
      %select_n3A_452 = arith.select %lt3A_443, %add3A_280, %get3A_451 : vector<16xi1>, vector<16xi32>
      %swap3A_453 = arith.constant 144 : index
      %swap3A_454 = tpu.vector_load %arg12[%swap3A_453] {strides = array<i32>} : memref<256xi32, #tpu.memory_space<vmem>>, vector<16xi32>,
      %swap3A_455 = vector.shape_cast %swap3A_454 : vector<16xi32> to vector<16xi32>
      %swap3A_456 = vector.shape_cast %select_n3A_452 : vector<16xi32> to vector<16xi32>
      tpu.vector_store %arg12[%swap3A_453], %swap3A_456 {strides = array<i32>} : memref<256xi32, #tpu.memory_space<vmem>>, vector<16xi32>,
      %get3A_457 = arith.constant 160 : index
      %get3A_458 = tpu.vector_load %arg11[%get3A_457] {strides = array<i32>} : memref<256xf32, #tpu.memory_space<vmem>>, vector<16xf32>,
      %get3A_459 = vector.shape_cast %get3A_458 : vector<16xf32> to vector<16xf32>
      %lt3A_460 = arith.cmpf olt, %scan3A_287#10, %get3A_459 : vector<16xf32>
      %select_n3A_461 = arith.select %lt3A_460, %scan3A_287#10, %get3A_459 : vector<16xi1>, vector<16xf32>
      %swap3A_462 = arith.constant 160 : index
      %swap3A_463 = tpu.vector_load %arg11[%swap3A_462] {strides = array<i32>} : memref<256xf32, #tpu.memory_space<vmem>>, vector<16xf32>,
      %swap3A_464 = vector.shape_cast %swap3A_463 : vector<16xf32> to vector<16xf32>
      %swap3A_465 = vector.shape_cast %select_n3A_461 : vector<16xf32> to vector<16xf32>
      tpu.vector_store %arg11[%swap3A_462], %swap3A_465 {strides = array<i32>} : memref<256xf32, #tpu.memory_space<vmem>>, vector<16xf32>,
      %get3A_466 = arith.constant 160 : index
      %get3A_467 = tpu.vector_load %arg12[%get3A_466] {strides = array<i32>} : memref<256xi32, #tpu.memory_space<vmem>>, vector<16xi32>,
      %get3A_468 = vector.shape_cast %get3A_467 : vector<16xi32> to vector<16xi32>
      %select_n3A_469 = arith.select %lt3A_460, %add3A_280, %get3A_468 : vector<16xi1>, vector<16xi32>
      %swap3A_470 = arith.constant 160 : index
      %swap3A_471 = tpu.vector_load %arg12[%swap3A_470] {strides = array<i32>} : memref<256xi32, #tpu.memory_space<vmem>>, vector<16xi32>,
      %swap3A_472 = vector.shape_cast %swap3A_471 : vector<16xi32> to vector<16xi32>
      %swap3A_473 = vector.shape_cast %select_n3A_469 : vector<16xi32> to vector<16xi32>
      tpu.vector_store %arg12[%swap3A_470], %swap3A_473 {strides = array<i32>} : memref<256xi32, #tpu.memory_space<vmem>>, vector<16xi32>,
      %get3A_474 = arith.constant 176 : index
      %get3A_475 = tpu.vector_load %arg11[%get3A_474] {strides = array<i32>} : memref<256xf32, #tpu.memory_space<vmem>>, vector<16xf32>,
      %get3A_476 = vector.shape_cast %get3A_475 : vector<16xf32> to vector<16xf32>
      %lt3A_477 = arith.cmpf olt, %scan3A_287#11, %get3A_476 : vector<16xf32>
      %select_n3A_478 = arith.select %lt3A_477, %scan3A_287#11, %get3A_476 : vector<16xi1>, vector<16xf32>
      %swap3A_479 = arith.constant 176 : index
      %swap3A_480 = tpu.vector_load %arg11[%swap3A_479] {strides = array<i32>} : memref<256xf32, #tpu.memory_space<vmem>>, vector<16xf32>,
      %swap3A_481 = vector.shape_cast %swap3A_480 : vector<16xf32> to vector<16xf32>
      %swap3A_482 = vector.shape_cast %select_n3A_478 : vector<16xf32> to vector<16xf32>
      tpu.vector_store %arg11[%swap3A_479], %swap3A_482 {strides = array<i32>} : memref<256xf32, #tpu.memory_space<vmem>>, vector<16xf32>,
      %get3A_483 = arith.constant 176 : index
      %get3A_484 = tpu.vector_load %arg12[%get3A_483] {strides = array<i32>} : memref<256xi32, #tpu.memory_space<vmem>>, vector<16xi32>,
      %get3A_485 = vector.shape_cast %get3A_484 : vector<16xi32> to vector<16xi32>
      %select_n3A_486 = arith.select %lt3A_477, %add3A_280, %get3A_485 : vector<16xi1>, vector<16xi32>
      %swap3A_487 = arith.constant 176 : index
      %swap3A_488 = tpu.vector_load %arg12[%swap3A_487] {strides = array<i32>} : memref<256xi32, #tpu.memory_space<vmem>>, vector<16xi32>,
      %swap3A_489 = vector.shape_cast %swap3A_488 : vector<16xi32> to vector<16xi32>
      %swap3A_490 = vector.shape_cast %select_n3A_486 : vector<16xi32> to vector<16xi32>
      tpu.vector_store %arg12[%swap3A_487], %swap3A_490 {strides = array<i32>} : memref<256xi32, #tpu.memory_space<vmem>>, vector<16xi32>,
      %get3A_491 = arith.constant 192 : index
      %get3A_492 = tpu.vector_load %arg11[%get3A_491] {strides = array<i32>} : memref<256xf32, #tpu.memory_space<vmem>>, vector<16xf32>,
      %get3A_493 = vector.shape_cast %get3A_492 : vector<16xf32> to vector<16xf32>
      %lt3A_494 = arith.cmpf olt, %scan3A_287#12, %get3A_493 : vector<16xf32>
      %select_n3A_495 = arith.select %lt3A_494, %scan3A_287#12, %get3A_493 : vector<16xi1>, vector<16xf32>
      %swap3A_496 = arith.constant 192 : index
      %swap3A_497 = tpu.vector_load %arg11[%swap3A_496] {strides = array<i32>} : memref<256xf32, #tpu.memory_space<vmem>>, vector<16xf32>,
      %swap3A_498 = vector.shape_cast %swap3A_497 : vector<16xf32> to vector<16xf32>
      %swap3A_499 = vector.shape_cast %select_n3A_495 : vector<16xf32> to vector<16xf32>
      tpu.vector_store %arg11[%swap3A_496], %swap3A_499 {strides = array<i32>} : memref<256xf32, #tpu.memory_space<vmem>>, vector<16xf32>,
      %get3A_500 = arith.constant 192 : index
      %get3A_501 = tpu.vector_load %arg12[%get3A_500] {strides = array<i32>} : memref<256xi32, #tpu.memory_space<vmem>>, vector<16xi32>,
      %get3A_502 = vector.shape_cast %get3A_501 : vector<16xi32> to vector<16xi32>
      %select_n3A_503 = arith.select %lt3A_494, %add3A_280, %get3A_502 : vector<16xi1>, vector<16xi32>
      %swap3A_504 = arith.constant 192 : index
      %swap3A_505 = tpu.vector_load %arg12[%swap3A_504] {strides = array<i32>} : memref<256xi32, #tpu.memory_space<vmem>>, vector<16xi32>,
      %swap3A_506 = vector.shape_cast %swap3A_505 : vector<16xi32> to vector<16xi32>
      %swap3A_507 = vector.shape_cast %select_n3A_503 : vector<16xi32> to vector<16xi32>
      tpu.vector_store %arg12[%swap3A_504], %swap3A_507 {strides = array<i32>} : memref<256xi32, #tpu.memory_space<vmem>>, vector<16xi32>,
      %get3A_508 = arith.constant 208 : index
      %get3A_509 = tpu.vector_load %arg11[%get3A_508] {strides = array<i32>} : memref<256xf32, #tpu.memory_space<vmem>>, vector<16xf32>,
      %get3A_510 = vector.shape_cast %get3A_509 : vector<16xf32> to vector<16xf32>
      %lt3A_511 = arith.cmpf olt, %scan3A_287#13, %get3A_510 : vector<16xf32>
      %select_n3A_512 = arith.select %lt3A_511, %scan3A_287#13, %get3A_510 : vector<16xi1>, vector<16xf32>
      %swap3A_513 = arith.constant 208 : index
      %swap3A_514 = tpu.vector_load %arg11[%swap3A_513] {strides = array<i32>} : memref<256xf32, #tpu.memory_space<vmem>>, vector<16xf32>,
      %swap3A_515 = vector.shape_cast %swap3A_514 : vector<16xf32> to vector<16xf32>
      %swap3A_516 = vector.shape_cast %select_n3A_512 : vector<16xf32> to vector<16xf32>
      tpu.vector_store %arg11[%swap3A_513], %swap3A_516 {strides = array<i32>} : memref<256xf32, #tpu.memory_space<vmem>>, vector<16xf32>,
      %get3A_517 = arith.constant 208 : index
      %get3A_518 = tpu.vector_load %arg12[%get3A_517] {strides = array<i32>} : memref<256xi32, #tpu.memory_space<vmem>>, vector<16xi32>,
      %get3A_519 = vector.shape_cast %get3A_518 : vector<16xi32> to vector<16xi32>
      %select_n3A_520 = arith.select %lt3A_511, %add3A_280, %get3A_519 : vector<16xi1>, vector<16xi32>
      %swap3A_521 = arith.constant 208 : index
      %swap3A_522 = tpu.vector_load %arg12[%swap3A_521] {strides = array<i32>} : memref<256xi32, #tpu.memory_space<vmem>>, vector<16xi32>,
      %swap3A_523 = vector.shape_cast %swap3A_522 : vector<16xi32> to vector<16xi32>
      %swap3A_524 = vector.shape_cast %select_n3A_520 : vector<16xi32> to vector<16xi32>
      tpu.vector_store %arg12[%swap3A_521], %swap3A_524 {strides = array<i32>} : memref<256xi32, #tpu.memory_space<vmem>>, vector<16xi32>,
      %get3A_525 = arith.constant 224 : index
      %get3A_526 = tpu.vector_load %arg11[%get3A_525] {strides = array<i32>} : memref<256xf32, #tpu.memory_space<vmem>>, vector<16xf32>,
      %get3A_527 = vector.shape_cast %get3A_526 : vector<16xf32> to vector<16xf32>
      %lt3A_528 = arith.cmpf olt, %scan3A_287#14, %get3A_527 : vector<16xf32>
      %select_n3A_529 = arith.select %lt3A_528, %scan3A_287#14, %get3A_527 : vector<16xi1>, vector<16xf32>
      %swap3A_530 = arith.constant 224 : index
      %swap3A_531 = tpu.vector_load %arg11[%swap3A_530] {strides = array<i32>} : memref<256xf32, #tpu.memory_space<vmem>>, vector<16xf32>,
      %swap3A_532 = vector.shape_cast %swap3A_531 : vector<16xf32> to vector<16xf32>
      %swap3A_533 = vector.shape_cast %select_n3A_529 : vector<16xf32> to vector<16xf32>
      tpu.vector_store %arg11[%swap3A_530], %swap3A_533 {strides = array<i32>} : memref<256xf32, #tpu.memory_space<vmem>>, vector<16xf32>,
      %get3A_534 = arith.constant 224 : index
      %get3A_535 = tpu.vector_load %arg12[%get3A_534] {strides = array<i32>} : memref<256xi32, #tpu.memory_space<vmem>>, vector<16xi32>,
      %get3A_536 = vector.shape_cast %get3A_535 : vector<16xi32> to vector<16xi32>
      %select_n3A_537 = arith.select %lt3A_528, %add3A_280, %get3A_536 : vector<16xi1>, vector<16xi32>
      %swap3A_538 = arith.constant 224 : index
      %swap3A_539 = tpu.vector_load %arg12[%swap3A_538] {strides = array<i32>} : memref<256xi32, #tpu.memory_space<vmem>>, vector<16xi32>,
      %swap3A_540 = vector.shape_cast %swap3A_539 : vector<16xi32> to vector<16xi32>
      %swap3A_541 = vector.shape_cast %select_n3A_537 : vector<16xi32> to vector<16xi32>
      tpu.vector_store %arg12[%swap3A_538], %swap3A_541 {strides = array<i32>} : memref<256xi32, #tpu.memory_space<vmem>>, vector<16xi32>,
      %get3A_542 = arith.constant 240 : index
      %get3A_543 = tpu.vector_load %arg11[%get3A_542] {strides = array<i32>} : memref<256xf32, #tpu.memory_space<vmem>>, vector<16xf32>,
      %get3A_544 = vector.shape_cast %get3A_543 : vector<16xf32> to vector<16xf32>
      %lt3A_545 = arith.cmpf olt, %scan3A_287#15, %get3A_544 : vector<16xf32>
      %select_n3A_546 = arith.select %lt3A_545, %scan3A_287#15, %get3A_544 : vector<16xi1>, vector<16xf32>
      %swap3A_547 = arith.constant 240 : index
      %swap3A_548 = tpu.vector_load %arg11[%swap3A_547] {strides = array<i32>} : memref<256xf32, #tpu.memory_space<vmem>>, vector<16xf32>,
      %swap3A_549 = vector.shape_cast %swap3A_548 : vector<16xf32> to vector<16xf32>
      %swap3A_550 = vector.shape_cast %select_n3A_546 : vector<16xf32> to vector<16xf32>
      tpu.vector_store %arg11[%swap3A_547], %swap3A_550 {strides = array<i32>} : memref<256xf32, #tpu.memory_space<vmem>>, vector<16xf32>,
      %get3A_551 = arith.constant 240 : index
      %get3A_552 = tpu.vector_load %arg12[%get3A_551] {strides = array<i32>} : memref<256xi32, #tpu.memory_space<vmem>>, vector<16xi32>,
      %get3A_553 = vector.shape_cast %get3A_552 : vector<16xi32> to vector<16xi32>
      %select_n3A_554 = arith.select %lt3A_545, %add3A_280, %get3A_553 : vector<16xi1>, vector<16xi32>
      %swap3A_555 = arith.constant 240 : index
      %swap3A_556 = tpu.vector_load %arg12[%swap3A_555] {strides = array<i32>} : memref<256xi32, #tpu.memory_space<vmem>>, vector<16xi32>,
      %swap3A_557 = vector.shape_cast %swap3A_556 : vector<16xi32> to vector<16xi32>
      %swap3A_558 = vector.shape_cast %select_n3A_554 : vector<16xi32> to vector<16xi32>
      tpu.vector_store %arg12[%swap3A_555], %swap3A_558 {strides = array<i32>} : memref<256xi32, #tpu.memory_space<vmem>>, vector<16xi32>,
      %add3A_559 = arith.constant 2 : i32
      %add3A_560 = arith.addi %mul3A_265, %add3A_559 : i32
      %lt3A_561 = arith.constant 92 : i32
      %lt3A_562 = arith.cmpi slt, %add3A_560, %lt3A_561 : i32
      %convert_element_type3A = arith.extui %lt3A_562 : i1 to i32
      %cond3A = arith.constant 0 : i32
      %cond3A_563 = arith.cmpi ne, %convert_element_type3A, %cond3A : i32
      scf.if %cond3A_563 {
        %add3A_871 = arith.constant 2 : i32
        %add3A_872 = arith.addi %mul3A_265, %add3A_871 : i32
        %mul3A_873 = arith.constant 16 : i32
        %mul3A_874 = arith.muli %mul3A_873, %add3A_872 : i32
        %add3A_875 = arith.addi %mul3A_20, %mul3A_874 : i32
        %min3A_876 = arith.minsi %add3A_875, %sub3A_55 : i32
        %dma_start3A_877 = arith.constant 0 : i32
        %dma_start3A_878 = tpu.memref_slice %arg4[%dma_start3A_877, %min3A_876] : memref<128x46000xf32, #tpu.memory_space<hbm>> -> memref<128x16xf32, #tpu.memory_space<hbm>>
        %dma_start3A_879 = arith.constant 0 : i32
        %dma_start3A_880 = tpu.memref_slice %arg4[%dma_start3A_879, %min3A_876] : memref<128x46000xf32, #tpu.memory_space<hbm>> -> memref<128x16xf32, #tpu.memory_space<hbm>>
        tpu.enqueue_dma source(%dma_start3A_880 : memref<128x16xf32, #tpu.memory_space<hbm>>) target(%arg9 : memref<128x16xf32, #tpu.memory_space<vmem>>) target_semaphore(%arg13 : memref<!tpu.dma_semaphore, #tpu.memory_space<semaphore_mem>>)
      } else {
      }
      %mul3A_564 = arith.constant 2 : i32
      %mul3A_565 = arith.muli %scan3A_263, %mul3A_564 : i32
      %add3A_566 = arith.constant 1 : i32
      %add3A_567 = arith.addi %mul3A_565, %add3A_566 : i32
      %mul3A_568 = arith.constant 16 : i32
      %mul3A_569 = arith.muli %mul3A_568, %add3A_567 : i32
      %add3A_570 = arith.addi %mul3A_20, %mul3A_569 : i32
      %min3A_571 = arith.minsi %add3A_570, %sub3A_55 : i32
      %dma_wait3A_572 = arith.constant 0 : i32
      %dma_wait3A_573 = tpu.memref_slice %arg4[%dma_wait3A_572, %min3A_571] : memref<128x46000xf32, #tpu.memory_space<hbm>> -> memref<128x16xf32, #tpu.memory_space<hbm>>
      %dma_wait3A_574 = arith.constant 0 : i32
      %dma_wait3A_575 = tpu.memref_slice %arg4[%dma_wait3A_574, %min3A_571] : memref<128x46000xf32, #tpu.memory_space<hbm>> -> memref<128x16xf32, #tpu.memory_space<hbm>>
      tpu.wait_dma2 semaphore(%arg14 : memref<!tpu.dma_semaphore, #tpu.memory_space<semaphore_mem>>) src(%dma_wait3A_575 : memref<128x16xf32, #tpu.memory_space<hbm>>) dst(%arg10 : memref<128x16xf32, #tpu.memory_space<vmem>>)
      %mul3A_576 = arith.constant 16 : i32
      %mul3A_577 = arith.muli %mul3A_576, %add3A_567 : i32
      %add3A_578 = arith.addi %mul3A_20, %mul3A_577 : i32
      %min3A_579 = arith.minsi %add3A_578, %sub3A_55 : i32
      %add3A_580 = arith.constant 54000 : i32
      %add3A_581 = arith.addi %min3A_579, %add3A_580 : i32
      %add3A_582 = vector.broadcast %add3A_581 : i32 to vector<16xi32>
      %add3A_583 = arith.addi %iota3A, %add3A_582 : vector<16xi32>
      %broadcast_in_dim3A_584 = arith.constant 0.000000e+00 : f32
      %broadcast_in_dim3A_585 = vector.broadcast %broadcast_in_dim3A_584 : f32 to vector<16xf32>
      %scan3A_586 = arith.constant 0 : i32
      %scan3A_587 = arith.constant 128 : i32
      %scan3A_588 = arith.addi %scan3A_586, %scan3A_587 : i32
      %scan3A_589 = arith.constant 1 : i32
      %scan3A_590:16 = scf.for %scan3A_871 = %scan3A_586 to %scan3A_588 step %scan3A_589 iter_args(%scan3A_872 = %broadcast_in_dim3A_585, %scan3A_873 = %broadcast_in_dim3A_585, %scan3A_874 = %broadcast_in_dim3A_585, %scan3A_875 = %broadcast_in_dim3A_585, %scan3A_876 = %broadcast_in_dim3A_585, %scan3A_877 = %broadcast_in_dim3A_585, %scan3A_878 = %broadcast_in_dim3A_585, %scan3A_879 = %broadcast_in_dim3A_585, %scan3A_880 = %broadcast_in_dim3A_585, %scan3A_881 = %broadcast_in_dim3A_585, %scan3A_882 = %broadcast_in_dim3A_585, %scan3A_883 = %broadcast_in_dim3A_585, %scan3A_884 = %broadcast_in_dim3A_585, %scan3A_885 = %broadcast_in_dim3A_585, %scan3A_886 = %broadcast_in_dim3A_585, %scan3A_887 = %broadcast_in_dim3A_585) -> (vector<16xf32>, vector<16xf32>, vector<16xf32>, vector<16xf32>, vector<16xf32>, vector<16xf32>, vector<16xf32>, vector<16xf32>, vector<16xf32>, vector<16xf32>, vector<16xf32>, vector<16xf32>, vector<16xf32>, vector<16xf32>, vector<16xf32>, vector<16xf32>)  : i32 {
        %get3A_888 = arith.index_cast %scan3A_871 : i32 to index
        %get3A_889 = arith.constant 0 : index
        %get3A_890 = tpu.vector_load %arg10[%get3A_888, %get3A_889] {strides = array<i32>} : memref<128x16xf32, #tpu.memory_space<vmem>>, vector<1x16xf32>,
        %get3A_891 = vector.shape_cast %get3A_890 : vector<1x16xf32> to vector<16xf32>
        %abs3A = math.absf %get3A_891 : vector<16xf32>
        %add3A_892 = arith.constant 0 : i32
        %add3A_893 = arith.addi %add3A_892, %scan3A_871 : i32
        %get3A_894 = arith.index_cast %add3A_893 : i32 to index
        %get3A_895 = arith.constant 0 : index
        %get3A_896 = tpu.vector_load %arg7[%get3A_894, %get3A_895] {strides = array<i32>} : memref<2048x16xf32, #tpu.memory_space<vmem>>, vector<1x16xf32>,
        %get3A_897 = vector.shape_cast %get3A_896 : vector<1x16xf32> to vector<16xf32>
        %add3A_898 = arith.constant 0 : i32
        %add3A_899 = arith.addi %add3A_898, %scan3A_871 : i32
        %get3A_900 = arith.index_cast %add3A_899 : i32 to index
        %get3A_901 = arith.constant 0 : index
        %get3A_902 = tpu.vector_load %arg8[%get3A_900, %get3A_901] {strides = array<i32>} : memref<2048x16xf32, #tpu.memory_space<vmem>>, vector<1x16xf32>,
        %get3A_903 = vector.shape_cast %get3A_902 : vector<1x16xf32> to vector<16xf32>
        %sub3A_904 = arith.subf %get3A_891, %get3A_897 : vector<16xf32>
        %abs3A_905 = math.absf %sub3A_904 : vector<16xf32>
        %add3A_906 = arith.addf %abs3A, %get3A_903 : vector<16xf32>
        %max3A = arith.constant 1.000000e-30 : f32
        %max3A_907 = vector.broadcast %max3A : f32 to vector<16xf32>
        %max3A_908 = arith.maximumf %add3A_906, %max3A_907 : vector<16xf32>
        %div3A_909 = arith.divf %abs3A_905, %max3A_908 : vector<16xf32>
        %add3A_910 = arith.addf %scan3A_872, %div3A_909 : vector<16xf32>
        %add3A_911 = arith.constant 128 : i32
        %add3A_912 = arith.addi %add3A_911, %scan3A_871 : i32
        %get3A_913 = arith.index_cast %add3A_912 : i32 to index
        %get3A_914 = arith.constant 0 : index
        %get3A_915 = tpu.vector_load %arg7[%get3A_913, %get3A_914] {strides = array<i32>} : memref<2048x16xf32, #tpu.memory_space<vmem>>, vector<1x16xf32>,
        %get3A_916 = vector.shape_cast %get3A_915 : vector<1x16xf32> to vector<16xf32>
        %add3A_917 = arith.constant 128 : i32
        %add3A_918 = arith.addi %add3A_917, %scan3A_871 : i32
        %get3A_919 = arith.index_cast %add3A_918 : i32 to index
        %get3A_920 = arith.constant 0 : index
        %get3A_921 = tpu.vector_load %arg8[%get3A_919, %get3A_920] {strides = array<i32>} : memref<2048x16xf32, #tpu.memory_space<vmem>>, vector<1x16xf32>,
        %get3A_922 = vector.shape_cast %get3A_921 : vector<1x16xf32> to vector<16xf32>
        %sub3A_923 = arith.subf %get3A_891, %get3A_916 : vector<16xf32>
        %abs3A_924 = math.absf %sub3A_923 : vector<16xf32>
        %add3A_925 = arith.addf %abs3A, %get3A_922 : vector<16xf32>
        %max3A_926 = arith.constant 1.000000e-30 : f32
        %max3A_927 = vector.broadcast %max3A_926 : f32 to vector<16xf32>
        %max3A_928 = arith.maximumf %add3A_925, %max3A_927 : vector<16xf32>
        %div3A_929 = arith.divf %abs3A_924, %max3A_928 : vector<16xf32>
        %add3A_930 = arith.addf %scan3A_873, %div3A_929 : vector<16xf32>
        %add3A_931 = arith.constant 256 : i32
        %add3A_932 = arith.addi %add3A_931, %scan3A_871 : i32
        %get3A_933 = arith.index_cast %add3A_932 : i32 to index
        %get3A_934 = arith.constant 0 : index
        %get3A_935 = tpu.vector_load %arg7[%get3A_933, %get3A_934] {strides = array<i32>} : memref<2048x16xf32, #tpu.memory_space<vmem>>, vector<1x16xf32>,
        %get3A_936 = vector.shape_cast %get3A_935 : vector<1x16xf32> to vector<16xf32>
        %add3A_937 = arith.constant 256 : i32
        %add3A_938 = arith.addi %add3A_937, %scan3A_871 : i32
        %get3A_939 = arith.index_cast %add3A_938 : i32 to index
        %get3A_940 = arith.constant 0 : index
        %get3A_941 = tpu.vector_load %arg8[%get3A_939, %get3A_940] {strides = array<i32>} : memref<2048x16xf32, #tpu.memory_space<vmem>>, vector<1x16xf32>,
        %get3A_942 = vector.shape_cast %get3A_941 : vector<1x16xf32> to vector<16xf32>
        %sub3A_943 = arith.subf %get3A_891, %get3A_936 : vector<16xf32>
        %abs3A_944 = math.absf %sub3A_943 : vector<16xf32>
        %add3A_945 = arith.addf %abs3A, %get3A_942 : vector<16xf32>
        %max3A_946 = arith.constant 1.000000e-30 : f32
        %max3A_947 = vector.broadcast %max3A_946 : f32 to vector<16xf32>
        %max3A_948 = arith.maximumf %add3A_945, %max3A_947 : vector<16xf32>
        %div3A_949 = arith.divf %abs3A_944, %max3A_948 : vector<16xf32>
        %add3A_950 = arith.addf %scan3A_874, %div3A_949 : vector<16xf32>
        %add3A_951 = arith.constant 384 : i32
        %add3A_952 = arith.addi %add3A_951, %scan3A_871 : i32
        %get3A_953 = arith.index_cast %add3A_952 : i32 to index
        %get3A_954 = arith.constant 0 : index
        %get3A_955 = tpu.vector_load %arg7[%get3A_953, %get3A_954] {strides = array<i32>} : memref<2048x16xf32, #tpu.memory_space<vmem>>, vector<1x16xf32>,
        %get3A_956 = vector.shape_cast %get3A_955 : vector<1x16xf32> to vector<16xf32>
        %add3A_957 = arith.constant 384 : i32
        %add3A_958 = arith.addi %add3A_957, %scan3A_871 : i32
        %get3A_959 = arith.index_cast %add3A_958 : i32 to index
        %get3A_960 = arith.constant 0 : index
        %get3A_961 = tpu.vector_load %arg8[%get3A_959, %get3A_960] {strides = array<i32>} : memref<2048x16xf32, #tpu.memory_space<vmem>>, vector<1x16xf32>,
        %get3A_962 = vector.shape_cast %get3A_961 : vector<1x16xf32> to vector<16xf32>
        %sub3A_963 = arith.subf %get3A_891, %get3A_956 : vector<16xf32>
        %abs3A_964 = math.absf %sub3A_963 : vector<16xf32>
        %add3A_965 = arith.addf %abs3A, %get3A_962 : vector<16xf32>
        %max3A_966 = arith.constant 1.000000e-30 : f32
        %max3A_967 = vector.broadcast %max3A_966 : f32 to vector<16xf32>
        %max3A_968 = arith.maximumf %add3A_965, %max3A_967 : vector<16xf32>
        %div3A_969 = arith.divf %abs3A_964, %max3A_968 : vector<16xf32>
        %add3A_970 = arith.addf %scan3A_875, %div3A_969 : vector<16xf32>
        %add3A_971 = arith.constant 512 : i32
        %add3A_972 = arith.addi %add3A_971, %scan3A_871 : i32
        %get3A_973 = arith.index_cast %add3A_972 : i32 to index
        %get3A_974 = arith.constant 0 : index
        %get3A_975 = tpu.vector_load %arg7[%get3A_973, %get3A_974] {strides = array<i32>} : memref<2048x16xf32, #tpu.memory_space<vmem>>, vector<1x16xf32>,
        %get3A_976 = vector.shape_cast %get3A_975 : vector<1x16xf32> to vector<16xf32>
        %add3A_977 = arith.constant 512 : i32
        %add3A_978 = arith.addi %add3A_977, %scan3A_871 : i32
        %get3A_979 = arith.index_cast %add3A_978 : i32 to index
        %get3A_980 = arith.constant 0 : index
        %get3A_981 = tpu.vector_load %arg8[%get3A_979, %get3A_980] {strides = array<i32>} : memref<2048x16xf32, #tpu.memory_space<vmem>>, vector<1x16xf32>,
        %get3A_982 = vector.shape_cast %get3A_981 : vector<1x16xf32> to vector<16xf32>
        %sub3A_983 = arith.subf %get3A_891, %get3A_976 : vector<16xf32>
        %abs3A_984 = math.absf %sub3A_983 : vector<16xf32>
        %add3A_985 = arith.addf %abs3A, %get3A_982 : vector<16xf32>
        %max3A_986 = arith.constant 1.000000e-30 : f32
        %max3A_987 = vector.broadcast %max3A_986 : f32 to vector<16xf32>
        %max3A_988 = arith.maximumf %add3A_985, %max3A_987 : vector<16xf32>
        %div3A_989 = arith.divf %abs3A_984, %max3A_988 : vector<16xf32>
        %add3A_990 = arith.addf %scan3A_876, %div3A_989 : vector<16xf32>
        %add3A_991 = arith.constant 640 : i32
        %add3A_992 = arith.addi %add3A_991, %scan3A_871 : i32
        %get3A_993 = arith.index_cast %add3A_992 : i32 to index
        %get3A_994 = arith.constant 0 : index
        %get3A_995 = tpu.vector_load %arg7[%get3A_993, %get3A_994] {strides = array<i32>} : memref<2048x16xf32, #tpu.memory_space<vmem>>, vector<1x16xf32>,
        %get3A_996 = vector.shape_cast %get3A_995 : vector<1x16xf32> to vector<16xf32>
        %add3A_997 = arith.constant 640 : i32
        %add3A_998 = arith.addi %add3A_997, %scan3A_871 : i32
        %get3A_999 = arith.index_cast %add3A_998 : i32 to index
        %get3A_1000 = arith.constant 0 : index
        %get3A_1001 = tpu.vector_load %arg8[%get3A_999, %get3A_1000] {strides = array<i32>} : memref<2048x16xf32, #tpu.memory_space<vmem>>, vector<1x16xf32>,
        %get3A_1002 = vector.shape_cast %get3A_1001 : vector<1x16xf32> to vector<16xf32>
        %sub3A_1003 = arith.subf %get3A_891, %get3A_996 : vector<16xf32>
        %abs3A_1004 = math.absf %sub3A_1003 : vector<16xf32>
        %add3A_1005 = arith.addf %abs3A, %get3A_1002 : vector<16xf32>
        %max3A_1006 = arith.constant 1.000000e-30 : f32
        %max3A_1007 = vector.broadcast %max3A_1006 : f32 to vector<16xf32>
        %max3A_1008 = arith.maximumf %add3A_1005, %max3A_1007 : vector<16xf32>
        %div3A_1009 = arith.divf %abs3A_1004, %max3A_1008 : vector<16xf32>
        %add3A_1010 = arith.addf %scan3A_877, %div3A_1009 : vector<16xf32>
        %add3A_1011 = arith.constant 768 : i32
        %add3A_1012 = arith.addi %add3A_1011, %scan3A_871 : i32
        %get3A_1013 = arith.index_cast %add3A_1012 : i32 to index
        %get3A_1014 = arith.constant 0 : index
        %get3A_1015 = tpu.vector_load %arg7[%get3A_1013, %get3A_1014] {strides = array<i32>} : memref<2048x16xf32, #tpu.memory_space<vmem>>, vector<1x16xf32>,
        %get3A_1016 = vector.shape_cast %get3A_1015 : vector<1x16xf32> to vector<16xf32>
        %add3A_1017 = arith.constant 768 : i32
        %add3A_1018 = arith.addi %add3A_1017, %scan3A_871 : i32
        %get3A_1019 = arith.index_cast %add3A_1018 : i32 to index
        %get3A_1020 = arith.constant 0 : index
        %get3A_1021 = tpu.vector_load %arg8[%get3A_1019, %get3A_1020] {strides = array<i32>} : memref<2048x16xf32, #tpu.memory_space<vmem>>, vector<1x16xf32>,
        %get3A_1022 = vector.shape_cast %get3A_1021 : vector<1x16xf32> to vector<16xf32>
        %sub3A_1023 = arith.subf %get3A_891, %get3A_1016 : vector<16xf32>
        %abs3A_1024 = math.absf %sub3A_1023 : vector<16xf32>
        %add3A_1025 = arith.addf %abs3A, %get3A_1022 : vector<16xf32>
        %max3A_1026 = arith.constant 1.000000e-30 : f32
        %max3A_1027 = vector.broadcast %max3A_1026 : f32 to vector<16xf32>
        %max3A_1028 = arith.maximumf %add3A_1025, %max3A_1027 : vector<16xf32>
        %div3A_1029 = arith.divf %abs3A_1024, %max3A_1028 : vector<16xf32>
        %add3A_1030 = arith.addf %scan3A_878, %div3A_1029 : vector<16xf32>
        %add3A_1031 = arith.constant 896 : i32
        %add3A_1032 = arith.addi %add3A_1031, %scan3A_871 : i32
        %get3A_1033 = arith.index_cast %add3A_1032 : i32 to index
        %get3A_1034 = arith.constant 0 : index
        %get3A_1035 = tpu.vector_load %arg7[%get3A_1033, %get3A_1034] {strides = array<i32>} : memref<2048x16xf32, #tpu.memory_space<vmem>>, vector<1x16xf32>,
        %get3A_1036 = vector.shape_cast %get3A_1035 : vector<1x16xf32> to vector<16xf32>
        %add3A_1037 = arith.constant 896 : i32
        %add3A_1038 = arith.addi %add3A_1037, %scan3A_871 : i32
        %get3A_1039 = arith.index_cast %add3A_1038 : i32 to index
        %get3A_1040 = arith.constant 0 : index
        %get3A_1041 = tpu.vector_load %arg8[%get3A_1039, %get3A_1040] {strides = array<i32>} : memref<2048x16xf32, #tpu.memory_space<vmem>>, vector<1x16xf32>,
        %get3A_1042 = vector.shape_cast %get3A_1041 : vector<1x16xf32> to vector<16xf32>
        %sub3A_1043 = arith.subf %get3A_891, %get3A_1036 : vector<16xf32>
        %abs3A_1044 = math.absf %sub3A_1043 : vector<16xf32>
        %add3A_1045 = arith.addf %abs3A, %get3A_1042 : vector<16xf32>
        %max3A_1046 = arith.constant 1.000000e-30 : f32
        %max3A_1047 = vector.broadcast %max3A_1046 : f32 to vector<16xf32>
        %max3A_1048 = arith.maximumf %add3A_1045, %max3A_1047 : vector<16xf32>
        %div3A_1049 = arith.divf %abs3A_1044, %max3A_1048 : vector<16xf32>
        %add3A_1050 = arith.addf %scan3A_879, %div3A_1049 : vector<16xf32>
        %add3A_1051 = arith.constant 1024 : i32
        %add3A_1052 = arith.addi %add3A_1051, %scan3A_871 : i32
        %get3A_1053 = arith.index_cast %add3A_1052 : i32 to index
        %get3A_1054 = arith.constant 0 : index
        %get3A_1055 = tpu.vector_load %arg7[%get3A_1053, %get3A_1054] {strides = array<i32>} : memref<2048x16xf32, #tpu.memory_space<vmem>>, vector<1x16xf32>,
        %get3A_1056 = vector.shape_cast %get3A_1055 : vector<1x16xf32> to vector<16xf32>
        %add3A_1057 = arith.constant 1024 : i32
        %add3A_1058 = arith.addi %add3A_1057, %scan3A_871 : i32
        %get3A_1059 = arith.index_cast %add3A_1058 : i32 to index
        %get3A_1060 = arith.constant 0 : index
        %get3A_1061 = tpu.vector_load %arg8[%get3A_1059, %get3A_1060] {strides = array<i32>} : memref<2048x16xf32, #tpu.memory_space<vmem>>, vector<1x16xf32>,
        %get3A_1062 = vector.shape_cast %get3A_1061 : vector<1x16xf32> to vector<16xf32>
        %sub3A_1063 = arith.subf %get3A_891, %get3A_1056 : vector<16xf32>
        %abs3A_1064 = math.absf %sub3A_1063 : vector<16xf32>
        %add3A_1065 = arith.addf %abs3A, %get3A_1062 : vector<16xf32>
        %max3A_1066 = arith.constant 1.000000e-30 : f32
        %max3A_1067 = vector.broadcast %max3A_1066 : f32 to vector<16xf32>
        %max3A_1068 = arith.maximumf %add3A_1065, %max3A_1067 : vector<16xf32>
        %div3A_1069 = arith.divf %abs3A_1064, %max3A_1068 : vector<16xf32>
        %add3A_1070 = arith.addf %scan3A_880, %div3A_1069 : vector<16xf32>
        %add3A_1071 = arith.constant 1152 : i32
        %add3A_1072 = arith.addi %add3A_1071, %scan3A_871 : i32
        %get3A_1073 = arith.index_cast %add3A_1072 : i32 to index
        %get3A_1074 = arith.constant 0 : index
        %get3A_1075 = tpu.vector_load %arg7[%get3A_1073, %get3A_1074] {strides = array<i32>} : memref<2048x16xf32, #tpu.memory_space<vmem>>, vector<1x16xf32>,
        %get3A_1076 = vector.shape_cast %get3A_1075 : vector<1x16xf32> to vector<16xf32>
        %add3A_1077 = arith.constant 1152 : i32
        %add3A_1078 = arith.addi %add3A_1077, %scan3A_871 : i32
        %get3A_1079 = arith.index_cast %add3A_1078 : i32 to index
        %get3A_1080 = arith.constant 0 : index
        %get3A_1081 = tpu.vector_load %arg8[%get3A_1079, %get3A_1080] {strides = array<i32>} : memref<2048x16xf32, #tpu.memory_space<vmem>>, vector<1x16xf32>,
        %get3A_1082 = vector.shape_cast %get3A_1081 : vector<1x16xf32> to vector<16xf32>
        %sub3A_1083 = arith.subf %get3A_891, %get3A_1076 : vector<16xf32>
        %abs3A_1084 = math.absf %sub3A_1083 : vector<16xf32>
        %add3A_1085 = arith.addf %abs3A, %get3A_1082 : vector<16xf32>
        %max3A_1086 = arith.constant 1.000000e-30 : f32
        %max3A_1087 = vector.broadcast %max3A_1086 : f32 to vector<16xf32>
        %max3A_1088 = arith.maximumf %add3A_1085, %max3A_1087 : vector<16xf32>
        %div3A_1089 = arith.divf %abs3A_1084, %max3A_1088 : vector<16xf32>
        %add3A_1090 = arith.addf %scan3A_881, %div3A_1089 : vector<16xf32>
        %add3A_1091 = arith.constant 1280 : i32
        %add3A_1092 = arith.addi %add3A_1091, %scan3A_871 : i32
        %get3A_1093 = arith.index_cast %add3A_1092 : i32 to index
        %get3A_1094 = arith.constant 0 : index
        %get3A_1095 = tpu.vector_load %arg7[%get3A_1093, %get3A_1094] {strides = array<i32>} : memref<2048x16xf32, #tpu.memory_space<vmem>>, vector<1x16xf32>,
        %get3A_1096 = vector.shape_cast %get3A_1095 : vector<1x16xf32> to vector<16xf32>
        %add3A_1097 = arith.constant 1280 : i32
        %add3A_1098 = arith.addi %add3A_1097, %scan3A_871 : i32
        %get3A_1099 = arith.index_cast %add3A_1098 : i32 to index
        %get3A_1100 = arith.constant 0 : index
        %get3A_1101 = tpu.vector_load %arg8[%get3A_1099, %get3A_1100] {strides = array<i32>} : memref<2048x16xf32, #tpu.memory_space<vmem>>, vector<1x16xf32>,
        %get3A_1102 = vector.shape_cast %get3A_1101 : vector<1x16xf32> to vector<16xf32>
        %sub3A_1103 = arith.subf %get3A_891, %get3A_1096 : vector<16xf32>
        %abs3A_1104 = math.absf %sub3A_1103 : vector<16xf32>
        %add3A_1105 = arith.addf %abs3A, %get3A_1102 : vector<16xf32>
        %max3A_1106 = arith.constant 1.000000e-30 : f32
        %max3A_1107 = vector.broadcast %max3A_1106 : f32 to vector<16xf32>
        %max3A_1108 = arith.maximumf %add3A_1105, %max3A_1107 : vector<16xf32>
        %div3A_1109 = arith.divf %abs3A_1104, %max3A_1108 : vector<16xf32>
        %add3A_1110 = arith.addf %scan3A_882, %div3A_1109 : vector<16xf32>
        %add3A_1111 = arith.constant 1408 : i32
        %add3A_1112 = arith.addi %add3A_1111, %scan3A_871 : i32
        %get3A_1113 = arith.index_cast %add3A_1112 : i32 to index
        %get3A_1114 = arith.constant 0 : index
        %get3A_1115 = tpu.vector_load %arg7[%get3A_1113, %get3A_1114] {strides = array<i32>} : memref<2048x16xf32, #tpu.memory_space<vmem>>, vector<1x16xf32>,
        %get3A_1116 = vector.shape_cast %get3A_1115 : vector<1x16xf32> to vector<16xf32>
        %add3A_1117 = arith.constant 1408 : i32
        %add3A_1118 = arith.addi %add3A_1117, %scan3A_871 : i32
        %get3A_1119 = arith.index_cast %add3A_1118 : i32 to index
        %get3A_1120 = arith.constant 0 : index
        %get3A_1121 = tpu.vector_load %arg8[%get3A_1119, %get3A_1120] {strides = array<i32>} : memref<2048x16xf32, #tpu.memory_space<vmem>>, vector<1x16xf32>,
        %get3A_1122 = vector.shape_cast %get3A_1121 : vector<1x16xf32> to vector<16xf32>
        %sub3A_1123 = arith.subf %get3A_891, %get3A_1116 : vector<16xf32>
        %abs3A_1124 = math.absf %sub3A_1123 : vector<16xf32>
        %add3A_1125 = arith.addf %abs3A, %get3A_1122 : vector<16xf32>
        %max3A_1126 = arith.constant 1.000000e-30 : f32
        %max3A_1127 = vector.broadcast %max3A_1126 : f32 to vector<16xf32>
        %max3A_1128 = arith.maximumf %add3A_1125, %max3A_1127 : vector<16xf32>
        %div3A_1129 = arith.divf %abs3A_1124, %max3A_1128 : vector<16xf32>
        %add3A_1130 = arith.addf %scan3A_883, %div3A_1129 : vector<16xf32>
        %add3A_1131 = arith.constant 1536 : i32
        %add3A_1132 = arith.addi %add3A_1131, %scan3A_871 : i32
        %get3A_1133 = arith.index_cast %add3A_1132 : i32 to index
        %get3A_1134 = arith.constant 0 : index
        %get3A_1135 = tpu.vector_load %arg7[%get3A_1133, %get3A_1134] {strides = array<i32>} : memref<2048x16xf32, #tpu.memory_space<vmem>>, vector<1x16xf32>,
        %get3A_1136 = vector.shape_cast %get3A_1135 : vector<1x16xf32> to vector<16xf32>
        %add3A_1137 = arith.constant 1536 : i32
        %add3A_1138 = arith.addi %add3A_1137, %scan3A_871 : i32
        %get3A_1139 = arith.index_cast %add3A_1138 : i32 to index
        %get3A_1140 = arith.constant 0 : index
        %get3A_1141 = tpu.vector_load %arg8[%get3A_1139, %get3A_1140] {strides = array<i32>} : memref<2048x16xf32, #tpu.memory_space<vmem>>, vector<1x16xf32>,
        %get3A_1142 = vector.shape_cast %get3A_1141 : vector<1x16xf32> to vector<16xf32>
        %sub3A_1143 = arith.subf %get3A_891, %get3A_1136 : vector<16xf32>
        %abs3A_1144 = math.absf %sub3A_1143 : vector<16xf32>
        %add3A_1145 = arith.addf %abs3A, %get3A_1142 : vector<16xf32>
        %max3A_1146 = arith.constant 1.000000e-30 : f32
        %max3A_1147 = vector.broadcast %max3A_1146 : f32 to vector<16xf32>
        %max3A_1148 = arith.maximumf %add3A_1145, %max3A_1147 : vector<16xf32>
        %div3A_1149 = arith.divf %abs3A_1144, %max3A_1148 : vector<16xf32>
        %add3A_1150 = arith.addf %scan3A_884, %div3A_1149 : vector<16xf32>
        %add3A_1151 = arith.constant 1664 : i32
        %add3A_1152 = arith.addi %add3A_1151, %scan3A_871 : i32
        %get3A_1153 = arith.index_cast %add3A_1152 : i32 to index
        %get3A_1154 = arith.constant 0 : index
        %get3A_1155 = tpu.vector_load %arg7[%get3A_1153, %get3A_1154] {strides = array<i32>} : memref<2048x16xf32, #tpu.memory_space<vmem>>, vector<1x16xf32>,
        %get3A_1156 = vector.shape_cast %get3A_1155 : vector<1x16xf32> to vector<16xf32>
        %add3A_1157 = arith.constant 1664 : i32
        %add3A_1158 = arith.addi %add3A_1157, %scan3A_871 : i32
        %get3A_1159 = arith.index_cast %add3A_1158 : i32 to index
        %get3A_1160 = arith.constant 0 : index
        %get3A_1161 = tpu.vector_load %arg8[%get3A_1159, %get3A_1160] {strides = array<i32>} : memref<2048x16xf32, #tpu.memory_space<vmem>>, vector<1x16xf32>,
        %get3A_1162 = vector.shape_cast %get3A_1161 : vector<1x16xf32> to vector<16xf32>
        %sub3A_1163 = arith.subf %get3A_891, %get3A_1156 : vector<16xf32>
        %abs3A_1164 = math.absf %sub3A_1163 : vector<16xf32>
        %add3A_1165 = arith.addf %abs3A, %get3A_1162 : vector<16xf32>
        %max3A_1166 = arith.constant 1.000000e-30 : f32
        %max3A_1167 = vector.broadcast %max3A_1166 : f32 to vector<16xf32>
        %max3A_1168 = arith.maximumf %add3A_1165, %max3A_1167 : vector<16xf32>
        %div3A_1169 = arith.divf %abs3A_1164, %max3A_1168 : vector<16xf32>
        %add3A_1170 = arith.addf %scan3A_885, %div3A_1169 : vector<16xf32>
        %add3A_1171 = arith.constant 1792 : i32
        %add3A_1172 = arith.addi %add3A_1171, %scan3A_871 : i32
        %get3A_1173 = arith.index_cast %add3A_1172 : i32 to index
        %get3A_1174 = arith.constant 0 : index
        %get3A_1175 = tpu.vector_load %arg7[%get3A_1173, %get3A_1174] {strides = array<i32>} : memref<2048x16xf32, #tpu.memory_space<vmem>>, vector<1x16xf32>,
        %get3A_1176 = vector.shape_cast %get3A_1175 : vector<1x16xf32> to vector<16xf32>
        %add3A_1177 = arith.constant 1792 : i32
        %add3A_1178 = arith.addi %add3A_1177, %scan3A_871 : i32
        %get3A_1179 = arith.index_cast %add3A_1178 : i32 to index
        %get3A_1180 = arith.constant 0 : index
        %get3A_1181 = tpu.vector_load %arg8[%get3A_1179, %get3A_1180] {strides = array<i32>} : memref<2048x16xf32, #tpu.memory_space<vmem>>, vector<1x16xf32>,
        %get3A_1182 = vector.shape_cast %get3A_1181 : vector<1x16xf32> to vector<16xf32>
        %sub3A_1183 = arith.subf %get3A_891, %get3A_1176 : vector<16xf32>
        %abs3A_1184 = math.absf %sub3A_1183 : vector<16xf32>
        %add3A_1185 = arith.addf %abs3A, %get3A_1182 : vector<16xf32>
        %max3A_1186 = arith.constant 1.000000e-30 : f32
        %max3A_1187 = vector.broadcast %max3A_1186 : f32 to vector<16xf32>
        %max3A_1188 = arith.maximumf %add3A_1185, %max3A_1187 : vector<16xf32>
        %div3A_1189 = arith.divf %abs3A_1184, %max3A_1188 : vector<16xf32>
        %add3A_1190 = arith.addf %scan3A_886, %div3A_1189 : vector<16xf32>
        %add3A_1191 = arith.constant 1920 : i32
        %add3A_1192 = arith.addi %add3A_1191, %scan3A_871 : i32
        %get3A_1193 = arith.index_cast %add3A_1192 : i32 to index
        %get3A_1194 = arith.constant 0 : index
        %get3A_1195 = tpu.vector_load %arg7[%get3A_1193, %get3A_1194] {strides = array<i32>} : memref<2048x16xf32, #tpu.memory_space<vmem>>, vector<1x16xf32>,
        %get3A_1196 = vector.shape_cast %get3A_1195 : vector<1x16xf32> to vector<16xf32>
        %add3A_1197 = arith.constant 1920 : i32
        %add3A_1198 = arith.addi %add3A_1197, %scan3A_871 : i32
        %get3A_1199 = arith.index_cast %add3A_1198 : i32 to index
        %get3A_1200 = arith.constant 0 : index
        %get3A_1201 = tpu.vector_load %arg8[%get3A_1199, %get3A_1200] {strides = array<i32>} : memref<2048x16xf32, #tpu.memory_space<vmem>>, vector<1x16xf32>,
        %get3A_1202 = vector.shape_cast %get3A_1201 : vector<1x16xf32> to vector<16xf32>
        %sub3A_1203 = arith.subf %get3A_891, %get3A_1196 : vector<16xf32>
        %abs3A_1204 = math.absf %sub3A_1203 : vector<16xf32>
        %add3A_1205 = arith.addf %abs3A, %get3A_1202 : vector<16xf32>
        %max3A_1206 = arith.constant 1.000000e-30 : f32
        %max3A_1207 = vector.broadcast %max3A_1206 : f32 to vector<16xf32>
        %max3A_1208 = arith.maximumf %add3A_1205, %max3A_1207 : vector<16xf32>
        %div3A_1209 = arith.divf %abs3A_1204, %max3A_1208 : vector<16xf32>
        %add3A_1210 = arith.addf %scan3A_887, %div3A_1209 : vector<16xf32>
        scf.yield %add3A_910, %add3A_930, %add3A_950, %add3A_970, %add3A_990, %add3A_1010, %add3A_1030, %add3A_1050, %add3A_1070, %add3A_1090, %add3A_1110, %add3A_1130, %add3A_1150, %add3A_1170, %add3A_1190, %add3A_1210 : vector<16xf32>, vector<16xf32>, vector<16xf32>, vector<16xf32>, vector<16xf32>, vector<16xf32>, vector<16xf32>, vector<16xf32>, vector<16xf32>, vector<16xf32>, vector<16xf32>, vector<16xf32>, vector<16xf32>, vector<16xf32>, vector<16xf32>, vector<16xf32>
      }
      %scan3A_591 = arith.constant 128 : i32
      %get3A_592 = arith.constant 0 : index
      %get3A_593 = tpu.vector_load %arg11[%get3A_592] {strides = array<i32>} : memref<256xf32, #tpu.memory_space<vmem>>, vector<16xf32>,
      %get3A_594 = vector.shape_cast %get3A_593 : vector<16xf32> to vector<16xf32>
      %lt3A_595 = arith.cmpf olt, %scan3A_590#0, %get3A_594 : vector<16xf32>
      %select_n3A_596 = arith.select %lt3A_595, %scan3A_590#0, %get3A_594 : vector<16xi1>, vector<16xf32>
      %swap3A_597 = arith.constant 0 : index
      %swap3A_598 = tpu.vector_load %arg11[%swap3A_597] {strides = array<i32>} : memref<256xf32, #tpu.memory_space<vmem>>, vector<16xf32>,
      %swap3A_599 = vector.shape_cast %swap3A_598 : vector<16xf32> to vector<16xf32>
      %swap3A_600 = vector.shape_cast %select_n3A_596 : vector<16xf32> to vector<16xf32>
      tpu.vector_store %arg11[%swap3A_597], %swap3A_600 {strides = array<i32>} : memref<256xf32, #tpu.memory_space<vmem>>, vector<16xf32>,
      %get3A_601 = arith.constant 0 : index
      %get3A_602 = tpu.vector_load %arg12[%get3A_601] {strides = array<i32>} : memref<256xi32, #tpu.memory_space<vmem>>, vector<16xi32>,
      %get3A_603 = vector.shape_cast %get3A_602 : vector<16xi32> to vector<16xi32>
      %select_n3A_604 = arith.select %lt3A_595, %add3A_583, %get3A_603 : vector<16xi1>, vector<16xi32>
      %swap3A_605 = arith.constant 0 : index
      %swap3A_606 = tpu.vector_load %arg12[%swap3A_605] {strides = array<i32>} : memref<256xi32, #tpu.memory_space<vmem>>, vector<16xi32>,
      %swap3A_607 = vector.shape_cast %swap3A_606 : vector<16xi32> to vector<16xi32>
      %swap3A_608 = vector.shape_cast %select_n3A_604 : vector<16xi32> to vector<16xi32>
      tpu.vector_store %arg12[%swap3A_605], %swap3A_608 {strides = array<i32>} : memref<256xi32, #tpu.memory_space<vmem>>, vector<16xi32>,
      %get3A_609 = arith.constant 16 : index
      %get3A_610 = tpu.vector_load %arg11[%get3A_609] {strides = array<i32>} : memref<256xf32, #tpu.memory_space<vmem>>, vector<16xf32>,
      %get3A_611 = vector.shape_cast %get3A_610 : vector<16xf32> to vector<16xf32>
      %lt3A_612 = arith.cmpf olt, %scan3A_590#1, %get3A_611 : vector<16xf32>
      %select_n3A_613 = arith.select %lt3A_612, %scan3A_590#1, %get3A_611 : vector<16xi1>, vector<16xf32>
      %swap3A_614 = arith.constant 16 : index
      %swap3A_615 = tpu.vector_load %arg11[%swap3A_614] {strides = array<i32>} : memref<256xf32, #tpu.memory_space<vmem>>, vector<16xf32>,
      %swap3A_616 = vector.shape_cast %swap3A_615 : vector<16xf32> to vector<16xf32>
      %swap3A_617 = vector.shape_cast %select_n3A_613 : vector<16xf32> to vector<16xf32>
      tpu.vector_store %arg11[%swap3A_614], %swap3A_617 {strides = array<i32>} : memref<256xf32, #tpu.memory_space<vmem>>, vector<16xf32>,
      %get3A_618 = arith.constant 16 : index
      %get3A_619 = tpu.vector_load %arg12[%get3A_618] {strides = array<i32>} : memref<256xi32, #tpu.memory_space<vmem>>, vector<16xi32>,
      %get3A_620 = vector.shape_cast %get3A_619 : vector<16xi32> to vector<16xi32>
      %select_n3A_621 = arith.select %lt3A_612, %add3A_583, %get3A_620 : vector<16xi1>, vector<16xi32>
      %swap3A_622 = arith.constant 16 : index
      %swap3A_623 = tpu.vector_load %arg12[%swap3A_622] {strides = array<i32>} : memref<256xi32, #tpu.memory_space<vmem>>, vector<16xi32>,
      %swap3A_624 = vector.shape_cast %swap3A_623 : vector<16xi32> to vector<16xi32>
      %swap3A_625 = vector.shape_cast %select_n3A_621 : vector<16xi32> to vector<16xi32>
      tpu.vector_store %arg12[%swap3A_622], %swap3A_625 {strides = array<i32>} : memref<256xi32, #tpu.memory_space<vmem>>, vector<16xi32>,
      %get3A_626 = arith.constant 32 : index
      %get3A_627 = tpu.vector_load %arg11[%get3A_626] {strides = array<i32>} : memref<256xf32, #tpu.memory_space<vmem>>, vector<16xf32>,
      %get3A_628 = vector.shape_cast %get3A_627 : vector<16xf32> to vector<16xf32>
      %lt3A_629 = arith.cmpf olt, %scan3A_590#2, %get3A_628 : vector<16xf32>
      %select_n3A_630 = arith.select %lt3A_629, %scan3A_590#2, %get3A_628 : vector<16xi1>, vector<16xf32>
      %swap3A_631 = arith.constant 32 : index
      %swap3A_632 = tpu.vector_load %arg11[%swap3A_631] {strides = array<i32>} : memref<256xf32, #tpu.memory_space<vmem>>, vector<16xf32>,
      %swap3A_633 = vector.shape_cast %swap3A_632 : vector<16xf32> to vector<16xf32>
      %swap3A_634 = vector.shape_cast %select_n3A_630 : vector<16xf32> to vector<16xf32>
      tpu.vector_store %arg11[%swap3A_631], %swap3A_634 {strides = array<i32>} : memref<256xf32, #tpu.memory_space<vmem>>, vector<16xf32>,
      %get3A_635 = arith.constant 32 : index
      %get3A_636 = tpu.vector_load %arg12[%get3A_635] {strides = array<i32>} : memref<256xi32, #tpu.memory_space<vmem>>, vector<16xi32>,
      %get3A_637 = vector.shape_cast %get3A_636 : vector<16xi32> to vector<16xi32>
      %select_n3A_638 = arith.select %lt3A_629, %add3A_583, %get3A_637 : vector<16xi1>, vector<16xi32>
      %swap3A_639 = arith.constant 32 : index
      %swap3A_640 = tpu.vector_load %arg12[%swap3A_639] {strides = array<i32>} : memref<256xi32, #tpu.memory_space<vmem>>, vector<16xi32>,
      %swap3A_641 = vector.shape_cast %swap3A_640 : vector<16xi32> to vector<16xi32>
      %swap3A_642 = vector.shape_cast %select_n3A_638 : vector<16xi32> to vector<16xi32>
      tpu.vector_store %arg12[%swap3A_639], %swap3A_642 {strides = array<i32>} : memref<256xi32, #tpu.memory_space<vmem>>, vector<16xi32>,
      %get3A_643 = arith.constant 48 : index
      %get3A_644 = tpu.vector_load %arg11[%get3A_643] {strides = array<i32>} : memref<256xf32, #tpu.memory_space<vmem>>, vector<16xf32>,
      %get3A_645 = vector.shape_cast %get3A_644 : vector<16xf32> to vector<16xf32>
      %lt3A_646 = arith.cmpf olt, %scan3A_590#3, %get3A_645 : vector<16xf32>
      %select_n3A_647 = arith.select %lt3A_646, %scan3A_590#3, %get3A_645 : vector<16xi1>, vector<16xf32>
      %swap3A_648 = arith.constant 48 : index
      %swap3A_649 = tpu.vector_load %arg11[%swap3A_648] {strides = array<i32>} : memref<256xf32, #tpu.memory_space<vmem>>, vector<16xf32>,
      %swap3A_650 = vector.shape_cast %swap3A_649 : vector<16xf32> to vector<16xf32>
      %swap3A_651 = vector.shape_cast %select_n3A_647 : vector<16xf32> to vector<16xf32>
      tpu.vector_store %arg11[%swap3A_648], %swap3A_651 {strides = array<i32>} : memref<256xf32, #tpu.memory_space<vmem>>, vector<16xf32>,
      %get3A_652 = arith.constant 48 : index
      %get3A_653 = tpu.vector_load %arg12[%get3A_652] {strides = array<i32>} : memref<256xi32, #tpu.memory_space<vmem>>, vector<16xi32>,
      %get3A_654 = vector.shape_cast %get3A_653 : vector<16xi32> to vector<16xi32>
      %select_n3A_655 = arith.select %lt3A_646, %add3A_583, %get3A_654 : vector<16xi1>, vector<16xi32>
      %swap3A_656 = arith.constant 48 : index
      %swap3A_657 = tpu.vector_load %arg12[%swap3A_656] {strides = array<i32>} : memref<256xi32, #tpu.memory_space<vmem>>, vector<16xi32>,
      %swap3A_658 = vector.shape_cast %swap3A_657 : vector<16xi32> to vector<16xi32>
      %swap3A_659 = vector.shape_cast %select_n3A_655 : vector<16xi32> to vector<16xi32>
      tpu.vector_store %arg12[%swap3A_656], %swap3A_659 {strides = array<i32>} : memref<256xi32, #tpu.memory_space<vmem>>, vector<16xi32>,
      %get3A_660 = arith.constant 64 : index
      %get3A_661 = tpu.vector_load %arg11[%get3A_660] {strides = array<i32>} : memref<256xf32, #tpu.memory_space<vmem>>, vector<16xf32>,
      %get3A_662 = vector.shape_cast %get3A_661 : vector<16xf32> to vector<16xf32>
      %lt3A_663 = arith.cmpf olt, %scan3A_590#4, %get3A_662 : vector<16xf32>
      %select_n3A_664 = arith.select %lt3A_663, %scan3A_590#4, %get3A_662 : vector<16xi1>, vector<16xf32>
      %swap3A_665 = arith.constant 64 : index
      %swap3A_666 = tpu.vector_load %arg11[%swap3A_665] {strides = array<i32>} : memref<256xf32, #tpu.memory_space<vmem>>, vector<16xf32>,
      %swap3A_667 = vector.shape_cast %swap3A_666 : vector<16xf32> to vector<16xf32>
      %swap3A_668 = vector.shape_cast %select_n3A_664 : vector<16xf32> to vector<16xf32>
      tpu.vector_store %arg11[%swap3A_665], %swap3A_668 {strides = array<i32>} : memref<256xf32, #tpu.memory_space<vmem>>, vector<16xf32>,
      %get3A_669 = arith.constant 64 : index
      %get3A_670 = tpu.vector_load %arg12[%get3A_669] {strides = array<i32>} : memref<256xi32, #tpu.memory_space<vmem>>, vector<16xi32>,
      %get3A_671 = vector.shape_cast %get3A_670 : vector<16xi32> to vector<16xi32>
      %select_n3A_672 = arith.select %lt3A_663, %add3A_583, %get3A_671 : vector<16xi1>, vector<16xi32>
      %swap3A_673 = arith.constant 64 : index
      %swap3A_674 = tpu.vector_load %arg12[%swap3A_673] {strides = array<i32>} : memref<256xi32, #tpu.memory_space<vmem>>, vector<16xi32>,
      %swap3A_675 = vector.shape_cast %swap3A_674 : vector<16xi32> to vector<16xi32>
      %swap3A_676 = vector.shape_cast %select_n3A_672 : vector<16xi32> to vector<16xi32>
      tpu.vector_store %arg12[%swap3A_673], %swap3A_676 {strides = array<i32>} : memref<256xi32, #tpu.memory_space<vmem>>, vector<16xi32>,
      %get3A_677 = arith.constant 80 : index
      %get3A_678 = tpu.vector_load %arg11[%get3A_677] {strides = array<i32>} : memref<256xf32, #tpu.memory_space<vmem>>, vector<16xf32>,
      %get3A_679 = vector.shape_cast %get3A_678 : vector<16xf32> to vector<16xf32>
      %lt3A_680 = arith.cmpf olt, %scan3A_590#5, %get3A_679 : vector<16xf32>
      %select_n3A_681 = arith.select %lt3A_680, %scan3A_590#5, %get3A_679 : vector<16xi1>, vector<16xf32>
      %swap3A_682 = arith.constant 80 : index
      %swap3A_683 = tpu.vector_load %arg11[%swap3A_682] {strides = array<i32>} : memref<256xf32, #tpu.memory_space<vmem>>, vector<16xf32>,
      %swap3A_684 = vector.shape_cast %swap3A_683 : vector<16xf32> to vector<16xf32>
      %swap3A_685 = vector.shape_cast %select_n3A_681 : vector<16xf32> to vector<16xf32>
      tpu.vector_store %arg11[%swap3A_682], %swap3A_685 {strides = array<i32>} : memref<256xf32, #tpu.memory_space<vmem>>, vector<16xf32>,
      %get3A_686 = arith.constant 80 : index
      %get3A_687 = tpu.vector_load %arg12[%get3A_686] {strides = array<i32>} : memref<256xi32, #tpu.memory_space<vmem>>, vector<16xi32>,
      %get3A_688 = vector.shape_cast %get3A_687 : vector<16xi32> to vector<16xi32>
      %select_n3A_689 = arith.select %lt3A_680, %add3A_583, %get3A_688 : vector<16xi1>, vector<16xi32>
      %swap3A_690 = arith.constant 80 : index
      %swap3A_691 = tpu.vector_load %arg12[%swap3A_690] {strides = array<i32>} : memref<256xi32, #tpu.memory_space<vmem>>, vector<16xi32>,
      %swap3A_692 = vector.shape_cast %swap3A_691 : vector<16xi32> to vector<16xi32>
      %swap3A_693 = vector.shape_cast %select_n3A_689 : vector<16xi32> to vector<16xi32>
      tpu.vector_store %arg12[%swap3A_690], %swap3A_693 {strides = array<i32>} : memref<256xi32, #tpu.memory_space<vmem>>, vector<16xi32>,
      %get3A_694 = arith.constant 96 : index
      %get3A_695 = tpu.vector_load %arg11[%get3A_694] {strides = array<i32>} : memref<256xf32, #tpu.memory_space<vmem>>, vector<16xf32>,
      %get3A_696 = vector.shape_cast %get3A_695 : vector<16xf32> to vector<16xf32>
      %lt3A_697 = arith.cmpf olt, %scan3A_590#6, %get3A_696 : vector<16xf32>
      %select_n3A_698 = arith.select %lt3A_697, %scan3A_590#6, %get3A_696 : vector<16xi1>, vector<16xf32>
      %swap3A_699 = arith.constant 96 : index
      %swap3A_700 = tpu.vector_load %arg11[%swap3A_699] {strides = array<i32>} : memref<256xf32, #tpu.memory_space<vmem>>, vector<16xf32>,
      %swap3A_701 = vector.shape_cast %swap3A_700 : vector<16xf32> to vector<16xf32>
      %swap3A_702 = vector.shape_cast %select_n3A_698 : vector<16xf32> to vector<16xf32>
      tpu.vector_store %arg11[%swap3A_699], %swap3A_702 {strides = array<i32>} : memref<256xf32, #tpu.memory_space<vmem>>, vector<16xf32>,
      %get3A_703 = arith.constant 96 : index
      %get3A_704 = tpu.vector_load %arg12[%get3A_703] {strides = array<i32>} : memref<256xi32, #tpu.memory_space<vmem>>, vector<16xi32>,
      %get3A_705 = vector.shape_cast %get3A_704 : vector<16xi32> to vector<16xi32>
      %select_n3A_706 = arith.select %lt3A_697, %add3A_583, %get3A_705 : vector<16xi1>, vector<16xi32>
      %swap3A_707 = arith.constant 96 : index
      %swap3A_708 = tpu.vector_load %arg12[%swap3A_707] {strides = array<i32>} : memref<256xi32, #tpu.memory_space<vmem>>, vector<16xi32>,
      %swap3A_709 = vector.shape_cast %swap3A_708 : vector<16xi32> to vector<16xi32>
      %swap3A_710 = vector.shape_cast %select_n3A_706 : vector<16xi32> to vector<16xi32>
      tpu.vector_store %arg12[%swap3A_707], %swap3A_710 {strides = array<i32>} : memref<256xi32, #tpu.memory_space<vmem>>, vector<16xi32>,
      %get3A_711 = arith.constant 112 : index
      %get3A_712 = tpu.vector_load %arg11[%get3A_711] {strides = array<i32>} : memref<256xf32, #tpu.memory_space<vmem>>, vector<16xf32>,
      %get3A_713 = vector.shape_cast %get3A_712 : vector<16xf32> to vector<16xf32>
      %lt3A_714 = arith.cmpf olt, %scan3A_590#7, %get3A_713 : vector<16xf32>
      %select_n3A_715 = arith.select %lt3A_714, %scan3A_590#7, %get3A_713 : vector<16xi1>, vector<16xf32>
      %swap3A_716 = arith.constant 112 : index
      %swap3A_717 = tpu.vector_load %arg11[%swap3A_716] {strides = array<i32>} : memref<256xf32, #tpu.memory_space<vmem>>, vector<16xf32>,
      %swap3A_718 = vector.shape_cast %swap3A_717 : vector<16xf32> to vector<16xf32>
      %swap3A_719 = vector.shape_cast %select_n3A_715 : vector<16xf32> to vector<16xf32>
      tpu.vector_store %arg11[%swap3A_716], %swap3A_719 {strides = array<i32>} : memref<256xf32, #tpu.memory_space<vmem>>, vector<16xf32>,
      %get3A_720 = arith.constant 112 : index
      %get3A_721 = tpu.vector_load %arg12[%get3A_720] {strides = array<i32>} : memref<256xi32, #tpu.memory_space<vmem>>, vector<16xi32>,
      %get3A_722 = vector.shape_cast %get3A_721 : vector<16xi32> to vector<16xi32>
      %select_n3A_723 = arith.select %lt3A_714, %add3A_583, %get3A_722 : vector<16xi1>, vector<16xi32>
      %swap3A_724 = arith.constant 112 : index
      %swap3A_725 = tpu.vector_load %arg12[%swap3A_724] {strides = array<i32>} : memref<256xi32, #tpu.memory_space<vmem>>, vector<16xi32>,
      %swap3A_726 = vector.shape_cast %swap3A_725 : vector<16xi32> to vector<16xi32>
      %swap3A_727 = vector.shape_cast %select_n3A_723 : vector<16xi32> to vector<16xi32>
      tpu.vector_store %arg12[%swap3A_724], %swap3A_727 {strides = array<i32>} : memref<256xi32, #tpu.memory_space<vmem>>, vector<16xi32>,
      %get3A_728 = arith.constant 128 : index
      %get3A_729 = tpu.vector_load %arg11[%get3A_728] {strides = array<i32>} : memref<256xf32, #tpu.memory_space<vmem>>, vector<16xf32>,
      %get3A_730 = vector.shape_cast %get3A_729 : vector<16xf32> to vector<16xf32>
      %lt3A_731 = arith.cmpf olt, %scan3A_590#8, %get3A_730 : vector<16xf32>
      %select_n3A_732 = arith.select %lt3A_731, %scan3A_590#8, %get3A_730 : vector<16xi1>, vector<16xf32>
      %swap3A_733 = arith.constant 128 : index
      %swap3A_734 = tpu.vector_load %arg11[%swap3A_733] {strides = array<i32>} : memref<256xf32, #tpu.memory_space<vmem>>, vector<16xf32>,
      %swap3A_735 = vector.shape_cast %swap3A_734 : vector<16xf32> to vector<16xf32>
      %swap3A_736 = vector.shape_cast %select_n3A_732 : vector<16xf32> to vector<16xf32>
      tpu.vector_store %arg11[%swap3A_733], %swap3A_736 {strides = array<i32>} : memref<256xf32, #tpu.memory_space<vmem>>, vector<16xf32>,
      %get3A_737 = arith.constant 128 : index
      %get3A_738 = tpu.vector_load %arg12[%get3A_737] {strides = array<i32>} : memref<256xi32, #tpu.memory_space<vmem>>, vector<16xi32>,
      %get3A_739 = vector.shape_cast %get3A_738 : vector<16xi32> to vector<16xi32>
      %select_n3A_740 = arith.select %lt3A_731, %add3A_583, %get3A_739 : vector<16xi1>, vector<16xi32>
      %swap3A_741 = arith.constant 128 : index
      %swap3A_742 = tpu.vector_load %arg12[%swap3A_741] {strides = array<i32>} : memref<256xi32, #tpu.memory_space<vmem>>, vector<16xi32>,
      %swap3A_743 = vector.shape_cast %swap3A_742 : vector<16xi32> to vector<16xi32>
      %swap3A_744 = vector.shape_cast %select_n3A_740 : vector<16xi32> to vector<16xi32>
      tpu.vector_store %arg12[%swap3A_741], %swap3A_744 {strides = array<i32>} : memref<256xi32, #tpu.memory_space<vmem>>, vector<16xi32>,
      %get3A_745 = arith.constant 144 : index
      %get3A_746 = tpu.vector_load %arg11[%get3A_745] {strides = array<i32>} : memref<256xf32, #tpu.memory_space<vmem>>, vector<16xf32>,
      %get3A_747 = vector.shape_cast %get3A_746 : vector<16xf32> to vector<16xf32>
      %lt3A_748 = arith.cmpf olt, %scan3A_590#9, %get3A_747 : vector<16xf32>
      %select_n3A_749 = arith.select %lt3A_748, %scan3A_590#9, %get3A_747 : vector<16xi1>, vector<16xf32>
      %swap3A_750 = arith.constant 144 : index
      %swap3A_751 = tpu.vector_load %arg11[%swap3A_750] {strides = array<i32>} : memref<256xf32, #tpu.memory_space<vmem>>, vector<16xf32>,
      %swap3A_752 = vector.shape_cast %swap3A_751 : vector<16xf32> to vector<16xf32>
      %swap3A_753 = vector.shape_cast %select_n3A_749 : vector<16xf32> to vector<16xf32>
      tpu.vector_store %arg11[%swap3A_750], %swap3A_753 {strides = array<i32>} : memref<256xf32, #tpu.memory_space<vmem>>, vector<16xf32>,
      %get3A_754 = arith.constant 144 : index
      %get3A_755 = tpu.vector_load %arg12[%get3A_754] {strides = array<i32>} : memref<256xi32, #tpu.memory_space<vmem>>, vector<16xi32>,
      %get3A_756 = vector.shape_cast %get3A_755 : vector<16xi32> to vector<16xi32>
      %select_n3A_757 = arith.select %lt3A_748, %add3A_583, %get3A_756 : vector<16xi1>, vector<16xi32>
      %swap3A_758 = arith.constant 144 : index
      %swap3A_759 = tpu.vector_load %arg12[%swap3A_758] {strides = array<i32>} : memref<256xi32, #tpu.memory_space<vmem>>, vector<16xi32>,
      %swap3A_760 = vector.shape_cast %swap3A_759 : vector<16xi32> to vector<16xi32>
      %swap3A_761 = vector.shape_cast %select_n3A_757 : vector<16xi32> to vector<16xi32>
      tpu.vector_store %arg12[%swap3A_758], %swap3A_761 {strides = array<i32>} : memref<256xi32, #tpu.memory_space<vmem>>, vector<16xi32>,
      %get3A_762 = arith.constant 160 : index
      %get3A_763 = tpu.vector_load %arg11[%get3A_762] {strides = array<i32>} : memref<256xf32, #tpu.memory_space<vmem>>, vector<16xf32>,
      %get3A_764 = vector.shape_cast %get3A_763 : vector<16xf32> to vector<16xf32>
      %lt3A_765 = arith.cmpf olt, %scan3A_590#10, %get3A_764 : vector<16xf32>
      %select_n3A_766 = arith.select %lt3A_765, %scan3A_590#10, %get3A_764 : vector<16xi1>, vector<16xf32>
      %swap3A_767 = arith.constant 160 : index
      %swap3A_768 = tpu.vector_load %arg11[%swap3A_767] {strides = array<i32>} : memref<256xf32, #tpu.memory_space<vmem>>, vector<16xf32>,
      %swap3A_769 = vector.shape_cast %swap3A_768 : vector<16xf32> to vector<16xf32>
      %swap3A_770 = vector.shape_cast %select_n3A_766 : vector<16xf32> to vector<16xf32>
      tpu.vector_store %arg11[%swap3A_767], %swap3A_770 {strides = array<i32>} : memref<256xf32, #tpu.memory_space<vmem>>, vector<16xf32>,
      %get3A_771 = arith.constant 160 : index
      %get3A_772 = tpu.vector_load %arg12[%get3A_771] {strides = array<i32>} : memref<256xi32, #tpu.memory_space<vmem>>, vector<16xi32>,
      %get3A_773 = vector.shape_cast %get3A_772 : vector<16xi32> to vector<16xi32>
      %select_n3A_774 = arith.select %lt3A_765, %add3A_583, %get3A_773 : vector<16xi1>, vector<16xi32>
      %swap3A_775 = arith.constant 160 : index
      %swap3A_776 = tpu.vector_load %arg12[%swap3A_775] {strides = array<i32>} : memref<256xi32, #tpu.memory_space<vmem>>, vector<16xi32>,
      %swap3A_777 = vector.shape_cast %swap3A_776 : vector<16xi32> to vector<16xi32>
      %swap3A_778 = vector.shape_cast %select_n3A_774 : vector<16xi32> to vector<16xi32>
      tpu.vector_store %arg12[%swap3A_775], %swap3A_778 {strides = array<i32>} : memref<256xi32, #tpu.memory_space<vmem>>, vector<16xi32>,
      %get3A_779 = arith.constant 176 : index
      %get3A_780 = tpu.vector_load %arg11[%get3A_779] {strides = array<i32>} : memref<256xf32, #tpu.memory_space<vmem>>, vector<16xf32>,
      %get3A_781 = vector.shape_cast %get3A_780 : vector<16xf32> to vector<16xf32>
      %lt3A_782 = arith.cmpf olt, %scan3A_590#11, %get3A_781 : vector<16xf32>
      %select_n3A_783 = arith.select %lt3A_782, %scan3A_590#11, %get3A_781 : vector<16xi1>, vector<16xf32>
      %swap3A_784 = arith.constant 176 : index
      %swap3A_785 = tpu.vector_load %arg11[%swap3A_784] {strides = array<i32>} : memref<256xf32, #tpu.memory_space<vmem>>, vector<16xf32>,
      %swap3A_786 = vector.shape_cast %swap3A_785 : vector<16xf32> to vector<16xf32>
      %swap3A_787 = vector.shape_cast %select_n3A_783 : vector<16xf32> to vector<16xf32>
      tpu.vector_store %arg11[%swap3A_784], %swap3A_787 {strides = array<i32>} : memref<256xf32, #tpu.memory_space<vmem>>, vector<16xf32>,
      %get3A_788 = arith.constant 176 : index
      %get3A_789 = tpu.vector_load %arg12[%get3A_788] {strides = array<i32>} : memref<256xi32, #tpu.memory_space<vmem>>, vector<16xi32>,
      %get3A_790 = vector.shape_cast %get3A_789 : vector<16xi32> to vector<16xi32>
      %select_n3A_791 = arith.select %lt3A_782, %add3A_583, %get3A_790 : vector<16xi1>, vector<16xi32>
      %swap3A_792 = arith.constant 176 : index
      %swap3A_793 = tpu.vector_load %arg12[%swap3A_792] {strides = array<i32>} : memref<256xi32, #tpu.memory_space<vmem>>, vector<16xi32>,
      %swap3A_794 = vector.shape_cast %swap3A_793 : vector<16xi32> to vector<16xi32>
      %swap3A_795 = vector.shape_cast %select_n3A_791 : vector<16xi32> to vector<16xi32>
      tpu.vector_store %arg12[%swap3A_792], %swap3A_795 {strides = array<i32>} : memref<256xi32, #tpu.memory_space<vmem>>, vector<16xi32>,
      %get3A_796 = arith.constant 192 : index
      %get3A_797 = tpu.vector_load %arg11[%get3A_796] {strides = array<i32>} : memref<256xf32, #tpu.memory_space<vmem>>, vector<16xf32>,
      %get3A_798 = vector.shape_cast %get3A_797 : vector<16xf32> to vector<16xf32>
      %lt3A_799 = arith.cmpf olt, %scan3A_590#12, %get3A_798 : vector<16xf32>
      %select_n3A_800 = arith.select %lt3A_799, %scan3A_590#12, %get3A_798 : vector<16xi1>, vector<16xf32>
      %swap3A_801 = arith.constant 192 : index
      %swap3A_802 = tpu.vector_load %arg11[%swap3A_801] {strides = array<i32>} : memref<256xf32, #tpu.memory_space<vmem>>, vector<16xf32>,
      %swap3A_803 = vector.shape_cast %swap3A_802 : vector<16xf32> to vector<16xf32>
      %swap3A_804 = vector.shape_cast %select_n3A_800 : vector<16xf32> to vector<16xf32>
      tpu.vector_store %arg11[%swap3A_801], %swap3A_804 {strides = array<i32>} : memref<256xf32, #tpu.memory_space<vmem>>, vector<16xf32>,
      %get3A_805 = arith.constant 192 : index
      %get3A_806 = tpu.vector_load %arg12[%get3A_805] {strides = array<i32>} : memref<256xi32, #tpu.memory_space<vmem>>, vector<16xi32>,
      %get3A_807 = vector.shape_cast %get3A_806 : vector<16xi32> to vector<16xi32>
      %select_n3A_808 = arith.select %lt3A_799, %add3A_583, %get3A_807 : vector<16xi1>, vector<16xi32>
      %swap3A_809 = arith.constant 192 : index
      %swap3A_810 = tpu.vector_load %arg12[%swap3A_809] {strides = array<i32>} : memref<256xi32, #tpu.memory_space<vmem>>, vector<16xi32>,
      %swap3A_811 = vector.shape_cast %swap3A_810 : vector<16xi32> to vector<16xi32>
      %swap3A_812 = vector.shape_cast %select_n3A_808 : vector<16xi32> to vector<16xi32>
      tpu.vector_store %arg12[%swap3A_809], %swap3A_812 {strides = array<i32>} : memref<256xi32, #tpu.memory_space<vmem>>, vector<16xi32>,
      %get3A_813 = arith.constant 208 : index
      %get3A_814 = tpu.vector_load %arg11[%get3A_813] {strides = array<i32>} : memref<256xf32, #tpu.memory_space<vmem>>, vector<16xf32>,
      %get3A_815 = vector.shape_cast %get3A_814 : vector<16xf32> to vector<16xf32>
      %lt3A_816 = arith.cmpf olt, %scan3A_590#13, %get3A_815 : vector<16xf32>
      %select_n3A_817 = arith.select %lt3A_816, %scan3A_590#13, %get3A_815 : vector<16xi1>, vector<16xf32>
      %swap3A_818 = arith.constant 208 : index
      %swap3A_819 = tpu.vector_load %arg11[%swap3A_818] {strides = array<i32>} : memref<256xf32, #tpu.memory_space<vmem>>, vector<16xf32>,
      %swap3A_820 = vector.shape_cast %swap3A_819 : vector<16xf32> to vector<16xf32>
      %swap3A_821 = vector.shape_cast %select_n3A_817 : vector<16xf32> to vector<16xf32>
      tpu.vector_store %arg11[%swap3A_818], %swap3A_821 {strides = array<i32>} : memref<256xf32, #tpu.memory_space<vmem>>, vector<16xf32>,
      %get3A_822 = arith.constant 208 : index
      %get3A_823 = tpu.vector_load %arg12[%get3A_822] {strides = array<i32>} : memref<256xi32, #tpu.memory_space<vmem>>, vector<16xi32>,
      %get3A_824 = vector.shape_cast %get3A_823 : vector<16xi32> to vector<16xi32>
      %select_n3A_825 = arith.select %lt3A_816, %add3A_583, %get3A_824 : vector<16xi1>, vector<16xi32>
      %swap3A_826 = arith.constant 208 : index
      %swap3A_827 = tpu.vector_load %arg12[%swap3A_826] {strides = array<i32>} : memref<256xi32, #tpu.memory_space<vmem>>, vector<16xi32>,
      %swap3A_828 = vector.shape_cast %swap3A_827 : vector<16xi32> to vector<16xi32>
      %swap3A_829 = vector.shape_cast %select_n3A_825 : vector<16xi32> to vector<16xi32>
      tpu.vector_store %arg12[%swap3A_826], %swap3A_829 {strides = array<i32>} : memref<256xi32, #tpu.memory_space<vmem>>, vector<16xi32>,
      %get3A_830 = arith.constant 224 : index
      %get3A_831 = tpu.vector_load %arg11[%get3A_830] {strides = array<i32>} : memref<256xf32, #tpu.memory_space<vmem>>, vector<16xf32>,
      %get3A_832 = vector.shape_cast %get3A_831 : vector<16xf32> to vector<16xf32>
      %lt3A_833 = arith.cmpf olt, %scan3A_590#14, %get3A_832 : vector<16xf32>
      %select_n3A_834 = arith.select %lt3A_833, %scan3A_590#14, %get3A_832 : vector<16xi1>, vector<16xf32>
      %swap3A_835 = arith.constant 224 : index
      %swap3A_836 = tpu.vector_load %arg11[%swap3A_835] {strides = array<i32>} : memref<256xf32, #tpu.memory_space<vmem>>, vector<16xf32>,
      %swap3A_837 = vector.shape_cast %swap3A_836 : vector<16xf32> to vector<16xf32>
      %swap3A_838 = vector.shape_cast %select_n3A_834 : vector<16xf32> to vector<16xf32>
      tpu.vector_store %arg11[%swap3A_835], %swap3A_838 {strides = array<i32>} : memref<256xf32, #tpu.memory_space<vmem>>, vector<16xf32>,
      %get3A_839 = arith.constant 224 : index
      %get3A_840 = tpu.vector_load %arg12[%get3A_839] {strides = array<i32>} : memref<256xi32, #tpu.memory_space<vmem>>, vector<16xi32>,
      %get3A_841 = vector.shape_cast %get3A_840 : vector<16xi32> to vector<16xi32>
      %select_n3A_842 = arith.select %lt3A_833, %add3A_583, %get3A_841 : vector<16xi1>, vector<16xi32>
      %swap3A_843 = arith.constant 224 : index
      %swap3A_844 = tpu.vector_load %arg12[%swap3A_843] {strides = array<i32>} : memref<256xi32, #tpu.memory_space<vmem>>, vector<16xi32>,
      %swap3A_845 = vector.shape_cast %swap3A_844 : vector<16xi32> to vector<16xi32>
      %swap3A_846 = vector.shape_cast %select_n3A_842 : vector<16xi32> to vector<16xi32>
      tpu.vector_store %arg12[%swap3A_843], %swap3A_846 {strides = array<i32>} : memref<256xi32, #tpu.memory_space<vmem>>, vector<16xi32>,
      %get3A_847 = arith.constant 240 : index
      %get3A_848 = tpu.vector_load %arg11[%get3A_847] {strides = array<i32>} : memref<256xf32, #tpu.memory_space<vmem>>, vector<16xf32>,
      %get3A_849 = vector.shape_cast %get3A_848 : vector<16xf32> to vector<16xf32>
      %lt3A_850 = arith.cmpf olt, %scan3A_590#15, %get3A_849 : vector<16xf32>
      %select_n3A_851 = arith.select %lt3A_850, %scan3A_590#15, %get3A_849 : vector<16xi1>, vector<16xf32>
      %swap3A_852 = arith.constant 240 : index
      %swap3A_853 = tpu.vector_load %arg11[%swap3A_852] {strides = array<i32>} : memref<256xf32, #tpu.memory_space<vmem>>, vector<16xf32>,
      %swap3A_854 = vector.shape_cast %swap3A_853 : vector<16xf32> to vector<16xf32>
      %swap3A_855 = vector.shape_cast %select_n3A_851 : vector<16xf32> to vector<16xf32>
      tpu.vector_store %arg11[%swap3A_852], %swap3A_855 {strides = array<i32>} : memref<256xf32, #tpu.memory_space<vmem>>, vector<16xf32>,
      %get3A_856 = arith.constant 240 : index
      %get3A_857 = tpu.vector_load %arg12[%get3A_856] {strides = array<i32>} : memref<256xi32, #tpu.memory_space<vmem>>, vector<16xi32>,
      %get3A_858 = vector.shape_cast %get3A_857 : vector<16xi32> to vector<16xi32>
      %select_n3A_859 = arith.select %lt3A_850, %add3A_583, %get3A_858 : vector<16xi1>, vector<16xi32>
      %swap3A_860 = arith.constant 240 : index
      %swap3A_861 = tpu.vector_load %arg12[%swap3A_860] {strides = array<i32>} : memref<256xi32, #tpu.memory_space<vmem>>, vector<16xi32>,
      %swap3A_862 = vector.shape_cast %swap3A_861 : vector<16xi32> to vector<16xi32>
      %swap3A_863 = vector.shape_cast %select_n3A_859 : vector<16xi32> to vector<16xi32>
      tpu.vector_store %arg12[%swap3A_860], %swap3A_863 {strides = array<i32>} : memref<256xi32, #tpu.memory_space<vmem>>, vector<16xi32>,
      %add3A_864 = arith.constant 2 : i32
      %add3A_865 = arith.addi %add3A_567, %add3A_864 : i32
      %lt3A_866 = arith.constant 92 : i32
      %lt3A_867 = arith.cmpi slt, %add3A_865, %lt3A_866 : i32
      %convert_element_type3A_868 = arith.extui %lt3A_867 : i1 to i32
      %cond3A_869 = arith.constant 0 : i32
      %cond3A_870 = arith.cmpi ne, %convert_element_type3A_868, %cond3A_869 : i32
      scf.if %cond3A_870 {
        %add3A_871 = arith.constant 2 : i32
        %add3A_872 = arith.addi %add3A_567, %add3A_871 : i32
        %mul3A_873 = arith.constant 16 : i32
        %mul3A_874 = arith.muli %mul3A_873, %add3A_872 : i32
        %add3A_875 = arith.addi %mul3A_20, %mul3A_874 : i32
        %min3A_876 = arith.minsi %add3A_875, %sub3A_55 : i32
        %dma_start3A_877 = arith.constant 0 : i32
        %dma_start3A_878 = tpu.memref_slice %arg4[%dma_start3A_877, %min3A_876] : memref<128x46000xf32, #tpu.memory_space<hbm>> -> memref<128x16xf32, #tpu.memory_space<hbm>>
        %dma_start3A_879 = arith.constant 0 : i32
        %dma_start3A_880 = tpu.memref_slice %arg4[%dma_start3A_879, %min3A_876] : memref<128x46000xf32, #tpu.memory_space<hbm>> -> memref<128x16xf32, #tpu.memory_space<hbm>>
        tpu.enqueue_dma source(%dma_start3A_880 : memref<128x16xf32, #tpu.memory_space<hbm>>) target(%arg10 : memref<128x16xf32, #tpu.memory_space<vmem>>) target_semaphore(%arg14 : memref<!tpu.dma_semaphore, #tpu.memory_space<semaphore_mem>>)
      } else {
      }
    }
    %scan3A_262 = arith.constant 46 : i32
    "tpu.region"() ({
      %run_scoped3A = tpu.sem_alloc : memref<!tpu.dma_semaphore, #tpu.memory_space<semaphore_mem>>
      %dma_start3A_263 = arith.constant 0 : i32
      %dma_start3A_264 = tpu.memref_slice %arg5[%add3A, %dma_start3A_263] : memref<32x256xf32, #tpu.memory_space<hbm>> -> memref<1x256xf32, #tpu.memory_space<hbm>>
      %dma_start3A_265 = tpu.memref_squeeze %dma_start3A_264 : memref<1x256xf32, #tpu.memory_space<hbm>> -> memref<256xf32, #tpu.memory_space<hbm>>
      %dma_start3A_266 = arith.constant 0 : i32
      %dma_start3A_267 = tpu.memref_slice %arg5[%add3A, %dma_start3A_266] : memref<32x256xf32, #tpu.memory_space<hbm>> -> memref<1x256xf32, #tpu.memory_space<hbm>>
      %dma_start3A_268 = tpu.memref_squeeze %dma_start3A_267 : memref<1x256xf32, #tpu.memory_space<hbm>> -> memref<256xf32, #tpu.memory_space<hbm>>
      tpu.enqueue_dma source(%arg11 : memref<256xf32, #tpu.memory_space<vmem>>) target(%dma_start3A_268 : memref<256xf32, #tpu.memory_space<hbm>>) target_semaphore(%run_scoped3A : memref<!tpu.dma_semaphore, #tpu.memory_space<semaphore_mem>>)
      %dma_wait3A = arith.constant 0 : i32
      %dma_wait3A_269 = tpu.memref_slice %arg5[%add3A, %dma_wait3A] : memref<32x256xf32, #tpu.memory_space<hbm>> -> memref<1x256xf32, #tpu.memory_space<hbm>>
      %dma_wait3A_270 = tpu.memref_squeeze %dma_wait3A_269 : memref<1x256xf32, #tpu.memory_space<hbm>> -> memref<256xf32, #tpu.memory_space<hbm>>
      %dma_wait3A_271 = arith.constant 0 : i32
      %dma_wait3A_272 = tpu.memref_slice %arg5[%add3A, %dma_wait3A_271] : memref<32x256xf32, #tpu.memory_space<hbm>> -> memref<1x256xf32, #tpu.memory_space<hbm>>
      %dma_wait3A_273 = tpu.memref_squeeze %dma_wait3A_272 : memref<1x256xf32, #tpu.memory_space<hbm>> -> memref<256xf32, #tpu.memory_space<hbm>>
      tpu.wait_dma2 semaphore(%run_scoped3A : memref<!tpu.dma_semaphore, #tpu.memory_space<semaphore_mem>>) src(%arg11 : memref<256xf32, #tpu.memory_space<vmem>>) dst(%dma_wait3A_273 : memref<256xf32, #tpu.memory_space<hbm>>)
      tpu.yield
    }) : () -> ()
    "tpu.region"() ({
      %run_scoped3A = tpu.sem_alloc : memref<!tpu.dma_semaphore, #tpu.memory_space<semaphore_mem>>
      %dma_start3A_263 = arith.constant 0 : i32
      %dma_start3A_264 = tpu.memref_slice %arg6[%add3A, %dma_start3A_263] : memref<32x256xi32, #tpu.memory_space<hbm>> -> memref<1x256xi32, #tpu.memory_space<hbm>>
      %dma_start3A_265 = tpu.memref_squeeze %dma_start3A_264 : memref<1x256xi32, #tpu.memory_space<hbm>> -> memref<256xi32, #tpu.memory_space<hbm>>
      %dma_start3A_266 = arith.constant 0 : i32
      %dma_start3A_267 = tpu.memref_slice %arg6[%add3A, %dma_start3A_266] : memref<32x256xi32, #tpu.memory_space<hbm>> -> memref<1x256xi32, #tpu.memory_space<hbm>>
      %dma_start3A_268 = tpu.memref_squeeze %dma_start3A_267 : memref<1x256xi32, #tpu.memory_space<hbm>> -> memref<256xi32, #tpu.memory_space<hbm>>
      tpu.enqueue_dma source(%arg12 : memref<256xi32, #tpu.memory_space<vmem>>) target(%dma_start3A_268 : memref<256xi32, #tpu.memory_space<hbm>>) target_semaphore(%run_scoped3A : memref<!tpu.dma_semaphore, #tpu.memory_space<semaphore_mem>>)
      %dma_wait3A = arith.constant 0 : i32
      %dma_wait3A_269 = tpu.memref_slice %arg6[%add3A, %dma_wait3A] : memref<32x256xi32, #tpu.memory_space<hbm>> -> memref<1x256xi32, #tpu.memory_space<hbm>>
      %dma_wait3A_270 = tpu.memref_squeeze %dma_wait3A_269 : memref<1x256xi32, #tpu.memory_space<hbm>> -> memref<256xi32, #tpu.memory_space<hbm>>
      %dma_wait3A_271 = arith.constant 0 : i32
      %dma_wait3A_272 = tpu.memref_slice %arg6[%add3A, %dma_wait3A_271] : memref<32x256xi32, #tpu.memory_space<hbm>> -> memref<1x256xi32, #tpu.memory_space<hbm>>
      %dma_wait3A_273 = tpu.memref_squeeze %dma_wait3A_272 : memref<1x256xi32, #tpu.memory_space<hbm>> -> memref<256xi32, #tpu.memory_space<hbm>>
      tpu.wait_dma2 semaphore(%run_scoped3A : memref<!tpu.dma_semaphore, #tpu.memory_space<semaphore_mem>>) src(%arg12 : memref<256xi32, #tpu.memory_space<vmem>>) dst(%dma_wait3A_273 : memref<256xi32, #tpu.memory_space<hbm>>)
      tpu.yield
    }) : () -> ()
    return
  }
}

module attributes {stable_mosaic.version = 14 : i64} {
  func.func @_tc_body(%arg0: i32, %arg1: memref<16x128xf32, #tpu.memory_space<vmem>>, %arg2: memref<2000x128xf32, #tpu.memory_space<vmem>>, %arg3: memref<16xf32, #tpu.memory_space<smem>>, %arg4: memref<16xi32, #tpu.memory_space<smem>>) attributes {dimension_semantics = [#tpu.dimension_semantics<arbitrary>], iteration_bounds = array<i64: 27>, scalar_prefetch = 0 : i64, scratch_operands = 0 : i64, tpu.core_type = #tpu.core_type<tc>, window_params = [{pipeline_mode = #tpu.pipeline_mode<synchronous>, transform_indices = @transform_0, window_bounds = array<i64: 16, 128>}, {transform_indices = @transform_1, window_bounds = array<i64: 2000, 128>}, {transform_indices = @transform_2, window_bounds = array<i64: 16>}, {transform_indices = @transform_3, window_bounds = array<i64: 16>}]} {
    %eq3A = arith.constant 0 : i32
    %eq3A_0 = arith.cmpi eq, %arg0, %eq3A : i32
    %convert_element_type3A = arith.extui %eq3A_0 : i1 to i32
    %cond3A = arith.constant 0 : i32
    %cond3A_1 = arith.cmpi ne, %convert_element_type3A, %cond3A : i32
    scf.if %cond3A_1 {
      %swap3A = arith.constant 0x7F800000 : f32
      %swap3A_451 = arith.constant 0 : index
      %swap3A_452 = memref.load %arg3[%swap3A_451] : memref<16xf32, #tpu.memory_space<smem>>
      memref.store %swap3A, %arg3[%swap3A_451] : memref<16xf32, #tpu.memory_space<smem>>
      %swap3A_453 = arith.constant 0 : i32
      %swap3A_454 = arith.constant 0 : index
      %swap3A_455 = memref.load %arg4[%swap3A_454] : memref<16xi32, #tpu.memory_space<smem>>
      memref.store %swap3A_453, %arg4[%swap3A_454] : memref<16xi32, #tpu.memory_space<smem>>
      %swap3A_456 = arith.constant 0x7F800000 : f32
      %swap3A_457 = arith.constant 1 : index
      %swap3A_458 = memref.load %arg3[%swap3A_457] : memref<16xf32, #tpu.memory_space<smem>>
      memref.store %swap3A_456, %arg3[%swap3A_457] : memref<16xf32, #tpu.memory_space<smem>>
      %swap3A_459 = arith.constant 0 : i32
      %swap3A_460 = arith.constant 1 : index
      %swap3A_461 = memref.load %arg4[%swap3A_460] : memref<16xi32, #tpu.memory_space<smem>>
      memref.store %swap3A_459, %arg4[%swap3A_460] : memref<16xi32, #tpu.memory_space<smem>>
      %swap3A_462 = arith.constant 0x7F800000 : f32
      %swap3A_463 = arith.constant 2 : index
      %swap3A_464 = memref.load %arg3[%swap3A_463] : memref<16xf32, #tpu.memory_space<smem>>
      memref.store %swap3A_462, %arg3[%swap3A_463] : memref<16xf32, #tpu.memory_space<smem>>
      %swap3A_465 = arith.constant 0 : i32
      %swap3A_466 = arith.constant 2 : index
      %swap3A_467 = memref.load %arg4[%swap3A_466] : memref<16xi32, #tpu.memory_space<smem>>
      memref.store %swap3A_465, %arg4[%swap3A_466] : memref<16xi32, #tpu.memory_space<smem>>
      %swap3A_468 = arith.constant 0x7F800000 : f32
      %swap3A_469 = arith.constant 3 : index
      %swap3A_470 = memref.load %arg3[%swap3A_469] : memref<16xf32, #tpu.memory_space<smem>>
      memref.store %swap3A_468, %arg3[%swap3A_469] : memref<16xf32, #tpu.memory_space<smem>>
      %swap3A_471 = arith.constant 0 : i32
      %swap3A_472 = arith.constant 3 : index
      %swap3A_473 = memref.load %arg4[%swap3A_472] : memref<16xi32, #tpu.memory_space<smem>>
      memref.store %swap3A_471, %arg4[%swap3A_472] : memref<16xi32, #tpu.memory_space<smem>>
      %swap3A_474 = arith.constant 0x7F800000 : f32
      %swap3A_475 = arith.constant 4 : index
      %swap3A_476 = memref.load %arg3[%swap3A_475] : memref<16xf32, #tpu.memory_space<smem>>
      memref.store %swap3A_474, %arg3[%swap3A_475] : memref<16xf32, #tpu.memory_space<smem>>
      %swap3A_477 = arith.constant 0 : i32
      %swap3A_478 = arith.constant 4 : index
      %swap3A_479 = memref.load %arg4[%swap3A_478] : memref<16xi32, #tpu.memory_space<smem>>
      memref.store %swap3A_477, %arg4[%swap3A_478] : memref<16xi32, #tpu.memory_space<smem>>
      %swap3A_480 = arith.constant 0x7F800000 : f32
      %swap3A_481 = arith.constant 5 : index
      %swap3A_482 = memref.load %arg3[%swap3A_481] : memref<16xf32, #tpu.memory_space<smem>>
      memref.store %swap3A_480, %arg3[%swap3A_481] : memref<16xf32, #tpu.memory_space<smem>>
      %swap3A_483 = arith.constant 0 : i32
      %swap3A_484 = arith.constant 5 : index
      %swap3A_485 = memref.load %arg4[%swap3A_484] : memref<16xi32, #tpu.memory_space<smem>>
      memref.store %swap3A_483, %arg4[%swap3A_484] : memref<16xi32, #tpu.memory_space<smem>>
      %swap3A_486 = arith.constant 0x7F800000 : f32
      %swap3A_487 = arith.constant 6 : index
      %swap3A_488 = memref.load %arg3[%swap3A_487] : memref<16xf32, #tpu.memory_space<smem>>
      memref.store %swap3A_486, %arg3[%swap3A_487] : memref<16xf32, #tpu.memory_space<smem>>
      %swap3A_489 = arith.constant 0 : i32
      %swap3A_490 = arith.constant 6 : index
      %swap3A_491 = memref.load %arg4[%swap3A_490] : memref<16xi32, #tpu.memory_space<smem>>
      memref.store %swap3A_489, %arg4[%swap3A_490] : memref<16xi32, #tpu.memory_space<smem>>
      %swap3A_492 = arith.constant 0x7F800000 : f32
      %swap3A_493 = arith.constant 7 : index
      %swap3A_494 = memref.load %arg3[%swap3A_493] : memref<16xf32, #tpu.memory_space<smem>>
      memref.store %swap3A_492, %arg3[%swap3A_493] : memref<16xf32, #tpu.memory_space<smem>>
      %swap3A_495 = arith.constant 0 : i32
      %swap3A_496 = arith.constant 7 : index
      %swap3A_497 = memref.load %arg4[%swap3A_496] : memref<16xi32, #tpu.memory_space<smem>>
      memref.store %swap3A_495, %arg4[%swap3A_496] : memref<16xi32, #tpu.memory_space<smem>>
      %swap3A_498 = arith.constant 0x7F800000 : f32
      %swap3A_499 = arith.constant 8 : index
      %swap3A_500 = memref.load %arg3[%swap3A_499] : memref<16xf32, #tpu.memory_space<smem>>
      memref.store %swap3A_498, %arg3[%swap3A_499] : memref<16xf32, #tpu.memory_space<smem>>
      %swap3A_501 = arith.constant 0 : i32
      %swap3A_502 = arith.constant 8 : index
      %swap3A_503 = memref.load %arg4[%swap3A_502] : memref<16xi32, #tpu.memory_space<smem>>
      memref.store %swap3A_501, %arg4[%swap3A_502] : memref<16xi32, #tpu.memory_space<smem>>
      %swap3A_504 = arith.constant 0x7F800000 : f32
      %swap3A_505 = arith.constant 9 : index
      %swap3A_506 = memref.load %arg3[%swap3A_505] : memref<16xf32, #tpu.memory_space<smem>>
      memref.store %swap3A_504, %arg3[%swap3A_505] : memref<16xf32, #tpu.memory_space<smem>>
      %swap3A_507 = arith.constant 0 : i32
      %swap3A_508 = arith.constant 9 : index
      %swap3A_509 = memref.load %arg4[%swap3A_508] : memref<16xi32, #tpu.memory_space<smem>>
      memref.store %swap3A_507, %arg4[%swap3A_508] : memref<16xi32, #tpu.memory_space<smem>>
      %swap3A_510 = arith.constant 0x7F800000 : f32
      %swap3A_511 = arith.constant 10 : index
      %swap3A_512 = memref.load %arg3[%swap3A_511] : memref<16xf32, #tpu.memory_space<smem>>
      memref.store %swap3A_510, %arg3[%swap3A_511] : memref<16xf32, #tpu.memory_space<smem>>
      %swap3A_513 = arith.constant 0 : i32
      %swap3A_514 = arith.constant 10 : index
      %swap3A_515 = memref.load %arg4[%swap3A_514] : memref<16xi32, #tpu.memory_space<smem>>
      memref.store %swap3A_513, %arg4[%swap3A_514] : memref<16xi32, #tpu.memory_space<smem>>
      %swap3A_516 = arith.constant 0x7F800000 : f32
      %swap3A_517 = arith.constant 11 : index
      %swap3A_518 = memref.load %arg3[%swap3A_517] : memref<16xf32, #tpu.memory_space<smem>>
      memref.store %swap3A_516, %arg3[%swap3A_517] : memref<16xf32, #tpu.memory_space<smem>>
      %swap3A_519 = arith.constant 0 : i32
      %swap3A_520 = arith.constant 11 : index
      %swap3A_521 = memref.load %arg4[%swap3A_520] : memref<16xi32, #tpu.memory_space<smem>>
      memref.store %swap3A_519, %arg4[%swap3A_520] : memref<16xi32, #tpu.memory_space<smem>>
      %swap3A_522 = arith.constant 0x7F800000 : f32
      %swap3A_523 = arith.constant 12 : index
      %swap3A_524 = memref.load %arg3[%swap3A_523] : memref<16xf32, #tpu.memory_space<smem>>
      memref.store %swap3A_522, %arg3[%swap3A_523] : memref<16xf32, #tpu.memory_space<smem>>
      %swap3A_525 = arith.constant 0 : i32
      %swap3A_526 = arith.constant 12 : index
      %swap3A_527 = memref.load %arg4[%swap3A_526] : memref<16xi32, #tpu.memory_space<smem>>
      memref.store %swap3A_525, %arg4[%swap3A_526] : memref<16xi32, #tpu.memory_space<smem>>
      %swap3A_528 = arith.constant 0x7F800000 : f32
      %swap3A_529 = arith.constant 13 : index
      %swap3A_530 = memref.load %arg3[%swap3A_529] : memref<16xf32, #tpu.memory_space<smem>>
      memref.store %swap3A_528, %arg3[%swap3A_529] : memref<16xf32, #tpu.memory_space<smem>>
      %swap3A_531 = arith.constant 0 : i32
      %swap3A_532 = arith.constant 13 : index
      %swap3A_533 = memref.load %arg4[%swap3A_532] : memref<16xi32, #tpu.memory_space<smem>>
      memref.store %swap3A_531, %arg4[%swap3A_532] : memref<16xi32, #tpu.memory_space<smem>>
      %swap3A_534 = arith.constant 0x7F800000 : f32
      %swap3A_535 = arith.constant 14 : index
      %swap3A_536 = memref.load %arg3[%swap3A_535] : memref<16xf32, #tpu.memory_space<smem>>
      memref.store %swap3A_534, %arg3[%swap3A_535] : memref<16xf32, #tpu.memory_space<smem>>
      %swap3A_537 = arith.constant 0 : i32
      %swap3A_538 = arith.constant 14 : index
      %swap3A_539 = memref.load %arg4[%swap3A_538] : memref<16xi32, #tpu.memory_space<smem>>
      memref.store %swap3A_537, %arg4[%swap3A_538] : memref<16xi32, #tpu.memory_space<smem>>
      %swap3A_540 = arith.constant 0x7F800000 : f32
      %swap3A_541 = arith.constant 15 : index
      %swap3A_542 = memref.load %arg3[%swap3A_541] : memref<16xf32, #tpu.memory_space<smem>>
      memref.store %swap3A_540, %arg3[%swap3A_541] : memref<16xf32, #tpu.memory_space<smem>>
      %swap3A_543 = arith.constant 0 : i32
      %swap3A_544 = arith.constant 15 : index
      %swap3A_545 = memref.load %arg4[%swap3A_544] : memref<16xi32, #tpu.memory_space<smem>>
      memref.store %swap3A_543, %arg4[%swap3A_544] : memref<16xi32, #tpu.memory_space<smem>>
    } else {
    }
    %get3A = arith.constant 0 : index
    %get3A_2 = arith.constant 0 : index
    %get3A_3 = vector.load %arg1[%get3A, %get3A_2] : memref<16x128xf32, #tpu.memory_space<vmem>>, vector<16x128xf32>
    %slice3A = vector.extract_strided_slice %get3A_3 {offsets = [0, 0], sizes = [1, 128], strides = [1, 1]} : vector<16x128xf32> to vector<1x128xf32>
    %slice3A_4 = vector.extract_strided_slice %get3A_3 {offsets = [0, 0], sizes = [15, 128], strides = [1, 1]} : vector<16x128xf32> to vector<15x128xf32>
    %slice3A_5 = vector.extract_strided_slice %get3A_3 {offsets = [1, 0], sizes = [15, 128], strides = [1, 1]} : vector<16x128xf32> to vector<15x128xf32>
    %sub3A = arith.subf %slice3A_4, %slice3A_5 : vector<15x128xf32>
    %concatenate3A = tpu.concatenate %slice3A, %sub3A in 0 : vector<1x128xf32>, vector<15x128xf32> -> vector<16x128xf32>
    %abs3A = math.absf %concatenate3A : vector<16x128xf32>
    %get3A_6 = arith.constant 0 : index
    %get3A_7 = arith.constant 0 : index
    %get3A_8 = vector.load %arg2[%get3A_6, %get3A_7] : memref<2000x128xf32, #tpu.memory_space<vmem>>, vector<2000x128xf32>
    %abs3A_9 = math.absf %get3A_8 : vector<2000x128xf32>
    %mul3A = arith.constant 2000 : i32
    %mul3A_10 = arith.muli %arg0, %mul3A : i32
    %slice3A_11 = vector.extract_strided_slice %concatenate3A {offsets = [0, 0], sizes = [1, 128], strides = [1, 1]} : vector<16x128xf32> to vector<1x128xf32>
    %squeeze3A = vector.shape_cast %slice3A_11 : vector<1x128xf32> to vector<128xf32>
    %broadcast_in_dim3A = vector.shape_cast %squeeze3A : vector<128xf32> to vector<1x128xf32>
    %sub3A_12 = vector.broadcast %broadcast_in_dim3A : vector<1x128xf32> to vector<2000x128xf32>
    %sub3A_13 = arith.subf %get3A_8, %sub3A_12 : vector<2000x128xf32>
    %abs3A_14 = math.absf %sub3A_13 : vector<2000x128xf32>
    %slice3A_15 = vector.extract_strided_slice %abs3A {offsets = [0, 0], sizes = [1, 128], strides = [1, 1]} : vector<16x128xf32> to vector<1x128xf32>
    %squeeze3A_16 = vector.shape_cast %slice3A_15 : vector<1x128xf32> to vector<128xf32>
    %broadcast_in_dim3A_17 = vector.shape_cast %squeeze3A_16 : vector<128xf32> to vector<1x128xf32>
    %add3A = vector.broadcast %broadcast_in_dim3A_17 : vector<1x128xf32> to vector<2000x128xf32>
    %add3A_18 = arith.addf %abs3A_9, %add3A : vector<2000x128xf32>
    %max3A = arith.constant 1.000000e-30 : f32
    %max3A_19 = vector.broadcast %max3A : f32 to vector<2000x128xf32>
    %max3A_20 = arith.maximumf %add3A_18, %max3A_19 : vector<2000x128xf32>
    %div3A = arith.divf %abs3A_14, %max3A_20 : vector<2000x128xf32>
    %reduce_sum3A = arith.constant dense<0.000000e+00> : vector<2000xf32>
    %reduce_sum3A_21 = vector.multi_reduction <add>, %div3A, %reduce_sum3A [1] : vector<2000x128xf32> to vector<2000xf32>
    %reduce_min3A = vector.shape_cast %reduce_sum3A_21 : vector<2000xf32> to vector<1x2000xf32>
    %reduce_min3A_22 = arith.constant dense<0x7F800000> : vector<1xf32>
    %reduce_min3A_23 = vector.multi_reduction <minimumf>, %reduce_min3A, %reduce_min3A_22 [1] : vector<1x2000xf32> to vector<1xf32>
    %reduce_min3A_24 = vector.shape_cast %reduce_min3A_23 : vector<1xf32> to vector<1x1xf32>
    %reduce_min3A_25 = vector.extract %reduce_min3A_24[0, 0] : f32 from vector<1x1xf32>
    %get3A_26 = arith.constant 0 : index
    %get3A_27 = memref.load %arg3[%get3A_26] : memref<16xf32, #tpu.memory_space<smem>>
    %lt3A = arith.cmpf olt, %reduce_min3A_25, %get3A_27 : f32
    %convert_element_type3A_28 = arith.extui %lt3A : i1 to i32
    %cond3A_29 = arith.constant 0 : i32
    %cond3A_30 = arith.cmpi ne, %convert_element_type3A_28, %cond3A_29 : i32
    scf.if %cond3A_30 {
      %iota3A = tpu.iota {dimensions = array<i32: 1>} : vector<1x2000xi32>
      %iota3A_451 = vector.shape_cast %iota3A : vector<1x2000xi32> to vector<2000xi32>
      %add3A_452 = vector.broadcast %mul3A_10 : i32 to vector<2000xi32>
      %add3A_453 = arith.addi %iota3A_451, %add3A_452 : vector<2000xi32>
      %eq3A_454 = vector.broadcast %reduce_min3A_25 : f32 to vector<2000xf32>
      %eq3A_455 = arith.cmpf oeq, %reduce_sum3A_21, %eq3A_454 : vector<2000xf32>
      %jit3A = arith.constant 2147483647 : i32
      %broadcast_in_dim3A_456 = vector.broadcast %jit3A : i32 to vector<2000xi32>
      %select_n3A = arith.select %eq3A_455, %add3A_453, %broadcast_in_dim3A_456 : vector<2000xi1>, vector<2000xi32>
      %reduce_min3A_457 = vector.shape_cast %select_n3A : vector<2000xi32> to vector<1x2000xi32>
      %reduce_min3A_458 = arith.constant dense<2147483647> : vector<1xi32>
      %reduce_min3A_459 = vector.multi_reduction <minsi>, %reduce_min3A_457, %reduce_min3A_458 [1] : vector<1x2000xi32> to vector<1xi32>
      %reduce_min3A_460 = vector.shape_cast %reduce_min3A_459 : vector<1xi32> to vector<1x1xi32>
      %reduce_min3A_461 = vector.extract %reduce_min3A_460[0, 0] : i32 from vector<1x1xi32>
      %swap3A = arith.constant 0 : index
      %swap3A_462 = memref.load %arg3[%swap3A] : memref<16xf32, #tpu.memory_space<smem>>
      memref.store %reduce_min3A_25, %arg3[%swap3A] : memref<16xf32, #tpu.memory_space<smem>>
      %swap3A_463 = arith.constant 0 : index
      %swap3A_464 = memref.load %arg4[%swap3A_463] : memref<16xi32, #tpu.memory_space<smem>>
      memref.store %reduce_min3A_461, %arg4[%swap3A_463] : memref<16xi32, #tpu.memory_space<smem>>
    } else {
    }
    %slice3A_31 = vector.extract_strided_slice %concatenate3A {offsets = [1, 0], sizes = [1, 128], strides = [1, 1]} : vector<16x128xf32> to vector<1x128xf32>
    %squeeze3A_32 = vector.shape_cast %slice3A_31 : vector<1x128xf32> to vector<128xf32>
    %broadcast_in_dim3A_33 = vector.shape_cast %squeeze3A_32 : vector<128xf32> to vector<1x128xf32>
    %sub3A_34 = vector.broadcast %broadcast_in_dim3A_33 : vector<1x128xf32> to vector<2000x128xf32>
    %sub3A_35 = arith.subf %get3A_8, %sub3A_34 : vector<2000x128xf32>
    %abs3A_36 = math.absf %sub3A_35 : vector<2000x128xf32>
    %slice3A_37 = vector.extract_strided_slice %abs3A {offsets = [1, 0], sizes = [1, 128], strides = [1, 1]} : vector<16x128xf32> to vector<1x128xf32>
    %squeeze3A_38 = vector.shape_cast %slice3A_37 : vector<1x128xf32> to vector<128xf32>
    %broadcast_in_dim3A_39 = vector.shape_cast %squeeze3A_38 : vector<128xf32> to vector<1x128xf32>
    %add3A_40 = vector.broadcast %broadcast_in_dim3A_39 : vector<1x128xf32> to vector<2000x128xf32>
    %add3A_41 = arith.addf %abs3A_9, %add3A_40 : vector<2000x128xf32>
    %max3A_42 = arith.constant 1.000000e-30 : f32
    %max3A_43 = vector.broadcast %max3A_42 : f32 to vector<2000x128xf32>
    %max3A_44 = arith.maximumf %add3A_41, %max3A_43 : vector<2000x128xf32>
    %div3A_45 = arith.divf %abs3A_36, %max3A_44 : vector<2000x128xf32>
    %reduce_sum3A_46 = arith.constant dense<0.000000e+00> : vector<2000xf32>
    %reduce_sum3A_47 = vector.multi_reduction <add>, %div3A_45, %reduce_sum3A_46 [1] : vector<2000x128xf32> to vector<2000xf32>
    %reduce_min3A_48 = vector.shape_cast %reduce_sum3A_47 : vector<2000xf32> to vector<1x2000xf32>
    %reduce_min3A_49 = arith.constant dense<0x7F800000> : vector<1xf32>
    %reduce_min3A_50 = vector.multi_reduction <minimumf>, %reduce_min3A_48, %reduce_min3A_49 [1] : vector<1x2000xf32> to vector<1xf32>
    %reduce_min3A_51 = vector.shape_cast %reduce_min3A_50 : vector<1xf32> to vector<1x1xf32>
    %reduce_min3A_52 = vector.extract %reduce_min3A_51[0, 0] : f32 from vector<1x1xf32>
    %get3A_53 = arith.constant 1 : index
    %get3A_54 = memref.load %arg3[%get3A_53] : memref<16xf32, #tpu.memory_space<smem>>
    %lt3A_55 = arith.cmpf olt, %reduce_min3A_52, %get3A_54 : f32
    %convert_element_type3A_56 = arith.extui %lt3A_55 : i1 to i32
    %cond3A_57 = arith.constant 0 : i32
    %cond3A_58 = arith.cmpi ne, %convert_element_type3A_56, %cond3A_57 : i32
    scf.if %cond3A_58 {
      %iota3A = tpu.iota {dimensions = array<i32: 1>} : vector<1x2000xi32>
      %iota3A_451 = vector.shape_cast %iota3A : vector<1x2000xi32> to vector<2000xi32>
      %add3A_452 = vector.broadcast %mul3A_10 : i32 to vector<2000xi32>
      %add3A_453 = arith.addi %iota3A_451, %add3A_452 : vector<2000xi32>
      %eq3A_454 = vector.broadcast %reduce_min3A_52 : f32 to vector<2000xf32>
      %eq3A_455 = arith.cmpf oeq, %reduce_sum3A_47, %eq3A_454 : vector<2000xf32>
      %jit3A = arith.constant 2147483647 : i32
      %broadcast_in_dim3A_456 = vector.broadcast %jit3A : i32 to vector<2000xi32>
      %select_n3A = arith.select %eq3A_455, %add3A_453, %broadcast_in_dim3A_456 : vector<2000xi1>, vector<2000xi32>
      %reduce_min3A_457 = vector.shape_cast %select_n3A : vector<2000xi32> to vector<1x2000xi32>
      %reduce_min3A_458 = arith.constant dense<2147483647> : vector<1xi32>
      %reduce_min3A_459 = vector.multi_reduction <minsi>, %reduce_min3A_457, %reduce_min3A_458 [1] : vector<1x2000xi32> to vector<1xi32>
      %reduce_min3A_460 = vector.shape_cast %reduce_min3A_459 : vector<1xi32> to vector<1x1xi32>
      %reduce_min3A_461 = vector.extract %reduce_min3A_460[0, 0] : i32 from vector<1x1xi32>
      %swap3A = arith.constant 1 : index
      %swap3A_462 = memref.load %arg3[%swap3A] : memref<16xf32, #tpu.memory_space<smem>>
      memref.store %reduce_min3A_52, %arg3[%swap3A] : memref<16xf32, #tpu.memory_space<smem>>
      %swap3A_463 = arith.constant 1 : index
      %swap3A_464 = memref.load %arg4[%swap3A_463] : memref<16xi32, #tpu.memory_space<smem>>
      memref.store %reduce_min3A_461, %arg4[%swap3A_463] : memref<16xi32, #tpu.memory_space<smem>>
    } else {
    }
    %slice3A_59 = vector.extract_strided_slice %concatenate3A {offsets = [2, 0], sizes = [1, 128], strides = [1, 1]} : vector<16x128xf32> to vector<1x128xf32>
    %squeeze3A_60 = vector.shape_cast %slice3A_59 : vector<1x128xf32> to vector<128xf32>
    %broadcast_in_dim3A_61 = vector.shape_cast %squeeze3A_60 : vector<128xf32> to vector<1x128xf32>
    %sub3A_62 = vector.broadcast %broadcast_in_dim3A_61 : vector<1x128xf32> to vector<2000x128xf32>
    %sub3A_63 = arith.subf %get3A_8, %sub3A_62 : vector<2000x128xf32>
    %abs3A_64 = math.absf %sub3A_63 : vector<2000x128xf32>
    %slice3A_65 = vector.extract_strided_slice %abs3A {offsets = [2, 0], sizes = [1, 128], strides = [1, 1]} : vector<16x128xf32> to vector<1x128xf32>
    %squeeze3A_66 = vector.shape_cast %slice3A_65 : vector<1x128xf32> to vector<128xf32>
    %broadcast_in_dim3A_67 = vector.shape_cast %squeeze3A_66 : vector<128xf32> to vector<1x128xf32>
    %add3A_68 = vector.broadcast %broadcast_in_dim3A_67 : vector<1x128xf32> to vector<2000x128xf32>
    %add3A_69 = arith.addf %abs3A_9, %add3A_68 : vector<2000x128xf32>
    %max3A_70 = arith.constant 1.000000e-30 : f32
    %max3A_71 = vector.broadcast %max3A_70 : f32 to vector<2000x128xf32>
    %max3A_72 = arith.maximumf %add3A_69, %max3A_71 : vector<2000x128xf32>
    %div3A_73 = arith.divf %abs3A_64, %max3A_72 : vector<2000x128xf32>
    %reduce_sum3A_74 = arith.constant dense<0.000000e+00> : vector<2000xf32>
    %reduce_sum3A_75 = vector.multi_reduction <add>, %div3A_73, %reduce_sum3A_74 [1] : vector<2000x128xf32> to vector<2000xf32>
    %reduce_min3A_76 = vector.shape_cast %reduce_sum3A_75 : vector<2000xf32> to vector<1x2000xf32>
    %reduce_min3A_77 = arith.constant dense<0x7F800000> : vector<1xf32>
    %reduce_min3A_78 = vector.multi_reduction <minimumf>, %reduce_min3A_76, %reduce_min3A_77 [1] : vector<1x2000xf32> to vector<1xf32>
    %reduce_min3A_79 = vector.shape_cast %reduce_min3A_78 : vector<1xf32> to vector<1x1xf32>
    %reduce_min3A_80 = vector.extract %reduce_min3A_79[0, 0] : f32 from vector<1x1xf32>
    %get3A_81 = arith.constant 2 : index
    %get3A_82 = memref.load %arg3[%get3A_81] : memref<16xf32, #tpu.memory_space<smem>>
    %lt3A_83 = arith.cmpf olt, %reduce_min3A_80, %get3A_82 : f32
    %convert_element_type3A_84 = arith.extui %lt3A_83 : i1 to i32
    %cond3A_85 = arith.constant 0 : i32
    %cond3A_86 = arith.cmpi ne, %convert_element_type3A_84, %cond3A_85 : i32
    scf.if %cond3A_86 {
      %iota3A = tpu.iota {dimensions = array<i32: 1>} : vector<1x2000xi32>
      %iota3A_451 = vector.shape_cast %iota3A : vector<1x2000xi32> to vector<2000xi32>
      %add3A_452 = vector.broadcast %mul3A_10 : i32 to vector<2000xi32>
      %add3A_453 = arith.addi %iota3A_451, %add3A_452 : vector<2000xi32>
      %eq3A_454 = vector.broadcast %reduce_min3A_80 : f32 to vector<2000xf32>
      %eq3A_455 = arith.cmpf oeq, %reduce_sum3A_75, %eq3A_454 : vector<2000xf32>
      %jit3A = arith.constant 2147483647 : i32
      %broadcast_in_dim3A_456 = vector.broadcast %jit3A : i32 to vector<2000xi32>
      %select_n3A = arith.select %eq3A_455, %add3A_453, %broadcast_in_dim3A_456 : vector<2000xi1>, vector<2000xi32>
      %reduce_min3A_457 = vector.shape_cast %select_n3A : vector<2000xi32> to vector<1x2000xi32>
      %reduce_min3A_458 = arith.constant dense<2147483647> : vector<1xi32>
      %reduce_min3A_459 = vector.multi_reduction <minsi>, %reduce_min3A_457, %reduce_min3A_458 [1] : vector<1x2000xi32> to vector<1xi32>
      %reduce_min3A_460 = vector.shape_cast %reduce_min3A_459 : vector<1xi32> to vector<1x1xi32>
      %reduce_min3A_461 = vector.extract %reduce_min3A_460[0, 0] : i32 from vector<1x1xi32>
      %swap3A = arith.constant 2 : index
      %swap3A_462 = memref.load %arg3[%swap3A] : memref<16xf32, #tpu.memory_space<smem>>
      memref.store %reduce_min3A_80, %arg3[%swap3A] : memref<16xf32, #tpu.memory_space<smem>>
      %swap3A_463 = arith.constant 2 : index
      %swap3A_464 = memref.load %arg4[%swap3A_463] : memref<16xi32, #tpu.memory_space<smem>>
      memref.store %reduce_min3A_461, %arg4[%swap3A_463] : memref<16xi32, #tpu.memory_space<smem>>
    } else {
    }
    %slice3A_87 = vector.extract_strided_slice %concatenate3A {offsets = [3, 0], sizes = [1, 128], strides = [1, 1]} : vector<16x128xf32> to vector<1x128xf32>
    %squeeze3A_88 = vector.shape_cast %slice3A_87 : vector<1x128xf32> to vector<128xf32>
    %broadcast_in_dim3A_89 = vector.shape_cast %squeeze3A_88 : vector<128xf32> to vector<1x128xf32>
    %sub3A_90 = vector.broadcast %broadcast_in_dim3A_89 : vector<1x128xf32> to vector<2000x128xf32>
    %sub3A_91 = arith.subf %get3A_8, %sub3A_90 : vector<2000x128xf32>
    %abs3A_92 = math.absf %sub3A_91 : vector<2000x128xf32>
    %slice3A_93 = vector.extract_strided_slice %abs3A {offsets = [3, 0], sizes = [1, 128], strides = [1, 1]} : vector<16x128xf32> to vector<1x128xf32>
    %squeeze3A_94 = vector.shape_cast %slice3A_93 : vector<1x128xf32> to vector<128xf32>
    %broadcast_in_dim3A_95 = vector.shape_cast %squeeze3A_94 : vector<128xf32> to vector<1x128xf32>
    %add3A_96 = vector.broadcast %broadcast_in_dim3A_95 : vector<1x128xf32> to vector<2000x128xf32>
    %add3A_97 = arith.addf %abs3A_9, %add3A_96 : vector<2000x128xf32>
    %max3A_98 = arith.constant 1.000000e-30 : f32
    %max3A_99 = vector.broadcast %max3A_98 : f32 to vector<2000x128xf32>
    %max3A_100 = arith.maximumf %add3A_97, %max3A_99 : vector<2000x128xf32>
    %div3A_101 = arith.divf %abs3A_92, %max3A_100 : vector<2000x128xf32>
    %reduce_sum3A_102 = arith.constant dense<0.000000e+00> : vector<2000xf32>
    %reduce_sum3A_103 = vector.multi_reduction <add>, %div3A_101, %reduce_sum3A_102 [1] : vector<2000x128xf32> to vector<2000xf32>
    %reduce_min3A_104 = vector.shape_cast %reduce_sum3A_103 : vector<2000xf32> to vector<1x2000xf32>
    %reduce_min3A_105 = arith.constant dense<0x7F800000> : vector<1xf32>
    %reduce_min3A_106 = vector.multi_reduction <minimumf>, %reduce_min3A_104, %reduce_min3A_105 [1] : vector<1x2000xf32> to vector<1xf32>
    %reduce_min3A_107 = vector.shape_cast %reduce_min3A_106 : vector<1xf32> to vector<1x1xf32>
    %reduce_min3A_108 = vector.extract %reduce_min3A_107[0, 0] : f32 from vector<1x1xf32>
    %get3A_109 = arith.constant 3 : index
    %get3A_110 = memref.load %arg3[%get3A_109] : memref<16xf32, #tpu.memory_space<smem>>
    %lt3A_111 = arith.cmpf olt, %reduce_min3A_108, %get3A_110 : f32
    %convert_element_type3A_112 = arith.extui %lt3A_111 : i1 to i32
    %cond3A_113 = arith.constant 0 : i32
    %cond3A_114 = arith.cmpi ne, %convert_element_type3A_112, %cond3A_113 : i32
    scf.if %cond3A_114 {
      %iota3A = tpu.iota {dimensions = array<i32: 1>} : vector<1x2000xi32>
      %iota3A_451 = vector.shape_cast %iota3A : vector<1x2000xi32> to vector<2000xi32>
      %add3A_452 = vector.broadcast %mul3A_10 : i32 to vector<2000xi32>
      %add3A_453 = arith.addi %iota3A_451, %add3A_452 : vector<2000xi32>
      %eq3A_454 = vector.broadcast %reduce_min3A_108 : f32 to vector<2000xf32>
      %eq3A_455 = arith.cmpf oeq, %reduce_sum3A_103, %eq3A_454 : vector<2000xf32>
      %jit3A = arith.constant 2147483647 : i32
      %broadcast_in_dim3A_456 = vector.broadcast %jit3A : i32 to vector<2000xi32>
      %select_n3A = arith.select %eq3A_455, %add3A_453, %broadcast_in_dim3A_456 : vector<2000xi1>, vector<2000xi32>
      %reduce_min3A_457 = vector.shape_cast %select_n3A : vector<2000xi32> to vector<1x2000xi32>
      %reduce_min3A_458 = arith.constant dense<2147483647> : vector<1xi32>
      %reduce_min3A_459 = vector.multi_reduction <minsi>, %reduce_min3A_457, %reduce_min3A_458 [1] : vector<1x2000xi32> to vector<1xi32>
      %reduce_min3A_460 = vector.shape_cast %reduce_min3A_459 : vector<1xi32> to vector<1x1xi32>
      %reduce_min3A_461 = vector.extract %reduce_min3A_460[0, 0] : i32 from vector<1x1xi32>
      %swap3A = arith.constant 3 : index
      %swap3A_462 = memref.load %arg3[%swap3A] : memref<16xf32, #tpu.memory_space<smem>>
      memref.store %reduce_min3A_108, %arg3[%swap3A] : memref<16xf32, #tpu.memory_space<smem>>
      %swap3A_463 = arith.constant 3 : index
      %swap3A_464 = memref.load %arg4[%swap3A_463] : memref<16xi32, #tpu.memory_space<smem>>
      memref.store %reduce_min3A_461, %arg4[%swap3A_463] : memref<16xi32, #tpu.memory_space<smem>>
    } else {
    }
    %slice3A_115 = vector.extract_strided_slice %concatenate3A {offsets = [4, 0], sizes = [1, 128], strides = [1, 1]} : vector<16x128xf32> to vector<1x128xf32>
    %squeeze3A_116 = vector.shape_cast %slice3A_115 : vector<1x128xf32> to vector<128xf32>
    %broadcast_in_dim3A_117 = vector.shape_cast %squeeze3A_116 : vector<128xf32> to vector<1x128xf32>
    %sub3A_118 = vector.broadcast %broadcast_in_dim3A_117 : vector<1x128xf32> to vector<2000x128xf32>
    %sub3A_119 = arith.subf %get3A_8, %sub3A_118 : vector<2000x128xf32>
    %abs3A_120 = math.absf %sub3A_119 : vector<2000x128xf32>
    %slice3A_121 = vector.extract_strided_slice %abs3A {offsets = [4, 0], sizes = [1, 128], strides = [1, 1]} : vector<16x128xf32> to vector<1x128xf32>
    %squeeze3A_122 = vector.shape_cast %slice3A_121 : vector<1x128xf32> to vector<128xf32>
    %broadcast_in_dim3A_123 = vector.shape_cast %squeeze3A_122 : vector<128xf32> to vector<1x128xf32>
    %add3A_124 = vector.broadcast %broadcast_in_dim3A_123 : vector<1x128xf32> to vector<2000x128xf32>
    %add3A_125 = arith.addf %abs3A_9, %add3A_124 : vector<2000x128xf32>
    %max3A_126 = arith.constant 1.000000e-30 : f32
    %max3A_127 = vector.broadcast %max3A_126 : f32 to vector<2000x128xf32>
    %max3A_128 = arith.maximumf %add3A_125, %max3A_127 : vector<2000x128xf32>
    %div3A_129 = arith.divf %abs3A_120, %max3A_128 : vector<2000x128xf32>
    %reduce_sum3A_130 = arith.constant dense<0.000000e+00> : vector<2000xf32>
    %reduce_sum3A_131 = vector.multi_reduction <add>, %div3A_129, %reduce_sum3A_130 [1] : vector<2000x128xf32> to vector<2000xf32>
    %reduce_min3A_132 = vector.shape_cast %reduce_sum3A_131 : vector<2000xf32> to vector<1x2000xf32>
    %reduce_min3A_133 = arith.constant dense<0x7F800000> : vector<1xf32>
    %reduce_min3A_134 = vector.multi_reduction <minimumf>, %reduce_min3A_132, %reduce_min3A_133 [1] : vector<1x2000xf32> to vector<1xf32>
    %reduce_min3A_135 = vector.shape_cast %reduce_min3A_134 : vector<1xf32> to vector<1x1xf32>
    %reduce_min3A_136 = vector.extract %reduce_min3A_135[0, 0] : f32 from vector<1x1xf32>
    %get3A_137 = arith.constant 4 : index
    %get3A_138 = memref.load %arg3[%get3A_137] : memref<16xf32, #tpu.memory_space<smem>>
    %lt3A_139 = arith.cmpf olt, %reduce_min3A_136, %get3A_138 : f32
    %convert_element_type3A_140 = arith.extui %lt3A_139 : i1 to i32
    %cond3A_141 = arith.constant 0 : i32
    %cond3A_142 = arith.cmpi ne, %convert_element_type3A_140, %cond3A_141 : i32
    scf.if %cond3A_142 {
      %iota3A = tpu.iota {dimensions = array<i32: 1>} : vector<1x2000xi32>
      %iota3A_451 = vector.shape_cast %iota3A : vector<1x2000xi32> to vector<2000xi32>
      %add3A_452 = vector.broadcast %mul3A_10 : i32 to vector<2000xi32>
      %add3A_453 = arith.addi %iota3A_451, %add3A_452 : vector<2000xi32>
      %eq3A_454 = vector.broadcast %reduce_min3A_136 : f32 to vector<2000xf32>
      %eq3A_455 = arith.cmpf oeq, %reduce_sum3A_131, %eq3A_454 : vector<2000xf32>
      %jit3A = arith.constant 2147483647 : i32
      %broadcast_in_dim3A_456 = vector.broadcast %jit3A : i32 to vector<2000xi32>
      %select_n3A = arith.select %eq3A_455, %add3A_453, %broadcast_in_dim3A_456 : vector<2000xi1>, vector<2000xi32>
      %reduce_min3A_457 = vector.shape_cast %select_n3A : vector<2000xi32> to vector<1x2000xi32>
      %reduce_min3A_458 = arith.constant dense<2147483647> : vector<1xi32>
      %reduce_min3A_459 = vector.multi_reduction <minsi>, %reduce_min3A_457, %reduce_min3A_458 [1] : vector<1x2000xi32> to vector<1xi32>
      %reduce_min3A_460 = vector.shape_cast %reduce_min3A_459 : vector<1xi32> to vector<1x1xi32>
      %reduce_min3A_461 = vector.extract %reduce_min3A_460[0, 0] : i32 from vector<1x1xi32>
      %swap3A = arith.constant 4 : index
      %swap3A_462 = memref.load %arg3[%swap3A] : memref<16xf32, #tpu.memory_space<smem>>
      memref.store %reduce_min3A_136, %arg3[%swap3A] : memref<16xf32, #tpu.memory_space<smem>>
      %swap3A_463 = arith.constant 4 : index
      %swap3A_464 = memref.load %arg4[%swap3A_463] : memref<16xi32, #tpu.memory_space<smem>>
      memref.store %reduce_min3A_461, %arg4[%swap3A_463] : memref<16xi32, #tpu.memory_space<smem>>
    } else {
    }
    %slice3A_143 = vector.extract_strided_slice %concatenate3A {offsets = [5, 0], sizes = [1, 128], strides = [1, 1]} : vector<16x128xf32> to vector<1x128xf32>
    %squeeze3A_144 = vector.shape_cast %slice3A_143 : vector<1x128xf32> to vector<128xf32>
    %broadcast_in_dim3A_145 = vector.shape_cast %squeeze3A_144 : vector<128xf32> to vector<1x128xf32>
    %sub3A_146 = vector.broadcast %broadcast_in_dim3A_145 : vector<1x128xf32> to vector<2000x128xf32>
    %sub3A_147 = arith.subf %get3A_8, %sub3A_146 : vector<2000x128xf32>
    %abs3A_148 = math.absf %sub3A_147 : vector<2000x128xf32>
    %slice3A_149 = vector.extract_strided_slice %abs3A {offsets = [5, 0], sizes = [1, 128], strides = [1, 1]} : vector<16x128xf32> to vector<1x128xf32>
    %squeeze3A_150 = vector.shape_cast %slice3A_149 : vector<1x128xf32> to vector<128xf32>
    %broadcast_in_dim3A_151 = vector.shape_cast %squeeze3A_150 : vector<128xf32> to vector<1x128xf32>
    %add3A_152 = vector.broadcast %broadcast_in_dim3A_151 : vector<1x128xf32> to vector<2000x128xf32>
    %add3A_153 = arith.addf %abs3A_9, %add3A_152 : vector<2000x128xf32>
    %max3A_154 = arith.constant 1.000000e-30 : f32
    %max3A_155 = vector.broadcast %max3A_154 : f32 to vector<2000x128xf32>
    %max3A_156 = arith.maximumf %add3A_153, %max3A_155 : vector<2000x128xf32>
    %div3A_157 = arith.divf %abs3A_148, %max3A_156 : vector<2000x128xf32>
    %reduce_sum3A_158 = arith.constant dense<0.000000e+00> : vector<2000xf32>
    %reduce_sum3A_159 = vector.multi_reduction <add>, %div3A_157, %reduce_sum3A_158 [1] : vector<2000x128xf32> to vector<2000xf32>
    %reduce_min3A_160 = vector.shape_cast %reduce_sum3A_159 : vector<2000xf32> to vector<1x2000xf32>
    %reduce_min3A_161 = arith.constant dense<0x7F800000> : vector<1xf32>
    %reduce_min3A_162 = vector.multi_reduction <minimumf>, %reduce_min3A_160, %reduce_min3A_161 [1] : vector<1x2000xf32> to vector<1xf32>
    %reduce_min3A_163 = vector.shape_cast %reduce_min3A_162 : vector<1xf32> to vector<1x1xf32>
    %reduce_min3A_164 = vector.extract %reduce_min3A_163[0, 0] : f32 from vector<1x1xf32>
    %get3A_165 = arith.constant 5 : index
    %get3A_166 = memref.load %arg3[%get3A_165] : memref<16xf32, #tpu.memory_space<smem>>
    %lt3A_167 = arith.cmpf olt, %reduce_min3A_164, %get3A_166 : f32
    %convert_element_type3A_168 = arith.extui %lt3A_167 : i1 to i32
    %cond3A_169 = arith.constant 0 : i32
    %cond3A_170 = arith.cmpi ne, %convert_element_type3A_168, %cond3A_169 : i32
    scf.if %cond3A_170 {
      %iota3A = tpu.iota {dimensions = array<i32: 1>} : vector<1x2000xi32>
      %iota3A_451 = vector.shape_cast %iota3A : vector<1x2000xi32> to vector<2000xi32>
      %add3A_452 = vector.broadcast %mul3A_10 : i32 to vector<2000xi32>
      %add3A_453 = arith.addi %iota3A_451, %add3A_452 : vector<2000xi32>
      %eq3A_454 = vector.broadcast %reduce_min3A_164 : f32 to vector<2000xf32>
      %eq3A_455 = arith.cmpf oeq, %reduce_sum3A_159, %eq3A_454 : vector<2000xf32>
      %jit3A = arith.constant 2147483647 : i32
      %broadcast_in_dim3A_456 = vector.broadcast %jit3A : i32 to vector<2000xi32>
      %select_n3A = arith.select %eq3A_455, %add3A_453, %broadcast_in_dim3A_456 : vector<2000xi1>, vector<2000xi32>
      %reduce_min3A_457 = vector.shape_cast %select_n3A : vector<2000xi32> to vector<1x2000xi32>
      %reduce_min3A_458 = arith.constant dense<2147483647> : vector<1xi32>
      %reduce_min3A_459 = vector.multi_reduction <minsi>, %reduce_min3A_457, %reduce_min3A_458 [1] : vector<1x2000xi32> to vector<1xi32>
      %reduce_min3A_460 = vector.shape_cast %reduce_min3A_459 : vector<1xi32> to vector<1x1xi32>
      %reduce_min3A_461 = vector.extract %reduce_min3A_460[0, 0] : i32 from vector<1x1xi32>
      %swap3A = arith.constant 5 : index
      %swap3A_462 = memref.load %arg3[%swap3A] : memref<16xf32, #tpu.memory_space<smem>>
      memref.store %reduce_min3A_164, %arg3[%swap3A] : memref<16xf32, #tpu.memory_space<smem>>
      %swap3A_463 = arith.constant 5 : index
      %swap3A_464 = memref.load %arg4[%swap3A_463] : memref<16xi32, #tpu.memory_space<smem>>
      memref.store %reduce_min3A_461, %arg4[%swap3A_463] : memref<16xi32, #tpu.memory_space<smem>>
    } else {
    }
    %slice3A_171 = vector.extract_strided_slice %concatenate3A {offsets = [6, 0], sizes = [1, 128], strides = [1, 1]} : vector<16x128xf32> to vector<1x128xf32>
    %squeeze3A_172 = vector.shape_cast %slice3A_171 : vector<1x128xf32> to vector<128xf32>
    %broadcast_in_dim3A_173 = vector.shape_cast %squeeze3A_172 : vector<128xf32> to vector<1x128xf32>
    %sub3A_174 = vector.broadcast %broadcast_in_dim3A_173 : vector<1x128xf32> to vector<2000x128xf32>
    %sub3A_175 = arith.subf %get3A_8, %sub3A_174 : vector<2000x128xf32>
    %abs3A_176 = math.absf %sub3A_175 : vector<2000x128xf32>
    %slice3A_177 = vector.extract_strided_slice %abs3A {offsets = [6, 0], sizes = [1, 128], strides = [1, 1]} : vector<16x128xf32> to vector<1x128xf32>
    %squeeze3A_178 = vector.shape_cast %slice3A_177 : vector<1x128xf32> to vector<128xf32>
    %broadcast_in_dim3A_179 = vector.shape_cast %squeeze3A_178 : vector<128xf32> to vector<1x128xf32>
    %add3A_180 = vector.broadcast %broadcast_in_dim3A_179 : vector<1x128xf32> to vector<2000x128xf32>
    %add3A_181 = arith.addf %abs3A_9, %add3A_180 : vector<2000x128xf32>
    %max3A_182 = arith.constant 1.000000e-30 : f32
    %max3A_183 = vector.broadcast %max3A_182 : f32 to vector<2000x128xf32>
    %max3A_184 = arith.maximumf %add3A_181, %max3A_183 : vector<2000x128xf32>
    %div3A_185 = arith.divf %abs3A_176, %max3A_184 : vector<2000x128xf32>
    %reduce_sum3A_186 = arith.constant dense<0.000000e+00> : vector<2000xf32>
    %reduce_sum3A_187 = vector.multi_reduction <add>, %div3A_185, %reduce_sum3A_186 [1] : vector<2000x128xf32> to vector<2000xf32>
    %reduce_min3A_188 = vector.shape_cast %reduce_sum3A_187 : vector<2000xf32> to vector<1x2000xf32>
    %reduce_min3A_189 = arith.constant dense<0x7F800000> : vector<1xf32>
    %reduce_min3A_190 = vector.multi_reduction <minimumf>, %reduce_min3A_188, %reduce_min3A_189 [1] : vector<1x2000xf32> to vector<1xf32>
    %reduce_min3A_191 = vector.shape_cast %reduce_min3A_190 : vector<1xf32> to vector<1x1xf32>
    %reduce_min3A_192 = vector.extract %reduce_min3A_191[0, 0] : f32 from vector<1x1xf32>
    %get3A_193 = arith.constant 6 : index
    %get3A_194 = memref.load %arg3[%get3A_193] : memref<16xf32, #tpu.memory_space<smem>>
    %lt3A_195 = arith.cmpf olt, %reduce_min3A_192, %get3A_194 : f32
    %convert_element_type3A_196 = arith.extui %lt3A_195 : i1 to i32
    %cond3A_197 = arith.constant 0 : i32
    %cond3A_198 = arith.cmpi ne, %convert_element_type3A_196, %cond3A_197 : i32
    scf.if %cond3A_198 {
      %iota3A = tpu.iota {dimensions = array<i32: 1>} : vector<1x2000xi32>
      %iota3A_451 = vector.shape_cast %iota3A : vector<1x2000xi32> to vector<2000xi32>
      %add3A_452 = vector.broadcast %mul3A_10 : i32 to vector<2000xi32>
      %add3A_453 = arith.addi %iota3A_451, %add3A_452 : vector<2000xi32>
      %eq3A_454 = vector.broadcast %reduce_min3A_192 : f32 to vector<2000xf32>
      %eq3A_455 = arith.cmpf oeq, %reduce_sum3A_187, %eq3A_454 : vector<2000xf32>
      %jit3A = arith.constant 2147483647 : i32
      %broadcast_in_dim3A_456 = vector.broadcast %jit3A : i32 to vector<2000xi32>
      %select_n3A = arith.select %eq3A_455, %add3A_453, %broadcast_in_dim3A_456 : vector<2000xi1>, vector<2000xi32>
      %reduce_min3A_457 = vector.shape_cast %select_n3A : vector<2000xi32> to vector<1x2000xi32>
      %reduce_min3A_458 = arith.constant dense<2147483647> : vector<1xi32>
      %reduce_min3A_459 = vector.multi_reduction <minsi>, %reduce_min3A_457, %reduce_min3A_458 [1] : vector<1x2000xi32> to vector<1xi32>
      %reduce_min3A_460 = vector.shape_cast %reduce_min3A_459 : vector<1xi32> to vector<1x1xi32>
      %reduce_min3A_461 = vector.extract %reduce_min3A_460[0, 0] : i32 from vector<1x1xi32>
      %swap3A = arith.constant 6 : index
      %swap3A_462 = memref.load %arg3[%swap3A] : memref<16xf32, #tpu.memory_space<smem>>
      memref.store %reduce_min3A_192, %arg3[%swap3A] : memref<16xf32, #tpu.memory_space<smem>>
      %swap3A_463 = arith.constant 6 : index
      %swap3A_464 = memref.load %arg4[%swap3A_463] : memref<16xi32, #tpu.memory_space<smem>>
      memref.store %reduce_min3A_461, %arg4[%swap3A_463] : memref<16xi32, #tpu.memory_space<smem>>
    } else {
    }
    %slice3A_199 = vector.extract_strided_slice %concatenate3A {offsets = [7, 0], sizes = [1, 128], strides = [1, 1]} : vector<16x128xf32> to vector<1x128xf32>
    %squeeze3A_200 = vector.shape_cast %slice3A_199 : vector<1x128xf32> to vector<128xf32>
    %broadcast_in_dim3A_201 = vector.shape_cast %squeeze3A_200 : vector<128xf32> to vector<1x128xf32>
    %sub3A_202 = vector.broadcast %broadcast_in_dim3A_201 : vector<1x128xf32> to vector<2000x128xf32>
    %sub3A_203 = arith.subf %get3A_8, %sub3A_202 : vector<2000x128xf32>
    %abs3A_204 = math.absf %sub3A_203 : vector<2000x128xf32>
    %slice3A_205 = vector.extract_strided_slice %abs3A {offsets = [7, 0], sizes = [1, 128], strides = [1, 1]} : vector<16x128xf32> to vector<1x128xf32>
    %squeeze3A_206 = vector.shape_cast %slice3A_205 : vector<1x128xf32> to vector<128xf32>
    %broadcast_in_dim3A_207 = vector.shape_cast %squeeze3A_206 : vector<128xf32> to vector<1x128xf32>
    %add3A_208 = vector.broadcast %broadcast_in_dim3A_207 : vector<1x128xf32> to vector<2000x128xf32>
    %add3A_209 = arith.addf %abs3A_9, %add3A_208 : vector<2000x128xf32>
    %max3A_210 = arith.constant 1.000000e-30 : f32
    %max3A_211 = vector.broadcast %max3A_210 : f32 to vector<2000x128xf32>
    %max3A_212 = arith.maximumf %add3A_209, %max3A_211 : vector<2000x128xf32>
    %div3A_213 = arith.divf %abs3A_204, %max3A_212 : vector<2000x128xf32>
    %reduce_sum3A_214 = arith.constant dense<0.000000e+00> : vector<2000xf32>
    %reduce_sum3A_215 = vector.multi_reduction <add>, %div3A_213, %reduce_sum3A_214 [1] : vector<2000x128xf32> to vector<2000xf32>
    %reduce_min3A_216 = vector.shape_cast %reduce_sum3A_215 : vector<2000xf32> to vector<1x2000xf32>
    %reduce_min3A_217 = arith.constant dense<0x7F800000> : vector<1xf32>
    %reduce_min3A_218 = vector.multi_reduction <minimumf>, %reduce_min3A_216, %reduce_min3A_217 [1] : vector<1x2000xf32> to vector<1xf32>
    %reduce_min3A_219 = vector.shape_cast %reduce_min3A_218 : vector<1xf32> to vector<1x1xf32>
    %reduce_min3A_220 = vector.extract %reduce_min3A_219[0, 0] : f32 from vector<1x1xf32>
    %get3A_221 = arith.constant 7 : index
    %get3A_222 = memref.load %arg3[%get3A_221] : memref<16xf32, #tpu.memory_space<smem>>
    %lt3A_223 = arith.cmpf olt, %reduce_min3A_220, %get3A_222 : f32
    %convert_element_type3A_224 = arith.extui %lt3A_223 : i1 to i32
    %cond3A_225 = arith.constant 0 : i32
    %cond3A_226 = arith.cmpi ne, %convert_element_type3A_224, %cond3A_225 : i32
    scf.if %cond3A_226 {
      %iota3A = tpu.iota {dimensions = array<i32: 1>} : vector<1x2000xi32>
      %iota3A_451 = vector.shape_cast %iota3A : vector<1x2000xi32> to vector<2000xi32>
      %add3A_452 = vector.broadcast %mul3A_10 : i32 to vector<2000xi32>
      %add3A_453 = arith.addi %iota3A_451, %add3A_452 : vector<2000xi32>
      %eq3A_454 = vector.broadcast %reduce_min3A_220 : f32 to vector<2000xf32>
      %eq3A_455 = arith.cmpf oeq, %reduce_sum3A_215, %eq3A_454 : vector<2000xf32>
      %jit3A = arith.constant 2147483647 : i32
      %broadcast_in_dim3A_456 = vector.broadcast %jit3A : i32 to vector<2000xi32>
      %select_n3A = arith.select %eq3A_455, %add3A_453, %broadcast_in_dim3A_456 : vector<2000xi1>, vector<2000xi32>
      %reduce_min3A_457 = vector.shape_cast %select_n3A : vector<2000xi32> to vector<1x2000xi32>
      %reduce_min3A_458 = arith.constant dense<2147483647> : vector<1xi32>
      %reduce_min3A_459 = vector.multi_reduction <minsi>, %reduce_min3A_457, %reduce_min3A_458 [1] : vector<1x2000xi32> to vector<1xi32>
      %reduce_min3A_460 = vector.shape_cast %reduce_min3A_459 : vector<1xi32> to vector<1x1xi32>
      %reduce_min3A_461 = vector.extract %reduce_min3A_460[0, 0] : i32 from vector<1x1xi32>
      %swap3A = arith.constant 7 : index
      %swap3A_462 = memref.load %arg3[%swap3A] : memref<16xf32, #tpu.memory_space<smem>>
      memref.store %reduce_min3A_220, %arg3[%swap3A] : memref<16xf32, #tpu.memory_space<smem>>
      %swap3A_463 = arith.constant 7 : index
      %swap3A_464 = memref.load %arg4[%swap3A_463] : memref<16xi32, #tpu.memory_space<smem>>
      memref.store %reduce_min3A_461, %arg4[%swap3A_463] : memref<16xi32, #tpu.memory_space<smem>>
    } else {
    }
    %slice3A_227 = vector.extract_strided_slice %concatenate3A {offsets = [8, 0], sizes = [1, 128], strides = [1, 1]} : vector<16x128xf32> to vector<1x128xf32>
    %squeeze3A_228 = vector.shape_cast %slice3A_227 : vector<1x128xf32> to vector<128xf32>
    %broadcast_in_dim3A_229 = vector.shape_cast %squeeze3A_228 : vector<128xf32> to vector<1x128xf32>
    %sub3A_230 = vector.broadcast %broadcast_in_dim3A_229 : vector<1x128xf32> to vector<2000x128xf32>
    %sub3A_231 = arith.subf %get3A_8, %sub3A_230 : vector<2000x128xf32>
    %abs3A_232 = math.absf %sub3A_231 : vector<2000x128xf32>
    %slice3A_233 = vector.extract_strided_slice %abs3A {offsets = [8, 0], sizes = [1, 128], strides = [1, 1]} : vector<16x128xf32> to vector<1x128xf32>
    %squeeze3A_234 = vector.shape_cast %slice3A_233 : vector<1x128xf32> to vector<128xf32>
    %broadcast_in_dim3A_235 = vector.shape_cast %squeeze3A_234 : vector<128xf32> to vector<1x128xf32>
    %add3A_236 = vector.broadcast %broadcast_in_dim3A_235 : vector<1x128xf32> to vector<2000x128xf32>
    %add3A_237 = arith.addf %abs3A_9, %add3A_236 : vector<2000x128xf32>
    %max3A_238 = arith.constant 1.000000e-30 : f32
    %max3A_239 = vector.broadcast %max3A_238 : f32 to vector<2000x128xf32>
    %max3A_240 = arith.maximumf %add3A_237, %max3A_239 : vector<2000x128xf32>
    %div3A_241 = arith.divf %abs3A_232, %max3A_240 : vector<2000x128xf32>
    %reduce_sum3A_242 = arith.constant dense<0.000000e+00> : vector<2000xf32>
    %reduce_sum3A_243 = vector.multi_reduction <add>, %div3A_241, %reduce_sum3A_242 [1] : vector<2000x128xf32> to vector<2000xf32>
    %reduce_min3A_244 = vector.shape_cast %reduce_sum3A_243 : vector<2000xf32> to vector<1x2000xf32>
    %reduce_min3A_245 = arith.constant dense<0x7F800000> : vector<1xf32>
    %reduce_min3A_246 = vector.multi_reduction <minimumf>, %reduce_min3A_244, %reduce_min3A_245 [1] : vector<1x2000xf32> to vector<1xf32>
    %reduce_min3A_247 = vector.shape_cast %reduce_min3A_246 : vector<1xf32> to vector<1x1xf32>
    %reduce_min3A_248 = vector.extract %reduce_min3A_247[0, 0] : f32 from vector<1x1xf32>
    %get3A_249 = arith.constant 8 : index
    %get3A_250 = memref.load %arg3[%get3A_249] : memref<16xf32, #tpu.memory_space<smem>>
    %lt3A_251 = arith.cmpf olt, %reduce_min3A_248, %get3A_250 : f32
    %convert_element_type3A_252 = arith.extui %lt3A_251 : i1 to i32
    %cond3A_253 = arith.constant 0 : i32
    %cond3A_254 = arith.cmpi ne, %convert_element_type3A_252, %cond3A_253 : i32
    scf.if %cond3A_254 {
      %iota3A = tpu.iota {dimensions = array<i32: 1>} : vector<1x2000xi32>
      %iota3A_451 = vector.shape_cast %iota3A : vector<1x2000xi32> to vector<2000xi32>
      %add3A_452 = vector.broadcast %mul3A_10 : i32 to vector<2000xi32>
      %add3A_453 = arith.addi %iota3A_451, %add3A_452 : vector<2000xi32>
      %eq3A_454 = vector.broadcast %reduce_min3A_248 : f32 to vector<2000xf32>
      %eq3A_455 = arith.cmpf oeq, %reduce_sum3A_243, %eq3A_454 : vector<2000xf32>
      %jit3A = arith.constant 2147483647 : i32
      %broadcast_in_dim3A_456 = vector.broadcast %jit3A : i32 to vector<2000xi32>
      %select_n3A = arith.select %eq3A_455, %add3A_453, %broadcast_in_dim3A_456 : vector<2000xi1>, vector<2000xi32>
      %reduce_min3A_457 = vector.shape_cast %select_n3A : vector<2000xi32> to vector<1x2000xi32>
      %reduce_min3A_458 = arith.constant dense<2147483647> : vector<1xi32>
      %reduce_min3A_459 = vector.multi_reduction <minsi>, %reduce_min3A_457, %reduce_min3A_458 [1] : vector<1x2000xi32> to vector<1xi32>
      %reduce_min3A_460 = vector.shape_cast %reduce_min3A_459 : vector<1xi32> to vector<1x1xi32>
      %reduce_min3A_461 = vector.extract %reduce_min3A_460[0, 0] : i32 from vector<1x1xi32>
      %swap3A = arith.constant 8 : index
      %swap3A_462 = memref.load %arg3[%swap3A] : memref<16xf32, #tpu.memory_space<smem>>
      memref.store %reduce_min3A_248, %arg3[%swap3A] : memref<16xf32, #tpu.memory_space<smem>>
      %swap3A_463 = arith.constant 8 : index
      %swap3A_464 = memref.load %arg4[%swap3A_463] : memref<16xi32, #tpu.memory_space<smem>>
      memref.store %reduce_min3A_461, %arg4[%swap3A_463] : memref<16xi32, #tpu.memory_space<smem>>
    } else {
    }
    %slice3A_255 = vector.extract_strided_slice %concatenate3A {offsets = [9, 0], sizes = [1, 128], strides = [1, 1]} : vector<16x128xf32> to vector<1x128xf32>
    %squeeze3A_256 = vector.shape_cast %slice3A_255 : vector<1x128xf32> to vector<128xf32>
    %broadcast_in_dim3A_257 = vector.shape_cast %squeeze3A_256 : vector<128xf32> to vector<1x128xf32>
    %sub3A_258 = vector.broadcast %broadcast_in_dim3A_257 : vector<1x128xf32> to vector<2000x128xf32>
    %sub3A_259 = arith.subf %get3A_8, %sub3A_258 : vector<2000x128xf32>
    %abs3A_260 = math.absf %sub3A_259 : vector<2000x128xf32>
    %slice3A_261 = vector.extract_strided_slice %abs3A {offsets = [9, 0], sizes = [1, 128], strides = [1, 1]} : vector<16x128xf32> to vector<1x128xf32>
    %squeeze3A_262 = vector.shape_cast %slice3A_261 : vector<1x128xf32> to vector<128xf32>
    %broadcast_in_dim3A_263 = vector.shape_cast %squeeze3A_262 : vector<128xf32> to vector<1x128xf32>
    %add3A_264 = vector.broadcast %broadcast_in_dim3A_263 : vector<1x128xf32> to vector<2000x128xf32>
    %add3A_265 = arith.addf %abs3A_9, %add3A_264 : vector<2000x128xf32>
    %max3A_266 = arith.constant 1.000000e-30 : f32
    %max3A_267 = vector.broadcast %max3A_266 : f32 to vector<2000x128xf32>
    %max3A_268 = arith.maximumf %add3A_265, %max3A_267 : vector<2000x128xf32>
    %div3A_269 = arith.divf %abs3A_260, %max3A_268 : vector<2000x128xf32>
    %reduce_sum3A_270 = arith.constant dense<0.000000e+00> : vector<2000xf32>
    %reduce_sum3A_271 = vector.multi_reduction <add>, %div3A_269, %reduce_sum3A_270 [1] : vector<2000x128xf32> to vector<2000xf32>
    %reduce_min3A_272 = vector.shape_cast %reduce_sum3A_271 : vector<2000xf32> to vector<1x2000xf32>
    %reduce_min3A_273 = arith.constant dense<0x7F800000> : vector<1xf32>
    %reduce_min3A_274 = vector.multi_reduction <minimumf>, %reduce_min3A_272, %reduce_min3A_273 [1] : vector<1x2000xf32> to vector<1xf32>
    %reduce_min3A_275 = vector.shape_cast %reduce_min3A_274 : vector<1xf32> to vector<1x1xf32>
    %reduce_min3A_276 = vector.extract %reduce_min3A_275[0, 0] : f32 from vector<1x1xf32>
    %get3A_277 = arith.constant 9 : index
    %get3A_278 = memref.load %arg3[%get3A_277] : memref<16xf32, #tpu.memory_space<smem>>
    %lt3A_279 = arith.cmpf olt, %reduce_min3A_276, %get3A_278 : f32
    %convert_element_type3A_280 = arith.extui %lt3A_279 : i1 to i32
    %cond3A_281 = arith.constant 0 : i32
    %cond3A_282 = arith.cmpi ne, %convert_element_type3A_280, %cond3A_281 : i32
    scf.if %cond3A_282 {
      %iota3A = tpu.iota {dimensions = array<i32: 1>} : vector<1x2000xi32>
      %iota3A_451 = vector.shape_cast %iota3A : vector<1x2000xi32> to vector<2000xi32>
      %add3A_452 = vector.broadcast %mul3A_10 : i32 to vector<2000xi32>
      %add3A_453 = arith.addi %iota3A_451, %add3A_452 : vector<2000xi32>
      %eq3A_454 = vector.broadcast %reduce_min3A_276 : f32 to vector<2000xf32>
      %eq3A_455 = arith.cmpf oeq, %reduce_sum3A_271, %eq3A_454 : vector<2000xf32>
      %jit3A = arith.constant 2147483647 : i32
      %broadcast_in_dim3A_456 = vector.broadcast %jit3A : i32 to vector<2000xi32>
      %select_n3A = arith.select %eq3A_455, %add3A_453, %broadcast_in_dim3A_456 : vector<2000xi1>, vector<2000xi32>
      %reduce_min3A_457 = vector.shape_cast %select_n3A : vector<2000xi32> to vector<1x2000xi32>
      %reduce_min3A_458 = arith.constant dense<2147483647> : vector<1xi32>
      %reduce_min3A_459 = vector.multi_reduction <minsi>, %reduce_min3A_457, %reduce_min3A_458 [1] : vector<1x2000xi32> to vector<1xi32>
      %reduce_min3A_460 = vector.shape_cast %reduce_min3A_459 : vector<1xi32> to vector<1x1xi32>
      %reduce_min3A_461 = vector.extract %reduce_min3A_460[0, 0] : i32 from vector<1x1xi32>
      %swap3A = arith.constant 9 : index
      %swap3A_462 = memref.load %arg3[%swap3A] : memref<16xf32, #tpu.memory_space<smem>>
      memref.store %reduce_min3A_276, %arg3[%swap3A] : memref<16xf32, #tpu.memory_space<smem>>
      %swap3A_463 = arith.constant 9 : index
      %swap3A_464 = memref.load %arg4[%swap3A_463] : memref<16xi32, #tpu.memory_space<smem>>
      memref.store %reduce_min3A_461, %arg4[%swap3A_463] : memref<16xi32, #tpu.memory_space<smem>>
    } else {
    }
    %slice3A_283 = vector.extract_strided_slice %concatenate3A {offsets = [10, 0], sizes = [1, 128], strides = [1, 1]} : vector<16x128xf32> to vector<1x128xf32>
    %squeeze3A_284 = vector.shape_cast %slice3A_283 : vector<1x128xf32> to vector<128xf32>
    %broadcast_in_dim3A_285 = vector.shape_cast %squeeze3A_284 : vector<128xf32> to vector<1x128xf32>
    %sub3A_286 = vector.broadcast %broadcast_in_dim3A_285 : vector<1x128xf32> to vector<2000x128xf32>
    %sub3A_287 = arith.subf %get3A_8, %sub3A_286 : vector<2000x128xf32>
    %abs3A_288 = math.absf %sub3A_287 : vector<2000x128xf32>
    %slice3A_289 = vector.extract_strided_slice %abs3A {offsets = [10, 0], sizes = [1, 128], strides = [1, 1]} : vector<16x128xf32> to vector<1x128xf32>
    %squeeze3A_290 = vector.shape_cast %slice3A_289 : vector<1x128xf32> to vector<128xf32>
    %broadcast_in_dim3A_291 = vector.shape_cast %squeeze3A_290 : vector<128xf32> to vector<1x128xf32>
    %add3A_292 = vector.broadcast %broadcast_in_dim3A_291 : vector<1x128xf32> to vector<2000x128xf32>
    %add3A_293 = arith.addf %abs3A_9, %add3A_292 : vector<2000x128xf32>
    %max3A_294 = arith.constant 1.000000e-30 : f32
    %max3A_295 = vector.broadcast %max3A_294 : f32 to vector<2000x128xf32>
    %max3A_296 = arith.maximumf %add3A_293, %max3A_295 : vector<2000x128xf32>
    %div3A_297 = arith.divf %abs3A_288, %max3A_296 : vector<2000x128xf32>
    %reduce_sum3A_298 = arith.constant dense<0.000000e+00> : vector<2000xf32>
    %reduce_sum3A_299 = vector.multi_reduction <add>, %div3A_297, %reduce_sum3A_298 [1] : vector<2000x128xf32> to vector<2000xf32>
    %reduce_min3A_300 = vector.shape_cast %reduce_sum3A_299 : vector<2000xf32> to vector<1x2000xf32>
    %reduce_min3A_301 = arith.constant dense<0x7F800000> : vector<1xf32>
    %reduce_min3A_302 = vector.multi_reduction <minimumf>, %reduce_min3A_300, %reduce_min3A_301 [1] : vector<1x2000xf32> to vector<1xf32>
    %reduce_min3A_303 = vector.shape_cast %reduce_min3A_302 : vector<1xf32> to vector<1x1xf32>
    %reduce_min3A_304 = vector.extract %reduce_min3A_303[0, 0] : f32 from vector<1x1xf32>
    %get3A_305 = arith.constant 10 : index
    %get3A_306 = memref.load %arg3[%get3A_305] : memref<16xf32, #tpu.memory_space<smem>>
    %lt3A_307 = arith.cmpf olt, %reduce_min3A_304, %get3A_306 : f32
    %convert_element_type3A_308 = arith.extui %lt3A_307 : i1 to i32
    %cond3A_309 = arith.constant 0 : i32
    %cond3A_310 = arith.cmpi ne, %convert_element_type3A_308, %cond3A_309 : i32
    scf.if %cond3A_310 {
      %iota3A = tpu.iota {dimensions = array<i32: 1>} : vector<1x2000xi32>
      %iota3A_451 = vector.shape_cast %iota3A : vector<1x2000xi32> to vector<2000xi32>
      %add3A_452 = vector.broadcast %mul3A_10 : i32 to vector<2000xi32>
      %add3A_453 = arith.addi %iota3A_451, %add3A_452 : vector<2000xi32>
      %eq3A_454 = vector.broadcast %reduce_min3A_304 : f32 to vector<2000xf32>
      %eq3A_455 = arith.cmpf oeq, %reduce_sum3A_299, %eq3A_454 : vector<2000xf32>
      %jit3A = arith.constant 2147483647 : i32
      %broadcast_in_dim3A_456 = vector.broadcast %jit3A : i32 to vector<2000xi32>
      %select_n3A = arith.select %eq3A_455, %add3A_453, %broadcast_in_dim3A_456 : vector<2000xi1>, vector<2000xi32>
      %reduce_min3A_457 = vector.shape_cast %select_n3A : vector<2000xi32> to vector<1x2000xi32>
      %reduce_min3A_458 = arith.constant dense<2147483647> : vector<1xi32>
      %reduce_min3A_459 = vector.multi_reduction <minsi>, %reduce_min3A_457, %reduce_min3A_458 [1] : vector<1x2000xi32> to vector<1xi32>
      %reduce_min3A_460 = vector.shape_cast %reduce_min3A_459 : vector<1xi32> to vector<1x1xi32>
      %reduce_min3A_461 = vector.extract %reduce_min3A_460[0, 0] : i32 from vector<1x1xi32>
      %swap3A = arith.constant 10 : index
      %swap3A_462 = memref.load %arg3[%swap3A] : memref<16xf32, #tpu.memory_space<smem>>
      memref.store %reduce_min3A_304, %arg3[%swap3A] : memref<16xf32, #tpu.memory_space<smem>>
      %swap3A_463 = arith.constant 10 : index
      %swap3A_464 = memref.load %arg4[%swap3A_463] : memref<16xi32, #tpu.memory_space<smem>>
      memref.store %reduce_min3A_461, %arg4[%swap3A_463] : memref<16xi32, #tpu.memory_space<smem>>
    } else {
    }
    %slice3A_311 = vector.extract_strided_slice %concatenate3A {offsets = [11, 0], sizes = [1, 128], strides = [1, 1]} : vector<16x128xf32> to vector<1x128xf32>
    %squeeze3A_312 = vector.shape_cast %slice3A_311 : vector<1x128xf32> to vector<128xf32>
    %broadcast_in_dim3A_313 = vector.shape_cast %squeeze3A_312 : vector<128xf32> to vector<1x128xf32>
    %sub3A_314 = vector.broadcast %broadcast_in_dim3A_313 : vector<1x128xf32> to vector<2000x128xf32>
    %sub3A_315 = arith.subf %get3A_8, %sub3A_314 : vector<2000x128xf32>
    %abs3A_316 = math.absf %sub3A_315 : vector<2000x128xf32>
    %slice3A_317 = vector.extract_strided_slice %abs3A {offsets = [11, 0], sizes = [1, 128], strides = [1, 1]} : vector<16x128xf32> to vector<1x128xf32>
    %squeeze3A_318 = vector.shape_cast %slice3A_317 : vector<1x128xf32> to vector<128xf32>
    %broadcast_in_dim3A_319 = vector.shape_cast %squeeze3A_318 : vector<128xf32> to vector<1x128xf32>
    %add3A_320 = vector.broadcast %broadcast_in_dim3A_319 : vector<1x128xf32> to vector<2000x128xf32>
    %add3A_321 = arith.addf %abs3A_9, %add3A_320 : vector<2000x128xf32>
    %max3A_322 = arith.constant 1.000000e-30 : f32
    %max3A_323 = vector.broadcast %max3A_322 : f32 to vector<2000x128xf32>
    %max3A_324 = arith.maximumf %add3A_321, %max3A_323 : vector<2000x128xf32>
    %div3A_325 = arith.divf %abs3A_316, %max3A_324 : vector<2000x128xf32>
    %reduce_sum3A_326 = arith.constant dense<0.000000e+00> : vector<2000xf32>
    %reduce_sum3A_327 = vector.multi_reduction <add>, %div3A_325, %reduce_sum3A_326 [1] : vector<2000x128xf32> to vector<2000xf32>
    %reduce_min3A_328 = vector.shape_cast %reduce_sum3A_327 : vector<2000xf32> to vector<1x2000xf32>
    %reduce_min3A_329 = arith.constant dense<0x7F800000> : vector<1xf32>
    %reduce_min3A_330 = vector.multi_reduction <minimumf>, %reduce_min3A_328, %reduce_min3A_329 [1] : vector<1x2000xf32> to vector<1xf32>
    %reduce_min3A_331 = vector.shape_cast %reduce_min3A_330 : vector<1xf32> to vector<1x1xf32>
    %reduce_min3A_332 = vector.extract %reduce_min3A_331[0, 0] : f32 from vector<1x1xf32>
    %get3A_333 = arith.constant 11 : index
    %get3A_334 = memref.load %arg3[%get3A_333] : memref<16xf32, #tpu.memory_space<smem>>
    %lt3A_335 = arith.cmpf olt, %reduce_min3A_332, %get3A_334 : f32
    %convert_element_type3A_336 = arith.extui %lt3A_335 : i1 to i32
    %cond3A_337 = arith.constant 0 : i32
    %cond3A_338 = arith.cmpi ne, %convert_element_type3A_336, %cond3A_337 : i32
    scf.if %cond3A_338 {
      %iota3A = tpu.iota {dimensions = array<i32: 1>} : vector<1x2000xi32>
      %iota3A_451 = vector.shape_cast %iota3A : vector<1x2000xi32> to vector<2000xi32>
      %add3A_452 = vector.broadcast %mul3A_10 : i32 to vector<2000xi32>
      %add3A_453 = arith.addi %iota3A_451, %add3A_452 : vector<2000xi32>
      %eq3A_454 = vector.broadcast %reduce_min3A_332 : f32 to vector<2000xf32>
      %eq3A_455 = arith.cmpf oeq, %reduce_sum3A_327, %eq3A_454 : vector<2000xf32>
      %jit3A = arith.constant 2147483647 : i32
      %broadcast_in_dim3A_456 = vector.broadcast %jit3A : i32 to vector<2000xi32>
      %select_n3A = arith.select %eq3A_455, %add3A_453, %broadcast_in_dim3A_456 : vector<2000xi1>, vector<2000xi32>
      %reduce_min3A_457 = vector.shape_cast %select_n3A : vector<2000xi32> to vector<1x2000xi32>
      %reduce_min3A_458 = arith.constant dense<2147483647> : vector<1xi32>
      %reduce_min3A_459 = vector.multi_reduction <minsi>, %reduce_min3A_457, %reduce_min3A_458 [1] : vector<1x2000xi32> to vector<1xi32>
      %reduce_min3A_460 = vector.shape_cast %reduce_min3A_459 : vector<1xi32> to vector<1x1xi32>
      %reduce_min3A_461 = vector.extract %reduce_min3A_460[0, 0] : i32 from vector<1x1xi32>
      %swap3A = arith.constant 11 : index
      %swap3A_462 = memref.load %arg3[%swap3A] : memref<16xf32, #tpu.memory_space<smem>>
      memref.store %reduce_min3A_332, %arg3[%swap3A] : memref<16xf32, #tpu.memory_space<smem>>
      %swap3A_463 = arith.constant 11 : index
      %swap3A_464 = memref.load %arg4[%swap3A_463] : memref<16xi32, #tpu.memory_space<smem>>
      memref.store %reduce_min3A_461, %arg4[%swap3A_463] : memref<16xi32, #tpu.memory_space<smem>>
    } else {
    }
    %slice3A_339 = vector.extract_strided_slice %concatenate3A {offsets = [12, 0], sizes = [1, 128], strides = [1, 1]} : vector<16x128xf32> to vector<1x128xf32>
    %squeeze3A_340 = vector.shape_cast %slice3A_339 : vector<1x128xf32> to vector<128xf32>
    %broadcast_in_dim3A_341 = vector.shape_cast %squeeze3A_340 : vector<128xf32> to vector<1x128xf32>
    %sub3A_342 = vector.broadcast %broadcast_in_dim3A_341 : vector<1x128xf32> to vector<2000x128xf32>
    %sub3A_343 = arith.subf %get3A_8, %sub3A_342 : vector<2000x128xf32>
    %abs3A_344 = math.absf %sub3A_343 : vector<2000x128xf32>
    %slice3A_345 = vector.extract_strided_slice %abs3A {offsets = [12, 0], sizes = [1, 128], strides = [1, 1]} : vector<16x128xf32> to vector<1x128xf32>
    %squeeze3A_346 = vector.shape_cast %slice3A_345 : vector<1x128xf32> to vector<128xf32>
    %broadcast_in_dim3A_347 = vector.shape_cast %squeeze3A_346 : vector<128xf32> to vector<1x128xf32>
    %add3A_348 = vector.broadcast %broadcast_in_dim3A_347 : vector<1x128xf32> to vector<2000x128xf32>
    %add3A_349 = arith.addf %abs3A_9, %add3A_348 : vector<2000x128xf32>
    %max3A_350 = arith.constant 1.000000e-30 : f32
    %max3A_351 = vector.broadcast %max3A_350 : f32 to vector<2000x128xf32>
    %max3A_352 = arith.maximumf %add3A_349, %max3A_351 : vector<2000x128xf32>
    %div3A_353 = arith.divf %abs3A_344, %max3A_352 : vector<2000x128xf32>
    %reduce_sum3A_354 = arith.constant dense<0.000000e+00> : vector<2000xf32>
    %reduce_sum3A_355 = vector.multi_reduction <add>, %div3A_353, %reduce_sum3A_354 [1] : vector<2000x128xf32> to vector<2000xf32>
    %reduce_min3A_356 = vector.shape_cast %reduce_sum3A_355 : vector<2000xf32> to vector<1x2000xf32>
    %reduce_min3A_357 = arith.constant dense<0x7F800000> : vector<1xf32>
    %reduce_min3A_358 = vector.multi_reduction <minimumf>, %reduce_min3A_356, %reduce_min3A_357 [1] : vector<1x2000xf32> to vector<1xf32>
    %reduce_min3A_359 = vector.shape_cast %reduce_min3A_358 : vector<1xf32> to vector<1x1xf32>
    %reduce_min3A_360 = vector.extract %reduce_min3A_359[0, 0] : f32 from vector<1x1xf32>
    %get3A_361 = arith.constant 12 : index
    %get3A_362 = memref.load %arg3[%get3A_361] : memref<16xf32, #tpu.memory_space<smem>>
    %lt3A_363 = arith.cmpf olt, %reduce_min3A_360, %get3A_362 : f32
    %convert_element_type3A_364 = arith.extui %lt3A_363 : i1 to i32
    %cond3A_365 = arith.constant 0 : i32
    %cond3A_366 = arith.cmpi ne, %convert_element_type3A_364, %cond3A_365 : i32
    scf.if %cond3A_366 {
      %iota3A = tpu.iota {dimensions = array<i32: 1>} : vector<1x2000xi32>
      %iota3A_451 = vector.shape_cast %iota3A : vector<1x2000xi32> to vector<2000xi32>
      %add3A_452 = vector.broadcast %mul3A_10 : i32 to vector<2000xi32>
      %add3A_453 = arith.addi %iota3A_451, %add3A_452 : vector<2000xi32>
      %eq3A_454 = vector.broadcast %reduce_min3A_360 : f32 to vector<2000xf32>
      %eq3A_455 = arith.cmpf oeq, %reduce_sum3A_355, %eq3A_454 : vector<2000xf32>
      %jit3A = arith.constant 2147483647 : i32
      %broadcast_in_dim3A_456 = vector.broadcast %jit3A : i32 to vector<2000xi32>
      %select_n3A = arith.select %eq3A_455, %add3A_453, %broadcast_in_dim3A_456 : vector<2000xi1>, vector<2000xi32>
      %reduce_min3A_457 = vector.shape_cast %select_n3A : vector<2000xi32> to vector<1x2000xi32>
      %reduce_min3A_458 = arith.constant dense<2147483647> : vector<1xi32>
      %reduce_min3A_459 = vector.multi_reduction <minsi>, %reduce_min3A_457, %reduce_min3A_458 [1] : vector<1x2000xi32> to vector<1xi32>
      %reduce_min3A_460 = vector.shape_cast %reduce_min3A_459 : vector<1xi32> to vector<1x1xi32>
      %reduce_min3A_461 = vector.extract %reduce_min3A_460[0, 0] : i32 from vector<1x1xi32>
      %swap3A = arith.constant 12 : index
      %swap3A_462 = memref.load %arg3[%swap3A] : memref<16xf32, #tpu.memory_space<smem>>
      memref.store %reduce_min3A_360, %arg3[%swap3A] : memref<16xf32, #tpu.memory_space<smem>>
      %swap3A_463 = arith.constant 12 : index
      %swap3A_464 = memref.load %arg4[%swap3A_463] : memref<16xi32, #tpu.memory_space<smem>>
      memref.store %reduce_min3A_461, %arg4[%swap3A_463] : memref<16xi32, #tpu.memory_space<smem>>
    } else {
    }
    %slice3A_367 = vector.extract_strided_slice %concatenate3A {offsets = [13, 0], sizes = [1, 128], strides = [1, 1]} : vector<16x128xf32> to vector<1x128xf32>
    %squeeze3A_368 = vector.shape_cast %slice3A_367 : vector<1x128xf32> to vector<128xf32>
    %broadcast_in_dim3A_369 = vector.shape_cast %squeeze3A_368 : vector<128xf32> to vector<1x128xf32>
    %sub3A_370 = vector.broadcast %broadcast_in_dim3A_369 : vector<1x128xf32> to vector<2000x128xf32>
    %sub3A_371 = arith.subf %get3A_8, %sub3A_370 : vector<2000x128xf32>
    %abs3A_372 = math.absf %sub3A_371 : vector<2000x128xf32>
    %slice3A_373 = vector.extract_strided_slice %abs3A {offsets = [13, 0], sizes = [1, 128], strides = [1, 1]} : vector<16x128xf32> to vector<1x128xf32>
    %squeeze3A_374 = vector.shape_cast %slice3A_373 : vector<1x128xf32> to vector<128xf32>
    %broadcast_in_dim3A_375 = vector.shape_cast %squeeze3A_374 : vector<128xf32> to vector<1x128xf32>
    %add3A_376 = vector.broadcast %broadcast_in_dim3A_375 : vector<1x128xf32> to vector<2000x128xf32>
    %add3A_377 = arith.addf %abs3A_9, %add3A_376 : vector<2000x128xf32>
    %max3A_378 = arith.constant 1.000000e-30 : f32
    %max3A_379 = vector.broadcast %max3A_378 : f32 to vector<2000x128xf32>
    %max3A_380 = arith.maximumf %add3A_377, %max3A_379 : vector<2000x128xf32>
    %div3A_381 = arith.divf %abs3A_372, %max3A_380 : vector<2000x128xf32>
    %reduce_sum3A_382 = arith.constant dense<0.000000e+00> : vector<2000xf32>
    %reduce_sum3A_383 = vector.multi_reduction <add>, %div3A_381, %reduce_sum3A_382 [1] : vector<2000x128xf32> to vector<2000xf32>
    %reduce_min3A_384 = vector.shape_cast %reduce_sum3A_383 : vector<2000xf32> to vector<1x2000xf32>
    %reduce_min3A_385 = arith.constant dense<0x7F800000> : vector<1xf32>
    %reduce_min3A_386 = vector.multi_reduction <minimumf>, %reduce_min3A_384, %reduce_min3A_385 [1] : vector<1x2000xf32> to vector<1xf32>
    %reduce_min3A_387 = vector.shape_cast %reduce_min3A_386 : vector<1xf32> to vector<1x1xf32>
    %reduce_min3A_388 = vector.extract %reduce_min3A_387[0, 0] : f32 from vector<1x1xf32>
    %get3A_389 = arith.constant 13 : index
    %get3A_390 = memref.load %arg3[%get3A_389] : memref<16xf32, #tpu.memory_space<smem>>
    %lt3A_391 = arith.cmpf olt, %reduce_min3A_388, %get3A_390 : f32
    %convert_element_type3A_392 = arith.extui %lt3A_391 : i1 to i32
    %cond3A_393 = arith.constant 0 : i32
    %cond3A_394 = arith.cmpi ne, %convert_element_type3A_392, %cond3A_393 : i32
    scf.if %cond3A_394 {
      %iota3A = tpu.iota {dimensions = array<i32: 1>} : vector<1x2000xi32>
      %iota3A_451 = vector.shape_cast %iota3A : vector<1x2000xi32> to vector<2000xi32>
      %add3A_452 = vector.broadcast %mul3A_10 : i32 to vector<2000xi32>
      %add3A_453 = arith.addi %iota3A_451, %add3A_452 : vector<2000xi32>
      %eq3A_454 = vector.broadcast %reduce_min3A_388 : f32 to vector<2000xf32>
      %eq3A_455 = arith.cmpf oeq, %reduce_sum3A_383, %eq3A_454 : vector<2000xf32>
      %jit3A = arith.constant 2147483647 : i32
      %broadcast_in_dim3A_456 = vector.broadcast %jit3A : i32 to vector<2000xi32>
      %select_n3A = arith.select %eq3A_455, %add3A_453, %broadcast_in_dim3A_456 : vector<2000xi1>, vector<2000xi32>
      %reduce_min3A_457 = vector.shape_cast %select_n3A : vector<2000xi32> to vector<1x2000xi32>
      %reduce_min3A_458 = arith.constant dense<2147483647> : vector<1xi32>
      %reduce_min3A_459 = vector.multi_reduction <minsi>, %reduce_min3A_457, %reduce_min3A_458 [1] : vector<1x2000xi32> to vector<1xi32>
      %reduce_min3A_460 = vector.shape_cast %reduce_min3A_459 : vector<1xi32> to vector<1x1xi32>
      %reduce_min3A_461 = vector.extract %reduce_min3A_460[0, 0] : i32 from vector<1x1xi32>
      %swap3A = arith.constant 13 : index
      %swap3A_462 = memref.load %arg3[%swap3A] : memref<16xf32, #tpu.memory_space<smem>>
      memref.store %reduce_min3A_388, %arg3[%swap3A] : memref<16xf32, #tpu.memory_space<smem>>
      %swap3A_463 = arith.constant 13 : index
      %swap3A_464 = memref.load %arg4[%swap3A_463] : memref<16xi32, #tpu.memory_space<smem>>
      memref.store %reduce_min3A_461, %arg4[%swap3A_463] : memref<16xi32, #tpu.memory_space<smem>>
    } else {
    }
    %slice3A_395 = vector.extract_strided_slice %concatenate3A {offsets = [14, 0], sizes = [1, 128], strides = [1, 1]} : vector<16x128xf32> to vector<1x128xf32>
    %squeeze3A_396 = vector.shape_cast %slice3A_395 : vector<1x128xf32> to vector<128xf32>
    %broadcast_in_dim3A_397 = vector.shape_cast %squeeze3A_396 : vector<128xf32> to vector<1x128xf32>
    %sub3A_398 = vector.broadcast %broadcast_in_dim3A_397 : vector<1x128xf32> to vector<2000x128xf32>
    %sub3A_399 = arith.subf %get3A_8, %sub3A_398 : vector<2000x128xf32>
    %abs3A_400 = math.absf %sub3A_399 : vector<2000x128xf32>
    %slice3A_401 = vector.extract_strided_slice %abs3A {offsets = [14, 0], sizes = [1, 128], strides = [1, 1]} : vector<16x128xf32> to vector<1x128xf32>
    %squeeze3A_402 = vector.shape_cast %slice3A_401 : vector<1x128xf32> to vector<128xf32>
    %broadcast_in_dim3A_403 = vector.shape_cast %squeeze3A_402 : vector<128xf32> to vector<1x128xf32>
    %add3A_404 = vector.broadcast %broadcast_in_dim3A_403 : vector<1x128xf32> to vector<2000x128xf32>
    %add3A_405 = arith.addf %abs3A_9, %add3A_404 : vector<2000x128xf32>
    %max3A_406 = arith.constant 1.000000e-30 : f32
    %max3A_407 = vector.broadcast %max3A_406 : f32 to vector<2000x128xf32>
    %max3A_408 = arith.maximumf %add3A_405, %max3A_407 : vector<2000x128xf32>
    %div3A_409 = arith.divf %abs3A_400, %max3A_408 : vector<2000x128xf32>
    %reduce_sum3A_410 = arith.constant dense<0.000000e+00> : vector<2000xf32>
    %reduce_sum3A_411 = vector.multi_reduction <add>, %div3A_409, %reduce_sum3A_410 [1] : vector<2000x128xf32> to vector<2000xf32>
    %reduce_min3A_412 = vector.shape_cast %reduce_sum3A_411 : vector<2000xf32> to vector<1x2000xf32>
    %reduce_min3A_413 = arith.constant dense<0x7F800000> : vector<1xf32>
    %reduce_min3A_414 = vector.multi_reduction <minimumf>, %reduce_min3A_412, %reduce_min3A_413 [1] : vector<1x2000xf32> to vector<1xf32>
    %reduce_min3A_415 = vector.shape_cast %reduce_min3A_414 : vector<1xf32> to vector<1x1xf32>
    %reduce_min3A_416 = vector.extract %reduce_min3A_415[0, 0] : f32 from vector<1x1xf32>
    %get3A_417 = arith.constant 14 : index
    %get3A_418 = memref.load %arg3[%get3A_417] : memref<16xf32, #tpu.memory_space<smem>>
    %lt3A_419 = arith.cmpf olt, %reduce_min3A_416, %get3A_418 : f32
    %convert_element_type3A_420 = arith.extui %lt3A_419 : i1 to i32
    %cond3A_421 = arith.constant 0 : i32
    %cond3A_422 = arith.cmpi ne, %convert_element_type3A_420, %cond3A_421 : i32
    scf.if %cond3A_422 {
      %iota3A = tpu.iota {dimensions = array<i32: 1>} : vector<1x2000xi32>
      %iota3A_451 = vector.shape_cast %iota3A : vector<1x2000xi32> to vector<2000xi32>
      %add3A_452 = vector.broadcast %mul3A_10 : i32 to vector<2000xi32>
      %add3A_453 = arith.addi %iota3A_451, %add3A_452 : vector<2000xi32>
      %eq3A_454 = vector.broadcast %reduce_min3A_416 : f32 to vector<2000xf32>
      %eq3A_455 = arith.cmpf oeq, %reduce_sum3A_411, %eq3A_454 : vector<2000xf32>
      %jit3A = arith.constant 2147483647 : i32
      %broadcast_in_dim3A_456 = vector.broadcast %jit3A : i32 to vector<2000xi32>
      %select_n3A = arith.select %eq3A_455, %add3A_453, %broadcast_in_dim3A_456 : vector<2000xi1>, vector<2000xi32>
      %reduce_min3A_457 = vector.shape_cast %select_n3A : vector<2000xi32> to vector<1x2000xi32>
      %reduce_min3A_458 = arith.constant dense<2147483647> : vector<1xi32>
      %reduce_min3A_459 = vector.multi_reduction <minsi>, %reduce_min3A_457, %reduce_min3A_458 [1] : vector<1x2000xi32> to vector<1xi32>
      %reduce_min3A_460 = vector.shape_cast %reduce_min3A_459 : vector<1xi32> to vector<1x1xi32>
      %reduce_min3A_461 = vector.extract %reduce_min3A_460[0, 0] : i32 from vector<1x1xi32>
      %swap3A = arith.constant 14 : index
      %swap3A_462 = memref.load %arg3[%swap3A] : memref<16xf32, #tpu.memory_space<smem>>
      memref.store %reduce_min3A_416, %arg3[%swap3A] : memref<16xf32, #tpu.memory_space<smem>>
      %swap3A_463 = arith.constant 14 : index
      %swap3A_464 = memref.load %arg4[%swap3A_463] : memref<16xi32, #tpu.memory_space<smem>>
      memref.store %reduce_min3A_461, %arg4[%swap3A_463] : memref<16xi32, #tpu.memory_space<smem>>
    } else {
    }
    %slice3A_423 = vector.extract_strided_slice %concatenate3A {offsets = [15, 0], sizes = [1, 128], strides = [1, 1]} : vector<16x128xf32> to vector<1x128xf32>
    %squeeze3A_424 = vector.shape_cast %slice3A_423 : vector<1x128xf32> to vector<128xf32>
    %broadcast_in_dim3A_425 = vector.shape_cast %squeeze3A_424 : vector<128xf32> to vector<1x128xf32>
    %sub3A_426 = vector.broadcast %broadcast_in_dim3A_425 : vector<1x128xf32> to vector<2000x128xf32>
    %sub3A_427 = arith.subf %get3A_8, %sub3A_426 : vector<2000x128xf32>
    %abs3A_428 = math.absf %sub3A_427 : vector<2000x128xf32>
    %slice3A_429 = vector.extract_strided_slice %abs3A {offsets = [15, 0], sizes = [1, 128], strides = [1, 1]} : vector<16x128xf32> to vector<1x128xf32>
    %squeeze3A_430 = vector.shape_cast %slice3A_429 : vector<1x128xf32> to vector<128xf32>
    %broadcast_in_dim3A_431 = vector.shape_cast %squeeze3A_430 : vector<128xf32> to vector<1x128xf32>
    %add3A_432 = vector.broadcast %broadcast_in_dim3A_431 : vector<1x128xf32> to vector<2000x128xf32>
    %add3A_433 = arith.addf %abs3A_9, %add3A_432 : vector<2000x128xf32>
    %max3A_434 = arith.constant 1.000000e-30 : f32
    %max3A_435 = vector.broadcast %max3A_434 : f32 to vector<2000x128xf32>
    %max3A_436 = arith.maximumf %add3A_433, %max3A_435 : vector<2000x128xf32>
    %div3A_437 = arith.divf %abs3A_428, %max3A_436 : vector<2000x128xf32>
    %reduce_sum3A_438 = arith.constant dense<0.000000e+00> : vector<2000xf32>
    %reduce_sum3A_439 = vector.multi_reduction <add>, %div3A_437, %reduce_sum3A_438 [1] : vector<2000x128xf32> to vector<2000xf32>
    %reduce_min3A_440 = vector.shape_cast %reduce_sum3A_439 : vector<2000xf32> to vector<1x2000xf32>
    %reduce_min3A_441 = arith.constant dense<0x7F800000> : vector<1xf32>
    %reduce_min3A_442 = vector.multi_reduction <minimumf>, %reduce_min3A_440, %reduce_min3A_441 [1] : vector<1x2000xf32> to vector<1xf32>
    %reduce_min3A_443 = vector.shape_cast %reduce_min3A_442 : vector<1xf32> to vector<1x1xf32>
    %reduce_min3A_444 = vector.extract %reduce_min3A_443[0, 0] : f32 from vector<1x1xf32>
    %get3A_445 = arith.constant 15 : index
    %get3A_446 = memref.load %arg3[%get3A_445] : memref<16xf32, #tpu.memory_space<smem>>
    %lt3A_447 = arith.cmpf olt, %reduce_min3A_444, %get3A_446 : f32
    %convert_element_type3A_448 = arith.extui %lt3A_447 : i1 to i32
    %cond3A_449 = arith.constant 0 : i32
    %cond3A_450 = arith.cmpi ne, %convert_element_type3A_448, %cond3A_449 : i32
    scf.if %cond3A_450 {
      %iota3A = tpu.iota {dimensions = array<i32: 1>} : vector<1x2000xi32>
      %iota3A_451 = vector.shape_cast %iota3A : vector<1x2000xi32> to vector<2000xi32>
      %add3A_452 = vector.broadcast %mul3A_10 : i32 to vector<2000xi32>
      %add3A_453 = arith.addi %iota3A_451, %add3A_452 : vector<2000xi32>
      %eq3A_454 = vector.broadcast %reduce_min3A_444 : f32 to vector<2000xf32>
      %eq3A_455 = arith.cmpf oeq, %reduce_sum3A_439, %eq3A_454 : vector<2000xf32>
      %jit3A = arith.constant 2147483647 : i32
      %broadcast_in_dim3A_456 = vector.broadcast %jit3A : i32 to vector<2000xi32>
      %select_n3A = arith.select %eq3A_455, %add3A_453, %broadcast_in_dim3A_456 : vector<2000xi1>, vector<2000xi32>
      %reduce_min3A_457 = vector.shape_cast %select_n3A : vector<2000xi32> to vector<1x2000xi32>
      %reduce_min3A_458 = arith.constant dense<2147483647> : vector<1xi32>
      %reduce_min3A_459 = vector.multi_reduction <minsi>, %reduce_min3A_457, %reduce_min3A_458 [1] : vector<1x2000xi32> to vector<1xi32>
      %reduce_min3A_460 = vector.shape_cast %reduce_min3A_459 : vector<1xi32> to vector<1x1xi32>
      %reduce_min3A_461 = vector.extract %reduce_min3A_460[0, 0] : i32 from vector<1x1xi32>
      %swap3A = arith.constant 15 : index
      %swap3A_462 = memref.load %arg3[%swap3A] : memref<16xf32, #tpu.memory_space<smem>>
      memref.store %reduce_min3A_444, %arg3[%swap3A] : memref<16xf32, #tpu.memory_space<smem>>
      %swap3A_463 = arith.constant 15 : index
      %swap3A_464 = memref.load %arg4[%swap3A_463] : memref<16xi32, #tpu.memory_space<smem>>
      memref.store %reduce_min3A_461, %arg4[%swap3A_463] : memref<16xi32, #tpu.memory_space<smem>>
    } else {
    }
    return
  }
  func.func @transform_0(%arg0: i32) -> (i32, i32) {
    %c0_i32 = arith.constant 0 : i32
    %c0_i32_0 = arith.constant 0 : i32
    %c0_i32_1 = arith.constant 0 : i32
    return %c0_i32, %c0_i32_0 : i32, i32
  }
  func.func @transform_1(%arg0: i32) -> (i32, i32) {
    %c0_i32 = arith.constant 0 : i32
    %c0_i32_0 = arith.constant 0 : i32
    return %arg0, %c0_i32 : i32, i32
  }
  func.func @transform_2(%arg0: i32) -> i32 {
    %c0_i32 = arith.constant 0 : i32
    %c0_i32_0 = arith.constant 0 : i32
    return %c0_i32 : i32
  }
  func.func @transform_3(%arg0: i32) -> i32 {
    %c0_i32 = arith.constant 0 : i32
    %c0_i32_0 = arith.constant 0 : i32
    return %c0_i32 : i32
  }
}

module attributes {stable_mosaic.version = 14 : i64} {
  func.func @_merge_body(%arg0: memref<32x256xf32, #tpu.memory_space<vmem>>, %arg1: memref<32x256xi32, #tpu.memory_space<vmem>>, %arg2: memref<16xf32, #tpu.memory_space<smem>>, %arg3: memref<16xi32, #tpu.memory_space<smem>>, %arg4: memref<100000x18xf32, #tpu.memory_space<any>>, %arg5: memref<16x18xf32, #tpu.memory_space<vmem>>, %arg6: memref<16x18xf32, #tpu.memory_space<vmem>>, %arg7: memref<!tpu.dma_semaphore, #tpu.memory_space<semaphore_mem>>) attributes {dimension_semantics = [], scalar_prefetch = 0 : i64, scratch_operands = 2 : i64, tpu.core_type = #tpu.core_type<tc>} {
    %get3A = arith.constant 0 : index
    %get3A_0 = arith.constant 0 : index
    %get3A_1 = vector.load %arg0[%get3A, %get3A_0] : memref<32x256xf32, #tpu.memory_space<vmem>>, vector<32x256xf32>
    %get3A_2 = arith.constant 0 : index
    %get3A_3 = arith.constant 0 : index
    %get3A_4 = vector.load %arg1[%get3A_2, %get3A_3] : memref<32x256xi32, #tpu.memory_space<vmem>>, vector<32x256xi32>
    %slice3A = vector.extract_strided_slice %get3A_1 {offsets = [0, 0], sizes = [32, 16], strides = [1, 1]} : vector<32x256xf32> to vector<32x16xf32>
    %slice3A_5 = vector.extract_strided_slice %get3A_4 {offsets = [0, 0], sizes = [32, 16], strides = [1, 1]} : vector<32x256xi32> to vector<32x16xi32>
    %reduce_min3A = vector.shape_cast %slice3A : vector<32x16xf32> to vector<1x32x16xf32>
    %reduce_min3A_6 = arith.constant dense<0x7F800000> : vector<1xf32>
    %reduce_min3A_7 = vector.multi_reduction <minimumf>, %reduce_min3A, %reduce_min3A_6 [1, 2] : vector<1x32x16xf32> to vector<1xf32>
    %reduce_min3A_8 = vector.shape_cast %reduce_min3A_7 : vector<1xf32> to vector<1x1x1xf32>
    %reduce_min3A_9 = vector.extract %reduce_min3A_8[0, 0, 0] : f32 from vector<1x1x1xf32>
    %eq3A = vector.broadcast %reduce_min3A_9 : f32 to vector<32x16xf32>
    %eq3A_10 = arith.cmpf oeq, %slice3A, %eq3A : vector<32x16xf32>
    %jit3A = arith.constant 2147483647 : i32
    %broadcast_in_dim3A = vector.broadcast %jit3A : i32 to vector<32x16xi32>
    %select_n3A = arith.select %eq3A_10, %slice3A_5, %broadcast_in_dim3A : vector<32x16xi1>, vector<32x16xi32>
    %reduce_min3A_11 = vector.shape_cast %select_n3A : vector<32x16xi32> to vector<1x32x16xi32>
    %reduce_min3A_12 = arith.constant dense<2147483647> : vector<1xi32>
    %reduce_min3A_13 = vector.multi_reduction <minsi>, %reduce_min3A_11, %reduce_min3A_12 [1, 2] : vector<1x32x16xi32> to vector<1xi32>
    %reduce_min3A_14 = vector.shape_cast %reduce_min3A_13 : vector<1xi32> to vector<1x1x1xi32>
    %reduce_min3A_15 = vector.extract %reduce_min3A_14[0, 0, 0] : i32 from vector<1x1x1xi32>
    %get3A_16 = arith.constant 0 : index
    %get3A_17 = memref.load %arg2[%get3A_16] : memref<16xf32, #tpu.memory_space<smem>>
    %get3A_18 = arith.constant 0 : index
    %get3A_19 = memref.load %arg3[%get3A_18] : memref<16xi32, #tpu.memory_space<smem>>
    %le3A = arith.cmpf ole, %get3A_17, %reduce_min3A_9 : f32
    %select_n3A_20 = arith.select %le3A, %get3A_17, %reduce_min3A_9 : f32
    %select_n3A_21 = arith.select %le3A, %get3A_19, %reduce_min3A_15 : i32
    %dma_start3A = arith.constant 0 : i32
    %dma_start3A_22 = arith.constant 0 : i32
    %dma_start3A_23 = tpu.memref_slice %arg6[%dma_start3A, %dma_start3A_22] : memref<16x18xf32, #tpu.memory_space<vmem>> -> memref<1x18xf32, #tpu.memory_space<vmem>>
    %dma_start3A_24 = arith.constant 0 : i32
    %dma_start3A_25 = tpu.memref_slice %arg4[%select_n3A_21, %dma_start3A_24] : memref<100000x18xf32, #tpu.memory_space<any>> -> memref<1x18xf32, #tpu.memory_space<any>>
    tpu.enqueue_dma source(%dma_start3A_25 : memref<1x18xf32, #tpu.memory_space<any>>) target(%dma_start3A_23 : memref<1x18xf32, #tpu.memory_space<vmem>>) target_semaphore(%arg7 : memref<!tpu.dma_semaphore, #tpu.memory_space<semaphore_mem>>)
    %dma_wait3A = arith.constant 0 : i32
    %dma_wait3A_26 = arith.constant 0 : i32
    %dma_wait3A_27 = tpu.memref_slice %arg6[%dma_wait3A, %dma_wait3A_26] : memref<16x18xf32, #tpu.memory_space<vmem>> -> memref<1x18xf32, #tpu.memory_space<vmem>>
    %dma_wait3A_28 = arith.constant 0 : i32
    %dma_wait3A_29 = tpu.memref_slice %arg4[%select_n3A_21, %dma_wait3A_28] : memref<100000x18xf32, #tpu.memory_space<any>> -> memref<1x18xf32, #tpu.memory_space<any>>
    tpu.wait_dma2 semaphore(%arg7 : memref<!tpu.dma_semaphore, #tpu.memory_space<semaphore_mem>>) src(%dma_wait3A_29 : memref<1x18xf32, #tpu.memory_space<any>>) dst(%dma_wait3A_27 : memref<1x18xf32, #tpu.memory_space<vmem>>)
    %get3A_30 = arith.constant 0 : index
    %get3A_31 = arith.constant 0 : index
    %get3A_32 = vector.load %arg6[%get3A_30, %get3A_31] : memref<16x18xf32, #tpu.memory_space<vmem>>, vector<1x18xf32>
    %lt3A = arith.constant 1.800000e+01 : f32
    %lt3A_33 = arith.cmpf olt, %select_n3A_20, %lt3A : f32
    %broadcast_in_dim3A_34 = arith.constant 0.000000e+00 : f32
    %broadcast_in_dim3A_35 = vector.broadcast %broadcast_in_dim3A_34 : f32 to vector<1x18xf32>
    %select_n3A_36 = arith.select %lt3A_33, %get3A_32, %broadcast_in_dim3A_35 : vector<1x18xf32>
    %swap3A = arith.constant 0 : index
    %swap3A_37 = arith.constant 0 : index
    %swap3A_38 = vector.load %arg5[%swap3A, %swap3A_37] : memref<16x18xf32, #tpu.memory_space<vmem>>, vector<1x18xf32>
    tpu.vector_store %arg5[%swap3A, %swap3A_37], %select_n3A_36 {strides = array<i32>} : memref<16x18xf32, #tpu.memory_space<vmem>>, vector<1x18xf32>,
    %slice3A_39 = vector.extract_strided_slice %get3A_1 {offsets = [0, 16], sizes = [32, 16], strides = [1, 1]} : vector<32x256xf32> to vector<32x16xf32>
    %slice3A_40 = vector.extract_strided_slice %get3A_4 {offsets = [0, 16], sizes = [32, 16], strides = [1, 1]} : vector<32x256xi32> to vector<32x16xi32>
    %reduce_min3A_41 = vector.shape_cast %slice3A_39 : vector<32x16xf32> to vector<1x32x16xf32>
    %reduce_min3A_42 = arith.constant dense<0x7F800000> : vector<1xf32>
    %reduce_min3A_43 = vector.multi_reduction <minimumf>, %reduce_min3A_41, %reduce_min3A_42 [1, 2] : vector<1x32x16xf32> to vector<1xf32>
    %reduce_min3A_44 = vector.shape_cast %reduce_min3A_43 : vector<1xf32> to vector<1x1x1xf32>
    %reduce_min3A_45 = vector.extract %reduce_min3A_44[0, 0, 0] : f32 from vector<1x1x1xf32>
    %eq3A_46 = vector.broadcast %reduce_min3A_45 : f32 to vector<32x16xf32>
    %eq3A_47 = arith.cmpf oeq, %slice3A_39, %eq3A_46 : vector<32x16xf32>
    %jit3A_48 = arith.constant 2147483647 : i32
    %broadcast_in_dim3A_49 = vector.broadcast %jit3A_48 : i32 to vector<32x16xi32>
    %select_n3A_50 = arith.select %eq3A_47, %slice3A_40, %broadcast_in_dim3A_49 : vector<32x16xi1>, vector<32x16xi32>
    %reduce_min3A_51 = vector.shape_cast %select_n3A_50 : vector<32x16xi32> to vector<1x32x16xi32>
    %reduce_min3A_52 = arith.constant dense<2147483647> : vector<1xi32>
    %reduce_min3A_53 = vector.multi_reduction <minsi>, %reduce_min3A_51, %reduce_min3A_52 [1, 2] : vector<1x32x16xi32> to vector<1xi32>
    %reduce_min3A_54 = vector.shape_cast %reduce_min3A_53 : vector<1xi32> to vector<1x1x1xi32>
    %reduce_min3A_55 = vector.extract %reduce_min3A_54[0, 0, 0] : i32 from vector<1x1x1xi32>
    %get3A_56 = arith.constant 1 : index
    %get3A_57 = memref.load %arg2[%get3A_56] : memref<16xf32, #tpu.memory_space<smem>>
    %get3A_58 = arith.constant 1 : index
    %get3A_59 = memref.load %arg3[%get3A_58] : memref<16xi32, #tpu.memory_space<smem>>
    %le3A_60 = arith.cmpf ole, %get3A_57, %reduce_min3A_45 : f32
    %select_n3A_61 = arith.select %le3A_60, %get3A_57, %reduce_min3A_45 : f32
    %select_n3A_62 = arith.select %le3A_60, %get3A_59, %reduce_min3A_55 : i32
    %dma_start3A_63 = arith.constant 1 : i32
    %dma_start3A_64 = arith.constant 0 : i32
    %dma_start3A_65 = tpu.memref_slice %arg6[%dma_start3A_63, %dma_start3A_64] : memref<16x18xf32, #tpu.memory_space<vmem>> -> memref<1x18xf32, #tpu.memory_space<vmem>>
    %dma_start3A_66 = arith.constant 0 : i32
    %dma_start3A_67 = tpu.memref_slice %arg4[%select_n3A_62, %dma_start3A_66] : memref<100000x18xf32, #tpu.memory_space<any>> -> memref<1x18xf32, #tpu.memory_space<any>>
    tpu.enqueue_dma source(%dma_start3A_67 : memref<1x18xf32, #tpu.memory_space<any>>) target(%dma_start3A_65 : memref<1x18xf32, #tpu.memory_space<vmem>>) target_semaphore(%arg7 : memref<!tpu.dma_semaphore, #tpu.memory_space<semaphore_mem>>)
    %dma_wait3A_68 = arith.constant 1 : i32
    %dma_wait3A_69 = arith.constant 0 : i32
    %dma_wait3A_70 = tpu.memref_slice %arg6[%dma_wait3A_68, %dma_wait3A_69] : memref<16x18xf32, #tpu.memory_space<vmem>> -> memref<1x18xf32, #tpu.memory_space<vmem>>
    %dma_wait3A_71 = arith.constant 0 : i32
    %dma_wait3A_72 = tpu.memref_slice %arg4[%select_n3A_62, %dma_wait3A_71] : memref<100000x18xf32, #tpu.memory_space<any>> -> memref<1x18xf32, #tpu.memory_space<any>>
    tpu.wait_dma2 semaphore(%arg7 : memref<!tpu.dma_semaphore, #tpu.memory_space<semaphore_mem>>) src(%dma_wait3A_72 : memref<1x18xf32, #tpu.memory_space<any>>) dst(%dma_wait3A_70 : memref<1x18xf32, #tpu.memory_space<vmem>>)
    %get3A_73 = arith.constant 1 : index
    %get3A_74 = arith.constant 0 : index
    %get3A_75 = vector.load %arg6[%get3A_73, %get3A_74] : memref<16x18xf32, #tpu.memory_space<vmem>>, vector<1x18xf32>
    %lt3A_76 = arith.constant 1.800000e+01 : f32
    %lt3A_77 = arith.cmpf olt, %select_n3A_61, %lt3A_76 : f32
    %broadcast_in_dim3A_78 = arith.constant 0.000000e+00 : f32
    %broadcast_in_dim3A_79 = vector.broadcast %broadcast_in_dim3A_78 : f32 to vector<1x18xf32>
    %select_n3A_80 = arith.select %lt3A_77, %get3A_75, %broadcast_in_dim3A_79 : vector<1x18xf32>
    %swap3A_81 = arith.constant 1 : index
    %swap3A_82 = arith.constant 0 : index
    %swap3A_83 = vector.load %arg5[%swap3A_81, %swap3A_82] : memref<16x18xf32, #tpu.memory_space<vmem>>, vector<1x18xf32>
    tpu.vector_store %arg5[%swap3A_81, %swap3A_82], %select_n3A_80 {strides = array<i32>} : memref<16x18xf32, #tpu.memory_space<vmem>>, vector<1x18xf32>,
    %slice3A_84 = vector.extract_strided_slice %get3A_1 {offsets = [0, 32], sizes = [32, 16], strides = [1, 1]} : vector<32x256xf32> to vector<32x16xf32>
    %slice3A_85 = vector.extract_strided_slice %get3A_4 {offsets = [0, 32], sizes = [32, 16], strides = [1, 1]} : vector<32x256xi32> to vector<32x16xi32>
    %reduce_min3A_86 = vector.shape_cast %slice3A_84 : vector<32x16xf32> to vector<1x32x16xf32>
    %reduce_min3A_87 = arith.constant dense<0x7F800000> : vector<1xf32>
    %reduce_min3A_88 = vector.multi_reduction <minimumf>, %reduce_min3A_86, %reduce_min3A_87 [1, 2] : vector<1x32x16xf32> to vector<1xf32>
    %reduce_min3A_89 = vector.shape_cast %reduce_min3A_88 : vector<1xf32> to vector<1x1x1xf32>
    %reduce_min3A_90 = vector.extract %reduce_min3A_89[0, 0, 0] : f32 from vector<1x1x1xf32>
    %eq3A_91 = vector.broadcast %reduce_min3A_90 : f32 to vector<32x16xf32>
    %eq3A_92 = arith.cmpf oeq, %slice3A_84, %eq3A_91 : vector<32x16xf32>
    %jit3A_93 = arith.constant 2147483647 : i32
    %broadcast_in_dim3A_94 = vector.broadcast %jit3A_93 : i32 to vector<32x16xi32>
    %select_n3A_95 = arith.select %eq3A_92, %slice3A_85, %broadcast_in_dim3A_94 : vector<32x16xi1>, vector<32x16xi32>
    %reduce_min3A_96 = vector.shape_cast %select_n3A_95 : vector<32x16xi32> to vector<1x32x16xi32>
    %reduce_min3A_97 = arith.constant dense<2147483647> : vector<1xi32>
    %reduce_min3A_98 = vector.multi_reduction <minsi>, %reduce_min3A_96, %reduce_min3A_97 [1, 2] : vector<1x32x16xi32> to vector<1xi32>
    %reduce_min3A_99 = vector.shape_cast %reduce_min3A_98 : vector<1xi32> to vector<1x1x1xi32>
    %reduce_min3A_100 = vector.extract %reduce_min3A_99[0, 0, 0] : i32 from vector<1x1x1xi32>
    %get3A_101 = arith.constant 2 : index
    %get3A_102 = memref.load %arg2[%get3A_101] : memref<16xf32, #tpu.memory_space<smem>>
    %get3A_103 = arith.constant 2 : index
    %get3A_104 = memref.load %arg3[%get3A_103] : memref<16xi32, #tpu.memory_space<smem>>
    %le3A_105 = arith.cmpf ole, %get3A_102, %reduce_min3A_90 : f32
    %select_n3A_106 = arith.select %le3A_105, %get3A_102, %reduce_min3A_90 : f32
    %select_n3A_107 = arith.select %le3A_105, %get3A_104, %reduce_min3A_100 : i32
    %dma_start3A_108 = arith.constant 2 : i32
    %dma_start3A_109 = arith.constant 0 : i32
    %dma_start3A_110 = tpu.memref_slice %arg6[%dma_start3A_108, %dma_start3A_109] : memref<16x18xf32, #tpu.memory_space<vmem>> -> memref<1x18xf32, #tpu.memory_space<vmem>>
    %dma_start3A_111 = arith.constant 0 : i32
    %dma_start3A_112 = tpu.memref_slice %arg4[%select_n3A_107, %dma_start3A_111] : memref<100000x18xf32, #tpu.memory_space<any>> -> memref<1x18xf32, #tpu.memory_space<any>>
    tpu.enqueue_dma source(%dma_start3A_112 : memref<1x18xf32, #tpu.memory_space<any>>) target(%dma_start3A_110 : memref<1x18xf32, #tpu.memory_space<vmem>>) target_semaphore(%arg7 : memref<!tpu.dma_semaphore, #tpu.memory_space<semaphore_mem>>)
    %dma_wait3A_113 = arith.constant 2 : i32
    %dma_wait3A_114 = arith.constant 0 : i32
    %dma_wait3A_115 = tpu.memref_slice %arg6[%dma_wait3A_113, %dma_wait3A_114] : memref<16x18xf32, #tpu.memory_space<vmem>> -> memref<1x18xf32, #tpu.memory_space<vmem>>
    %dma_wait3A_116 = arith.constant 0 : i32
    %dma_wait3A_117 = tpu.memref_slice %arg4[%select_n3A_107, %dma_wait3A_116] : memref<100000x18xf32, #tpu.memory_space<any>> -> memref<1x18xf32, #tpu.memory_space<any>>
    tpu.wait_dma2 semaphore(%arg7 : memref<!tpu.dma_semaphore, #tpu.memory_space<semaphore_mem>>) src(%dma_wait3A_117 : memref<1x18xf32, #tpu.memory_space<any>>) dst(%dma_wait3A_115 : memref<1x18xf32, #tpu.memory_space<vmem>>)
    %get3A_118 = arith.constant 2 : index
    %get3A_119 = arith.constant 0 : index
    %get3A_120 = vector.load %arg6[%get3A_118, %get3A_119] : memref<16x18xf32, #tpu.memory_space<vmem>>, vector<1x18xf32>
    %lt3A_121 = arith.constant 1.800000e+01 : f32
    %lt3A_122 = arith.cmpf olt, %select_n3A_106, %lt3A_121 : f32
    %broadcast_in_dim3A_123 = arith.constant 0.000000e+00 : f32
    %broadcast_in_dim3A_124 = vector.broadcast %broadcast_in_dim3A_123 : f32 to vector<1x18xf32>
    %select_n3A_125 = arith.select %lt3A_122, %get3A_120, %broadcast_in_dim3A_124 : vector<1x18xf32>
    %swap3A_126 = arith.constant 2 : index
    %swap3A_127 = arith.constant 0 : index
    %swap3A_128 = vector.load %arg5[%swap3A_126, %swap3A_127] : memref<16x18xf32, #tpu.memory_space<vmem>>, vector<1x18xf32>
    tpu.vector_store %arg5[%swap3A_126, %swap3A_127], %select_n3A_125 {strides = array<i32>} : memref<16x18xf32, #tpu.memory_space<vmem>>, vector<1x18xf32>,
    %slice3A_129 = vector.extract_strided_slice %get3A_1 {offsets = [0, 48], sizes = [32, 16], strides = [1, 1]} : vector<32x256xf32> to vector<32x16xf32>
    %slice3A_130 = vector.extract_strided_slice %get3A_4 {offsets = [0, 48], sizes = [32, 16], strides = [1, 1]} : vector<32x256xi32> to vector<32x16xi32>
    %reduce_min3A_131 = vector.shape_cast %slice3A_129 : vector<32x16xf32> to vector<1x32x16xf32>
    %reduce_min3A_132 = arith.constant dense<0x7F800000> : vector<1xf32>
    %reduce_min3A_133 = vector.multi_reduction <minimumf>, %reduce_min3A_131, %reduce_min3A_132 [1, 2] : vector<1x32x16xf32> to vector<1xf32>
    %reduce_min3A_134 = vector.shape_cast %reduce_min3A_133 : vector<1xf32> to vector<1x1x1xf32>
    %reduce_min3A_135 = vector.extract %reduce_min3A_134[0, 0, 0] : f32 from vector<1x1x1xf32>
    %eq3A_136 = vector.broadcast %reduce_min3A_135 : f32 to vector<32x16xf32>
    %eq3A_137 = arith.cmpf oeq, %slice3A_129, %eq3A_136 : vector<32x16xf32>
    %jit3A_138 = arith.constant 2147483647 : i32
    %broadcast_in_dim3A_139 = vector.broadcast %jit3A_138 : i32 to vector<32x16xi32>
    %select_n3A_140 = arith.select %eq3A_137, %slice3A_130, %broadcast_in_dim3A_139 : vector<32x16xi1>, vector<32x16xi32>
    %reduce_min3A_141 = vector.shape_cast %select_n3A_140 : vector<32x16xi32> to vector<1x32x16xi32>
    %reduce_min3A_142 = arith.constant dense<2147483647> : vector<1xi32>
    %reduce_min3A_143 = vector.multi_reduction <minsi>, %reduce_min3A_141, %reduce_min3A_142 [1, 2] : vector<1x32x16xi32> to vector<1xi32>
    %reduce_min3A_144 = vector.shape_cast %reduce_min3A_143 : vector<1xi32> to vector<1x1x1xi32>
    %reduce_min3A_145 = vector.extract %reduce_min3A_144[0, 0, 0] : i32 from vector<1x1x1xi32>
    %get3A_146 = arith.constant 3 : index
    %get3A_147 = memref.load %arg2[%get3A_146] : memref<16xf32, #tpu.memory_space<smem>>
    %get3A_148 = arith.constant 3 : index
    %get3A_149 = memref.load %arg3[%get3A_148] : memref<16xi32, #tpu.memory_space<smem>>
    %le3A_150 = arith.cmpf ole, %get3A_147, %reduce_min3A_135 : f32
    %select_n3A_151 = arith.select %le3A_150, %get3A_147, %reduce_min3A_135 : f32
    %select_n3A_152 = arith.select %le3A_150, %get3A_149, %reduce_min3A_145 : i32
    %dma_start3A_153 = arith.constant 3 : i32
    %dma_start3A_154 = arith.constant 0 : i32
    %dma_start3A_155 = tpu.memref_slice %arg6[%dma_start3A_153, %dma_start3A_154] : memref<16x18xf32, #tpu.memory_space<vmem>> -> memref<1x18xf32, #tpu.memory_space<vmem>>
    %dma_start3A_156 = arith.constant 0 : i32
    %dma_start3A_157 = tpu.memref_slice %arg4[%select_n3A_152, %dma_start3A_156] : memref<100000x18xf32, #tpu.memory_space<any>> -> memref<1x18xf32, #tpu.memory_space<any>>
    tpu.enqueue_dma source(%dma_start3A_157 : memref<1x18xf32, #tpu.memory_space<any>>) target(%dma_start3A_155 : memref<1x18xf32, #tpu.memory_space<vmem>>) target_semaphore(%arg7 : memref<!tpu.dma_semaphore, #tpu.memory_space<semaphore_mem>>)
    %dma_wait3A_158 = arith.constant 3 : i32
    %dma_wait3A_159 = arith.constant 0 : i32
    %dma_wait3A_160 = tpu.memref_slice %arg6[%dma_wait3A_158, %dma_wait3A_159] : memref<16x18xf32, #tpu.memory_space<vmem>> -> memref<1x18xf32, #tpu.memory_space<vmem>>
    %dma_wait3A_161 = arith.constant 0 : i32
    %dma_wait3A_162 = tpu.memref_slice %arg4[%select_n3A_152, %dma_wait3A_161] : memref<100000x18xf32, #tpu.memory_space<any>> -> memref<1x18xf32, #tpu.memory_space<any>>
    tpu.wait_dma2 semaphore(%arg7 : memref<!tpu.dma_semaphore, #tpu.memory_space<semaphore_mem>>) src(%dma_wait3A_162 : memref<1x18xf32, #tpu.memory_space<any>>) dst(%dma_wait3A_160 : memref<1x18xf32, #tpu.memory_space<vmem>>)
    %get3A_163 = arith.constant 3 : index
    %get3A_164 = arith.constant 0 : index
    %get3A_165 = vector.load %arg6[%get3A_163, %get3A_164] : memref<16x18xf32, #tpu.memory_space<vmem>>, vector<1x18xf32>
    %lt3A_166 = arith.constant 1.800000e+01 : f32
    %lt3A_167 = arith.cmpf olt, %select_n3A_151, %lt3A_166 : f32
    %broadcast_in_dim3A_168 = arith.constant 0.000000e+00 : f32
    %broadcast_in_dim3A_169 = vector.broadcast %broadcast_in_dim3A_168 : f32 to vector<1x18xf32>
    %select_n3A_170 = arith.select %lt3A_167, %get3A_165, %broadcast_in_dim3A_169 : vector<1x18xf32>
    %swap3A_171 = arith.constant 3 : index
    %swap3A_172 = arith.constant 0 : index
    %swap3A_173 = vector.load %arg5[%swap3A_171, %swap3A_172] : memref<16x18xf32, #tpu.memory_space<vmem>>, vector<1x18xf32>
    tpu.vector_store %arg5[%swap3A_171, %swap3A_172], %select_n3A_170 {strides = array<i32>} : memref<16x18xf32, #tpu.memory_space<vmem>>, vector<1x18xf32>,
    %slice3A_174 = vector.extract_strided_slice %get3A_1 {offsets = [0, 64], sizes = [32, 16], strides = [1, 1]} : vector<32x256xf32> to vector<32x16xf32>
    %slice3A_175 = vector.extract_strided_slice %get3A_4 {offsets = [0, 64], sizes = [32, 16], strides = [1, 1]} : vector<32x256xi32> to vector<32x16xi32>
    %reduce_min3A_176 = vector.shape_cast %slice3A_174 : vector<32x16xf32> to vector<1x32x16xf32>
    %reduce_min3A_177 = arith.constant dense<0x7F800000> : vector<1xf32>
    %reduce_min3A_178 = vector.multi_reduction <minimumf>, %reduce_min3A_176, %reduce_min3A_177 [1, 2] : vector<1x32x16xf32> to vector<1xf32>
    %reduce_min3A_179 = vector.shape_cast %reduce_min3A_178 : vector<1xf32> to vector<1x1x1xf32>
    %reduce_min3A_180 = vector.extract %reduce_min3A_179[0, 0, 0] : f32 from vector<1x1x1xf32>
    %eq3A_181 = vector.broadcast %reduce_min3A_180 : f32 to vector<32x16xf32>
    %eq3A_182 = arith.cmpf oeq, %slice3A_174, %eq3A_181 : vector<32x16xf32>
    %jit3A_183 = arith.constant 2147483647 : i32
    %broadcast_in_dim3A_184 = vector.broadcast %jit3A_183 : i32 to vector<32x16xi32>
    %select_n3A_185 = arith.select %eq3A_182, %slice3A_175, %broadcast_in_dim3A_184 : vector<32x16xi1>, vector<32x16xi32>
    %reduce_min3A_186 = vector.shape_cast %select_n3A_185 : vector<32x16xi32> to vector<1x32x16xi32>
    %reduce_min3A_187 = arith.constant dense<2147483647> : vector<1xi32>
    %reduce_min3A_188 = vector.multi_reduction <minsi>, %reduce_min3A_186, %reduce_min3A_187 [1, 2] : vector<1x32x16xi32> to vector<1xi32>
    %reduce_min3A_189 = vector.shape_cast %reduce_min3A_188 : vector<1xi32> to vector<1x1x1xi32>
    %reduce_min3A_190 = vector.extract %reduce_min3A_189[0, 0, 0] : i32 from vector<1x1x1xi32>
    %get3A_191 = arith.constant 4 : index
    %get3A_192 = memref.load %arg2[%get3A_191] : memref<16xf32, #tpu.memory_space<smem>>
    %get3A_193 = arith.constant 4 : index
    %get3A_194 = memref.load %arg3[%get3A_193] : memref<16xi32, #tpu.memory_space<smem>>
    %le3A_195 = arith.cmpf ole, %get3A_192, %reduce_min3A_180 : f32
    %select_n3A_196 = arith.select %le3A_195, %get3A_192, %reduce_min3A_180 : f32
    %select_n3A_197 = arith.select %le3A_195, %get3A_194, %reduce_min3A_190 : i32
    %dma_start3A_198 = arith.constant 4 : i32
    %dma_start3A_199 = arith.constant 0 : i32
    %dma_start3A_200 = tpu.memref_slice %arg6[%dma_start3A_198, %dma_start3A_199] : memref<16x18xf32, #tpu.memory_space<vmem>> -> memref<1x18xf32, #tpu.memory_space<vmem>>
    %dma_start3A_201 = arith.constant 0 : i32
    %dma_start3A_202 = tpu.memref_slice %arg4[%select_n3A_197, %dma_start3A_201] : memref<100000x18xf32, #tpu.memory_space<any>> -> memref<1x18xf32, #tpu.memory_space<any>>
    tpu.enqueue_dma source(%dma_start3A_202 : memref<1x18xf32, #tpu.memory_space<any>>) target(%dma_start3A_200 : memref<1x18xf32, #tpu.memory_space<vmem>>) target_semaphore(%arg7 : memref<!tpu.dma_semaphore, #tpu.memory_space<semaphore_mem>>)
    %dma_wait3A_203 = arith.constant 4 : i32
    %dma_wait3A_204 = arith.constant 0 : i32
    %dma_wait3A_205 = tpu.memref_slice %arg6[%dma_wait3A_203, %dma_wait3A_204] : memref<16x18xf32, #tpu.memory_space<vmem>> -> memref<1x18xf32, #tpu.memory_space<vmem>>
    %dma_wait3A_206 = arith.constant 0 : i32
    %dma_wait3A_207 = tpu.memref_slice %arg4[%select_n3A_197, %dma_wait3A_206] : memref<100000x18xf32, #tpu.memory_space<any>> -> memref<1x18xf32, #tpu.memory_space<any>>
    tpu.wait_dma2 semaphore(%arg7 : memref<!tpu.dma_semaphore, #tpu.memory_space<semaphore_mem>>) src(%dma_wait3A_207 : memref<1x18xf32, #tpu.memory_space<any>>) dst(%dma_wait3A_205 : memref<1x18xf32, #tpu.memory_space<vmem>>)
    %get3A_208 = arith.constant 4 : index
    %get3A_209 = arith.constant 0 : index
    %get3A_210 = vector.load %arg6[%get3A_208, %get3A_209] : memref<16x18xf32, #tpu.memory_space<vmem>>, vector<1x18xf32>
    %lt3A_211 = arith.constant 1.800000e+01 : f32
    %lt3A_212 = arith.cmpf olt, %select_n3A_196, %lt3A_211 : f32
    %broadcast_in_dim3A_213 = arith.constant 0.000000e+00 : f32
    %broadcast_in_dim3A_214 = vector.broadcast %broadcast_in_dim3A_213 : f32 to vector<1x18xf32>
    %select_n3A_215 = arith.select %lt3A_212, %get3A_210, %broadcast_in_dim3A_214 : vector<1x18xf32>
    %swap3A_216 = arith.constant 4 : index
    %swap3A_217 = arith.constant 0 : index
    %swap3A_218 = vector.load %arg5[%swap3A_216, %swap3A_217] : memref<16x18xf32, #tpu.memory_space<vmem>>, vector<1x18xf32>
    tpu.vector_store %arg5[%swap3A_216, %swap3A_217], %select_n3A_215 {strides = array<i32>} : memref<16x18xf32, #tpu.memory_space<vmem>>, vector<1x18xf32>,
    %slice3A_219 = vector.extract_strided_slice %get3A_1 {offsets = [0, 80], sizes = [32, 16], strides = [1, 1]} : vector<32x256xf32> to vector<32x16xf32>
    %slice3A_220 = vector.extract_strided_slice %get3A_4 {offsets = [0, 80], sizes = [32, 16], strides = [1, 1]} : vector<32x256xi32> to vector<32x16xi32>
    %reduce_min3A_221 = vector.shape_cast %slice3A_219 : vector<32x16xf32> to vector<1x32x16xf32>
    %reduce_min3A_222 = arith.constant dense<0x7F800000> : vector<1xf32>
    %reduce_min3A_223 = vector.multi_reduction <minimumf>, %reduce_min3A_221, %reduce_min3A_222 [1, 2] : vector<1x32x16xf32> to vector<1xf32>
    %reduce_min3A_224 = vector.shape_cast %reduce_min3A_223 : vector<1xf32> to vector<1x1x1xf32>
    %reduce_min3A_225 = vector.extract %reduce_min3A_224[0, 0, 0] : f32 from vector<1x1x1xf32>
    %eq3A_226 = vector.broadcast %reduce_min3A_225 : f32 to vector<32x16xf32>
    %eq3A_227 = arith.cmpf oeq, %slice3A_219, %eq3A_226 : vector<32x16xf32>
    %jit3A_228 = arith.constant 2147483647 : i32
    %broadcast_in_dim3A_229 = vector.broadcast %jit3A_228 : i32 to vector<32x16xi32>
    %select_n3A_230 = arith.select %eq3A_227, %slice3A_220, %broadcast_in_dim3A_229 : vector<32x16xi1>, vector<32x16xi32>
    %reduce_min3A_231 = vector.shape_cast %select_n3A_230 : vector<32x16xi32> to vector<1x32x16xi32>
    %reduce_min3A_232 = arith.constant dense<2147483647> : vector<1xi32>
    %reduce_min3A_233 = vector.multi_reduction <minsi>, %reduce_min3A_231, %reduce_min3A_232 [1, 2] : vector<1x32x16xi32> to vector<1xi32>
    %reduce_min3A_234 = vector.shape_cast %reduce_min3A_233 : vector<1xi32> to vector<1x1x1xi32>
    %reduce_min3A_235 = vector.extract %reduce_min3A_234[0, 0, 0] : i32 from vector<1x1x1xi32>
    %get3A_236 = arith.constant 5 : index
    %get3A_237 = memref.load %arg2[%get3A_236] : memref<16xf32, #tpu.memory_space<smem>>
    %get3A_238 = arith.constant 5 : index
    %get3A_239 = memref.load %arg3[%get3A_238] : memref<16xi32, #tpu.memory_space<smem>>
    %le3A_240 = arith.cmpf ole, %get3A_237, %reduce_min3A_225 : f32
    %select_n3A_241 = arith.select %le3A_240, %get3A_237, %reduce_min3A_225 : f32
    %select_n3A_242 = arith.select %le3A_240, %get3A_239, %reduce_min3A_235 : i32
    %dma_start3A_243 = arith.constant 5 : i32
    %dma_start3A_244 = arith.constant 0 : i32
    %dma_start3A_245 = tpu.memref_slice %arg6[%dma_start3A_243, %dma_start3A_244] : memref<16x18xf32, #tpu.memory_space<vmem>> -> memref<1x18xf32, #tpu.memory_space<vmem>>
    %dma_start3A_246 = arith.constant 0 : i32
    %dma_start3A_247 = tpu.memref_slice %arg4[%select_n3A_242, %dma_start3A_246] : memref<100000x18xf32, #tpu.memory_space<any>> -> memref<1x18xf32, #tpu.memory_space<any>>
    tpu.enqueue_dma source(%dma_start3A_247 : memref<1x18xf32, #tpu.memory_space<any>>) target(%dma_start3A_245 : memref<1x18xf32, #tpu.memory_space<vmem>>) target_semaphore(%arg7 : memref<!tpu.dma_semaphore, #tpu.memory_space<semaphore_mem>>)
    %dma_wait3A_248 = arith.constant 5 : i32
    %dma_wait3A_249 = arith.constant 0 : i32
    %dma_wait3A_250 = tpu.memref_slice %arg6[%dma_wait3A_248, %dma_wait3A_249] : memref<16x18xf32, #tpu.memory_space<vmem>> -> memref<1x18xf32, #tpu.memory_space<vmem>>
    %dma_wait3A_251 = arith.constant 0 : i32
    %dma_wait3A_252 = tpu.memref_slice %arg4[%select_n3A_242, %dma_wait3A_251] : memref<100000x18xf32, #tpu.memory_space<any>> -> memref<1x18xf32, #tpu.memory_space<any>>
    tpu.wait_dma2 semaphore(%arg7 : memref<!tpu.dma_semaphore, #tpu.memory_space<semaphore_mem>>) src(%dma_wait3A_252 : memref<1x18xf32, #tpu.memory_space<any>>) dst(%dma_wait3A_250 : memref<1x18xf32, #tpu.memory_space<vmem>>)
    %get3A_253 = arith.constant 5 : index
    %get3A_254 = arith.constant 0 : index
    %get3A_255 = vector.load %arg6[%get3A_253, %get3A_254] : memref<16x18xf32, #tpu.memory_space<vmem>>, vector<1x18xf32>
    %lt3A_256 = arith.constant 1.800000e+01 : f32
    %lt3A_257 = arith.cmpf olt, %select_n3A_241, %lt3A_256 : f32
    %broadcast_in_dim3A_258 = arith.constant 0.000000e+00 : f32
    %broadcast_in_dim3A_259 = vector.broadcast %broadcast_in_dim3A_258 : f32 to vector<1x18xf32>
    %select_n3A_260 = arith.select %lt3A_257, %get3A_255, %broadcast_in_dim3A_259 : vector<1x18xf32>
    %swap3A_261 = arith.constant 5 : index
    %swap3A_262 = arith.constant 0 : index
    %swap3A_263 = vector.load %arg5[%swap3A_261, %swap3A_262] : memref<16x18xf32, #tpu.memory_space<vmem>>, vector<1x18xf32>
    tpu.vector_store %arg5[%swap3A_261, %swap3A_262], %select_n3A_260 {strides = array<i32>} : memref<16x18xf32, #tpu.memory_space<vmem>>, vector<1x18xf32>,
    %slice3A_264 = vector.extract_strided_slice %get3A_1 {offsets = [0, 96], sizes = [32, 16], strides = [1, 1]} : vector<32x256xf32> to vector<32x16xf32>
    %slice3A_265 = vector.extract_strided_slice %get3A_4 {offsets = [0, 96], sizes = [32, 16], strides = [1, 1]} : vector<32x256xi32> to vector<32x16xi32>
    %reduce_min3A_266 = vector.shape_cast %slice3A_264 : vector<32x16xf32> to vector<1x32x16xf32>
    %reduce_min3A_267 = arith.constant dense<0x7F800000> : vector<1xf32>
    %reduce_min3A_268 = vector.multi_reduction <minimumf>, %reduce_min3A_266, %reduce_min3A_267 [1, 2] : vector<1x32x16xf32> to vector<1xf32>
    %reduce_min3A_269 = vector.shape_cast %reduce_min3A_268 : vector<1xf32> to vector<1x1x1xf32>
    %reduce_min3A_270 = vector.extract %reduce_min3A_269[0, 0, 0] : f32 from vector<1x1x1xf32>
    %eq3A_271 = vector.broadcast %reduce_min3A_270 : f32 to vector<32x16xf32>
    %eq3A_272 = arith.cmpf oeq, %slice3A_264, %eq3A_271 : vector<32x16xf32>
    %jit3A_273 = arith.constant 2147483647 : i32
    %broadcast_in_dim3A_274 = vector.broadcast %jit3A_273 : i32 to vector<32x16xi32>
    %select_n3A_275 = arith.select %eq3A_272, %slice3A_265, %broadcast_in_dim3A_274 : vector<32x16xi1>, vector<32x16xi32>
    %reduce_min3A_276 = vector.shape_cast %select_n3A_275 : vector<32x16xi32> to vector<1x32x16xi32>
    %reduce_min3A_277 = arith.constant dense<2147483647> : vector<1xi32>
    %reduce_min3A_278 = vector.multi_reduction <minsi>, %reduce_min3A_276, %reduce_min3A_277 [1, 2] : vector<1x32x16xi32> to vector<1xi32>
    %reduce_min3A_279 = vector.shape_cast %reduce_min3A_278 : vector<1xi32> to vector<1x1x1xi32>
    %reduce_min3A_280 = vector.extract %reduce_min3A_279[0, 0, 0] : i32 from vector<1x1x1xi32>
    %get3A_281 = arith.constant 6 : index
    %get3A_282 = memref.load %arg2[%get3A_281] : memref<16xf32, #tpu.memory_space<smem>>
    %get3A_283 = arith.constant 6 : index
    %get3A_284 = memref.load %arg3[%get3A_283] : memref<16xi32, #tpu.memory_space<smem>>
    %le3A_285 = arith.cmpf ole, %get3A_282, %reduce_min3A_270 : f32
    %select_n3A_286 = arith.select %le3A_285, %get3A_282, %reduce_min3A_270 : f32
    %select_n3A_287 = arith.select %le3A_285, %get3A_284, %reduce_min3A_280 : i32
    %dma_start3A_288 = arith.constant 6 : i32
    %dma_start3A_289 = arith.constant 0 : i32
    %dma_start3A_290 = tpu.memref_slice %arg6[%dma_start3A_288, %dma_start3A_289] : memref<16x18xf32, #tpu.memory_space<vmem>> -> memref<1x18xf32, #tpu.memory_space<vmem>>
    %dma_start3A_291 = arith.constant 0 : i32
    %dma_start3A_292 = tpu.memref_slice %arg4[%select_n3A_287, %dma_start3A_291] : memref<100000x18xf32, #tpu.memory_space<any>> -> memref<1x18xf32, #tpu.memory_space<any>>
    tpu.enqueue_dma source(%dma_start3A_292 : memref<1x18xf32, #tpu.memory_space<any>>) target(%dma_start3A_290 : memref<1x18xf32, #tpu.memory_space<vmem>>) target_semaphore(%arg7 : memref<!tpu.dma_semaphore, #tpu.memory_space<semaphore_mem>>)
    %dma_wait3A_293 = arith.constant 6 : i32
    %dma_wait3A_294 = arith.constant 0 : i32
    %dma_wait3A_295 = tpu.memref_slice %arg6[%dma_wait3A_293, %dma_wait3A_294] : memref<16x18xf32, #tpu.memory_space<vmem>> -> memref<1x18xf32, #tpu.memory_space<vmem>>
    %dma_wait3A_296 = arith.constant 0 : i32
    %dma_wait3A_297 = tpu.memref_slice %arg4[%select_n3A_287, %dma_wait3A_296] : memref<100000x18xf32, #tpu.memory_space<any>> -> memref<1x18xf32, #tpu.memory_space<any>>
    tpu.wait_dma2 semaphore(%arg7 : memref<!tpu.dma_semaphore, #tpu.memory_space<semaphore_mem>>) src(%dma_wait3A_297 : memref<1x18xf32, #tpu.memory_space<any>>) dst(%dma_wait3A_295 : memref<1x18xf32, #tpu.memory_space<vmem>>)
    %get3A_298 = arith.constant 6 : index
    %get3A_299 = arith.constant 0 : index
    %get3A_300 = vector.load %arg6[%get3A_298, %get3A_299] : memref<16x18xf32, #tpu.memory_space<vmem>>, vector<1x18xf32>
    %lt3A_301 = arith.constant 1.800000e+01 : f32
    %lt3A_302 = arith.cmpf olt, %select_n3A_286, %lt3A_301 : f32
    %broadcast_in_dim3A_303 = arith.constant 0.000000e+00 : f32
    %broadcast_in_dim3A_304 = vector.broadcast %broadcast_in_dim3A_303 : f32 to vector<1x18xf32>
    %select_n3A_305 = arith.select %lt3A_302, %get3A_300, %broadcast_in_dim3A_304 : vector<1x18xf32>
    %swap3A_306 = arith.constant 6 : index
    %swap3A_307 = arith.constant 0 : index
    %swap3A_308 = vector.load %arg5[%swap3A_306, %swap3A_307] : memref<16x18xf32, #tpu.memory_space<vmem>>, vector<1x18xf32>
    tpu.vector_store %arg5[%swap3A_306, %swap3A_307], %select_n3A_305 {strides = array<i32>} : memref<16x18xf32, #tpu.memory_space<vmem>>, vector<1x18xf32>,
    %slice3A_309 = vector.extract_strided_slice %get3A_1 {offsets = [0, 112], sizes = [32, 16], strides = [1, 1]} : vector<32x256xf32> to vector<32x16xf32>
    %slice3A_310 = vector.extract_strided_slice %get3A_4 {offsets = [0, 112], sizes = [32, 16], strides = [1, 1]} : vector<32x256xi32> to vector<32x16xi32>
    %reduce_min3A_311 = vector.shape_cast %slice3A_309 : vector<32x16xf32> to vector<1x32x16xf32>
    %reduce_min3A_312 = arith.constant dense<0x7F800000> : vector<1xf32>
    %reduce_min3A_313 = vector.multi_reduction <minimumf>, %reduce_min3A_311, %reduce_min3A_312 [1, 2] : vector<1x32x16xf32> to vector<1xf32>
    %reduce_min3A_314 = vector.shape_cast %reduce_min3A_313 : vector<1xf32> to vector<1x1x1xf32>
    %reduce_min3A_315 = vector.extract %reduce_min3A_314[0, 0, 0] : f32 from vector<1x1x1xf32>
    %eq3A_316 = vector.broadcast %reduce_min3A_315 : f32 to vector<32x16xf32>
    %eq3A_317 = arith.cmpf oeq, %slice3A_309, %eq3A_316 : vector<32x16xf32>
    %jit3A_318 = arith.constant 2147483647 : i32
    %broadcast_in_dim3A_319 = vector.broadcast %jit3A_318 : i32 to vector<32x16xi32>
    %select_n3A_320 = arith.select %eq3A_317, %slice3A_310, %broadcast_in_dim3A_319 : vector<32x16xi1>, vector<32x16xi32>
    %reduce_min3A_321 = vector.shape_cast %select_n3A_320 : vector<32x16xi32> to vector<1x32x16xi32>
    %reduce_min3A_322 = arith.constant dense<2147483647> : vector<1xi32>
    %reduce_min3A_323 = vector.multi_reduction <minsi>, %reduce_min3A_321, %reduce_min3A_322 [1, 2] : vector<1x32x16xi32> to vector<1xi32>
    %reduce_min3A_324 = vector.shape_cast %reduce_min3A_323 : vector<1xi32> to vector<1x1x1xi32>
    %reduce_min3A_325 = vector.extract %reduce_min3A_324[0, 0, 0] : i32 from vector<1x1x1xi32>
    %get3A_326 = arith.constant 7 : index
    %get3A_327 = memref.load %arg2[%get3A_326] : memref<16xf32, #tpu.memory_space<smem>>
    %get3A_328 = arith.constant 7 : index
    %get3A_329 = memref.load %arg3[%get3A_328] : memref<16xi32, #tpu.memory_space<smem>>
    %le3A_330 = arith.cmpf ole, %get3A_327, %reduce_min3A_315 : f32
    %select_n3A_331 = arith.select %le3A_330, %get3A_327, %reduce_min3A_315 : f32
    %select_n3A_332 = arith.select %le3A_330, %get3A_329, %reduce_min3A_325 : i32
    %dma_start3A_333 = arith.constant 7 : i32
    %dma_start3A_334 = arith.constant 0 : i32
    %dma_start3A_335 = tpu.memref_slice %arg6[%dma_start3A_333, %dma_start3A_334] : memref<16x18xf32, #tpu.memory_space<vmem>> -> memref<1x18xf32, #tpu.memory_space<vmem>>
    %dma_start3A_336 = arith.constant 0 : i32
    %dma_start3A_337 = tpu.memref_slice %arg4[%select_n3A_332, %dma_start3A_336] : memref<100000x18xf32, #tpu.memory_space<any>> -> memref<1x18xf32, #tpu.memory_space<any>>
    tpu.enqueue_dma source(%dma_start3A_337 : memref<1x18xf32, #tpu.memory_space<any>>) target(%dma_start3A_335 : memref<1x18xf32, #tpu.memory_space<vmem>>) target_semaphore(%arg7 : memref<!tpu.dma_semaphore, #tpu.memory_space<semaphore_mem>>)
    %dma_wait3A_338 = arith.constant 7 : i32
    %dma_wait3A_339 = arith.constant 0 : i32
    %dma_wait3A_340 = tpu.memref_slice %arg6[%dma_wait3A_338, %dma_wait3A_339] : memref<16x18xf32, #tpu.memory_space<vmem>> -> memref<1x18xf32, #tpu.memory_space<vmem>>
    %dma_wait3A_341 = arith.constant 0 : i32
    %dma_wait3A_342 = tpu.memref_slice %arg4[%select_n3A_332, %dma_wait3A_341] : memref<100000x18xf32, #tpu.memory_space<any>> -> memref<1x18xf32, #tpu.memory_space<any>>
    tpu.wait_dma2 semaphore(%arg7 : memref<!tpu.dma_semaphore, #tpu.memory_space<semaphore_mem>>) src(%dma_wait3A_342 : memref<1x18xf32, #tpu.memory_space<any>>) dst(%dma_wait3A_340 : memref<1x18xf32, #tpu.memory_space<vmem>>)
    %get3A_343 = arith.constant 7 : index
    %get3A_344 = arith.constant 0 : index
    %get3A_345 = vector.load %arg6[%get3A_343, %get3A_344] : memref<16x18xf32, #tpu.memory_space<vmem>>, vector<1x18xf32>
    %lt3A_346 = arith.constant 1.800000e+01 : f32
    %lt3A_347 = arith.cmpf olt, %select_n3A_331, %lt3A_346 : f32
    %broadcast_in_dim3A_348 = arith.constant 0.000000e+00 : f32
    %broadcast_in_dim3A_349 = vector.broadcast %broadcast_in_dim3A_348 : f32 to vector<1x18xf32>
    %select_n3A_350 = arith.select %lt3A_347, %get3A_345, %broadcast_in_dim3A_349 : vector<1x18xf32>
    %swap3A_351 = arith.constant 7 : index
    %swap3A_352 = arith.constant 0 : index
    %swap3A_353 = vector.load %arg5[%swap3A_351, %swap3A_352] : memref<16x18xf32, #tpu.memory_space<vmem>>, vector<1x18xf32>
    tpu.vector_store %arg5[%swap3A_351, %swap3A_352], %select_n3A_350 {strides = array<i32>} : memref<16x18xf32, #tpu.memory_space<vmem>>, vector<1x18xf32>,
    %slice3A_354 = vector.extract_strided_slice %get3A_1 {offsets = [0, 128], sizes = [32, 16], strides = [1, 1]} : vector<32x256xf32> to vector<32x16xf32>
    %slice3A_355 = vector.extract_strided_slice %get3A_4 {offsets = [0, 128], sizes = [32, 16], strides = [1, 1]} : vector<32x256xi32> to vector<32x16xi32>
    %reduce_min3A_356 = vector.shape_cast %slice3A_354 : vector<32x16xf32> to vector<1x32x16xf32>
    %reduce_min3A_357 = arith.constant dense<0x7F800000> : vector<1xf32>
    %reduce_min3A_358 = vector.multi_reduction <minimumf>, %reduce_min3A_356, %reduce_min3A_357 [1, 2] : vector<1x32x16xf32> to vector<1xf32>
    %reduce_min3A_359 = vector.shape_cast %reduce_min3A_358 : vector<1xf32> to vector<1x1x1xf32>
    %reduce_min3A_360 = vector.extract %reduce_min3A_359[0, 0, 0] : f32 from vector<1x1x1xf32>
    %eq3A_361 = vector.broadcast %reduce_min3A_360 : f32 to vector<32x16xf32>
    %eq3A_362 = arith.cmpf oeq, %slice3A_354, %eq3A_361 : vector<32x16xf32>
    %jit3A_363 = arith.constant 2147483647 : i32
    %broadcast_in_dim3A_364 = vector.broadcast %jit3A_363 : i32 to vector<32x16xi32>
    %select_n3A_365 = arith.select %eq3A_362, %slice3A_355, %broadcast_in_dim3A_364 : vector<32x16xi1>, vector<32x16xi32>
    %reduce_min3A_366 = vector.shape_cast %select_n3A_365 : vector<32x16xi32> to vector<1x32x16xi32>
    %reduce_min3A_367 = arith.constant dense<2147483647> : vector<1xi32>
    %reduce_min3A_368 = vector.multi_reduction <minsi>, %reduce_min3A_366, %reduce_min3A_367 [1, 2] : vector<1x32x16xi32> to vector<1xi32>
    %reduce_min3A_369 = vector.shape_cast %reduce_min3A_368 : vector<1xi32> to vector<1x1x1xi32>
    %reduce_min3A_370 = vector.extract %reduce_min3A_369[0, 0, 0] : i32 from vector<1x1x1xi32>
    %get3A_371 = arith.constant 8 : index
    %get3A_372 = memref.load %arg2[%get3A_371] : memref<16xf32, #tpu.memory_space<smem>>
    %get3A_373 = arith.constant 8 : index
    %get3A_374 = memref.load %arg3[%get3A_373] : memref<16xi32, #tpu.memory_space<smem>>
    %le3A_375 = arith.cmpf ole, %get3A_372, %reduce_min3A_360 : f32
    %select_n3A_376 = arith.select %le3A_375, %get3A_372, %reduce_min3A_360 : f32
    %select_n3A_377 = arith.select %le3A_375, %get3A_374, %reduce_min3A_370 : i32
    %dma_start3A_378 = arith.constant 8 : i32
    %dma_start3A_379 = arith.constant 0 : i32
    %dma_start3A_380 = tpu.memref_slice %arg6[%dma_start3A_378, %dma_start3A_379] : memref<16x18xf32, #tpu.memory_space<vmem>> -> memref<1x18xf32, #tpu.memory_space<vmem>>
    %dma_start3A_381 = arith.constant 0 : i32
    %dma_start3A_382 = tpu.memref_slice %arg4[%select_n3A_377, %dma_start3A_381] : memref<100000x18xf32, #tpu.memory_space<any>> -> memref<1x18xf32, #tpu.memory_space<any>>
    tpu.enqueue_dma source(%dma_start3A_382 : memref<1x18xf32, #tpu.memory_space<any>>) target(%dma_start3A_380 : memref<1x18xf32, #tpu.memory_space<vmem>>) target_semaphore(%arg7 : memref<!tpu.dma_semaphore, #tpu.memory_space<semaphore_mem>>)
    %dma_wait3A_383 = arith.constant 8 : i32
    %dma_wait3A_384 = arith.constant 0 : i32
    %dma_wait3A_385 = tpu.memref_slice %arg6[%dma_wait3A_383, %dma_wait3A_384] : memref<16x18xf32, #tpu.memory_space<vmem>> -> memref<1x18xf32, #tpu.memory_space<vmem>>
    %dma_wait3A_386 = arith.constant 0 : i32
    %dma_wait3A_387 = tpu.memref_slice %arg4[%select_n3A_377, %dma_wait3A_386] : memref<100000x18xf32, #tpu.memory_space<any>> -> memref<1x18xf32, #tpu.memory_space<any>>
    tpu.wait_dma2 semaphore(%arg7 : memref<!tpu.dma_semaphore, #tpu.memory_space<semaphore_mem>>) src(%dma_wait3A_387 : memref<1x18xf32, #tpu.memory_space<any>>) dst(%dma_wait3A_385 : memref<1x18xf32, #tpu.memory_space<vmem>>)
    %get3A_388 = arith.constant 8 : index
    %get3A_389 = arith.constant 0 : index
    %get3A_390 = vector.load %arg6[%get3A_388, %get3A_389] : memref<16x18xf32, #tpu.memory_space<vmem>>, vector<1x18xf32>
    %lt3A_391 = arith.constant 1.800000e+01 : f32
    %lt3A_392 = arith.cmpf olt, %select_n3A_376, %lt3A_391 : f32
    %broadcast_in_dim3A_393 = arith.constant 0.000000e+00 : f32
    %broadcast_in_dim3A_394 = vector.broadcast %broadcast_in_dim3A_393 : f32 to vector<1x18xf32>
    %select_n3A_395 = arith.select %lt3A_392, %get3A_390, %broadcast_in_dim3A_394 : vector<1x18xf32>
    %swap3A_396 = arith.constant 8 : index
    %swap3A_397 = arith.constant 0 : index
    %swap3A_398 = vector.load %arg5[%swap3A_396, %swap3A_397] : memref<16x18xf32, #tpu.memory_space<vmem>>, vector<1x18xf32>
    tpu.vector_store %arg5[%swap3A_396, %swap3A_397], %select_n3A_395 {strides = array<i32>} : memref<16x18xf32, #tpu.memory_space<vmem>>, vector<1x18xf32>,
    %slice3A_399 = vector.extract_strided_slice %get3A_1 {offsets = [0, 144], sizes = [32, 16], strides = [1, 1]} : vector<32x256xf32> to vector<32x16xf32>
    %slice3A_400 = vector.extract_strided_slice %get3A_4 {offsets = [0, 144], sizes = [32, 16], strides = [1, 1]} : vector<32x256xi32> to vector<32x16xi32>
    %reduce_min3A_401 = vector.shape_cast %slice3A_399 : vector<32x16xf32> to vector<1x32x16xf32>
    %reduce_min3A_402 = arith.constant dense<0x7F800000> : vector<1xf32>
    %reduce_min3A_403 = vector.multi_reduction <minimumf>, %reduce_min3A_401, %reduce_min3A_402 [1, 2] : vector<1x32x16xf32> to vector<1xf32>
    %reduce_min3A_404 = vector.shape_cast %reduce_min3A_403 : vector<1xf32> to vector<1x1x1xf32>
    %reduce_min3A_405 = vector.extract %reduce_min3A_404[0, 0, 0] : f32 from vector<1x1x1xf32>
    %eq3A_406 = vector.broadcast %reduce_min3A_405 : f32 to vector<32x16xf32>
    %eq3A_407 = arith.cmpf oeq, %slice3A_399, %eq3A_406 : vector<32x16xf32>
    %jit3A_408 = arith.constant 2147483647 : i32
    %broadcast_in_dim3A_409 = vector.broadcast %jit3A_408 : i32 to vector<32x16xi32>
    %select_n3A_410 = arith.select %eq3A_407, %slice3A_400, %broadcast_in_dim3A_409 : vector<32x16xi1>, vector<32x16xi32>
    %reduce_min3A_411 = vector.shape_cast %select_n3A_410 : vector<32x16xi32> to vector<1x32x16xi32>
    %reduce_min3A_412 = arith.constant dense<2147483647> : vector<1xi32>
    %reduce_min3A_413 = vector.multi_reduction <minsi>, %reduce_min3A_411, %reduce_min3A_412 [1, 2] : vector<1x32x16xi32> to vector<1xi32>
    %reduce_min3A_414 = vector.shape_cast %reduce_min3A_413 : vector<1xi32> to vector<1x1x1xi32>
    %reduce_min3A_415 = vector.extract %reduce_min3A_414[0, 0, 0] : i32 from vector<1x1x1xi32>
    %get3A_416 = arith.constant 9 : index
    %get3A_417 = memref.load %arg2[%get3A_416] : memref<16xf32, #tpu.memory_space<smem>>
    %get3A_418 = arith.constant 9 : index
    %get3A_419 = memref.load %arg3[%get3A_418] : memref<16xi32, #tpu.memory_space<smem>>
    %le3A_420 = arith.cmpf ole, %get3A_417, %reduce_min3A_405 : f32
    %select_n3A_421 = arith.select %le3A_420, %get3A_417, %reduce_min3A_405 : f32
    %select_n3A_422 = arith.select %le3A_420, %get3A_419, %reduce_min3A_415 : i32
    %dma_start3A_423 = arith.constant 9 : i32
    %dma_start3A_424 = arith.constant 0 : i32
    %dma_start3A_425 = tpu.memref_slice %arg6[%dma_start3A_423, %dma_start3A_424] : memref<16x18xf32, #tpu.memory_space<vmem>> -> memref<1x18xf32, #tpu.memory_space<vmem>>
    %dma_start3A_426 = arith.constant 0 : i32
    %dma_start3A_427 = tpu.memref_slice %arg4[%select_n3A_422, %dma_start3A_426] : memref<100000x18xf32, #tpu.memory_space<any>> -> memref<1x18xf32, #tpu.memory_space<any>>
    tpu.enqueue_dma source(%dma_start3A_427 : memref<1x18xf32, #tpu.memory_space<any>>) target(%dma_start3A_425 : memref<1x18xf32, #tpu.memory_space<vmem>>) target_semaphore(%arg7 : memref<!tpu.dma_semaphore, #tpu.memory_space<semaphore_mem>>)
    %dma_wait3A_428 = arith.constant 9 : i32
    %dma_wait3A_429 = arith.constant 0 : i32
    %dma_wait3A_430 = tpu.memref_slice %arg6[%dma_wait3A_428, %dma_wait3A_429] : memref<16x18xf32, #tpu.memory_space<vmem>> -> memref<1x18xf32, #tpu.memory_space<vmem>>
    %dma_wait3A_431 = arith.constant 0 : i32
    %dma_wait3A_432 = tpu.memref_slice %arg4[%select_n3A_422, %dma_wait3A_431] : memref<100000x18xf32, #tpu.memory_space<any>> -> memref<1x18xf32, #tpu.memory_space<any>>
    tpu.wait_dma2 semaphore(%arg7 : memref<!tpu.dma_semaphore, #tpu.memory_space<semaphore_mem>>) src(%dma_wait3A_432 : memref<1x18xf32, #tpu.memory_space<any>>) dst(%dma_wait3A_430 : memref<1x18xf32, #tpu.memory_space<vmem>>)
    %get3A_433 = arith.constant 9 : index
    %get3A_434 = arith.constant 0 : index
    %get3A_435 = vector.load %arg6[%get3A_433, %get3A_434] : memref<16x18xf32, #tpu.memory_space<vmem>>, vector<1x18xf32>
    %lt3A_436 = arith.constant 1.800000e+01 : f32
    %lt3A_437 = arith.cmpf olt, %select_n3A_421, %lt3A_436 : f32
    %broadcast_in_dim3A_438 = arith.constant 0.000000e+00 : f32
    %broadcast_in_dim3A_439 = vector.broadcast %broadcast_in_dim3A_438 : f32 to vector<1x18xf32>
    %select_n3A_440 = arith.select %lt3A_437, %get3A_435, %broadcast_in_dim3A_439 : vector<1x18xf32>
    %swap3A_441 = arith.constant 9 : index
    %swap3A_442 = arith.constant 0 : index
    %swap3A_443 = vector.load %arg5[%swap3A_441, %swap3A_442] : memref<16x18xf32, #tpu.memory_space<vmem>>, vector<1x18xf32>
    tpu.vector_store %arg5[%swap3A_441, %swap3A_442], %select_n3A_440 {strides = array<i32>} : memref<16x18xf32, #tpu.memory_space<vmem>>, vector<1x18xf32>,
    %slice3A_444 = vector.extract_strided_slice %get3A_1 {offsets = [0, 160], sizes = [32, 16], strides = [1, 1]} : vector<32x256xf32> to vector<32x16xf32>
    %slice3A_445 = vector.extract_strided_slice %get3A_4 {offsets = [0, 160], sizes = [32, 16], strides = [1, 1]} : vector<32x256xi32> to vector<32x16xi32>
    %reduce_min3A_446 = vector.shape_cast %slice3A_444 : vector<32x16xf32> to vector<1x32x16xf32>
    %reduce_min3A_447 = arith.constant dense<0x7F800000> : vector<1xf32>
    %reduce_min3A_448 = vector.multi_reduction <minimumf>, %reduce_min3A_446, %reduce_min3A_447 [1, 2] : vector<1x32x16xf32> to vector<1xf32>
    %reduce_min3A_449 = vector.shape_cast %reduce_min3A_448 : vector<1xf32> to vector<1x1x1xf32>
    %reduce_min3A_450 = vector.extract %reduce_min3A_449[0, 0, 0] : f32 from vector<1x1x1xf32>
    %eq3A_451 = vector.broadcast %reduce_min3A_450 : f32 to vector<32x16xf32>
    %eq3A_452 = arith.cmpf oeq, %slice3A_444, %eq3A_451 : vector<32x16xf32>
    %jit3A_453 = arith.constant 2147483647 : i32
    %broadcast_in_dim3A_454 = vector.broadcast %jit3A_453 : i32 to vector<32x16xi32>
    %select_n3A_455 = arith.select %eq3A_452, %slice3A_445, %broadcast_in_dim3A_454 : vector<32x16xi1>, vector<32x16xi32>
    %reduce_min3A_456 = vector.shape_cast %select_n3A_455 : vector<32x16xi32> to vector<1x32x16xi32>
    %reduce_min3A_457 = arith.constant dense<2147483647> : vector<1xi32>
    %reduce_min3A_458 = vector.multi_reduction <minsi>, %reduce_min3A_456, %reduce_min3A_457 [1, 2] : vector<1x32x16xi32> to vector<1xi32>
    %reduce_min3A_459 = vector.shape_cast %reduce_min3A_458 : vector<1xi32> to vector<1x1x1xi32>
    %reduce_min3A_460 = vector.extract %reduce_min3A_459[0, 0, 0] : i32 from vector<1x1x1xi32>
    %get3A_461 = arith.constant 10 : index
    %get3A_462 = memref.load %arg2[%get3A_461] : memref<16xf32, #tpu.memory_space<smem>>
    %get3A_463 = arith.constant 10 : index
    %get3A_464 = memref.load %arg3[%get3A_463] : memref<16xi32, #tpu.memory_space<smem>>
    %le3A_465 = arith.cmpf ole, %get3A_462, %reduce_min3A_450 : f32
    %select_n3A_466 = arith.select %le3A_465, %get3A_462, %reduce_min3A_450 : f32
    %select_n3A_467 = arith.select %le3A_465, %get3A_464, %reduce_min3A_460 : i32
    %dma_start3A_468 = arith.constant 10 : i32
    %dma_start3A_469 = arith.constant 0 : i32
    %dma_start3A_470 = tpu.memref_slice %arg6[%dma_start3A_468, %dma_start3A_469] : memref<16x18xf32, #tpu.memory_space<vmem>> -> memref<1x18xf32, #tpu.memory_space<vmem>>
    %dma_start3A_471 = arith.constant 0 : i32
    %dma_start3A_472 = tpu.memref_slice %arg4[%select_n3A_467, %dma_start3A_471] : memref<100000x18xf32, #tpu.memory_space<any>> -> memref<1x18xf32, #tpu.memory_space<any>>
    tpu.enqueue_dma source(%dma_start3A_472 : memref<1x18xf32, #tpu.memory_space<any>>) target(%dma_start3A_470 : memref<1x18xf32, #tpu.memory_space<vmem>>) target_semaphore(%arg7 : memref<!tpu.dma_semaphore, #tpu.memory_space<semaphore_mem>>)
    %dma_wait3A_473 = arith.constant 10 : i32
    %dma_wait3A_474 = arith.constant 0 : i32
    %dma_wait3A_475 = tpu.memref_slice %arg6[%dma_wait3A_473, %dma_wait3A_474] : memref<16x18xf32, #tpu.memory_space<vmem>> -> memref<1x18xf32, #tpu.memory_space<vmem>>
    %dma_wait3A_476 = arith.constant 0 : i32
    %dma_wait3A_477 = tpu.memref_slice %arg4[%select_n3A_467, %dma_wait3A_476] : memref<100000x18xf32, #tpu.memory_space<any>> -> memref<1x18xf32, #tpu.memory_space<any>>
    tpu.wait_dma2 semaphore(%arg7 : memref<!tpu.dma_semaphore, #tpu.memory_space<semaphore_mem>>) src(%dma_wait3A_477 : memref<1x18xf32, #tpu.memory_space<any>>) dst(%dma_wait3A_475 : memref<1x18xf32, #tpu.memory_space<vmem>>)
    %get3A_478 = arith.constant 10 : index
    %get3A_479 = arith.constant 0 : index
    %get3A_480 = vector.load %arg6[%get3A_478, %get3A_479] : memref<16x18xf32, #tpu.memory_space<vmem>>, vector<1x18xf32>
    %lt3A_481 = arith.constant 1.800000e+01 : f32
    %lt3A_482 = arith.cmpf olt, %select_n3A_466, %lt3A_481 : f32
    %broadcast_in_dim3A_483 = arith.constant 0.000000e+00 : f32
    %broadcast_in_dim3A_484 = vector.broadcast %broadcast_in_dim3A_483 : f32 to vector<1x18xf32>
    %select_n3A_485 = arith.select %lt3A_482, %get3A_480, %broadcast_in_dim3A_484 : vector<1x18xf32>
    %swap3A_486 = arith.constant 10 : index
    %swap3A_487 = arith.constant 0 : index
    %swap3A_488 = vector.load %arg5[%swap3A_486, %swap3A_487] : memref<16x18xf32, #tpu.memory_space<vmem>>, vector<1x18xf32>
    tpu.vector_store %arg5[%swap3A_486, %swap3A_487], %select_n3A_485 {strides = array<i32>} : memref<16x18xf32, #tpu.memory_space<vmem>>, vector<1x18xf32>,
    %slice3A_489 = vector.extract_strided_slice %get3A_1 {offsets = [0, 176], sizes = [32, 16], strides = [1, 1]} : vector<32x256xf32> to vector<32x16xf32>
    %slice3A_490 = vector.extract_strided_slice %get3A_4 {offsets = [0, 176], sizes = [32, 16], strides = [1, 1]} : vector<32x256xi32> to vector<32x16xi32>
    %reduce_min3A_491 = vector.shape_cast %slice3A_489 : vector<32x16xf32> to vector<1x32x16xf32>
    %reduce_min3A_492 = arith.constant dense<0x7F800000> : vector<1xf32>
    %reduce_min3A_493 = vector.multi_reduction <minimumf>, %reduce_min3A_491, %reduce_min3A_492 [1, 2] : vector<1x32x16xf32> to vector<1xf32>
    %reduce_min3A_494 = vector.shape_cast %reduce_min3A_493 : vector<1xf32> to vector<1x1x1xf32>
    %reduce_min3A_495 = vector.extract %reduce_min3A_494[0, 0, 0] : f32 from vector<1x1x1xf32>
    %eq3A_496 = vector.broadcast %reduce_min3A_495 : f32 to vector<32x16xf32>
    %eq3A_497 = arith.cmpf oeq, %slice3A_489, %eq3A_496 : vector<32x16xf32>
    %jit3A_498 = arith.constant 2147483647 : i32
    %broadcast_in_dim3A_499 = vector.broadcast %jit3A_498 : i32 to vector<32x16xi32>
    %select_n3A_500 = arith.select %eq3A_497, %slice3A_490, %broadcast_in_dim3A_499 : vector<32x16xi1>, vector<32x16xi32>
    %reduce_min3A_501 = vector.shape_cast %select_n3A_500 : vector<32x16xi32> to vector<1x32x16xi32>
    %reduce_min3A_502 = arith.constant dense<2147483647> : vector<1xi32>
    %reduce_min3A_503 = vector.multi_reduction <minsi>, %reduce_min3A_501, %reduce_min3A_502 [1, 2] : vector<1x32x16xi32> to vector<1xi32>
    %reduce_min3A_504 = vector.shape_cast %reduce_min3A_503 : vector<1xi32> to vector<1x1x1xi32>
    %reduce_min3A_505 = vector.extract %reduce_min3A_504[0, 0, 0] : i32 from vector<1x1x1xi32>
    %get3A_506 = arith.constant 11 : index
    %get3A_507 = memref.load %arg2[%get3A_506] : memref<16xf32, #tpu.memory_space<smem>>
    %get3A_508 = arith.constant 11 : index
    %get3A_509 = memref.load %arg3[%get3A_508] : memref<16xi32, #tpu.memory_space<smem>>
    %le3A_510 = arith.cmpf ole, %get3A_507, %reduce_min3A_495 : f32
    %select_n3A_511 = arith.select %le3A_510, %get3A_507, %reduce_min3A_495 : f32
    %select_n3A_512 = arith.select %le3A_510, %get3A_509, %reduce_min3A_505 : i32
    %dma_start3A_513 = arith.constant 11 : i32
    %dma_start3A_514 = arith.constant 0 : i32
    %dma_start3A_515 = tpu.memref_slice %arg6[%dma_start3A_513, %dma_start3A_514] : memref<16x18xf32, #tpu.memory_space<vmem>> -> memref<1x18xf32, #tpu.memory_space<vmem>>
    %dma_start3A_516 = arith.constant 0 : i32
    %dma_start3A_517 = tpu.memref_slice %arg4[%select_n3A_512, %dma_start3A_516] : memref<100000x18xf32, #tpu.memory_space<any>> -> memref<1x18xf32, #tpu.memory_space<any>>
    tpu.enqueue_dma source(%dma_start3A_517 : memref<1x18xf32, #tpu.memory_space<any>>) target(%dma_start3A_515 : memref<1x18xf32, #tpu.memory_space<vmem>>) target_semaphore(%arg7 : memref<!tpu.dma_semaphore, #tpu.memory_space<semaphore_mem>>)
    %dma_wait3A_518 = arith.constant 11 : i32
    %dma_wait3A_519 = arith.constant 0 : i32
    %dma_wait3A_520 = tpu.memref_slice %arg6[%dma_wait3A_518, %dma_wait3A_519] : memref<16x18xf32, #tpu.memory_space<vmem>> -> memref<1x18xf32, #tpu.memory_space<vmem>>
    %dma_wait3A_521 = arith.constant 0 : i32
    %dma_wait3A_522 = tpu.memref_slice %arg4[%select_n3A_512, %dma_wait3A_521] : memref<100000x18xf32, #tpu.memory_space<any>> -> memref<1x18xf32, #tpu.memory_space<any>>
    tpu.wait_dma2 semaphore(%arg7 : memref<!tpu.dma_semaphore, #tpu.memory_space<semaphore_mem>>) src(%dma_wait3A_522 : memref<1x18xf32, #tpu.memory_space<any>>) dst(%dma_wait3A_520 : memref<1x18xf32, #tpu.memory_space<vmem>>)
    %get3A_523 = arith.constant 11 : index
    %get3A_524 = arith.constant 0 : index
    %get3A_525 = vector.load %arg6[%get3A_523, %get3A_524] : memref<16x18xf32, #tpu.memory_space<vmem>>, vector<1x18xf32>
    %lt3A_526 = arith.constant 1.800000e+01 : f32
    %lt3A_527 = arith.cmpf olt, %select_n3A_511, %lt3A_526 : f32
    %broadcast_in_dim3A_528 = arith.constant 0.000000e+00 : f32
    %broadcast_in_dim3A_529 = vector.broadcast %broadcast_in_dim3A_528 : f32 to vector<1x18xf32>
    %select_n3A_530 = arith.select %lt3A_527, %get3A_525, %broadcast_in_dim3A_529 : vector<1x18xf32>
    %swap3A_531 = arith.constant 11 : index
    %swap3A_532 = arith.constant 0 : index
    %swap3A_533 = vector.load %arg5[%swap3A_531, %swap3A_532] : memref<16x18xf32, #tpu.memory_space<vmem>>, vector<1x18xf32>
    tpu.vector_store %arg5[%swap3A_531, %swap3A_532], %select_n3A_530 {strides = array<i32>} : memref<16x18xf32, #tpu.memory_space<vmem>>, vector<1x18xf32>,
    %slice3A_534 = vector.extract_strided_slice %get3A_1 {offsets = [0, 192], sizes = [32, 16], strides = [1, 1]} : vector<32x256xf32> to vector<32x16xf32>
    %slice3A_535 = vector.extract_strided_slice %get3A_4 {offsets = [0, 192], sizes = [32, 16], strides = [1, 1]} : vector<32x256xi32> to vector<32x16xi32>
    %reduce_min3A_536 = vector.shape_cast %slice3A_534 : vector<32x16xf32> to vector<1x32x16xf32>
    %reduce_min3A_537 = arith.constant dense<0x7F800000> : vector<1xf32>
    %reduce_min3A_538 = vector.multi_reduction <minimumf>, %reduce_min3A_536, %reduce_min3A_537 [1, 2] : vector<1x32x16xf32> to vector<1xf32>
    %reduce_min3A_539 = vector.shape_cast %reduce_min3A_538 : vector<1xf32> to vector<1x1x1xf32>
    %reduce_min3A_540 = vector.extract %reduce_min3A_539[0, 0, 0] : f32 from vector<1x1x1xf32>
    %eq3A_541 = vector.broadcast %reduce_min3A_540 : f32 to vector<32x16xf32>
    %eq3A_542 = arith.cmpf oeq, %slice3A_534, %eq3A_541 : vector<32x16xf32>
    %jit3A_543 = arith.constant 2147483647 : i32
    %broadcast_in_dim3A_544 = vector.broadcast %jit3A_543 : i32 to vector<32x16xi32>
    %select_n3A_545 = arith.select %eq3A_542, %slice3A_535, %broadcast_in_dim3A_544 : vector<32x16xi1>, vector<32x16xi32>
    %reduce_min3A_546 = vector.shape_cast %select_n3A_545 : vector<32x16xi32> to vector<1x32x16xi32>
    %reduce_min3A_547 = arith.constant dense<2147483647> : vector<1xi32>
    %reduce_min3A_548 = vector.multi_reduction <minsi>, %reduce_min3A_546, %reduce_min3A_547 [1, 2] : vector<1x32x16xi32> to vector<1xi32>
    %reduce_min3A_549 = vector.shape_cast %reduce_min3A_548 : vector<1xi32> to vector<1x1x1xi32>
    %reduce_min3A_550 = vector.extract %reduce_min3A_549[0, 0, 0] : i32 from vector<1x1x1xi32>
    %get3A_551 = arith.constant 12 : index
    %get3A_552 = memref.load %arg2[%get3A_551] : memref<16xf32, #tpu.memory_space<smem>>
    %get3A_553 = arith.constant 12 : index
    %get3A_554 = memref.load %arg3[%get3A_553] : memref<16xi32, #tpu.memory_space<smem>>
    %le3A_555 = arith.cmpf ole, %get3A_552, %reduce_min3A_540 : f32
    %select_n3A_556 = arith.select %le3A_555, %get3A_552, %reduce_min3A_540 : f32
    %select_n3A_557 = arith.select %le3A_555, %get3A_554, %reduce_min3A_550 : i32
    %dma_start3A_558 = arith.constant 12 : i32
    %dma_start3A_559 = arith.constant 0 : i32
    %dma_start3A_560 = tpu.memref_slice %arg6[%dma_start3A_558, %dma_start3A_559] : memref<16x18xf32, #tpu.memory_space<vmem>> -> memref<1x18xf32, #tpu.memory_space<vmem>>
    %dma_start3A_561 = arith.constant 0 : i32
    %dma_start3A_562 = tpu.memref_slice %arg4[%select_n3A_557, %dma_start3A_561] : memref<100000x18xf32, #tpu.memory_space<any>> -> memref<1x18xf32, #tpu.memory_space<any>>
    tpu.enqueue_dma source(%dma_start3A_562 : memref<1x18xf32, #tpu.memory_space<any>>) target(%dma_start3A_560 : memref<1x18xf32, #tpu.memory_space<vmem>>) target_semaphore(%arg7 : memref<!tpu.dma_semaphore, #tpu.memory_space<semaphore_mem>>)
    %dma_wait3A_563 = arith.constant 12 : i32
    %dma_wait3A_564 = arith.constant 0 : i32
    %dma_wait3A_565 = tpu.memref_slice %arg6[%dma_wait3A_563, %dma_wait3A_564] : memref<16x18xf32, #tpu.memory_space<vmem>> -> memref<1x18xf32, #tpu.memory_space<vmem>>
    %dma_wait3A_566 = arith.constant 0 : i32
    %dma_wait3A_567 = tpu.memref_slice %arg4[%select_n3A_557, %dma_wait3A_566] : memref<100000x18xf32, #tpu.memory_space<any>> -> memref<1x18xf32, #tpu.memory_space<any>>
    tpu.wait_dma2 semaphore(%arg7 : memref<!tpu.dma_semaphore, #tpu.memory_space<semaphore_mem>>) src(%dma_wait3A_567 : memref<1x18xf32, #tpu.memory_space<any>>) dst(%dma_wait3A_565 : memref<1x18xf32, #tpu.memory_space<vmem>>)
    %get3A_568 = arith.constant 12 : index
    %get3A_569 = arith.constant 0 : index
    %get3A_570 = vector.load %arg6[%get3A_568, %get3A_569] : memref<16x18xf32, #tpu.memory_space<vmem>>, vector<1x18xf32>
    %lt3A_571 = arith.constant 1.800000e+01 : f32
    %lt3A_572 = arith.cmpf olt, %select_n3A_556, %lt3A_571 : f32
    %broadcast_in_dim3A_573 = arith.constant 0.000000e+00 : f32
    %broadcast_in_dim3A_574 = vector.broadcast %broadcast_in_dim3A_573 : f32 to vector<1x18xf32>
    %select_n3A_575 = arith.select %lt3A_572, %get3A_570, %broadcast_in_dim3A_574 : vector<1x18xf32>
    %swap3A_576 = arith.constant 12 : index
    %swap3A_577 = arith.constant 0 : index
    %swap3A_578 = vector.load %arg5[%swap3A_576, %swap3A_577] : memref<16x18xf32, #tpu.memory_space<vmem>>, vector<1x18xf32>
    tpu.vector_store %arg5[%swap3A_576, %swap3A_577], %select_n3A_575 {strides = array<i32>} : memref<16x18xf32, #tpu.memory_space<vmem>>, vector<1x18xf32>,
    %slice3A_579 = vector.extract_strided_slice %get3A_1 {offsets = [0, 208], sizes = [32, 16], strides = [1, 1]} : vector<32x256xf32> to vector<32x16xf32>
    %slice3A_580 = vector.extract_strided_slice %get3A_4 {offsets = [0, 208], sizes = [32, 16], strides = [1, 1]} : vector<32x256xi32> to vector<32x16xi32>
    %reduce_min3A_581 = vector.shape_cast %slice3A_579 : vector<32x16xf32> to vector<1x32x16xf32>
    %reduce_min3A_582 = arith.constant dense<0x7F800000> : vector<1xf32>
    %reduce_min3A_583 = vector.multi_reduction <minimumf>, %reduce_min3A_581, %reduce_min3A_582 [1, 2] : vector<1x32x16xf32> to vector<1xf32>
    %reduce_min3A_584 = vector.shape_cast %reduce_min3A_583 : vector<1xf32> to vector<1x1x1xf32>
    %reduce_min3A_585 = vector.extract %reduce_min3A_584[0, 0, 0] : f32 from vector<1x1x1xf32>
    %eq3A_586 = vector.broadcast %reduce_min3A_585 : f32 to vector<32x16xf32>
    %eq3A_587 = arith.cmpf oeq, %slice3A_579, %eq3A_586 : vector<32x16xf32>
    %jit3A_588 = arith.constant 2147483647 : i32
    %broadcast_in_dim3A_589 = vector.broadcast %jit3A_588 : i32 to vector<32x16xi32>
    %select_n3A_590 = arith.select %eq3A_587, %slice3A_580, %broadcast_in_dim3A_589 : vector<32x16xi1>, vector<32x16xi32>
    %reduce_min3A_591 = vector.shape_cast %select_n3A_590 : vector<32x16xi32> to vector<1x32x16xi32>
    %reduce_min3A_592 = arith.constant dense<2147483647> : vector<1xi32>
    %reduce_min3A_593 = vector.multi_reduction <minsi>, %reduce_min3A_591, %reduce_min3A_592 [1, 2] : vector<1x32x16xi32> to vector<1xi32>
    %reduce_min3A_594 = vector.shape_cast %reduce_min3A_593 : vector<1xi32> to vector<1x1x1xi32>
    %reduce_min3A_595 = vector.extract %reduce_min3A_594[0, 0, 0] : i32 from vector<1x1x1xi32>
    %get3A_596 = arith.constant 13 : index
    %get3A_597 = memref.load %arg2[%get3A_596] : memref<16xf32, #tpu.memory_space<smem>>
    %get3A_598 = arith.constant 13 : index
    %get3A_599 = memref.load %arg3[%get3A_598] : memref<16xi32, #tpu.memory_space<smem>>
    %le3A_600 = arith.cmpf ole, %get3A_597, %reduce_min3A_585 : f32
    %select_n3A_601 = arith.select %le3A_600, %get3A_597, %reduce_min3A_585 : f32
    %select_n3A_602 = arith.select %le3A_600, %get3A_599, %reduce_min3A_595 : i32
    %dma_start3A_603 = arith.constant 13 : i32
    %dma_start3A_604 = arith.constant 0 : i32
    %dma_start3A_605 = tpu.memref_slice %arg6[%dma_start3A_603, %dma_start3A_604] : memref<16x18xf32, #tpu.memory_space<vmem>> -> memref<1x18xf32, #tpu.memory_space<vmem>>
    %dma_start3A_606 = arith.constant 0 : i32
    %dma_start3A_607 = tpu.memref_slice %arg4[%select_n3A_602, %dma_start3A_606] : memref<100000x18xf32, #tpu.memory_space<any>> -> memref<1x18xf32, #tpu.memory_space<any>>
    tpu.enqueue_dma source(%dma_start3A_607 : memref<1x18xf32, #tpu.memory_space<any>>) target(%dma_start3A_605 : memref<1x18xf32, #tpu.memory_space<vmem>>) target_semaphore(%arg7 : memref<!tpu.dma_semaphore, #tpu.memory_space<semaphore_mem>>)
    %dma_wait3A_608 = arith.constant 13 : i32
    %dma_wait3A_609 = arith.constant 0 : i32
    %dma_wait3A_610 = tpu.memref_slice %arg6[%dma_wait3A_608, %dma_wait3A_609] : memref<16x18xf32, #tpu.memory_space<vmem>> -> memref<1x18xf32, #tpu.memory_space<vmem>>
    %dma_wait3A_611 = arith.constant 0 : i32
    %dma_wait3A_612 = tpu.memref_slice %arg4[%select_n3A_602, %dma_wait3A_611] : memref<100000x18xf32, #tpu.memory_space<any>> -> memref<1x18xf32, #tpu.memory_space<any>>
    tpu.wait_dma2 semaphore(%arg7 : memref<!tpu.dma_semaphore, #tpu.memory_space<semaphore_mem>>) src(%dma_wait3A_612 : memref<1x18xf32, #tpu.memory_space<any>>) dst(%dma_wait3A_610 : memref<1x18xf32, #tpu.memory_space<vmem>>)
    %get3A_613 = arith.constant 13 : index
    %get3A_614 = arith.constant 0 : index
    %get3A_615 = vector.load %arg6[%get3A_613, %get3A_614] : memref<16x18xf32, #tpu.memory_space<vmem>>, vector<1x18xf32>
    %lt3A_616 = arith.constant 1.800000e+01 : f32
    %lt3A_617 = arith.cmpf olt, %select_n3A_601, %lt3A_616 : f32
    %broadcast_in_dim3A_618 = arith.constant 0.000000e+00 : f32
    %broadcast_in_dim3A_619 = vector.broadcast %broadcast_in_dim3A_618 : f32 to vector<1x18xf32>
    %select_n3A_620 = arith.select %lt3A_617, %get3A_615, %broadcast_in_dim3A_619 : vector<1x18xf32>
    %swap3A_621 = arith.constant 13 : index
    %swap3A_622 = arith.constant 0 : index
    %swap3A_623 = vector.load %arg5[%swap3A_621, %swap3A_622] : memref<16x18xf32, #tpu.memory_space<vmem>>, vector<1x18xf32>
    tpu.vector_store %arg5[%swap3A_621, %swap3A_622], %select_n3A_620 {strides = array<i32>} : memref<16x18xf32, #tpu.memory_space<vmem>>, vector<1x18xf32>,
    %slice3A_624 = vector.extract_strided_slice %get3A_1 {offsets = [0, 224], sizes = [32, 16], strides = [1, 1]} : vector<32x256xf32> to vector<32x16xf32>
    %slice3A_625 = vector.extract_strided_slice %get3A_4 {offsets = [0, 224], sizes = [32, 16], strides = [1, 1]} : vector<32x256xi32> to vector<32x16xi32>
    %reduce_min3A_626 = vector.shape_cast %slice3A_624 : vector<32x16xf32> to vector<1x32x16xf32>
    %reduce_min3A_627 = arith.constant dense<0x7F800000> : vector<1xf32>
    %reduce_min3A_628 = vector.multi_reduction <minimumf>, %reduce_min3A_626, %reduce_min3A_627 [1, 2] : vector<1x32x16xf32> to vector<1xf32>
    %reduce_min3A_629 = vector.shape_cast %reduce_min3A_628 : vector<1xf32> to vector<1x1x1xf32>
    %reduce_min3A_630 = vector.extract %reduce_min3A_629[0, 0, 0] : f32 from vector<1x1x1xf32>
    %eq3A_631 = vector.broadcast %reduce_min3A_630 : f32 to vector<32x16xf32>
    %eq3A_632 = arith.cmpf oeq, %slice3A_624, %eq3A_631 : vector<32x16xf32>
    %jit3A_633 = arith.constant 2147483647 : i32
    %broadcast_in_dim3A_634 = vector.broadcast %jit3A_633 : i32 to vector<32x16xi32>
    %select_n3A_635 = arith.select %eq3A_632, %slice3A_625, %broadcast_in_dim3A_634 : vector<32x16xi1>, vector<32x16xi32>
    %reduce_min3A_636 = vector.shape_cast %select_n3A_635 : vector<32x16xi32> to vector<1x32x16xi32>
    %reduce_min3A_637 = arith.constant dense<2147483647> : vector<1xi32>
    %reduce_min3A_638 = vector.multi_reduction <minsi>, %reduce_min3A_636, %reduce_min3A_637 [1, 2] : vector<1x32x16xi32> to vector<1xi32>
    %reduce_min3A_639 = vector.shape_cast %reduce_min3A_638 : vector<1xi32> to vector<1x1x1xi32>
    %reduce_min3A_640 = vector.extract %reduce_min3A_639[0, 0, 0] : i32 from vector<1x1x1xi32>
    %get3A_641 = arith.constant 14 : index
    %get3A_642 = memref.load %arg2[%get3A_641] : memref<16xf32, #tpu.memory_space<smem>>
    %get3A_643 = arith.constant 14 : index
    %get3A_644 = memref.load %arg3[%get3A_643] : memref<16xi32, #tpu.memory_space<smem>>
    %le3A_645 = arith.cmpf ole, %get3A_642, %reduce_min3A_630 : f32
    %select_n3A_646 = arith.select %le3A_645, %get3A_642, %reduce_min3A_630 : f32
    %select_n3A_647 = arith.select %le3A_645, %get3A_644, %reduce_min3A_640 : i32
    %dma_start3A_648 = arith.constant 14 : i32
    %dma_start3A_649 = arith.constant 0 : i32
    %dma_start3A_650 = tpu.memref_slice %arg6[%dma_start3A_648, %dma_start3A_649] : memref<16x18xf32, #tpu.memory_space<vmem>> -> memref<1x18xf32, #tpu.memory_space<vmem>>
    %dma_start3A_651 = arith.constant 0 : i32
    %dma_start3A_652 = tpu.memref_slice %arg4[%select_n3A_647, %dma_start3A_651] : memref<100000x18xf32, #tpu.memory_space<any>> -> memref<1x18xf32, #tpu.memory_space<any>>
    tpu.enqueue_dma source(%dma_start3A_652 : memref<1x18xf32, #tpu.memory_space<any>>) target(%dma_start3A_650 : memref<1x18xf32, #tpu.memory_space<vmem>>) target_semaphore(%arg7 : memref<!tpu.dma_semaphore, #tpu.memory_space<semaphore_mem>>)
    %dma_wait3A_653 = arith.constant 14 : i32
    %dma_wait3A_654 = arith.constant 0 : i32
    %dma_wait3A_655 = tpu.memref_slice %arg6[%dma_wait3A_653, %dma_wait3A_654] : memref<16x18xf32, #tpu.memory_space<vmem>> -> memref<1x18xf32, #tpu.memory_space<vmem>>
    %dma_wait3A_656 = arith.constant 0 : i32
    %dma_wait3A_657 = tpu.memref_slice %arg4[%select_n3A_647, %dma_wait3A_656] : memref<100000x18xf32, #tpu.memory_space<any>> -> memref<1x18xf32, #tpu.memory_space<any>>
    tpu.wait_dma2 semaphore(%arg7 : memref<!tpu.dma_semaphore, #tpu.memory_space<semaphore_mem>>) src(%dma_wait3A_657 : memref<1x18xf32, #tpu.memory_space<any>>) dst(%dma_wait3A_655 : memref<1x18xf32, #tpu.memory_space<vmem>>)
    %get3A_658 = arith.constant 14 : index
    %get3A_659 = arith.constant 0 : index
    %get3A_660 = vector.load %arg6[%get3A_658, %get3A_659] : memref<16x18xf32, #tpu.memory_space<vmem>>, vector<1x18xf32>
    %lt3A_661 = arith.constant 1.800000e+01 : f32
    %lt3A_662 = arith.cmpf olt, %select_n3A_646, %lt3A_661 : f32
    %broadcast_in_dim3A_663 = arith.constant 0.000000e+00 : f32
    %broadcast_in_dim3A_664 = vector.broadcast %broadcast_in_dim3A_663 : f32 to vector<1x18xf32>
    %select_n3A_665 = arith.select %lt3A_662, %get3A_660, %broadcast_in_dim3A_664 : vector<1x18xf32>
    %swap3A_666 = arith.constant 14 : index
    %swap3A_667 = arith.constant 0 : index
    %swap3A_668 = vector.load %arg5[%swap3A_666, %swap3A_667] : memref<16x18xf32, #tpu.memory_space<vmem>>, vector<1x18xf32>
    tpu.vector_store %arg5[%swap3A_666, %swap3A_667], %select_n3A_665 {strides = array<i32>} : memref<16x18xf32, #tpu.memory_space<vmem>>, vector<1x18xf32>,
    %slice3A_669 = vector.extract_strided_slice %get3A_1 {offsets = [0, 240], sizes = [32, 16], strides = [1, 1]} : vector<32x256xf32> to vector<32x16xf32>
    %slice3A_670 = vector.extract_strided_slice %get3A_4 {offsets = [0, 240], sizes = [32, 16], strides = [1, 1]} : vector<32x256xi32> to vector<32x16xi32>
    %reduce_min3A_671 = vector.shape_cast %slice3A_669 : vector<32x16xf32> to vector<1x32x16xf32>
    %reduce_min3A_672 = arith.constant dense<0x7F800000> : vector<1xf32>
    %reduce_min3A_673 = vector.multi_reduction <minimumf>, %reduce_min3A_671, %reduce_min3A_672 [1, 2] : vector<1x32x16xf32> to vector<1xf32>
    %reduce_min3A_674 = vector.shape_cast %reduce_min3A_673 : vector<1xf32> to vector<1x1x1xf32>
    %reduce_min3A_675 = vector.extract %reduce_min3A_674[0, 0, 0] : f32 from vector<1x1x1xf32>
    %eq3A_676 = vector.broadcast %reduce_min3A_675 : f32 to vector<32x16xf32>
    %eq3A_677 = arith.cmpf oeq, %slice3A_669, %eq3A_676 : vector<32x16xf32>
    %jit3A_678 = arith.constant 2147483647 : i32
    %broadcast_in_dim3A_679 = vector.broadcast %jit3A_678 : i32 to vector<32x16xi32>
    %select_n3A_680 = arith.select %eq3A_677, %slice3A_670, %broadcast_in_dim3A_679 : vector<32x16xi1>, vector<32x16xi32>
    %reduce_min3A_681 = vector.shape_cast %select_n3A_680 : vector<32x16xi32> to vector<1x32x16xi32>
    %reduce_min3A_682 = arith.constant dense<2147483647> : vector<1xi32>
    %reduce_min3A_683 = vector.multi_reduction <minsi>, %reduce_min3A_681, %reduce_min3A_682 [1, 2] : vector<1x32x16xi32> to vector<1xi32>
    %reduce_min3A_684 = vector.shape_cast %reduce_min3A_683 : vector<1xi32> to vector<1x1x1xi32>
    %reduce_min3A_685 = vector.extract %reduce_min3A_684[0, 0, 0] : i32 from vector<1x1x1xi32>
    %get3A_686 = arith.constant 15 : index
    %get3A_687 = memref.load %arg2[%get3A_686] : memref<16xf32, #tpu.memory_space<smem>>
    %get3A_688 = arith.constant 15 : index
    %get3A_689 = memref.load %arg3[%get3A_688] : memref<16xi32, #tpu.memory_space<smem>>
    %le3A_690 = arith.cmpf ole, %get3A_687, %reduce_min3A_675 : f32
    %select_n3A_691 = arith.select %le3A_690, %get3A_687, %reduce_min3A_675 : f32
    %select_n3A_692 = arith.select %le3A_690, %get3A_689, %reduce_min3A_685 : i32
    %dma_start3A_693 = arith.constant 15 : i32
    %dma_start3A_694 = arith.constant 0 : i32
    %dma_start3A_695 = tpu.memref_slice %arg6[%dma_start3A_693, %dma_start3A_694] : memref<16x18xf32, #tpu.memory_space<vmem>> -> memref<1x18xf32, #tpu.memory_space<vmem>>
    %dma_start3A_696 = arith.constant 0 : i32
    %dma_start3A_697 = tpu.memref_slice %arg4[%select_n3A_692, %dma_start3A_696] : memref<100000x18xf32, #tpu.memory_space<any>> -> memref<1x18xf32, #tpu.memory_space<any>>
    tpu.enqueue_dma source(%dma_start3A_697 : memref<1x18xf32, #tpu.memory_space<any>>) target(%dma_start3A_695 : memref<1x18xf32, #tpu.memory_space<vmem>>) target_semaphore(%arg7 : memref<!tpu.dma_semaphore, #tpu.memory_space<semaphore_mem>>)
    %dma_wait3A_698 = arith.constant 15 : i32
    %dma_wait3A_699 = arith.constant 0 : i32
    %dma_wait3A_700 = tpu.memref_slice %arg6[%dma_wait3A_698, %dma_wait3A_699] : memref<16x18xf32, #tpu.memory_space<vmem>> -> memref<1x18xf32, #tpu.memory_space<vmem>>
    %dma_wait3A_701 = arith.constant 0 : i32
    %dma_wait3A_702 = tpu.memref_slice %arg4[%select_n3A_692, %dma_wait3A_701] : memref<100000x18xf32, #tpu.memory_space<any>> -> memref<1x18xf32, #tpu.memory_space<any>>
    tpu.wait_dma2 semaphore(%arg7 : memref<!tpu.dma_semaphore, #tpu.memory_space<semaphore_mem>>) src(%dma_wait3A_702 : memref<1x18xf32, #tpu.memory_space<any>>) dst(%dma_wait3A_700 : memref<1x18xf32, #tpu.memory_space<vmem>>)
    %get3A_703 = arith.constant 15 : index
    %get3A_704 = arith.constant 0 : index
    %get3A_705 = vector.load %arg6[%get3A_703, %get3A_704] : memref<16x18xf32, #tpu.memory_space<vmem>>, vector<1x18xf32>
    %lt3A_706 = arith.constant 1.800000e+01 : f32
    %lt3A_707 = arith.cmpf olt, %select_n3A_691, %lt3A_706 : f32
    %broadcast_in_dim3A_708 = arith.constant 0.000000e+00 : f32
    %broadcast_in_dim3A_709 = vector.broadcast %broadcast_in_dim3A_708 : f32 to vector<1x18xf32>
    %select_n3A_710 = arith.select %lt3A_707, %get3A_705, %broadcast_in_dim3A_709 : vector<1x18xf32>
    %swap3A_711 = arith.constant 15 : index
    %swap3A_712 = arith.constant 0 : index
    %swap3A_713 = vector.load %arg5[%swap3A_711, %swap3A_712] : memref<16x18xf32, #tpu.memory_space<vmem>>, vector<1x18xf32>
    tpu.vector_store %arg5[%swap3A_711, %swap3A_712], %select_n3A_710 {strides = array<i32>} : memref<16x18xf32, #tpu.memory_space<vmem>>, vector<1x18xf32>,
    return
  }
}

</mosaic_0001>

<sc_bundles>
// kernel: kernel.5.cloned.1.call-start
scs
__scs_entry_jumppad:
0x0: {  	(pc) =	sbr.rel $0x88, $3  }
0x1: {  	(tag) =	ssettag $0x0;
	lr =	simm.s32 $0x1  }
0x2: {  	[smem:$0x3F9E] =	sst lr;
	_ =	strace $0xD0000000  }
0x3: {  	_ = 	snop  }
0x4: {  	_ = 	snop  }
0x5: {  	_ = 	snop  }
0x6: {  	_ = 	snop  }
0x7: {  	_ = 	snop  }
__scs_overlays_trampoline_lowered:
0x8: {  	[smem:$0x3FAD] =	sst s0  }
0x9: {  	[smem:$0x3FAE] =	sst s1  }
0xa: {  	[smem:$0x3FAF] =	sst s2  }
0xb: {  	[smem:$0x3FB0] =	sst s3  }
0xc: {  	[smem:$0x3FB1] =	sst s4  }
0xd: {  	[smem:$0x3FB2] =	sst s5  }
0xe: {  	[smem:$0x3FB3] =	sst s6  }
0xf: {  	[smem:$0x3FB4] =	sst s7  }
0x10: {  	[smem:$0x3FB5] =	sst s8  }
0x11: {  	[smem:$0x3FB6] =	sst s9;
	s0 =	simm.s32 @!p0 $0x0  }
0x12: {  	s1 =	sld [smem:$0x3F9C];
	s0 =	simm.s32 @p0 $0x1  }
0x13: {  	[smem:$0x3FB7] =	sst s0;
	s0 =	simm.s32 @!p1 $0x0  }
0x14: {  	s2 =	sld [smem:$0x3F9B];
	s0 =	simm.s32 @p1 $0x1  }
0x15: {  	[smem:$0x3FB8] =	sst s0;
	s0 =	simm.s32 @!p2 $0x0  }
0x16: {  	s3 =	sld [smem:$0x3FDB];
	s0 =	simm.s32 @p2 $0x1  }
0x17: {  	s4 =	simm.s32 $0x1BF5;
	[smem:$0x3FBA] =	sst s0  }
0x18: {  	s0 =	sld [smem:$0x3F9D];
	_ =	swait.ge [sflag:s4], $0x0  }
0x19: {  	s7 =	sld [smem:$0x3F9E]  }
0x1a: {  	s8 =	sadd.s32 $0xFFFFE003, lr  }
0x1b: {  	s9 =	sadd.s32 $0xFFFFFEF7, lr;
	s5 =	simm.s32 $0xFFFFFFFF;
	p2 =	slt.u32 s8, $0xFFFFF086  }
0x1c: {  	p1 =	slt.u32 s9, $0xF7A;
	s5 =	simm.s32 @!p2 $0x0  }
0x1d: {  	s5 =	simm.s32 @p1 $0x1;
	p0 =	seq.s32 s7, s2  }
0x1e: {  	s7 =	smul.u32 @!p0 $0xF7A, s2;
	p2 =	seq.s32 @!p0 s5, $0x0  }
0x1f: {  	s9 =	smul.u32 $0xF7A, s1;
	s8 =	simm.s32 @!p0 $0x1BF5;
	p2 =	por !p2, p0  }
0x20: {  	[sflag:s8] =	ssyncset.s32 @!p0 $0xFFFFF086;
	s6 =	sadd.s32 @!p0 s3, s7;
	s7 =	simm.s32 @!p0 $0x108  }
0x21: {  	s3 =	sadd.s32 s3, s9;
	s6 =	sadd.s32 @!p0 $0x88, s6;
	s7 =	simm.s32 @p2 $0x1082  }
0x22: {  	[simem:s7], [sflag:s8] =	dma.local @!p0 [hbm:s6], $0xF7A  }
0x23: {  	s9 =	sor.u32 $0xD0000000, s2;
	s6 =	simm.s32 $0x108;
	_ =	swait.ge @!p0 [sflag:s8], $0x0  }
0x24: {  	s3 =	sadd.s32 $0x88, s3;
	s6 =	simm.s32 @!p1 $0x1082;
	[sflag:s4] =	ssyncset.s32 $0xFFFFF086  }
0x25: {  	[simem:s6], [sflag:s4] =	dma.local [hbm:s3], $0xF7A  }
0x26: {  	[smem:$0x3F9E] =	sst s1;
	(tag) =	ssettag s2;
	_ =	strace s9  }
0x27: {  	s1 =	sld [smem:$0x3FAE]  }
0x28: {  	s2 =	sld [smem:$0x3FAF]  }
0x29: {  	s4 =	sld [smem:$0x3FB1]  }
0x2a: {  	p0 =	seq.s32 s5, $0x0;
	s5 =	sld [smem:$0x3FB2]  }
0x2b: {  	s6 =	sld [smem:$0x3FB3]  }
0x2c: {  	s7 =	sld [smem:$0x3FB4]  }
0x2d: {  	s3 =	simm.s32 $0x108;
	s8 =	sld [smem:$0x3FB5]  }
0x2e: {  	s3 =	simm.s32 @!p0 $0x1082;
	s9 =	sld [smem:$0x3FB6]  }
0x2f: {  	lr =	sadd.s32 s0, s3;
	s0 =	sld [smem:$0x3FAD]  }
0x30: {  	s3 =	sld [smem:$0x3FB0]  }
0x31: {  	[smem:$0x3FB9] =	sst s10  }
0x32: {  	s10 =	sld [smem:$0x3FB7];
	_ =	sdelay $0x3  }
0x33: {  	p0 =	seq.s32 s10, $0x1;
	s10 =	sld [smem:$0x3FB9];
	_ =	sdelay $0x3  }
0x34: {  	[smem:$0x3FB9] =	sst s10  }
0x35: {  	s10 =	sld [smem:$0x3FB8];
	_ =	sdelay $0x3  }
0x36: {  	p1 =	seq.s32 s10, $0x1;
	s10 =	sld [smem:$0x3FB9];
	_ =	sdelay $0x3  }
0x37: {  	[smem:$0x3FB9] =	sst s10  }
0x38: {  	s10 =	sld [smem:$0x3FBA]  }
0x39: {  	_ = 	snop;
	(pc) =	sbr.ind lr, $3  }
0x3a: {  	_ = 	snop  }
0x3b: {  	_ = 	snop  }
0x3c: {  	p2 =	seq.s32 s10, $0x1;
	s10 =	sld [smem:$0x3FB9]  }
0x3d: {  	_ =	shalt  }
0x3e: {  	_ =	shalt  }
0x3f: {  	_ =	shalt  }
0x40: {  	_ =	shalt  }
0x41: {  	_ =	shalt  }
0x42: {  	_ =	shalt  }
0x43: {  	_ =	shalt  }
0x44: {  	_ =	shalt  }
0x45: {  	_ =	shalt  }
0x46: {  	_ =	shalt  }
0x47: {  	_ =	shalt  }
0x48: {  	_ =	shalt  }
0x49: {  	_ =	shalt  }
0x4a: {  	_ =	shalt  }
0x4b: {  	_ =	shalt  }
0x4c: {  	_ =	shalt  }
0x4d: {  	_ =	shalt  }
0x4e: {  	_ =	shalt  }
0x4f: {  	_ =	shalt  }
0x50: {  	_ =	shalt  }
0x51: {  	_ =	shalt  }
0x52: {  	_ =	shalt  }
0x53: {  	_ =	shalt  }
0x54: {  	_ =	shalt  }
0x55: {  	_ =	shalt  }
0x56: {  	_ =	shalt  }
0x57: {  	_ =	shalt  }
0x58: {  	_ =	shalt  }
0x59: {  	_ =	shalt  }
0x5a: {  	_ =	shalt  }
0x5b: {  	_ =	shalt  }
0x5c: {  	_ =	shalt  }
0x5d: {  	_ =	shalt  }
0x5e: {  	_ =	shalt  }
0x5f: {  	_ =	shalt  }
0x60: {  	_ =	shalt  }
0x61: {  	_ =	shalt  }
0x62: {  	_ =	shalt  }
0x63: {  	_ =	shalt  }
0x64: {  	_ =	shalt  }
0x65: {  	_ =	shalt  }
0x66: {  	_ =	shalt  }
0x67: {  	_ =	shalt  }
0x68: {  	_ =	shalt  }
0x69: {  	_ =	shalt  }
0x6a: {  	_ =	shalt  }
0x6b: {  	_ =	shalt  }
0x6c: {  	_ =	shalt  }
0x6d: {  	_ =	shalt  }
0x6e: {  	_ =	shalt  }
0x6f: {  	_ =	shalt  }
0x70: {  	_ =	shalt  }
0x71: {  	_ =	shalt  }
0x72: {  	_ =	shalt  }
0x73: {  	_ =	shalt  }
0x74: {  	_ =	shalt  }
0x75: {  	_ =	shalt  }
0x76: {  	_ =	shalt  }
0x77: {  	_ =	shalt  }
0x78: {  	_ =	shalt  }
0x79: {  	_ =	shalt  }
0x7a: {  	_ =	shalt  }
0x7b: {  	_ =	shalt  }
0x7c: {  	_ =	shalt  }
0x7d: {  	_ =	shalt  }
0x7e: {  	_ =	shalt  }
0x7f: {  	_ =	shalt  }
0x80: {  	_ =	shalt  }
0x81: {  	_ =	shalt  }
0x82: {  	_ =	shalt  }
0x83: {  	_ =	shalt  }
0x84: {  	_ =	shalt  }
0x85: {  	_ =	shalt  }
0x86: {  	_ =	shalt  }
0x87: {  	_ =	shalt  }
.Lfunc_end0:
.L_simem_size_0:
called_computation_lowered:
.L_overlay_start_0:
0x88: {  	s2 =	sld [smem:$0x3FD9]  }
0x89: {  	s3 =	sld [smem:$0x3FFE];
	_ =	sdelay $0x1  }
0x8a: {  	s1 =	srdreg.scid  }
0x8b: {  	s0 =	sand.u32 $0x1, s1  }
0x8c: {  	s16 =	sshll.u32 s0, $0xA;
	s2 =	sadd.s32 s3, s2  }
0x8d: {  	s2 =	sadd.s32 s2, s16  }
0x8e: {  	[smem:$0x3FC5] =	sst s2  }
0x8f: {  	_ = 	snop  }
0x90: {  	(tm) =	ssettm $0x1  }
0x91: {  	s17 =	sld [smem:$0x3FFB];
	_ =	sdelay $0x3  }
0x92: {  	_ =	strace s17  }
0x93: {  	s2 =	sld [smem:$0x3FFC];
	_ =	sdelay $0x3  }
0x94: {  	_ =	strace s2  }
0x95: {  	s2 =	sld [smem:$0x3FFD];
	_ =	sdelay $0x3  }
0x96: {  	_ =	strace s2  }
0x97: {  	_ =	strace $0x8FFFFFFF  }
0x98: {  	s18 =	sld [smem:$0x3FDB];
	_ =	sdelay $0x1  }
0x99: {  	s19 =	simm.s32 $_scs_section_size  }
0x9a: {  	s4 =	simm.s32 $_size__tile_overlayer_lowered;
	s5 =	simm.s32 $_tile_overlayer_lowered  }
0x9b: {  	s22 =	simm.s32 $0x1BFF;
	s21 =	sshll.u32 s5, $0x1;
	s2 =	sadd.s32 s19, s18  }
0x9c: {  	s6 =	simm.s32 $0x0;
	s20 =	sshll.u32 s4, $0x1;
	s4 =	sadd.s32 s21, s2  }
0x9d: {  	[timem:s6], [sflag:s22] =	dma.local [hbm:s4], s20  }
0x9e: {  	_ =	swait.ge [sflag:s22], s20  }
0x9f: {  	s3 =	ssub.s32 $0x0, s20;
	[sflag:s22] =	ssyncset.done $0x0  }
0xa0: {  	[sflag:s22] =	ssyncadd.s32 s3;
	_ =	sdelay $0x1  }
0xa1: {  	s23 =	simm.s32 $0x1B8B  }
0xa2: {  	_ =	swait.ge [sflag:s23], $0x1  }
0xa3: {  	[sflag:s23] =	ssyncset.done $0x0  }
0xa4: {  	s25 =	simm.s32 $0x1B8E;
	s24 =	sld [smem:$0x3FFE];
	[sflag:s23] =	ssyncadd.s32 $0xFFFFFFFF  }
0xa5: {  	s26 =	simm.s32 $execute0_lowered;
	[smem:$0x3FD2] =	sst s25  }
0xa6: {  	s4 =	sshll.u32 s26, $0x1;
	_ =	strace $0x80000046;
	[dreg:$0x1] =	wrdreg $0xFFFFFFFF  }
0xa7: {  	s28 =	simm.s32 $_size_execute0_lowered;
	s2 =	sadd.s32 s2, s4;
	[dreg:$0x0] =	wrdreg $0x0  }
0xa8: {  	s4 =	sshll.u32 s28, $0x1;
	[dreg:$0x2] =	wrdreg s2  }
0xa9: {  	[dreg:$0x3] =	wrdreg s4  }
0xaa: {  	[dreg:$0x4] =	wrdreg $0xC0  }
0xab: {  	_ =	task [dreg:s6], $0x5FFFF  }
0xac: {  	[dreg:$0x1] =	wrdreg $0xFFFFFFFF  }
0xad: {  	[dreg:$0x0] =	wrdreg $0x60  }
0xae: {  	[dreg:$0x2] =	wrdreg s24  }
0xaf: {  	[dreg:$0x3] =	wrdreg $0x9  }
0xb0: {  	_ =	task.clear_ibuf [dreg:s6], $0x4FFFF;
	_ =	strace $0x90000046  }
0xb1: {  	s29 =	simm.s32 $0x9;
	_ =	strace $0x80000048  }
0xb2: {  	_ =	swait.ge [sflag:s29], $0x1  }
0xb3: {  	[sflag:s29] =	ssyncadd.s32 $0xFFFFFFFF  }
0xb4: {  	_ =	strace $0x90000048  }
0xb5: {  	_ =	sfence  }
0xb6: {  	s30 =	sld [smem:$0x0];
	_ =	sdelay $0x2  }
0xb7: {  	s31 =	sshll.u32 s1, $0xD;
	s1 =	sshrl.u32 s1, $0x2  }
0xb8: {  	s3 =	sand.u32 $0x4000, s31;
	s1 =	sadd.s32 s1, s30  }
0xb9: {  	s0 =	sor.u32 s3, s0;
	s1 =	sshll.u32 s1, $0x11  }
0xba: {  	s0 =	sor.u32 s1, s0  }
0xbb: {  	s0 =	sadd.s32 $0x8F2B, s0  }
0xbc: {  	[sflag:s0] =	ssyncadd.remote.s32 $0x1  }
0xbd: {  	_ =	sfence.sel $0xFFFF  }
0xbe: {  	[dreg:$0x0] =	wrdreg $0xFFFFFFFF;
	(pc) =	sbr.abs _section_cstart, $3  }
0xbf: {  	[dreg:$0x1] =	wrdreg $0xFFFFFFFF  }
0xc0: {  	_ =	task.clear_ibuf [dreg:s6], $0x2FFFF;
	_ =	strace $0x9FFFFFFF  }
0xc1: {  	(tm) =	ssettm $0x7FFFFFFF  }
tec
execute0_lowered:
.L_overlay_start_1:
0x0: {  	(tag) =	ssettag $0x1  }
0x1: {  	s0 =	srdreg.scid  }
0x2: {  	s2 =	stileid.u32;
	s1 =	rddreg [dreg:$0x0]  }
0x3: {  	s17 =	simm.s32 $0x10;
	s18 =	simm.s32 $0xB3B0;
	s20 =	simm.s32 $0x10800  }
0x4: {  	s21 =	simm.s32 $0x3;
	s22 =	simm.s32 $0x4;
	s23 =	simm.s32 $0x1  }
0x5: {  	s24 =	simm.s32 $0x2;
	s28 =	simm.s32 $0x11100;
	s29 =	simm.s32 $0x0  }
0x6: {  	s0 =	sand.u32 $0x1, s0;
	s3 =	sshll.u32 s2, $0x1;
	s2 =	simm.s32 $0x0  }
0x7: {  	s4 =	sadd.s32 $0x1E00, s1;
	s5 =	sadd.s32 $0xB7E00, s1;
	s7 =	sor.u32 s0, s3  }
0x8: {  	[smem:$0x7FF] =	sst s2;
	s3 =	sadd.s32 $0x2E00, s1;
	s9 =	smul.u32 $0x59D, s7  }
0x9: {  	s0 =	ssub.s32 $0x2, s0;
	_ =	strace $0x80000047;
	s6 =	sshll.u32 s7, $0x5  }
0xa: {  	p0 =	seq.s32 s7, $0x1F;
	s10 =	sshrl.u32 s0, $0x1;
	s8 =	sadd.s32 $0x59D, s9  }
0xb: {  	s1 =	sadd.s32 s6, s1;
	s0 =	ssub.s32 s0, s10;
	s8 =	sand.u32 $0x1FFF0, s8  }
0xc: {  	s6 =	sand.u32 $0xFFF0, s9;
	s31 =	sshrl.u32 s9, $0x4;
	s7 =	sadd.s32 $0xFFFFFFF0, s8  }
.Ltmp0:
0xd: {  	s13 =	sadd.s32 $0x3E00, s1;
	s7 =	simm.s32 @p0 $0xB3A0;
	(pc) =	sbr.rel .LBB2_1-.Ltmp0, $4  }
0xe: {  	s14 =	sadd.s32 $0x4200, s1;
	s8 =	sadd.s32 $0x10, s6;
	s11 =	smin.u32 s6, s7  }
0xf: {  	s15 =	smax.u32 s0, $0x1;
	s12 =	smin.u32 s8, s7;
	s26 =	sshrl.u32 s11, $0x3  }
0x10: {  	s30 =	sshrl.u32 s12, $0x3;
	s11 =	sadd.s32 $0x2, s31;
	s12 =	sadd.s32 $0x3, s31  }
0x11: {  	v0 =	vimm.f32 $+Inf;
	v1 =	vimm.s32 $0x0;
	v2 =	vlaneseq.u32;
	s9 =	sadd.s32 s5, s26;
	s10 =	sadd.s32 s5, s30;
	s26 =	simm.s32 $0x5  }
.LBB2_8:
0x12: {  	s0 =	simm.s32 $0x11000  }
0x13: {  	[hbm4b:s13+s2] =	stream.linear.scatter [tilespmem:s0], [sflag:$0x5], $0x100, $0x38;
	[tilespmem:$0x11200] =	vst v63  }
0x14: {  	s29 =	sadd.s32 $0x1, s29;
	_ =	swait.ge [sflag:s26], $0x100  }
0x15: {  	p0 =	sne.s32 s29, s15;
	[sflag:s26] =	ssyncset.done $0x0  }
.Ltmp1:
0x16: {  	[sflag:s26] =	ssyncadd.s32 $0xFFFFFF00;
	(pc) =	sbr.rel @!p0 .LBB2_9-.Ltmp1, $4  }
0x17: {  	[hbm4b:s14+s2] =	stream.linear.scatter [tilespmem:s28], [sflag:$0x5], $0x100, $0x38;
	[tilespmem:$0x11200] =	vst v63  }
0x18: {  	_ =	swait.ge [sflag:s26], $0x100  }
0x19: {  	[sflag:s26] =	ssyncset.done $0x0  }
0x1a: {  	[sflag:s26] =	ssyncadd.s32 $0xFFFFFF00  }
.LBB2_1:
0x1b: {  	[tilespmem:s2], [sflag:$0x3] =	stream.linear.gather [hbm4b:s3+s2], $0x8000, $0x38;
	[tilespmem:$0x11200] =	vst v63  }
0x1c: {  	s0 =	simm.s32 $0x8000  }
0x1d: {  	[tilespmem:s0], [sflag:$0x4] =	stream.linear.gather [hbm4b:s4+s2], $0x8000, $0x38;
	[tilespmem:$0x11200] =	vst v63  }
0x1e: {  	[tilespmem:$0x11000] =	vst v0  }
0x1f: {  	[tilespmem:$0x11100] =	vst v1  }
0x20: {  	[tilespmem:$0x11010] =	vst v0  }
0x21: {  	[tilespmem:$0x11110] =	vst v1  }
0x22: {  	[tilespmem:$0x11020] =	vst v0  }
0x23: {  	[tilespmem:$0x11120] =	vst v1  }
0x24: {  	[tilespmem:$0x11030] =	vst v0  }
0x25: {  	[tilespmem:$0x11130] =	vst v1  }
0x26: {  	[tilespmem:$0x11040] =	vst v0  }
0x27: {  	[tilespmem:$0x11140] =	vst v1  }
0x28: {  	[tilespmem:$0x11050] =	vst v0  }
0x29: {  	[tilespmem:$0x11150] =	vst v1  }
0x2a: {  	[tilespmem:$0x11060] =	vst v0  }
0x2b: {  	[tilespmem:$0x11160] =	vst v1  }
0x2c: {  	[tilespmem:$0x11070] =	vst v0  }
0x2d: {  	[tilespmem:$0x11170] =	vst v1  }
0x2e: {  	[tilespmem:$0x11080] =	vst v0  }
0x2f: {  	[tilespmem:$0x11180] =	vst v1  }
0x30: {  	[tilespmem:$0x11090] =	vst v0  }
0x31: {  	[tilespmem:$0x11190] =	vst v1  }
0x32: {  	[tilespmem:$0x110A0] =	vst v0  }
0x33: {  	[tilespmem:$0x111A0] =	vst v1  }
0x34: {  	[tilespmem:$0x110B0] =	vst v0  }
0x35: {  	[tilespmem:$0x111B0] =	vst v1  }
0x36: {  	[tilespmem:$0x110C0] =	vst v0  }
0x37: {  	[tilespmem:$0x111C0] =	vst v1  }
0x38: {  	[tilespmem:$0x110D0] =	vst v0  }
0x39: {  	[tilespmem:$0x111D0] =	vst v1  }
0x3a: {  	[tilespmem:$0x110E0] =	vst v0  }
0x3b: {  	[tilespmem:$0x111E0] =	vst v1  }
0x3c: {  	[tilespmem:$0x110F0] =	vst v0  }
0x3d: {  	s31 =	simm.s32 $0x10000;
	[tilespmem:$0x111F0] =	vst v1  }
0x3e: {  	[tilespmem:s31], [sflag:$0x1] =	stream.strided.gather [hbm4b:s9+s17], $0x800, s18, s17, $0x38;
	[tilespmem:$0x11200] =	vst v63  }
0x3f: {  	_ = 	snop  }
0x40: {  	[tilespmem:s20], [sflag:$0x2] =	stream.strided.gather [hbm4b:s10+s17], $0x800, s18, s17, $0x38;
	[tilespmem:$0x11200] =	vst v63  }
0x41: {  	_ =	swait.ge [sflag:s21], $0x8000  }
0x42: {  	[sflag:s21] =	ssyncset.done $0x0  }
0x43: {  	[sflag:s21] =	ssyncadd.s32 $0xFFFF8000  }
0x44: {  	_ =	swait.ge [sflag:s22], $0x8000  }
0x45: {  	[sflag:s22] =	ssyncset.done $0x0  }
0x46: {  	s30 =	simm.s32 $0x0;
	[sflag:s22] =	ssyncadd.s32 $0xFFFF8000  }
.LBB2_2:
0x47: {  	_ =	swait.ge [sflag:s23], $0x800  }
0x48: {  	[sflag:s23] =	ssyncset.done $0x0  }
0x49: {  	s1 =	simm.s32 $0x0;
	[sflag:s23] =	ssyncadd.s32 $0xFFFFF800  }
0x4a: {  	v3 =	vld [tilespmem:s1+$0xA000]  }
0x4b: {  	v4 =	vld [tilespmem:s1+$0x1000]  }
0x4c: {  	v6 =	vld [tilespmem:s1+$0x7000]  }
0x4d: {  	v7 =	vld [tilespmem:s1+$0x2800]  }
0x4e: {  	v8 =	vld [tilespmem:s1+$0xF800]  }
0x4f: {  	v9 =	vld [tilespmem:s1+$0x4800]  }
0x50: {  	v5 =	vld [tilespmem:s1+$0x10000]  }
0x51: {  	v10 =	vld [tilespmem:s1+$0xC000]  }
0x52: {  	v11 =	vld [tilespmem:s1+$0xC800]  }
0x53: {  	v13 =	vld [tilespmem:s1+$0x3800]  }
0x54: {  	v15 =	vld [tilespmem:s1+$0xA800]  }
0x55: {  	v16 =	vld [tilespmem:s1+$0xF000]  }
0x56: {  	v18 =	vld [tilespmem:s1+$0xB000]  }
0x57: {  	v17 =	vld [tilespmem:s1+$0xE000];
	v24 =	vsub.f32 v5, v4  }
0x58: {  	v12 =	vld [tilespmem:s1+$0x6800];
	v31 =	vand.u32 $0x7FFFFFFF, v5;
	v9 =	vsub.f32 v5, v9;
	v19 =	vsub.f32 v5, v13  }
0x59: {  	v14 =	vld [tilespmem:s1+$0x3000];
	v7 =	vsub.f32 v5, v7;
	v10 =	vadd.f32 v10, v31  }
0x5a: {  	v22 =	vimm.f32 $0.0e+00;
	v20 =	vld [tilespmem:s1+$0x9000];
	v11 =	vadd.f32 v11, v31;
	v15 =	vadd.f32 v15, v31  }
0x5b: {  	v21 =	vimm.f32 $0.0e+00;
	v16 =	vadd.f32 v16, v31;
	v40 =	vadd.f32 v18, v31;
	v18 =	vld [tilespmem:s1+$0x0]  }
0x5c: {  	v13 =	vadd.f32 v17, v31;
	v17 =	vsub.f32 v5, v6;
	v33 =	vand.u32 $0x7FFFFFFF, v7;
	v7 =	vld [tilespmem:s1+$0xD800]  }
0x5d: {  	v6 =	vadd.f32 v8, v31;
	v10 =	vmax.f32 v10, $1.000000000e-30;
	v4 =	vmax.f32 v11, $1.000000000e-30;
	v11 =	vld [tilespmem:s1+$0x8000]  }
0x5e: {  	v8 =	vmax.f32 v16, $1.000000000e-30;
	v16 =	vld [tilespmem:s1+$0x9800];
	(erf) = vrcp.f32 v10;
	v10 =	vsub.f32 v5, v14  }
0x5f: {  	v14 =	vld [tilespmem:s1+$0x4000];
	(erf) = vrcp.f32 v4;
	v4 =	vsub.f32 v5, v12;
	v12 =	vadd.f32 v3, v31  }
0x60: {  	v13 =	vmax.f32 v13, $1.000000000e-30;
	v41 =	vmax.f32 v6, $1.000000000e-30;
	(erf) = vrcp.f32 v8;
	v8 =	vld [tilespmem:s1+$0x8800]  }
0x61: {  	v6 =	vand.u32 $0x7FFFFFFF, v9;
	v3 =	vimm.f32 $0.0e+00;
	v38 =	vmax.f32 v12, $1.000000000e-30;
	v12 =	vld [tilespmem:s1+$0xB800]  }
0x62: {  	v25 =	vand.u32 $0x7FFFFFFF, v10;
	v45 =	vsub.f32 v5, v18;
	(erf) = vrcp.f32 v13;
	v13 =	vld [tilespmem:s1+$0xE800]  }
0x63: {  	v18 =	vimm.f32 $0.0e+00;
	v44 =	vadd.f32 v7, v31;
	v36 =	vadd.f32 v11, v31  }
0x64: {  	v11 =	vmax.f32 v15, $1.000000000e-30;
	v15 =	vld [tilespmem:s1+$0x7800];
	v43 =	vadd.f32 v16, v31;
	v14 =	vsub.f32 v5, v14  }
0x65: {  	v16 =	vimm.f32 $0.0e+00;
	(erf) = vrcp.f32 v11;
	v11 =	vadd.f32 v20, v31  }
0x66: {  	v20 =	vimm.f32 $0.0e+00;
	v28 =	vand.u32 $0x7FFFFFFF, v14;
	v8 =	vadd.f32 v8, v31  }
0x67: {  	v14 =	vimm.f32 $0.0e+00;
	v35 =	vadd.f32 v12, v31;
	v10 =	vadd.f32 v13, v31  }
0x68: {  	v32 =	vld [tilespmem:s1+$0x2000];
	v13 =	vand.u32 $0x7FFFFFFF, v4;
	v4 =	vand.u32 $0x7FFFFFFF, v17;
	v17 =	vimm.f32 $0.0e+00;
	v27 =	vpop (erf)  }
0x69: {  	v46 =	vld [tilespmem:s1+$0xD000];
	v23 =	vsub.f32 v5, v15;
	v42 =	vmax.f32 v8, $1.000000000e-30;
	v15 =	vimm.f32 $0.0e+00;
	v9 =	vpop (erf)  }
0x6a: {  	v37 =	vld [tilespmem:s1+$0x800];
	v8 =	vimm.f32 $0.0e+00;
	v6 =	vmul.f32 v9, v6;
	v9 =	vmax.f32 v11, $1.000000000e-30  }
0x6b: {  	v29 =	vld [tilespmem:s1+$0x5800];
	v39 =	vmax.f32 v10, $1.000000000e-30;
	v10 =	vimm.f32 $0.0e+00;
	v7 =	vpop (erf);
	(erf) = vrcp.f32 v9  }
0x6c: {  	v34 =	vld [tilespmem:s1+$0x5000];
	v11 =	vimm.f32 $0.0e+00;
	v30 =	vmul.f32 v7, v4;
	v4 =	vimm.f32 $0.0e+00  }
0x6d: {  	s0 =	simm.s32 $0x40;
	v12 =	vld [tilespmem:s1+$0x6000];
	v7 =	vimm.f32 $0.0e+00;
	v26 =	vpop (erf);
	v9 =	vimm.f32 $0.0e+00;
	v6 =	vadd.f32 v6, v3  }
.LBB2_3:
0x6e: {  	p0 =	sne.s32 s0, $0x1FC0;
	v47 =	vld [tilespmem:s1+$0x1800];
	s1 =	sshra.s32 s0, $0x2;
	s0 =	sadd.s32 $0x40, s0;
	v43 =	vmax.f32 v43, $1.000000000e-30;
	v31 =	vadd.f32 v46, v31;
	(erf) = vrcp.f32 v38;
	v38 =	vpop (erf)  }
0x6f: {  	v46 =	vld [tilespmem:s1+$0xA000];
	v33 =	vmul.f32 v38, v33;
	v3 =	vadd.f32 v30, v3;
	(erf) = vrcp.f32 v43  }
0x70: {  	v43 =	vand.u32 $0x7FFFFFFF, v45;
	v38 =	vld [tilespmem:s1+$0x1000];
	v30 =	vmax.f32 v31, $1.000000000e-30;
	(erf) = vrcp.f32 v41  }
0x71: {  	v31 =	vmax.f32 v36, $1.000000000e-30;
	v41 =	vld [tilespmem:s1+$0x7000];
	v15 =	vadd.f32 v33, v15;
	(erf) = vrcp.f32 v30  }
0x72: {  	v23 =	vand.u32 $0x7FFFFFFF, v23;
	v36 =	vmax.f32 v44, $1.000000000e-30;
	v30 =	vmax.f32 v40, $1.000000000e-30;
	v33 =	vld [tilespmem:s1+$0x2800]  }
0x73: {  	v32 =	vsub.f32 v5, v32;
	v44 =	vand.u32 $0x7FFFFFFF, v19;
	v40 =	vld [tilespmem:s1+$0x6000];
	(erf) = vrcp.f32 v36  }
0x74: {  	v19 =	vand.u32 $0x7FFFFFFF, v24;
	v24 =	vmax.f32 v35, $1.000000000e-30;
	v36 =	vld [tilespmem:s1+$0xF800];
	(erf) = vrcp.f32 v31;
	v31 =	vpop (erf)  }
0x75: {  	v35 =	vld [tilespmem:s1+$0x4800];
	v19 =	vmul.f32 v31, v19;
	v31 =	vsub.f32 v5, v47;
	(erf) = vrcp.f32 v30  }
0x76: {  	v45 =	vmul.f32 v27, v28;
	v28 =	vsub.f32 v5, v34;
	v30 =	vld [tilespmem:s1+$0x0];
	(erf) = vrcp.f32 v42  }
0x77: {  	v34 =	vld [tilespmem:s1+$0x6800];
	v20 =	vadd.f32 v19, v20;
	v19 =	vand.u32 $0x7FFFFFFF, v32;
	v32 =	vpop (erf);
	(erf) = vrcp.f32 v39  }
0x78: {  	v11 =	vadd.f32 v45, v11;
	v47 =	vand.u32 $0x7FFFFFFF, v31;
	v39 =	vld [tilespmem:s1+$0x3800];
	v19 =	vmul.f32 v32, v19;
	v27 =	vpop (erf)  }
0x79: {  	v29 =	vsub.f32 v5, v29;
	v32 =	vsub.f32 v5, v12;
	v42 =	vld [tilespmem:s1+$0x3000];
	v27 =	vmul.f32 v27, v47;
	v31 =	vpop (erf)  }
0x7a: {  	v45 =	vld [tilespmem:s1+$0x10000];
	v17 =	vadd.f32 v19, v17;
	v19 =	vand.u32 $0x7FFFFFFF, v28;
	v31 =	vmul.f32 v31, v23;
	v28 =	vpop (erf)  }
0x7b: {  	v12 =	vmovc v40;
	v47 =	vld [tilespmem:s1+$0xB000];
	v18 =	vadd.f32 v27, v18;
	v48 =	vmul.f32 v28, v19;
	v27 =	vand.u32 $0x7FFFFFFF, v32  }
0x7c: {  	v29 =	vand.u32 $0x7FFFFFFF, v29;
	v28 =	vld [tilespmem:s1+$0xC000];
	v26 =	vmul.f32 v26, v27;
	v4 =	vadd.f32 v31, v4;
	v23 =	vpop (erf)  }
0x7d: {  	v5 =	vsub.f32 v5, v37;
	v27 =	vld [tilespmem:s1+$0xC800];
	v10 =	vadd.f32 v48, v10;
	v23 =	vmul.f32 v23, v29;
	v19 =	vpop (erf)  }
0x7e: {  	v29 =	vld [tilespmem:s1+$0xA800];
	v37 =	vmul.f32 v19, v43;
	v8 =	vadd.f32 v26, v8;
	v19 =	vpop (erf);
	(erf) = vrcp.f32 v24  }
0x7f: {  	v24 =	vsub.f32 v45, v38;
	v32 =	vld [tilespmem:s1+$0x2000];
	v26 =	vsub.f32 v45, v42;
	v25 =	vmul.f32 v19, v25;
	v19 =	vpop (erf)  }
0x80: {  	v48 =	vand.u32 $0x7FFFFFFF, v5;
	v31 =	vand.u32 $0x7FFFFFFF, v45;
	v42 =	vsub.f32 v45, v35;
	v35 =	vld [tilespmem:s1+$0xE000];
	v38 =	vpop (erf)  }
0x81: {  	v34 =	vsub.f32 v45, v34;
	v5 =	vmovc v45;
	v43 =	vmul.f32 v19, v48;
	v28 =	vadd.f32 v28, v31;
	v40 =	vld [tilespmem:s1+$0xF000]  }
0x82: {  	v45 =	vadd.f32 v46, v31;
	v13 =	vmul.f32 v38, v13;
	v27 =	vadd.f32 v27, v31  }
0x83: {  	v19 =	vsub.f32 v5, v39;
	v29 =	vadd.f32 v29, v31;
	v28 =	vmax.f32 v28, $1.000000000e-30  }
0x84: {  	v16 =	vadd.f32 v25, v16;
	v39 =	vld [tilespmem:s1+$0x8000];
	v27 =	vmax.f32 v27, $1.000000000e-30;
	(erf) = vrcp.f32 v28  }
0x85: {  	v22 =	vadd.f32 v37, v22;
	v25 =	vadd.f32 v35, v31;
	v48 =	vld [tilespmem:s1+$0x7800];
	(erf) = vrcp.f32 v27  }
0x86: {  	v7 =	vadd.f32 v13, v7;
	v27 =	vld [tilespmem:s1+$0x4000];
	v28 =	vadd.f32 v40, v31  }
0x87: {  	v38 =	vmax.f32 v45, $1.000000000e-30;
	v45 =	vsub.f32 v5, v41;
	v35 =	vadd.f32 v36, v31;
	v13 =	vld [tilespmem:s1+$0x9000];
	v36 =	vpop (erf)  }
0x88: {  	v25 =	vmax.f32 v25, $1.000000000e-30;
	v37 =	vld [tilespmem:s1+$0xB800];
	v28 =	vmax.f32 v28, $1.000000000e-30;
	v40 =	vmul.f32 v36, v44  }
0x89: {  	v9 =	vadd.f32 v23, v9;
	v36 =	vadd.f32 v39, v31;
	v39 =	vld [tilespmem:s1+$0x9800];
	(erf) = vrcp.f32 v28  }
0x8a: {  	v28 =	vmax.f32 v29, $1.000000000e-30;
	v23 =	vld [tilespmem:s1+$0x8800];
	(erf) = vrcp.f32 v25;
	v14 =	vadd.f32 v40, v14  }
0x8b: {  	v21 =	vadd.f32 v43, v21;
	v25 =	vsub.f32 v5, v33;
	v29 =	vld [tilespmem:s1+$0xE800];
	(erf) = vrcp.f32 v28  }
0x8c: {  	v41 =	vmax.f32 v35, $1.000000000e-30;
	v28 =	vsub.f32 v5, v27;
	v13 =	vadd.f32 v13, v31  }
0x8d: {  	v40 =	vadd.f32 v47, v31;
	v33 =	vand.u32 $0x7FFFFFFF, v25;
	v35 =	vadd.f32 v37, v31;
	v44 =	vld [tilespmem:s1+$0xD800];
	v27 =	vpop (erf)  }
0x8e: {  	v25 =	vand.u32 $0x7FFFFFFF, v42;
	v28 =	vand.u32 $0x7FFFFFFF, v28;
	v43 =	vadd.f32 v39, v31;
	v37 =	vpop (erf)  }
.Ltmp2:
0x8f: {  	v39 =	vmax.f32 v13, $1.000000000e-30;
	v42 =	vadd.f32 v23, v31;
	v13 =	vmul.f32 v37, v25;
	v46 =	vld [tilespmem:s1+$0xD000];
	(pc) =	sbr.rel @p0 .LBB2_3-.Ltmp2, $4  }
0x90: {  	v25 =	vand.u32 $0x7FFFFFFF, v26;
	v23 =	vsub.f32 v5, v48;
	v49 =	vadd.f32 v29, v31  }
0x91: {  	v37 =	vld [tilespmem:s1+$0x800];
	v6 =	vadd.f32 v13, v6;
	v13 =	vand.u32 $0x7FFFFFFF, v34;
	(erf) = vrcp.f32 v39  }
0x92: {  	v48 =	vand.u32 $0x7FFFFFFF, v45;
	v29 =	vld [tilespmem:s1+$0x5800];
	v44 =	vadd.f32 v44, v31;
	v39 =	vmax.f32 v49, $1.000000000e-30;
	v47 =	vpop (erf)  }
0x93: {  	v45 =	vsub.f32 v5, v30;
	v42 =	vmax.f32 v42, $1.000000000e-30;
	v34 =	vld [tilespmem:s1+$0x5000];
	v30 =	vmul.f32 v47, v48;
	v26 =	vpop (erf)  }
0x94: {  	v43 =	vmax.f32 v43, $1.000000000e-30;
	v31 =	vadd.f32 v46, v31;
	(erf) = vrcp.f32 v38  }
0x95: {  	(erf) = vrcp.f32 v43  }
0x96: {  	v31 =	vmax.f32 v31, $1.000000000e-30;
	(erf) = vrcp.f32 v41  }
0x97: {  	(erf) = vrcp.f32 v31;
	v31 =	vmax.f32 v44, $1.000000000e-30  }
0x98: {  	v36 =	vmax.f32 v36, $1.000000000e-30;
	(erf) = vrcp.f32 v31  }
0x99: {  	v31 =	vmax.f32 v40, $1.000000000e-30;
	(erf) = vrcp.f32 v36  }
0x9a: {  	(erf) = vrcp.f32 v31  }
0x9b: {  	v36 =	vpop (erf);
	(erf) = vrcp.f32 v42  }
0x9c: {  	v61 =	vpop (erf)  }
0x9d: {  	v62 =	vpop (erf)  }
0x9e: {  	v63 =	vpop (erf)  }
0x9f: {  	v31 =	vpop (erf)  }
0xa0: {  	v43 =	vpop (erf)  }
0xa1: {  	v50 =	vld [tilespmem:s1+$0x1800];
	v24 =	vand.u32 $0x7FFFFFFF, v24;
	v44 =	vpop (erf)  }
0xa2: {  	v52 =	vld [tilespmem:$0x11000];
	v45 =	vand.u32 $0x7FFFFFFF, v45;
	v37 =	vsub.f32 v5, v37;
	v24 =	vmul.f32 v61, v24;
	v51 =	vpop (erf)  }
0xa3: {  	s1 =	sshll.u32 s30, $0x5;
	v47 =	vld [tilespmem:$0x11100];
	v38 =	vmul.f32 v51, v45;
	v53 =	vpop (erf)  }
0xa4: {  	v48 =	vld [tilespmem:$0x11010];
	v32 =	vsub.f32 v5, v32;
	s0 =	sadd.s32 s6, s1;
	v37 =	vand.u32 $0x7FFFFFFF, v37;
	v24 =	vadd.f32 v24, v20;
	v20 =	vpop (erf)  }
0xa5: {  	s16 =	smov.u32 s7;
	v54 =	vld [tilespmem:$0x11110];
	v35 =	vmax.f32 v35, $1.000000000e-30;
	p0 =	slt.s32 s0, s7;
	v20 =	vmul.f32 v20, v37;
	v22 =	vadd.f32 v38, v22  }
0xa6: {  	v56 =	vld [tilespmem:$0x11020];
	v32 =	vand.u32 $0x7FFFFFFF, v32;
	s16 =	smov.u32 @p0 s0;
	v42 =	vsub.f32 v5, v50;
	(erf) = vrcp.f32 v39  }
0xa7: {  	v57 =	vld [tilespmem:$0x11120];
	s0 =	sadd.s32 $0xD2F0, s16;
	(erf) = vrcp.f32 v35;
	v21 =	vadd.f32 v20, v21;
	vm0 =	vlt.f32 v22, v52  }
0xa8: {  	v58 =	vld [tilespmem:$0x11030];
	v55 =	vand.u32 $0x7FFFFFFF, v42;
	v20 =	vor.u32 s0, v2;
	v22 =	vsel vm0, v22, v52  }
0xa9: {  	v59 =	vld [tilespmem:$0x11130];
	v38 =	vmul.f32 v63, v55;
	[tilespmem:$0x11000] =	vst v22;
	v22 =	vsel vm0, v20, v47;
	vm13 =	vlt.f32 v21, v48  }
0xaa: {  	v32 =	vmul.f32 v62, v32;
	[tilespmem:$0x11100] =	vst v22;
	v21 =	vsel vm13, v21, v48;
	v22 =	vld [tilespmem:$0x11040]  }
0xab: {  	v60 =	vld [tilespmem:$0x11140];
	vm14 =	vlt.f32 v24, v56;
	v18 =	vadd.f32 v38, v18;
	[tilespmem:$0x11010] =	vst v21;
	v21 =	vsel vm13, v20, v54  }
0xac: {  	v33 =	vmul.f32 v36, v33;
	v25 =	vmul.f32 v53, v25;
	[tilespmem:$0x11110] =	vst v21;
	v21 =	vsel vm14, v24, v56;
	v24 =	vld [tilespmem:$0x11050]  }
0xad: {  	v61 =	vld [tilespmem:$0x11150];
	v17 =	vadd.f32 v32, v17;
	vm15 =	vlt.f32 v18, v58;
	[tilespmem:$0x11020] =	vst v21;
	v21 =	vsel vm14, v20, v57  }
0xae: {  	v18 =	vsel vm15, v18, v58;
	[tilespmem:$0x11120] =	vst v21;
	v21 =	vld [tilespmem:$0x11060]  }
0xaf: {  	v15 =	vadd.f32 v33, v15;
	v63 =	vld [tilespmem:$0x11160];
	v62 =	vpop (erf);
	[tilespmem:$0x11030] =	vst v18;
	v18 =	vsel vm15, v20, v59;
	vm4 =	vlt.f32 v17, v22  }
0xb0: {  	v19 =	vand.u32 $0x7FFFFFFF, v19;
	v16 =	vadd.f32 v25, v16;
	v25 =	vpop (erf);
	[tilespmem:$0x11130] =	vst v18;
	v18 =	vld [tilespmem:$0x11070];
	v17 =	vsel vm4, v17, v22  }
0xb1: {  	v19 =	vmul.f32 v25, v19;
	v22 =	vld [tilespmem:$0x11170];
	[tilespmem:$0x11040] =	vst v17;
	v17 =	vsel vm4, v20, v60;
	vm5 =	vlt.f32 v15, v24  }
0xb2: {  	v12 =	vsub.f32 v5, v12;
	v25 =	vmul.f32 v27, v28;
	[tilespmem:$0x11140] =	vst v17;
	v15 =	vsel vm5, v15, v24;
	v17 =	vld [tilespmem:$0x11080]  }
0xb3: {  	v14 =	vadd.f32 v19, v14;
	v19 =	vld [tilespmem:$0x11180];
	[tilespmem:$0x11050] =	vst v15;
	v15 =	vsel vm5, v20, v61;
	vm6 =	vlt.f32 v16, v21  }
0xb4: {  	v27 =	vsub.f32 v5, v34;
	v5 =	vsub.f32 v5, v29;
	[tilespmem:$0x11150] =	vst v15;
	v15 =	vsel vm6, v16, v21;
	v16 =	vld [tilespmem:$0x11090]  }
0xb5: {  	v11 =	vadd.f32 v25, v11;
	vm7 =	vlt.f32 v14, v18;
	v24 =	vld [tilespmem:$0x11190];
	[tilespmem:$0x11060] =	vst v15;
	v15 =	vsel vm6, v20, v63  }
0xb6: {  	v5 =	vand.u32 $0x7FFFFFFF, v5;
	v14 =	vsel vm7, v14, v18;
	v21 =	vand.u32 $0x7FFFFFFF, v27;
	[tilespmem:$0x11160] =	vst v15;
	v15 =	vld [tilespmem:$0x110A0]  }
0xb7: {  	v18 =	vld [tilespmem:$0x111A0];
	[tilespmem:$0x11070] =	vst v14;
	v21 =	vmul.f32 v43, v21;
	v14 =	vsel vm7, v20, v22;
	vm8 =	vlt.f32 v11, v17  }
0xb8: {  	v12 =	vand.u32 $0x7FFFFFFF, v12;
	v5 =	vmul.f32 v44, v5;
	[tilespmem:$0x11170] =	vst v14;
	v14 =	vld [tilespmem:$0x110B0];
	v11 =	vsel vm8, v11, v17  }
0xb9: {  	v10 =	vadd.f32 v21, v10;
	v17 =	vld [tilespmem:$0x111B0];
	[tilespmem:$0x11080] =	vst v11;
	v11 =	vsel vm8, v20, v19;
	vm9 =	vlt.f32 v6, v16  }
0xba: {  	v12 =	vmul.f32 v26, v12;
	[tilespmem:$0x11180] =	vst v11;
	v6 =	vsel vm9, v6, v16;
	v11 =	vld [tilespmem:$0x110C0]  }
0xbb: {  	v5 =	vadd.f32 v5, v9;
	v9 =	vld [tilespmem:$0x111C0];
	[tilespmem:$0x11090] =	vst v6;
	v6 =	vsel vm9, v20, v24;
	vm10 =	vlt.f32 v10, v15  }
0xbc: {  	v8 =	vadd.f32 v12, v8;
	[tilespmem:$0x11190] =	vst v6;
	v6 =	vsel vm10, v10, v15;
	v10 =	vld [tilespmem:$0x110D0]  }
0xbd: {  	v12 =	vmul.f32 v62, v13;
	v13 =	vld [tilespmem:$0x111D0];
	vm11 =	vlt.f32 v5, v14;
	[tilespmem:$0x110A0] =	vst v6;
	v6 =	vsel vm10, v20, v18  }
0xbe: {  	v5 =	vsel vm11, v5, v14;
	[tilespmem:$0x111A0] =	vst v6;
	v6 =	vld [tilespmem:$0x110E0]  }
0xbf: {  	v7 =	vadd.f32 v12, v7;
	v12 =	vld [tilespmem:$0x111E0];
	[tilespmem:$0x110B0] =	vst v5;
	v5 =	vsel vm11, v20, v17;
	vm12 =	vlt.f32 v8, v11  }
0xc0: {  	v3 =	vadd.f32 v30, v3;
	v14 =	vand.u32 $0x7FFFFFFF, v23;
	[tilespmem:$0x111B0] =	vst v5;
	v5 =	vsel vm12, v8, v11;
	v8 =	vld [tilespmem:$0x110F0]  }
0xc1: {  	s31 =	sshll.u32 s30, $0x1;
	p0 =	seq.s32 s30, $0x2D;
	v11 =	vmul.f32 v31, v14;
	[tilespmem:$0x110C0] =	vst v5;
	v5 =	vsel vm12, v20, v9;
	vm13 =	vlt.f32 v7, v10  }
0xc2: {  	s0 =	sadd.s32 @!p0 s31, s11;
	[tilespmem:$0x111C0] =	vst v5;
	v5 =	vsel vm13, v7, v10;
	v7 =	vld [tilespmem:$0x111F0]  }
0xc3: {  	s0 =	sshll.u32 @!p0 s0, $0x4;
	v4 =	vadd.f32 v11, v4;
	[tilespmem:$0x110D0] =	vst v5;
	v5 =	vsel vm13, v20, v13;
	vm14 =	vlt.f32 v3, v6  }
0xc4: {  	p1 =	slt.s32 @!p0 s0, s7;
	[tilespmem:$0x111D0] =	vst v5;
	v3 =	vsel vm14, v3, v6  }
0xc5: {  	p1 =	por !p1, p0;
	[tilespmem:$0x110E0] =	vst v3;
	v3 =	vsel vm14, v20, v12;
	vm15 =	vlt.f32 v4, v8  }
0xc6: {  	s0 =	smov.u32 @p1 s7;
	[tilespmem:$0x111E0] =	vst v3;
	v3 =	vsel vm15, v4, v8  }
0xc7: {  	s16 =	simm.s32 @!p0 $0x10;
	s0 =	sshrl.u32 @!p0 s0, $0x3;
	[tilespmem:$0x110F0] =	vst v3;
	v3 =	vsel vm15, v20, v7  }
0xc8: {  	s19 =	simm.s32 @!p0 $0xB3B0;
	s25 =	simm.s32 @!p0 $0x10000;
	s0 =	sadd.s32 @!p0 s5, s0;
	[tilespmem:$0x111F0] =	vst v3  }
0xc9: {  	[tilespmem:s25], [sflag:$0x1] =	stream.strided.gather @!p0 [hbm4b:s0+s16], $0x800, s19, s16, $0x38;
	[tilespmem:$0x11200] =	vst v63  }
0xca: {  	_ =	swait.ge [sflag:s24], $0x800  }
0xcb: {  	[sflag:s24] =	ssyncset.done $0x0  }
0xcc: {  	s0 =	simm.s32 $0x0;
	[sflag:s24] =	ssyncadd.s32 $0xFFFFF800  }
0xcd: {  	v3 =	vld [tilespmem:s0+$0xA000]  }
0xce: {  	v4 =	vld [tilespmem:s0+$0x1000]  }
0xcf: {  	v6 =	vld [tilespmem:s0+$0x7000]  }
0xd0: {  	v7 =	vld [tilespmem:s0+$0x2800]  }
0xd1: {  	v8 =	vld [tilespmem:s0+$0xF800]  }
0xd2: {  	v9 =	vld [tilespmem:s0+$0x4800]  }
0xd3: {  	v5 =	vld [tilespmem:s0+$0x10800]  }
0xd4: {  	v10 =	vld [tilespmem:s0+$0xC000]  }
0xd5: {  	v11 =	vld [tilespmem:s0+$0xC800]  }
0xd6: {  	v13 =	vld [tilespmem:s0+$0x3800]  }
0xd7: {  	v15 =	vld [tilespmem:s0+$0xA800]  }
0xd8: {  	v16 =	vld [tilespmem:s0+$0xF000]  }
0xd9: {  	v18 =	vld [tilespmem:s0+$0xB000]  }
0xda: {  	v17 =	vld [tilespmem:s0+$0xE000];
	v24 =	vsub.f32 v5, v4  }
0xdb: {  	v12 =	vld [tilespmem:s0+$0x6800];
	v31 =	vand.u32 $0x7FFFFFFF, v5;
	v9 =	vsub.f32 v5, v9;
	v19 =	vsub.f32 v5, v13  }
0xdc: {  	v14 =	vld [tilespmem:s0+$0x3000];
	v7 =	vsub.f32 v5, v7;
	v10 =	vadd.f32 v10, v31  }
0xdd: {  	v22 =	vimm.f32 $0.0e+00;
	v20 =	vld [tilespmem:s0+$0x9000];
	v11 =	vadd.f32 v11, v31;
	v15 =	vadd.f32 v15, v31  }
0xde: {  	v21 =	vimm.f32 $0.0e+00;
	v16 =	vadd.f32 v16, v31;
	v40 =	vadd.f32 v18, v31;
	v18 =	vld [tilespmem:s0+$0x0]  }
0xdf: {  	v13 =	vadd.f32 v17, v31;
	v17 =	vsub.f32 v5, v6;
	v33 =	vand.u32 $0x7FFFFFFF, v7;
	v7 =	vld [tilespmem:s0+$0xD800]  }
0xe0: {  	v6 =	vadd.f32 v8, v31;
	v10 =	vmax.f32 v10, $1.000000000e-30;
	v4 =	vmax.f32 v11, $1.000000000e-30;
	v11 =	vld [tilespmem:s0+$0x8000]  }
0xe1: {  	v8 =	vmax.f32 v16, $1.000000000e-30;
	v16 =	vld [tilespmem:s0+$0x9800];
	(erf) = vrcp.f32 v10;
	v10 =	vsub.f32 v5, v14  }
0xe2: {  	v14 =	vld [tilespmem:s0+$0x4000];
	(erf) = vrcp.f32 v4;
	v4 =	vsub.f32 v5, v12;
	v12 =	vadd.f32 v3, v31  }
0xe3: {  	v13 =	vmax.f32 v13, $1.000000000e-30;
	v41 =	vmax.f32 v6, $1.000000000e-30;
	(erf) = vrcp.f32 v8;
	v8 =	vld [tilespmem:s0+$0x8800]  }
0xe4: {  	v6 =	vand.u32 $0x7FFFFFFF, v9;
	v3 =	vimm.f32 $0.0e+00;
	v38 =	vmax.f32 v12, $1.000000000e-30;
	v12 =	vld [tilespmem:s0+$0xB800]  }
0xe5: {  	v25 =	vand.u32 $0x7FFFFFFF, v10;
	v45 =	vsub.f32 v5, v18;
	(erf) = vrcp.f32 v13;
	v13 =	vld [tilespmem:s0+$0xE800]  }
0xe6: {  	v18 =	vimm.f32 $0.0e+00;
	v44 =	vadd.f32 v7, v31;
	v36 =	vadd.f32 v11, v31  }
0xe7: {  	v11 =	vmax.f32 v15, $1.000000000e-30;
	v15 =	vld [tilespmem:s0+$0x7800];
	v43 =	vadd.f32 v16, v31;
	v14 =	vsub.f32 v5, v14  }
0xe8: {  	v16 =	vimm.f32 $0.0e+00;
	(erf) = vrcp.f32 v11;
	v11 =	vadd.f32 v20, v31  }
0xe9: {  	v20 =	vimm.f32 $0.0e+00;
	v28 =	vand.u32 $0x7FFFFFFF, v14;
	v8 =	vadd.f32 v8, v31  }
0xea: {  	v14 =	vimm.f32 $0.0e+00;
	v35 =	vadd.f32 v12, v31;
	v10 =	vadd.f32 v13, v31  }
0xeb: {  	v32 =	vld [tilespmem:s0+$0x2000];
	v13 =	vand.u32 $0x7FFFFFFF, v4;
	v4 =	vand.u32 $0x7FFFFFFF, v17;
	v17 =	vimm.f32 $0.0e+00;
	v27 =	vpop (erf)  }
0xec: {  	v46 =	vld [tilespmem:s0+$0xD000];
	v23 =	vsub.f32 v5, v15;
	v42 =	vmax.f32 v8, $1.000000000e-30;
	v15 =	vimm.f32 $0.0e+00;
	v9 =	vpop (erf)  }
0xed: {  	v37 =	vld [tilespmem:s0+$0x800];
	v8 =	vimm.f32 $0.0e+00;
	v6 =	vmul.f32 v9, v6;
	v9 =	vmax.f32 v11, $1.000000000e-30  }
0xee: {  	v29 =	vld [tilespmem:s0+$0x5800];
	v39 =	vmax.f32 v10, $1.000000000e-30;
	v10 =	vimm.f32 $0.0e+00;
	v7 =	vpop (erf);
	(erf) = vrcp.f32 v9  }
0xef: {  	v34 =	vld [tilespmem:s0+$0x5000];
	v11 =	vimm.f32 $0.0e+00;
	v30 =	vmul.f32 v7, v4;
	v4 =	vimm.f32 $0.0e+00  }
0xf0: {  	s16 =	simm.s32 $0x40;
	v12 =	vld [tilespmem:s0+$0x6000];
	v7 =	vimm.f32 $0.0e+00;
	v26 =	vpop (erf);
	v9 =	vimm.f32 $0.0e+00;
	v6 =	vadd.f32 v6, v3  }
.LBB2_5:
0xf1: {  	p1 =	sne.s32 s16, $0x1FC0;
	v47 =	vld [tilespmem:s0+$0x1800];
	s0 =	sshra.s32 s16, $0x2;
	s16 =	sadd.s32 $0x40, s16;
	v43 =	vmax.f32 v43, $1.000000000e-30;
	v31 =	vadd.f32 v46, v31;
	(erf) = vrcp.f32 v38;
	v38 =	vpop (erf)  }
0xf2: {  	v46 =	vld [tilespmem:s0+$0xA000];
	v33 =	vmul.f32 v38, v33;
	v3 =	vadd.f32 v30, v3;
	(erf) = vrcp.f32 v43  }
0xf3: {  	v43 =	vand.u32 $0x7FFFFFFF, v45;
	v38 =	vld [tilespmem:s0+$0x1000];
	v30 =	vmax.f32 v31, $1.000000000e-30;
	(erf) = vrcp.f32 v41  }
0xf4: {  	v31 =	vmax.f32 v36, $1.000000000e-30;
	v41 =	vld [tilespmem:s0+$0x7000];
	v15 =	vadd.f32 v33, v15;
	(erf) = vrcp.f32 v30  }
0xf5: {  	v23 =	vand.u32 $0x7FFFFFFF, v23;
	v36 =	vmax.f32 v44, $1.000000000e-30;
	v30 =	vmax.f32 v40, $1.000000000e-30;
	v33 =	vld [tilespmem:s0+$0x2800]  }
0xf6: {  	v32 =	vsub.f32 v5, v32;
	v44 =	vand.u32 $0x7FFFFFFF, v19;
	v40 =	vld [tilespmem:s0+$0x6000];
	(erf) = vrcp.f32 v36  }
0xf7: {  	v19 =	vand.u32 $0x7FFFFFFF, v24;
	v24 =	vmax.f32 v35, $1.000000000e-30;
	v36 =	vld [tilespmem:s0+$0xF800];
	(erf) = vrcp.f32 v31;
	v31 =	vpop (erf)  }
0xf8: {  	v35 =	vld [tilespmem:s0+$0x4800];
	v19 =	vmul.f32 v31, v19;
	v31 =	vsub.f32 v5, v47;
	(erf) = vrcp.f32 v30  }
0xf9: {  	v45 =	vmul.f32 v27, v28;
	v28 =	vsub.f32 v5, v34;
	v30 =	vld [tilespmem:s0+$0x0];
	(erf) = vrcp.f32 v42  }
0xfa: {  	v34 =	vld [tilespmem:s0+$0x6800];
	v20 =	vadd.f32 v19, v20;
	v19 =	vand.u32 $0x7FFFFFFF, v32;
	v32 =	vpop (erf);
	(erf) = vrcp.f32 v39  }
0xfb: {  	v11 =	vadd.f32 v45, v11;
	v47 =	vand.u32 $0x7FFFFFFF, v31;
	v39 =	vld [tilespmem:s0+$0x3800];
	v19 =	vmul.f32 v32, v19;
	v27 =	vpop (erf)  }
0xfc: {  	v29 =	vsub.f32 v5, v29;
	v32 =	vsub.f32 v5, v12;
	v42 =	vld [tilespmem:s0+$0x3000];
	v27 =	vmul.f32 v27, v47;
	v31 =	vpop (erf)  }
0xfd: {  	v45 =	vld [tilespmem:s0+$0x10800];
	v17 =	vadd.f32 v19, v17;
	v19 =	vand.u32 $0x7FFFFFFF, v28;
	v31 =	vmul.f32 v31, v23;
	v28 =	vpop (erf)  }
0xfe: {  	v12 =	vmovc v40;
	v47 =	vld [tilespmem:s0+$0xB000];
	v18 =	vadd.f32 v27, v18;
	v48 =	vmul.f32 v28, v19;
	v27 =	vand.u32 $0x7FFFFFFF, v32  }
0xff: {  	v29 =	vand.u32 $0x7FFFFFFF, v29;
	v28 =	vld [tilespmem:s0+$0xC000];
	v26 =	vmul.f32 v26, v27;
	v4 =	vadd.f32 v31, v4;
	v23 =	vpop (erf)  }
0x100: {  	v5 =	vsub.f32 v5, v37;
	v27 =	vld [tilespmem:s0+$0xC800];
	v10 =	vadd.f32 v48, v10;
	v23 =	vmul.f32 v23, v29;
	v19 =	vpop (erf)  }
0x101: {  	v29 =	vld [tilespmem:s0+$0xA800];
	v37 =	vmul.f32 v19, v43;
	v8 =	vadd.f32 v26, v8;
	v19 =	vpop (erf);
	(erf) = vrcp.f32 v24  }
0x102: {  	v24 =	vsub.f32 v45, v38;
	v32 =	vld [tilespmem:s0+$0x2000];
	v26 =	vsub.f32 v45, v42;
	v25 =	vmul.f32 v19, v25;
	v19 =	vpop (erf)  }
0x103: {  	v48 =	vand.u32 $0x7FFFFFFF, v5;
	v31 =	vand.u32 $0x7FFFFFFF, v45;
	v42 =	vsub.f32 v45, v35;
	v35 =	vld [tilespmem:s0+$0xE000];
	v38 =	vpop (erf)  }
0x104: {  	v34 =	vsub.f32 v45, v34;
	v5 =	vmovc v45;
	v43 =	vmul.f32 v19, v48;
	v28 =	vadd.f32 v28, v31;
	v40 =	vld [tilespmem:s0+$0xF000]  }
0x105: {  	v45 =	vadd.f32 v46, v31;
	v13 =	vmul.f32 v38, v13;
	v27 =	vadd.f32 v27, v31  }
0x106: {  	v19 =	vsub.f32 v5, v39;
	v29 =	vadd.f32 v29, v31;
	v28 =	vmax.f32 v28, $1.000000000e-30  }
0x107: {  	v16 =	vadd.f32 v25, v16;
	v39 =	vld [tilespmem:s0+$0x8000];
	v27 =	vmax.f32 v27, $1.000000000e-30;
	(erf) = vrcp.f32 v28  }
0x108: {  	v22 =	vadd.f32 v37, v22;
	v25 =	vadd.f32 v35, v31;
	v48 =	vld [tilespmem:s0+$0x7800];
	(erf) = vrcp.f32 v27  }
0x109: {  	v7 =	vadd.f32 v13, v7;
	v27 =	vld [tilespmem:s0+$0x4000];
	v28 =	vadd.f32 v40, v31  }
0x10a: {  	v38 =	vmax.f32 v45, $1.000000000e-30;
	v45 =	vsub.f32 v5, v41;
	v35 =	vadd.f32 v36, v31;
	v13 =	vld [tilespmem:s0+$0x9000];
	v36 =	vpop (erf)  }
0x10b: {  	v25 =	vmax.f32 v25, $1.000000000e-30;
	v37 =	vld [tilespmem:s0+$0xB800];
	v28 =	vmax.f32 v28, $1.000000000e-30;
	v40 =	vmul.f32 v36, v44  }
0x10c: {  	v9 =	vadd.f32 v23, v9;
	v36 =	vadd.f32 v39, v31;
	v39 =	vld [tilespmem:s0+$0x9800];
	(erf) = vrcp.f32 v28  }
0x10d: {  	v28 =	vmax.f32 v29, $1.000000000e-30;
	v23 =	vld [tilespmem:s0+$0x8800];
	(erf) = vrcp.f32 v25;
	v14 =	vadd.f32 v40, v14  }
0x10e: {  	v21 =	vadd.f32 v43, v21;
	v25 =	vsub.f32 v5, v33;
	v29 =	vld [tilespmem:s0+$0xE800];
	(erf) = vrcp.f32 v28  }
0x10f: {  	v41 =	vmax.f32 v35, $1.000000000e-30;
	v28 =	vsub.f32 v5, v27;
	v13 =	vadd.f32 v13, v31  }
0x110: {  	v40 =	vadd.f32 v47, v31;
	v33 =	vand.u32 $0x7FFFFFFF, v25;
	v35 =	vadd.f32 v37, v31;
	v44 =	vld [tilespmem:s0+$0xD800];
	v27 =	vpop (erf)  }
0x111: {  	v25 =	vand.u32 $0x7FFFFFFF, v42;
	v28 =	vand.u32 $0x7FFFFFFF, v28;
	v43 =	vadd.f32 v39, v31;
	v37 =	vpop (erf)  }
.Ltmp3:
0x112: {  	v39 =	vmax.f32 v13, $1.000000000e-30;
	v42 =	vadd.f32 v23, v31;
	v13 =	vmul.f32 v37, v25;
	v46 =	vld [tilespmem:s0+$0xD000];
	(pc) =	sbr.rel @p1 .LBB2_5-.Ltmp3, $4  }
0x113: {  	v25 =	vand.u32 $0x7FFFFFFF, v26;
	v23 =	vsub.f32 v5, v48;
	v49 =	vadd.f32 v29, v31  }
0x114: {  	v37 =	vld [tilespmem:s0+$0x800];
	v6 =	vadd.f32 v13, v6;
	v13 =	vand.u32 $0x7FFFFFFF, v34;
	(erf) = vrcp.f32 v39  }
0x115: {  	v48 =	vand.u32 $0x7FFFFFFF, v45;
	v29 =	vld [tilespmem:s0+$0x5800];
	v44 =	vadd.f32 v44, v31;
	v39 =	vmax.f32 v49, $1.000000000e-30;
	v47 =	vpop (erf)  }
0x116: {  	v45 =	vsub.f32 v5, v30;
	v42 =	vmax.f32 v42, $1.000000000e-30;
	v34 =	vld [tilespmem:s0+$0x5000];
	v30 =	vmul.f32 v47, v48;
	v26 =	vpop (erf)  }
0x117: {  	v43 =	vmax.f32 v43, $1.000000000e-30;
	v31 =	vadd.f32 v46, v31;
	(erf) = vrcp.f32 v38  }
0x118: {  	(erf) = vrcp.f32 v43  }
0x119: {  	v31 =	vmax.f32 v31, $1.000000000e-30;
	(erf) = vrcp.f32 v41  }
0x11a: {  	v60 =	vmax.f32 v44, $1.000000000e-30;
	(erf) = vrcp.f32 v31  }
0x11b: {  	v36 =	vmax.f32 v36, $1.000000000e-30;
	(erf) = vrcp.f32 v60  }
0x11c: {  	(erf) = vrcp.f32 v36  }
0x11d: {  	v61 =	vmax.f32 v40, $1.000000000e-30  }
0x11e: {  	v36 =	vpop (erf);
	(erf) = vrcp.f32 v61  }
0x11f: {  	v32 =	vsub.f32 v5, v32;
	v62 =	vpop (erf);
	(erf) = vrcp.f32 v42  }
0x120: {  	v40 =	vpop (erf)  }
0x121: {  	v32 =	vand.u32 $0x7FFFFFFF, v32;
	v63 =	vpop (erf)  }
0x122: {  	v51 =	vld [tilespmem:s0+$0x1800];
	v32 =	vmul.f32 v40, v32;
	v31 =	vpop (erf)  }
0x123: {  	v53 =	vld [tilespmem:$0x11000];
	v43 =	vpop (erf)  }
0x124: {  	v17 =	vadd.f32 v32, v17;
	v32 =	vld [tilespmem:$0x11090];
	v44 =	vpop (erf)  }
0x125: {  	v47 =	vld [tilespmem:$0x11100];
	v45 =	vand.u32 $0x7FFFFFFF, v45;
	v52 =	vpop (erf)  }
0x126: {  	v24 =	vand.u32 $0x7FFFFFFF, v24;
	v48 =	vld [tilespmem:$0x11010];
	v37 =	vsub.f32 v5, v37;
	v38 =	vmul.f32 v52, v45  }
0x127: {  	s0 =	sadd.s32 s1, s8;
	v58 =	vld [tilespmem:$0x11020];
	v12 =	vsub.f32 v5, v12;
	v24 =	vmul.f32 v62, v24;
	v54 =	vpop (erf)  }
0x128: {  	s1 =	smov.u32 s7;
	v59 =	vld [tilespmem:$0x11120];
	p1 =	slt.s32 s0, s7;
	v37 =	vand.u32 $0x7FFFFFFF, v37;
	v42 =	vsub.f32 v5, v51;
	v55 =	vpop (erf);
	v22 =	vadd.f32 v38, v22  }
0x129: {  	s1 =	smov.u32 @p1 s0;
	v51 =	vld [tilespmem:$0x11060];
	v24 =	vadd.f32 v24, v20;
	v20 =	vmul.f32 v55, v37;
	vm9 =	vlt.f32 v6, v32  }
0x12a: {  	v56 =	vld [tilespmem:$0x11110];
	s0 =	sadd.s32 $0xD2F0, s1;
	v25 =	vmul.f32 v54, v25;
	v6 =	vsel vm9, v6, v32;
	vm0 =	vlt.f32 v22, v53  }
0x12b: {  	v54 =	vld [tilespmem:$0x11160];
	v21 =	vadd.f32 v20, v21;
	v20 =	vor.u32 s0, v2;
	[tilespmem:$0x11090] =	vst v6;
	v22 =	vsel vm0, v22, v53  }
0x12c: {  	v46 =	vld [tilespmem:$0x11140];
	vm14 =	vlt.f32 v24, v58;
	v16 =	vadd.f32 v25, v16;
	v61 =	vsel vm0, v20, v47;
	[tilespmem:$0x11000] =	vst v22  }
0x12d: {  	v12 =	vand.u32 $0x7FFFFFFF, v12;
	v60 =	vld [tilespmem:$0x11030];
	v57 =	vand.u32 $0x7FFFFFFF, v42;
	v47 =	vsel vm14, v24, v58;
	[tilespmem:$0x11100] =	vst v61  }
0x12e: {  	v62 =	vld [tilespmem:$0x11130];
	v38 =	vmul.f32 v63, v57;
	v49 =	vsel vm14, v20, v59;
	vm6 =	vlt.f32 v16, v51;
	[tilespmem:$0x11020] =	vst v47  }
0x12f: {  	v33 =	vmul.f32 v36, v33;
	v63 =	vld [tilespmem:$0x11040];
	v59 =	vmul.f32 v27, v28;
	[tilespmem:$0x11120] =	vst v49;
	v28 =	vsel vm6, v16, v51  }
0x130: {  	v50 =	vld [tilespmem:$0x11150];
	v18 =	vadd.f32 v38, v18;
	vm13 =	vlt.f32 v21, v48;
	v36 =	vsel vm6, v20, v54;
	[tilespmem:$0x11060] =	vst v28  }
0x131: {  	v35 =	vmax.f32 v35, $1.000000000e-30;
	v12 =	vmul.f32 v26, v12;
	v45 =	vld [tilespmem:$0x110C0];
	v21 =	vsel vm13, v21, v48;
	[tilespmem:$0x11160] =	vst v36  }
0x132: {  	(erf) = vrcp.f32 v39;
	v37 =	vld [tilespmem:$0x11190];
	vm15 =	vlt.f32 v18, v60;
	v40 =	vsel vm13, v20, v56;
	[tilespmem:$0x11010] =	vst v21  }
0x133: {  	(erf) = vrcp.f32 v35;
	v61 =	vld [tilespmem:$0x11080];
	v18 =	vsel vm15, v18, v60;
	[tilespmem:$0x11110] =	vst v40  }
0x134: {  	v8 =	vadd.f32 v12, v8;
	v47 =	vld [tilespmem:$0x111C0];
	v53 =	vsel vm15, v20, v62;
	vm4 =	vlt.f32 v17, v63;
	[tilespmem:$0x11030] =	vst v18  }
0x135: {  	v38 =	vsub.f32 v5, v29;
	v48 =	vld [tilespmem:$0x11050];
	[tilespmem:$0x11130] =	vst v53;
	v17 =	vsel vm4, v17, v63  }
0x136: {  	v41 =	vld [tilespmem:$0x111A0];
	vm12 =	vlt.f32 v8, v45;
	v60 =	vsub.f32 v5, v34;
	v57 =	vsel vm4, v20, v46;
	[tilespmem:$0x11040] =	vst v17  }
0x137: {  	v42 =	vld [tilespmem:$0x110B0];
	v11 =	vadd.f32 v59, v11;
	v5 =	vand.u32 $0x7FFFFFFF, v38;
	v46 =	vsel vm9, v20, v37;
	[tilespmem:$0x11140] =	vst v57  }
0x138: {  	v15 =	vadd.f32 v33, v15;
	v63 =	vld [tilespmem:$0x11180];
	v5 =	vmul.f32 v44, v5;
	[tilespmem:$0x11190] =	vst v46;
	v57 =	vsel vm12, v8, v45  }
0x139: {  	v44 =	vld [tilespmem:$0x111B0];
	v34 =	vand.u32 $0x7FFFFFFF, v60;
	[tilespmem:$0x110C0] =	vst v57;
	vm8 =	vlt.f32 v11, v61;
	v60 =	vsel vm12, v20, v47  }
0x13a: {  	v53 =	vld [tilespmem:$0x110E0];
	vm5 =	vlt.f32 v15, v48;
	v11 =	vsel vm8, v11, v61;
	[tilespmem:$0x111C0] =	vst v60  }
0x13b: {  	v19 =	vand.u32 $0x7FFFFFFF, v19;
	v39 =	vld [tilespmem:$0x110A0];
	v52 =	vpop (erf);
	v5 =	vadd.f32 v5, v9;
	v15 =	vsel vm5, v15, v48;
	[tilespmem:$0x11080] =	vst v11  }
0x13c: {  	v3 =	vadd.f32 v30, v3;
	v56 =	vld [tilespmem:$0x11070];
	v21 =	vmul.f32 v43, v34;
	v55 =	vpop (erf);
	v62 =	vsel vm5, v20, v50;
	[tilespmem:$0x11050] =	vst v15  }
0x13d: {  	v58 =	vld [tilespmem:$0x11170];
	v19 =	vmul.f32 v55, v19;
	vm11 =	vlt.f32 v5, v42;
	v43 =	vsel vm8, v20, v63;
	[tilespmem:$0x11150] =	vst v62  }
0x13e: {  	v10 =	vadd.f32 v21, v10;
	v5 =	vsel vm11, v5, v42;
	[tilespmem:$0x11180] =	vst v43  }
0x13f: {  	v49 =	vld [tilespmem:$0x110D0];
	v54 =	vsel vm11, v20, v44;
	vm14 =	vlt.f32 v3, v53;
	v14 =	vadd.f32 v19, v14;
	[tilespmem:$0x110B0] =	vst v5  }
0x140: {  	v55 =	vld [tilespmem:$0x111E0];
	v50 =	vmul.f32 v52, v13;
	vm10 =	vlt.f32 v10, v39;
	[tilespmem:$0x111B0] =	vst v54;
	v3 =	vsel vm14, v3, v53  }
0x141: {  	v52 =	vld [tilespmem:$0x111D0];
	v48 =	vsel vm10, v10, v39;
	v51 =	vsel vm10, v20, v41;
	[tilespmem:$0x110E0] =	vst v3;
	vm7 =	vlt.f32 v14, v56  }
0x142: {  	[tilespmem:$0x110A0] =	vst v48;
	v14 =	vsel vm7, v14, v56;
	v40 =	vsel vm7, v20, v58;
	v56 =	vand.u32 $0x7FFFFFFF, v23;
	v58 =	vld [tilespmem:$0x110F0]  }
0x143: {  	v7 =	vadd.f32 v50, v7;
	[tilespmem:$0x111A0] =	vst v51;
	v59 =	vmul.f32 v31, v56  }
0x144: {  	v62 =	vld [tilespmem:$0x111F0];
	[tilespmem:$0x11070] =	vst v14  }
0x145: {  	vm13 =	vlt.f32 v7, v49;
	v3 =	vsel vm14, v20, v55;
	[tilespmem:$0x11170] =	vst v40;
	v4 =	vadd.f32 v59, v4  }
.Ltmp4:
0x146: {  	v61 =	vsel vm13, v7, v49;
	[tilespmem:$0x111E0] =	vst v3;
	(pc) =	sbr.rel @p0 .LBB2_8-.Ltmp4, $4  }
0x147: {  	v63 =	vsel vm13, v20, v52;
	[tilespmem:$0x110D0] =	vst v61;
	vm15 =	vlt.f32 v4, v58  }
0x148: {  	[tilespmem:$0x111D0] =	vst v63;
	v3 =	vsel vm15, v4, v58  }
0x149: {  	[tilespmem:$0x110F0] =	vst v3;
	v3 =	vsel vm15, v20, v62  }
0x14a: {  	[tilespmem:$0x111F0] =	vst v3  }
0x14b: {  	s0 =	sadd.s32 s31, s12  }
0x14c: {  	s0 =	sshll.u32 s0, $0x4  }
.Ltmp5:
0x14d: {  	s1 =	smov.u32 s7;
	p0 =	slt.s32 s0, s7;
	(pc) =	sbr.rel .LBB2_2-.Ltmp5, $4  }
0x14e: {  	s1 =	smov.u32 @p0 s0  }
0x14f: {  	s0 =	sshrl.u32 s1, $0x3  }
0x150: {  	s30 =	sadd.s32 $0x1, s30;
	s0 =	sadd.s32 s5, s0  }
0x151: {  	[tilespmem:s20], [sflag:$0x2] =	stream.strided.gather [hbm4b:s0+s17], $0x800, s18, s17, $0x38;
	[tilespmem:$0x11200] =	vst v63  }
.LBB2_9:
0x152: {  	_ =	sfence.sel $0x180000  }
0x153: {  	[bflag:$0x0] =	sbarrier.arrive $0xFFFF  }
0x154: {  	_ =	strace $0x90000047  }
0x155: {  	s0 =	stileid.u32;
	[bflag:$0x2] =	sbarrier.arrive $0xFFFF  }
0x156: {  	p0 =	sne.s32 s0, $0x0;
	s0 =	rddreg [dreg:$0x1]  }
0x157: {  	s0 =	sadd.s32 @!p0 $0x100000, s0  }
0x158: {  	[sflag:s0] =	ssyncadd.tile.s32 @!p0 $0x1;
	_ =	shalt  }
.Lfunc_end2:
_tile_overlayer_lowered:
.L_overlay_start_2:
0x159: {  	(tag) =	ssettag $0x2  }
0x15a: {  	s0 =	rddreg [dreg:$0x0];
	s2 =	stileid.u32  }
0x15b: {  	s1 =	rddreg [dreg:$0x1];
	p0 =	sne.s32 s2, $0x0  }
0x15c: {  	s3 =	rddreg [dreg:$0x2];
	[bflag:$0x3] =	sbarrier.arrive $0xFFFF;
	s2 =	simm.s32 @!p0 $0x1C05  }
0x15d: {  	[timem:s3], [sflag:s2] =	dma.local @!p0 [hbm:s0], s1  }
0x15e: {  	s0 =	simm.s32 @!p0 $0x5  }
0x15f: {  	_ =	swait.ge @!p0 [sflag:s0], s1  }
0x160: {  	s1 =	ssub.s32 @!p0 $0x0, s1;
	[sflag:s0] =	ssyncset.done @!p0 $0x0  }
0x161: {  	[sflag:s0] =	ssyncadd.s32 @!p0 s1  }
0x162: {  	[bflag:$0x3] =	sbarrier.arrive $0xFFFF  }
0x163: {  	_ =	shalt  }

</sc_bundles>
